<compile_context>
chip_gen: v7x
topology: tpu7x:2x2x1
jax: 0.10.2.dev20260603
libtpu: 0.0.44.dev20260713+nightly
codegen_flags: <defaults>
</compile_context>

<pallas_src>
import functools

import jax
import jax.numpy as jnp
from jax import lax
from jax.experimental import pallas as pl
from jax.experimental.pallas import tpu as pltpu
from jax.experimental.pallas import tpu_sc as plsc

N = 10000
K = 16
L = 32
D = 128
NLAYER = 3
NG = 64

SC_NC = 2
SC_NS = 16
NW = SC_NC * SC_NS
NPADSC = 10240
VPW = 5120
BPAD = NW * VPW
NV16 = VPW // 16

BN = 1000
NB = N // BN
BSUB = 8
NSUB = BN // BSUB
SPB = BSUB * K
EPB = BSUB * L
BNK = BN * K
BNL = BN * L

_TDIMS = (((0,), (0,)), ((), ()))


def _sc_gather_body(x_hbm, idx_hbm, out_hbm, x_v, idx_v, out_v):
    wid = lax.axis_index("s") * SC_NC + lax.axis_index("c")
    pltpu.sync_copy(x_hbm, x_v)
    pltpu.sync_copy(idx_hbm.at[pl.ds(wid * VPW, VPW)], idx_v)

    def body(m, carry):
        iv = idx_v[pl.ds(m * 16, 16)]
        out_v[pl.ds(m * 16, 16)] = plsc.load_gather(
            x_v, [lax.shift_right_logical(iv, 7), lax.bitwise_and(iv, 127)])
        return carry

    lax.fori_loop(0, NV16, body, 0, unroll=8)
    pltpu.sync_copy(out_v, out_hbm.at[pl.ds(wid * VPW, VPW)])


@functools.cache
def _sc_gather():
    return pl.kernel(
        _sc_gather_body,
        out_type=jax.ShapeDtypeStruct((BPAD,), jnp.int32),
        mesh=plsc.VectorSubcoreMesh(core_axis_name="c", subcore_axis_name="s"),
        scratch_types=[
            pltpu.VMEM((NPADSC // 128, 128), jnp.int32),
            pltpu.VMEM((VPW,), jnp.int32),
            pltpu.VMEM((VPW,), jnp.int32),
        ],
        compiler_params=pltpu.CompilerParams(needs_layout_passes=False),
    )


def _main_body(xrep_ref, gx_ref, xval_ref, gsrc_ref, gdst_ref, attr_ref, batch_ref,
               xtab_ref, eatab_ref, tftab_ref, l0w_ref, l0b_ref, l1w_ref, l1b_ref,
               cw1_ref, cb1_ref, cw2_ref, cb2_ref, pw_ref, pb_ref,
               out_ref, x_sc, xb_sc, ea_sc, agg_sc, hg_sc, ohs_sc, ohd_sc):
    f32 = jnp.float32
    i32 = jnp.int32
    bf = jnp.bfloat16
    b = pl.program_id(0)

    t0tab = (jnp.dot(xtab_ref[...], l0w_ref[...], preferred_element_type=f32)
             + l0b_ref[...]).astype(bf)
    t1tab = (jnp.dot(xtab_ref[...], l1w_ref[...], preferred_element_type=f32)
             + l1b_ref[...]).astype(bf)

    oha = (lax.broadcasted_iota(i32, (16, BNL), 0)
           == attr_ref[...].reshape(1, BNL)).astype(bf)
    ea_sc[...] = lax.dot_general(oha, eatab_ref[...].astype(bf), _TDIMS,
                                 preferred_element_type=f32).astype(bf)

    oh0 = (lax.broadcasted_iota(i32, (32, BNK), 0)
           == xrep_ref[...].reshape(1, BNK)).astype(bf)
    oh1 = (lax.broadcasted_iota(i32, (32, BNK), 0)
           == gx_ref[...].reshape(1, BNK)).astype(bf)
    oht = (lax.broadcasted_iota(i32, (16, BNK), 0)
           == xval_ref[...].reshape(1, BNK)).astype(bf)
    t0b = lax.dot_general(oh0, t0tab, _TDIMS, preferred_element_type=f32)
    t1b = lax.dot_general(oh1, t1tab, _TDIMS, preferred_element_type=f32)
    xt = lax.dot_general(oht, tftab_ref[...].astype(bf), _TDIMS,
                         preferred_element_type=f32)
    x_sc[...] = t0b * t1b * xt

    def build(s, carry):
        gsc = jnp.transpose(gsrc_ref[:, pl.ds(s, 1), :].reshape(1, EPB))
        ohs_sc[pl.ds(s * EPB, EPB), :] = (
            gsc == lax.broadcasted_iota(i32, (EPB, SPB), 1)).astype(bf)
        gd = gdst_ref[:, pl.ds(s, 1), :].reshape(1, EPB)
        ohd_sc[pl.ds(s * SPB, SPB), :] = (
            lax.broadcasted_iota(i32, (SPB, EPB), 0) == gd).astype(bf)
        return carry

    lax.fori_loop(0, NSUB, build, 0, unroll=25)

    for l in range(NLAYER):
        xb_sc[...] = x_sc[...].astype(bf)

        def sub(s, carry):
            xs = xb_sc[pl.ds(s * SPB, SPB), :]
            srcf = jnp.dot(ohs_sc[pl.ds(s * EPB, EPB), :], xs,
                           preferred_element_type=f32).astype(bf)
            msg = srcf * ea_sc[pl.ds(s * EPB, EPB), :]
            agg_sc[pl.ds(s * SPB, SPB), :] = jnp.dot(
                ohd_sc[pl.ds(s * SPB, SPB), :], msg,
                preferred_element_type=f32).astype(bf)
            return carry

        lax.fori_loop(0, NSUB, sub, 0, unroll=25)

        h = jnp.maximum(
            jnp.dot(agg_sc[...], cw1_ref[l].astype(bf),
                    preferred_element_type=f32)
            + cb1_ref[l:l + 1, :], 0.0)
        x_sc[...] = (x_sc[...]
                     + jnp.dot(h.astype(bf), cw2_ref[l].astype(bf),
                               preferred_element_type=f32)
                     + cb2_ref[l:l + 1, :])

    x3 = x_sc[...].reshape(BN, K, D)
    xnode = x3[:, 0, :]
    for k in range(1, K):
        xnode = jnp.maximum(xnode, x3[:, k, :])

    bt = batch_ref[...].reshape(1, BN)
    ohb = (lax.broadcasted_iota(i32, (NG, BN), 0) == bt).astype(f32)
    contrib = jnp.dot(ohb, xnode, preferred_element_type=f32)

    @pl.when(b == 0)
    def _():
        hg_sc[...] = contrib

    @pl.when(b > 0)
    def _():
        hg_sc[...] = hg_sc[...] + contrib

    @pl.when(b == NB - 1)
    def _():
        out_ref[...] = (jnp.dot(hg_sc[...], pw_ref[...], preferred_element_type=f32)
                        + pb_ref[...])


def _full(shape):
    return pl.BlockSpec(shape, lambda i: (0,) * len(shape))


_main_call = pl.pallas_call(
    _main_body,
    grid=(NB,),
    in_specs=[
        pl.BlockSpec((1, 1, BNK), lambda i: (i, 0, 0)),
        pl.BlockSpec((1, 1, BNK), lambda i: (i, 0, 0)),
        pl.BlockSpec((1, 1, BNK), lambda i: (i, 0, 0)),
        pl.BlockSpec((1, NSUB, EPB), lambda i: (i, 0, 0)),
        pl.BlockSpec((1, NSUB, EPB), lambda i: (i, 0, 0)),
        pl.BlockSpec((1, 1, BNL), lambda i: (i, 0, 0)),
        pl.BlockSpec((1, 1, BN), lambda i: (i, 0, 0)),
        _full((32, D)), _full((16, D)), _full((16, D)),
        _full((D, D)), _full((1, D)), _full((D, D)), _full((1, D)),
        _full((NLAYER, D, D)), _full((NLAYER, D)),
        _full((NLAYER, D, D)), _full((NLAYER, D)),
        _full((D, 1)), _full((1, 1)),
    ],
    out_specs=pl.BlockSpec((NG, 1), lambda i: (0, 0)),
    out_shape=jax.ShapeDtypeStruct((NG, 1), jnp.float32),
    scratch_shapes=[
        pltpu.VMEM((BNK, D), jnp.float32),
        pltpu.VMEM((BNK, D), jnp.bfloat16),
        pltpu.VMEM((BNL, D), jnp.bfloat16),
        pltpu.VMEM((BNK, D), jnp.bfloat16),
        pltpu.VMEM((NG, D), jnp.float32),
        pltpu.VMEM((NSUB * EPB, SPB), jnp.bfloat16),
        pltpu.VMEM((NSUB * SPB, EPB), jnp.bfloat16),
    ],
    compiler_params=pltpu.CompilerParams(
        dimension_semantics=("arbitrary",),
        vmem_limit_bytes=100 * 1024 * 1024,
        fuse_transposed_lhs_in_matmul=True,
    ),
)


def kernel(x, subg_nodes, local_src, local_dst, local_attr, X_val, batch,
           x_table, ea_table, tf_table, lin0_W, lin0_b, lin1_W, lin1_b,
           conv_W1, conv_b1, conv_W2, conv_b2, pred_W, pred_b):
    i32 = jnp.int32
    xi = x.astype(i32)
    xi_pad = jnp.concatenate([xi, jnp.zeros((NPADSC - N,), i32)]).reshape(NPADSC // 128, 128)
    idx = subg_nodes.astype(i32).reshape(N * K)
    idx = jnp.concatenate([idx, jnp.zeros((BPAD - N * K,), i32)])
    gx = _sc_gather()(xi_pad, idx)[:N * K].reshape(NB, 1, BNK)

    xrep = jnp.repeat(xi, K).reshape(NB, 1, BNK)
    roff = (jnp.arange(N, dtype=i32)[:, None] % BSUB) * K
    gsrc = (roff + local_src.astype(i32)).reshape(NB, NSUB, EPB)
    gdst = (roff + local_dst.astype(i32)).reshape(NB, NSUB, EPB)
    out = _main_call(
        xrep, gx,
        X_val.astype(i32).reshape(NB, 1, BNK),
        gsrc, gdst,
        local_attr.astype(i32).reshape(NB, 1, BNL),
        batch.astype(i32).reshape(NB, 1, BN),
        x_table, ea_table, tf_table,
        lin0_W, lin0_b.reshape(1, D), lin1_W, lin1_b.reshape(1, D),
        conv_W1, conv_b1, conv_W2, conv_b2,
        pred_W, pred_b.reshape(1, 1),
    )
    return out

# --- scband reference (transcript-rebuilt; emitter-appended) ---
"""Pipeline reference for scband-nested-gnn-83537113907863 (READ-ONLY COPY).

The authoritative reference and input builder live on the scoring server;
editing this copy changes nothing except your own understanding.
"""

import jax, jax.numpy as jnp
import numpy as np

N = 10000
K = 16
L = 32
D = 128
NLAYER = 3
NGRAPH = 64


def setup_inputs(seed: int = 0) -> dict:
    key = jax.random.key(seed)
    ks = jax.random.split(key, 20)
    inp = {}
    # categorical node features (< 32), per NestedGNN InputEncoderSp
    inp["x"] = jax.random.randint(ks[0], (N,), 0, 32)
    # global node ids of the K nodes inside each root's subgraph (X.indices[1])
    inp["subg_nodes"] = jax.random.randint(ks[1], (N, K), 0, N)
    # intra-subgraph adjacency A restricted to each root's subgraph (local positions < K)
    inp["local_src"] = jax.random.randint(ks[2], (N, L), 0, K)
    inp["local_dst"] = jax.random.randint(ks[3], (N, L), 0, K)
    inp["local_attr"] = jax.random.randint(ks[4], (N, L), 0, 16)
    # categorical tuple features (< 16)
    inp["X_val"] = jax.random.randint(ks[5], (N, K), 0, 16)
    # graph assignment for node pooling
    inp["batch"] = jnp.sort(jax.random.randint(ks[6], (N,), 0, NGRAPH))
    # learned parameters
    sc = 0.1
    inp["x_table"] = jax.random.normal(ks[7], (32, D), dtype=jnp.float32) * sc
    inp["ea_table"] = jax.random.normal(ks[8], (16, D), dtype=jnp.float32) * sc
    inp["tf_table"] = jax.random.normal(ks[9], (16, D), dtype=jnp.float32) * sc
    w = 1.0 / np.sqrt(D)
    inp["lin0_W"] = jax.random.uniform(ks[10], (D, D), minval=-w, maxval=w, dtype=jnp.float32)
    inp["lin0_b"] = jnp.zeros((D,), jnp.float32)
    inp["lin1_W"] = jax.random.uniform(ks[11], (D, D), minval=-w, maxval=w, dtype=jnp.float32)
    inp["lin1_b"] = jnp.zeros((D,), jnp.float32)
    inp["conv_W1"] = jax.random.uniform(ks[12], (NLAYER, D, D), minval=-w, maxval=w, dtype=jnp.float32)
    inp["conv_b1"] = jnp.zeros((NLAYER, D), jnp.float32)
    inp["conv_W2"] = jax.random.uniform(ks[13], (NLAYER, D, D), minval=-w, maxval=w, dtype=jnp.float32)
    inp["conv_b2"] = jnp.zeros((NLAYER, D), jnp.float32)
    inp["pred_W"] = jax.random.uniform(ks[14], (D, 1), minval=-w, maxval=w, dtype=jnp.float32)
    inp["pred_b"] = jnp.zeros((1,), jnp.float32)
    return inp


def reference(x, subg_nodes, local_src, local_dst, local_attr, X_val, batch,
              x_table, ea_table, tf_table, lin0_W, lin0_b, lin1_W, lin1_b,
              conv_W1, conv_b1, conv_W2, conv_b2, pred_W, pred_b):
    # InputEncoderSp: embedding lookups (SparseCore gathers)
    xe = jnp.take(x_table, x, axis=0)                 # [N, D]
    ea = jnp.take(ea_table, local_attr, axis=0)       # [N, L, D]
    Xt = jnp.take(tf_table, X_val, axis=0)            # [N, K, D]
    # tupleinit: lin0(x)[X.indices[0]] * lin1(x)[X.indices[1]] * tpx
    t0 = xe @ lin0_W + lin0_b                          # [N, D]
    t1 = xe @ lin1_W + lin1_b                          # [N, D]
    X = t0[:, None, :] * t1[subg_nodes] * Xt          # [N, K, D]
    rows = jnp.arange(N)[:, None]                      # [N, 1]
    for l in range(NLAYER):
        # sparse message passing within each subgraph: gather -> edge-weight -> scatter-add
        src = X[rows, local_src]                       # [N, L, D] gather
        msg = src * ea                                 # edge-feature modulated message
        agg = jnp.zeros_like(X).at[rows, local_dst].add(msg)  # scatter-add
        # GIN-style MLP update
        h = jnp.maximum(agg @ conv_W1[l] + conv_b1[l], 0.0)
        tX = h @ conv_W2[l] + conv_b2[l]
        X = X + tX                                     # residual
    # lpool: max over subgraph dimension S
    xnode = jnp.max(X, axis=1)                         # [N, D]
    # npool: sum aggregation over batch (segment_sum)
    hg = jax.ops.segment_sum(xnode, batch, num_segments=NGRAPH)  # [G, D]
    # pred_lin: single Linear (outlayer=1, tailact=False), Identity (ln_out=False)
    return hg @ pred_W + pred_b                        # [G, 1]

if __name__ == "__main__":
    import jax
    _d = setup_inputs()
    print(jax.jit(kernel)(*tuple(_d.values())))

</pallas_src>

<mosaic_0001>
#map = affine_map<(d0, d1) -> (0, 0)>
#map1 = affine_map<(d0, d1) -> (0)>
module attributes {stable_mosaic.version = 14 : i64} {
  func.func @_sc_gather_body(%arg0: i32, %arg1: i32, %arg2: memref<80x128xi32, #tpu.memory_space<hbm>>, %arg3: memref<163840xi32, #tpu.memory_space<hbm>>, %arg4: memref<163840xi32, #tpu.memory_space<hbm>>, %arg5: memref<80x128xi32, #tpu.memory_space<vmem>>, %arg6: memref<5120xi32, #tpu.memory_space<vmem>>, %arg7: memref<5120xi32, #tpu.memory_space<vmem>>) attributes {dimension_semantics = [#tpu.dimension_semantics<core_parallel>, #tpu.dimension_semantics<subcore_parallel>], iteration_bounds = array<i64: 2, 16>, scalar_prefetch = 0 : i64, scratch_operands = 3 : i64, tpu.core_type = #tpu.core_type<sc_vector_subcore>, window_params = [{transform_indices = #map}, {transform_indices = #map1}, {transform_indices = #map1}]} {
    %mul3A = arith.constant 2 : i32
    %mul3A_0 = arith.muli %arg1, %mul3A : i32
    %add3A = arith.addi %mul3A_0, %arg0 : i32
    "tpu.region"() ({
      %run_scoped3A = tpu.sem_alloc : memref<!tpu.dma_semaphore, #tpu.memory_space<semaphore_mem>>
      tpu.enqueue_dma source(%arg2 : memref<80x128xi32, #tpu.memory_space<hbm>>) target(%arg5 : memref<80x128xi32, #tpu.memory_space<vmem>>) target_semaphore(%run_scoped3A : memref<!tpu.dma_semaphore, #tpu.memory_space<semaphore_mem>>)
      tpu.wait_dma2 semaphore(%run_scoped3A : memref<!tpu.dma_semaphore, #tpu.memory_space<semaphore_mem>>) src(%arg2 : memref<80x128xi32, #tpu.memory_space<hbm>>) dst(%arg5 : memref<80x128xi32, #tpu.memory_space<vmem>>)
      tpu.yield
    }) : () -> ()
    %mul3A_1 = arith.constant 5120 : i32
    %mul3A_2 = arith.muli %add3A, %mul3A_1 : i32
    "tpu.region"() ({
      %run_scoped3A = tpu.sem_alloc : memref<!tpu.dma_semaphore, #tpu.memory_space<semaphore_mem>>
      %dma_start3A = tpu.memref_slice %arg3[%mul3A_2] : memref<163840xi32, #tpu.memory_space<hbm>> -> memref<5120xi32, #tpu.memory_space<hbm>>
      %dma_start3A_10 = tpu.memref_slice %arg3[%mul3A_2] : memref<163840xi32, #tpu.memory_space<hbm>> -> memref<5120xi32, #tpu.memory_space<hbm>>
      tpu.enqueue_dma source(%dma_start3A_10 : memref<5120xi32, #tpu.memory_space<hbm>>) target(%arg6 : memref<5120xi32, #tpu.memory_space<vmem>>) target_semaphore(%run_scoped3A : memref<!tpu.dma_semaphore, #tpu.memory_space<semaphore_mem>>)
      %dma_wait3A = tpu.memref_slice %arg3[%mul3A_2] : memref<163840xi32, #tpu.memory_space<hbm>> -> memref<5120xi32, #tpu.memory_space<hbm>>
      %dma_wait3A_11 = tpu.memref_slice %arg3[%mul3A_2] : memref<163840xi32, #tpu.memory_space<hbm>> -> memref<5120xi32, #tpu.memory_space<hbm>>
      tpu.wait_dma2 semaphore(%run_scoped3A : memref<!tpu.dma_semaphore, #tpu.memory_space<semaphore_mem>>) src(%dma_wait3A_11 : memref<5120xi32, #tpu.memory_space<hbm>>) dst(%arg6 : memref<5120xi32, #tpu.memory_space<vmem>>)
      tpu.yield
    }) : () -> ()
    %scan3A = arith.constant 0 : i32
    %scan3A_3 = arith.constant 0 : i32
    %scan3A_4 = arith.constant 320 : i32
    %scan3A_5 = arith.addi %scan3A_3, %scan3A_4 : i32
    %scan3A_6 = arith.constant 8 : i32
    scf.for %scan3A_10 = %scan3A_3 to %scan3A_5 step %scan3A_6  : i32 {
      %mul3A_11 = arith.constant 16 : i32
      %mul3A_12 = arith.muli %scan3A_10, %mul3A_11 : i32
      %get3A = arith.index_cast %mul3A_12 : i32 to index
      %get3A_13 = tpu.vector_load %arg6[%get3A] {strides = array<i32>} : memref<5120xi32, #tpu.memory_space<vmem>>, vector<16xi32>,
      %shift_right_logical3A = arith.constant 7 : i32
      %shift_right_logical3A_14 = vector.broadcast %shift_right_logical3A : i32 to vector<16xi32>
      %shift_right_logical3A_15 = arith.shrui %get3A_13, %shift_right_logical3A_14 : vector<16xi32>
      %and3A = arith.constant 127 : i32
      %and3A_16 = vector.broadcast %and3A : i32 to vector<16xi32>
      %and3A_17 = arith.andi %get3A_13, %and3A_16 : vector<16xi32>
      %gather3A = tpu.vector_load_idx %arg5[%shift_right_logical3A_15, %and3A_17] : memref<80x128xi32, #tpu.memory_space<vmem>>[vector<16xi32>, vector<16xi32>], vector<16xi32>,
      %mul3A_18 = arith.constant 16 : i32
      %mul3A_19 = arith.muli %scan3A_10, %mul3A_18 : i32
      %swap3A = arith.index_cast %mul3A_19 : i32 to index
      %swap3A_20 = tpu.vector_load %arg7[%swap3A] {strides = array<i32>} : memref<5120xi32, #tpu.memory_space<vmem>>, vector<16xi32>,
      tpu.vector_store %arg7[%swap3A], %gather3A {strides = array<i32>} : memref<5120xi32, #tpu.memory_space<vmem>>, vector<16xi32>,
      %scan3A_21 = arith.constant 1 : i32
      %scan3A_22 = arith.addi %scan3A_10, %scan3A_21 : i32
      %mul3A_23 = arith.constant 16 : i32
      %mul3A_24 = arith.muli %scan3A_22, %mul3A_23 : i32
      %get3A_25 = arith.index_cast %mul3A_24 : i32 to index
      %get3A_26 = tpu.vector_load %arg6[%get3A_25] {strides = array<i32>} : memref<5120xi32, #tpu.memory_space<vmem>>, vector<16xi32>,
      %shift_right_logical3A_27 = arith.constant 7 : i32
      %shift_right_logical3A_28 = vector.broadcast %shift_right_logical3A_27 : i32 to vector<16xi32>
      %shift_right_logical3A_29 = arith.shrui %get3A_26, %shift_right_logical3A_28 : vector<16xi32>
      %and3A_30 = arith.constant 127 : i32
      %and3A_31 = vector.broadcast %and3A_30 : i32 to vector<16xi32>
      %and3A_32 = arith.andi %get3A_26, %and3A_31 : vector<16xi32>
      %gather3A_33 = tpu.vector_load_idx %arg5[%shift_right_logical3A_29, %and3A_32] : memref<80x128xi32, #tpu.memory_space<vmem>>[vector<16xi32>, vector<16xi32>], vector<16xi32>,
      %mul3A_34 = arith.constant 16 : i32
      %mul3A_35 = arith.muli %scan3A_22, %mul3A_34 : i32
      %swap3A_36 = arith.index_cast %mul3A_35 : i32 to index
      %swap3A_37 = tpu.vector_load %arg7[%swap3A_36] {strides = array<i32>} : memref<5120xi32, #tpu.memory_space<vmem>>, vector<16xi32>,
      tpu.vector_store %arg7[%swap3A_36], %gather3A_33 {strides = array<i32>} : memref<5120xi32, #tpu.memory_space<vmem>>, vector<16xi32>,
      %scan3A_38 = arith.constant 2 : i32
      %scan3A_39 = arith.addi %scan3A_10, %scan3A_38 : i32
      %mul3A_40 = arith.constant 16 : i32
      %mul3A_41 = arith.muli %scan3A_39, %mul3A_40 : i32
      %get3A_42 = arith.index_cast %mul3A_41 : i32 to index
      %get3A_43 = tpu.vector_load %arg6[%get3A_42] {strides = array<i32>} : memref<5120xi32, #tpu.memory_space<vmem>>, vector<16xi32>,
      %shift_right_logical3A_44 = arith.constant 7 : i32
      %shift_right_logical3A_45 = vector.broadcast %shift_right_logical3A_44 : i32 to vector<16xi32>
      %shift_right_logical3A_46 = arith.shrui %get3A_43, %shift_right_logical3A_45 : vector<16xi32>
      %and3A_47 = arith.constant 127 : i32
      %and3A_48 = vector.broadcast %and3A_47 : i32 to vector<16xi32>
      %and3A_49 = arith.andi %get3A_43, %and3A_48 : vector<16xi32>
      %gather3A_50 = tpu.vector_load_idx %arg5[%shift_right_logical3A_46, %and3A_49] : memref<80x128xi32, #tpu.memory_space<vmem>>[vector<16xi32>, vector<16xi32>], vector<16xi32>,
      %mul3A_51 = arith.constant 16 : i32
      %mul3A_52 = arith.muli %scan3A_39, %mul3A_51 : i32
      %swap3A_53 = arith.index_cast %mul3A_52 : i32 to index
      %swap3A_54 = tpu.vector_load %arg7[%swap3A_53] {strides = array<i32>} : memref<5120xi32, #tpu.memory_space<vmem>>, vector<16xi32>,
      tpu.vector_store %arg7[%swap3A_53], %gather3A_50 {strides = array<i32>} : memref<5120xi32, #tpu.memory_space<vmem>>, vector<16xi32>,
      %scan3A_55 = arith.constant 3 : i32
      %scan3A_56 = arith.addi %scan3A_10, %scan3A_55 : i32
      %mul3A_57 = arith.constant 16 : i32
      %mul3A_58 = arith.muli %scan3A_56, %mul3A_57 : i32
      %get3A_59 = arith.index_cast %mul3A_58 : i32 to index
      %get3A_60 = tpu.vector_load %arg6[%get3A_59] {strides = array<i32>} : memref<5120xi32, #tpu.memory_space<vmem>>, vector<16xi32>,
      %shift_right_logical3A_61 = arith.constant 7 : i32
      %shift_right_logical3A_62 = vector.broadcast %shift_right_logical3A_61 : i32 to vector<16xi32>
      %shift_right_logical3A_63 = arith.shrui %get3A_60, %shift_right_logical3A_62 : vector<16xi32>
      %and3A_64 = arith.constant 127 : i32
      %and3A_65 = vector.broadcast %and3A_64 : i32 to vector<16xi32>
      %and3A_66 = arith.andi %get3A_60, %and3A_65 : vector<16xi32>
      %gather3A_67 = tpu.vector_load_idx %arg5[%shift_right_logical3A_63, %and3A_66] : memref<80x128xi32, #tpu.memory_space<vmem>>[vector<16xi32>, vector<16xi32>], vector<16xi32>,
      %mul3A_68 = arith.constant 16 : i32
      %mul3A_69 = arith.muli %scan3A_56, %mul3A_68 : i32
      %swap3A_70 = arith.index_cast %mul3A_69 : i32 to index
      %swap3A_71 = tpu.vector_load %arg7[%swap3A_70] {strides = array<i32>} : memref<5120xi32, #tpu.memory_space<vmem>>, vector<16xi32>,
      tpu.vector_store %arg7[%swap3A_70], %gather3A_67 {strides = array<i32>} : memref<5120xi32, #tpu.memory_space<vmem>>, vector<16xi32>,
      %scan3A_72 = arith.constant 4 : i32
      %scan3A_73 = arith.addi %scan3A_10, %scan3A_72 : i32
      %mul3A_74 = arith.constant 16 : i32
      %mul3A_75 = arith.muli %scan3A_73, %mul3A_74 : i32
      %get3A_76 = arith.index_cast %mul3A_75 : i32 to index
      %get3A_77 = tpu.vector_load %arg6[%get3A_76] {strides = array<i32>} : memref<5120xi32, #tpu.memory_space<vmem>>, vector<16xi32>,
      %shift_right_logical3A_78 = arith.constant 7 : i32
      %shift_right_logical3A_79 = vector.broadcast %shift_right_logical3A_78 : i32 to vector<16xi32>
      %shift_right_logical3A_80 = arith.shrui %get3A_77, %shift_right_logical3A_79 : vector<16xi32>
      %and3A_81 = arith.constant 127 : i32
      %and3A_82 = vector.broadcast %and3A_81 : i32 to vector<16xi32>
      %and3A_83 = arith.andi %get3A_77, %and3A_82 : vector<16xi32>
      %gather3A_84 = tpu.vector_load_idx %arg5[%shift_right_logical3A_80, %and3A_83] : memref<80x128xi32, #tpu.memory_space<vmem>>[vector<16xi32>, vector<16xi32>], vector<16xi32>,
      %mul3A_85 = arith.constant 16 : i32
      %mul3A_86 = arith.muli %scan3A_73, %mul3A_85 : i32
      %swap3A_87 = arith.index_cast %mul3A_86 : i32 to index
      %swap3A_88 = tpu.vector_load %arg7[%swap3A_87] {strides = array<i32>} : memref<5120xi32, #tpu.memory_space<vmem>>, vector<16xi32>,
      tpu.vector_store %arg7[%swap3A_87], %gather3A_84 {strides = array<i32>} : memref<5120xi32, #tpu.memory_space<vmem>>, vector<16xi32>,
      %scan3A_89 = arith.constant 5 : i32
      %scan3A_90 = arith.addi %scan3A_10, %scan3A_89 : i32
      %mul3A_91 = arith.constant 16 : i32
      %mul3A_92 = arith.muli %scan3A_90, %mul3A_91 : i32
      %get3A_93 = arith.index_cast %mul3A_92 : i32 to index
      %get3A_94 = tpu.vector_load %arg6[%get3A_93] {strides = array<i32>} : memref<5120xi32, #tpu.memory_space<vmem>>, vector<16xi32>,
      %shift_right_logical3A_95 = arith.constant 7 : i32
      %shift_right_logical3A_96 = vector.broadcast %shift_right_logical3A_95 : i32 to vector<16xi32>
      %shift_right_logical3A_97 = arith.shrui %get3A_94, %shift_right_logical3A_96 : vector<16xi32>
      %and3A_98 = arith.constant 127 : i32
      %and3A_99 = vector.broadcast %and3A_98 : i32 to vector<16xi32>
      %and3A_100 = arith.andi %get3A_94, %and3A_99 : vector<16xi32>
      %gather3A_101 = tpu.vector_load_idx %arg5[%shift_right_logical3A_97, %and3A_100] : memref<80x128xi32, #tpu.memory_space<vmem>>[vector<16xi32>, vector<16xi32>], vector<16xi32>,
      %mul3A_102 = arith.constant 16 : i32
      %mul3A_103 = arith.muli %scan3A_90, %mul3A_102 : i32
      %swap3A_104 = arith.index_cast %mul3A_103 : i32 to index
      %swap3A_105 = tpu.vector_load %arg7[%swap3A_104] {strides = array<i32>} : memref<5120xi32, #tpu.memory_space<vmem>>, vector<16xi32>,
      tpu.vector_store %arg7[%swap3A_104], %gather3A_101 {strides = array<i32>} : memref<5120xi32, #tpu.memory_space<vmem>>, vector<16xi32>,
      %scan3A_106 = arith.constant 6 : i32
      %scan3A_107 = arith.addi %scan3A_10, %scan3A_106 : i32
      %mul3A_108 = arith.constant 16 : i32
      %mul3A_109 = arith.muli %scan3A_107, %mul3A_108 : i32
      %get3A_110 = arith.index_cast %mul3A_109 : i32 to index
      %get3A_111 = tpu.vector_load %arg6[%get3A_110] {strides = array<i32>} : memref<5120xi32, #tpu.memory_space<vmem>>, vector<16xi32>,
      %shift_right_logical3A_112 = arith.constant 7 : i32
      %shift_right_logical3A_113 = vector.broadcast %shift_right_logical3A_112 : i32 to vector<16xi32>
      %shift_right_logical3A_114 = arith.shrui %get3A_111, %shift_right_logical3A_113 : vector<16xi32>
      %and3A_115 = arith.constant 127 : i32
      %and3A_116 = vector.broadcast %and3A_115 : i32 to vector<16xi32>
      %and3A_117 = arith.andi %get3A_111, %and3A_116 : vector<16xi32>
      %gather3A_118 = tpu.vector_load_idx %arg5[%shift_right_logical3A_114, %and3A_117] : memref<80x128xi32, #tpu.memory_space<vmem>>[vector<16xi32>, vector<16xi32>], vector<16xi32>,
      %mul3A_119 = arith.constant 16 : i32
      %mul3A_120 = arith.muli %scan3A_107, %mul3A_119 : i32
      %swap3A_121 = arith.index_cast %mul3A_120 : i32 to index
      %swap3A_122 = tpu.vector_load %arg7[%swap3A_121] {strides = array<i32>} : memref<5120xi32, #tpu.memory_space<vmem>>, vector<16xi32>,
      tpu.vector_store %arg7[%swap3A_121], %gather3A_118 {strides = array<i32>} : memref<5120xi32, #tpu.memory_space<vmem>>, vector<16xi32>,
      %scan3A_123 = arith.constant 7 : i32
      %scan3A_124 = arith.addi %scan3A_10, %scan3A_123 : i32
      %mul3A_125 = arith.constant 16 : i32
      %mul3A_126 = arith.muli %scan3A_124, %mul3A_125 : i32
      %get3A_127 = arith.index_cast %mul3A_126 : i32 to index
      %get3A_128 = tpu.vector_load %arg6[%get3A_127] {strides = array<i32>} : memref<5120xi32, #tpu.memory_space<vmem>>, vector<16xi32>,
      %shift_right_logical3A_129 = arith.constant 7 : i32
      %shift_right_logical3A_130 = vector.broadcast %shift_right_logical3A_129 : i32 to vector<16xi32>
      %shift_right_logical3A_131 = arith.shrui %get3A_128, %shift_right_logical3A_130 : vector<16xi32>
      %and3A_132 = arith.constant 127 : i32
      %and3A_133 = vector.broadcast %and3A_132 : i32 to vector<16xi32>
      %and3A_134 = arith.andi %get3A_128, %and3A_133 : vector<16xi32>
      %gather3A_135 = tpu.vector_load_idx %arg5[%shift_right_logical3A_131, %and3A_134] : memref<80x128xi32, #tpu.memory_space<vmem>>[vector<16xi32>, vector<16xi32>], vector<16xi32>,
      %mul3A_136 = arith.constant 16 : i32
      %mul3A_137 = arith.muli %scan3A_124, %mul3A_136 : i32
      %swap3A_138 = arith.index_cast %mul3A_137 : i32 to index
      %swap3A_139 = tpu.vector_load %arg7[%swap3A_138] {strides = array<i32>} : memref<5120xi32, #tpu.memory_space<vmem>>, vector<16xi32>,
      tpu.vector_store %arg7[%swap3A_138], %gather3A_135 {strides = array<i32>} : memref<5120xi32, #tpu.memory_space<vmem>>, vector<16xi32>,
    }
    %scan3A_7 = arith.constant 320 : i32
    %mul3A_8 = arith.constant 5120 : i32
    %mul3A_9 = arith.muli %add3A, %mul3A_8 : i32
    "tpu.region"() ({
      %run_scoped3A = tpu.sem_alloc : memref<!tpu.dma_semaphore, #tpu.memory_space<semaphore_mem>>
      %dma_start3A = tpu.memref_slice %arg4[%mul3A_9] : memref<163840xi32, #tpu.memory_space<hbm>> -> memref<5120xi32, #tpu.memory_space<hbm>>
      %dma_start3A_10 = tpu.memref_slice %arg4[%mul3A_9] : memref<163840xi32, #tpu.memory_space<hbm>> -> memref<5120xi32, #tpu.memory_space<hbm>>
      tpu.enqueue_dma source(%arg7 : memref<5120xi32, #tpu.memory_space<vmem>>) target(%dma_start3A_10 : memref<5120xi32, #tpu.memory_space<hbm>>) target_semaphore(%run_scoped3A : memref<!tpu.dma_semaphore, #tpu.memory_space<semaphore_mem>>)
      %dma_wait3A = tpu.memref_slice %arg4[%mul3A_9] : memref<163840xi32, #tpu.memory_space<hbm>> -> memref<5120xi32, #tpu.memory_space<hbm>>
      %dma_wait3A_11 = tpu.memref_slice %arg4[%mul3A_9] : memref<163840xi32, #tpu.memory_space<hbm>> -> memref<5120xi32, #tpu.memory_space<hbm>>
      tpu.wait_dma2 semaphore(%run_scoped3A : memref<!tpu.dma_semaphore, #tpu.memory_space<semaphore_mem>>) src(%arg7 : memref<5120xi32, #tpu.memory_space<vmem>>) dst(%dma_wait3A_11 : memref<5120xi32, #tpu.memory_space<hbm>>)
      tpu.yield
    }) : () -> ()
    return
  }
}

module attributes {stable_mosaic.version = 14 : i64} {
  func.func @_main_body(%arg0: i32, %arg1: memref<1x1x16000xi32, #tpu.memory_space<vmem>>, %arg2: memref<1x1x16000xi32, #tpu.memory_space<vmem>>, %arg3: memref<1x1x16000xi32, #tpu.memory_space<vmem>>, %arg4: memref<1x125x256xi32, #tpu.memory_space<vmem>>, %arg5: memref<1x125x256xi32, #tpu.memory_space<vmem>>, %arg6: memref<1x1x32000xi32, #tpu.memory_space<vmem>>, %arg7: memref<1x1x1000xi32, #tpu.memory_space<vmem>>, %arg8: memref<32x128xf32, #tpu.memory_space<vmem>>, %arg9: memref<16x128xf32, #tpu.memory_space<vmem>>, %arg10: memref<16x128xf32, #tpu.memory_space<vmem>>, %arg11: memref<128x128xf32, #tpu.memory_space<vmem>>, %arg12: memref<1x128xf32, #tpu.memory_space<vmem>>, %arg13: memref<128x128xf32, #tpu.memory_space<vmem>>, %arg14: memref<1x128xf32, #tpu.memory_space<vmem>>, %arg15: memref<3x128x128xf32, #tpu.memory_space<vmem>>, %arg16: memref<3x128xf32, #tpu.memory_space<vmem>>, %arg17: memref<3x128x128xf32, #tpu.memory_space<vmem>>, %arg18: memref<3x128xf32, #tpu.memory_space<vmem>>, %arg19: memref<128x1xf32, #tpu.memory_space<vmem>>, %arg20: memref<1x1xf32, #tpu.memory_space<vmem>>, %arg21: memref<64x1xf32, #tpu.memory_space<vmem>>, %arg22: memref<16000x128xf32, #tpu.memory_space<vmem>>, %arg23: memref<16000x128xbf16, #tpu.memory_space<vmem>>, %arg24: memref<32000x128xbf16, #tpu.memory_space<vmem>>, %arg25: memref<16000x128xbf16, #tpu.memory_space<vmem>>, %arg26: memref<64x128xf32, #tpu.memory_space<vmem>>, %arg27: memref<32000x128xbf16, #tpu.memory_space<vmem>>, %arg28: memref<16000x256xbf16, #tpu.memory_space<vmem>>) attributes {dimension_semantics = [#tpu.dimension_semantics<arbitrary>], iteration_bounds = array<i64: 10>, scalar_prefetch = 0 : i64, scratch_operands = 7 : i64, tpu.core_type = #tpu.core_type<tc>, window_params = [{transform_indices = @transform_0, window_bounds = array<i64: 1, 1, 16000>}, {transform_indices = @transform_1, window_bounds = array<i64: 1, 1, 16000>}, {transform_indices = @transform_2, window_bounds = array<i64: 1, 1, 16000>}, {transform_indices = @transform_3, window_bounds = array<i64: 1, 125, 256>}, {transform_indices = @transform_4, window_bounds = array<i64: 1, 125, 256>}, {transform_indices = @transform_5, window_bounds = array<i64: 1, 1, 32000>}, {transform_indices = @transform_6, window_bounds = array<i64: 1, 1, 1000>}, {pipeline_mode = #tpu.pipeline_mode<synchronous>, transform_indices = @transform_7, window_bounds = array<i64: 32, 128>}, {pipeline_mode = #tpu.pipeline_mode<synchronous>, transform_indices = @transform_8, window_bounds = array<i64: 16, 128>}, {pipeline_mode = #tpu.pipeline_mode<synchronous>, transform_indices = @transform_9, window_bounds = array<i64: 16, 128>}, {pipeline_mode = #tpu.pipeline_mode<synchronous>, transform_indices = @transform_10, window_bounds = array<i64: 128, 128>}, {pipeline_mode = #tpu.pipeline_mode<synchronous>, transform_indices = @transform_11, window_bounds = array<i64: 1, 128>}, {pipeline_mode = #tpu.pipeline_mode<synchronous>, transform_indices = @transform_12, window_bounds = array<i64: 128, 128>}, {pipeline_mode = #tpu.pipeline_mode<synchronous>, transform_indices = @transform_13, window_bounds = array<i64: 1, 128>}, {pipeline_mode = #tpu.pipeline_mode<synchronous>, transform_indices = @transform_14, window_bounds = array<i64: 3, 128, 128>}, {pipeline_mode = #tpu.pipeline_mode<synchronous>, transform_indices = @transform_15, window_bounds = array<i64: 3, 128>}, {pipeline_mode = #tpu.pipeline_mode<synchronous>, transform_indices = @transform_16, window_bounds = array<i64: 3, 128, 128>}, {pipeline_mode = #tpu.pipeline_mode<synchronous>, transform_indices = @transform_17, window_bounds = array<i64: 3, 128>}, {pipeline_mode = #tpu.pipeline_mode<synchronous>, transform_indices = @transform_18, window_bounds = array<i64: 128, 1>}, {pipeline_mode = #tpu.pipeline_mode<synchronous>, transform_indices = @transform_19, window_bounds = array<i64: 1, 1>}, {pipeline_mode = #tpu.pipeline_mode<synchronous>, transform_indices = @transform_20, window_bounds = array<i64: 64, 1>}]} {
    %get3A = arith.constant 0 : index
    %get3A_0 = arith.constant 0 : index
    %get3A_1 = vector.load %arg8[%get3A, %get3A_0] : memref<32x128xf32, #tpu.memory_space<vmem>>, vector<32x128xf32>
    %get3A_2 = arith.constant 0 : index
    %get3A_3 = arith.constant 0 : index
    %get3A_4 = vector.load %arg11[%get3A_2, %get3A_3] : memref<128x128xf32, #tpu.memory_space<vmem>>, vector<128x128xf32>
    %dot_general3A = arith.constant dense<0.000000e+00> : vector<32x128xf32>
    %dot_general3A_5 = tpu.matmul %get3A_1, %get3A_4, %dot_general3A {dimension_numbers = #tpu.dot_dimension_numbers<[1], [0], [0], [1], [0, 0, 1, 1], [], []>, transpose_lhs_hint = false} : vector<32x128xf32>, vector<128x128xf32>, vector<32x128xf32> -> vector<32x128xf32>
    %get3A_6 = arith.constant 0 : index
    %get3A_7 = arith.constant 0 : index
    %get3A_8 = vector.load %arg12[%get3A_6, %get3A_7] : memref<1x128xf32, #tpu.memory_space<vmem>>, vector<1x128xf32>
    %add3A = vector.broadcast %get3A_8 : vector<1x128xf32> to vector<32x128xf32>
    %add3A_9 = arith.addf %dot_general3A_5, %add3A : vector<32x128xf32>
    %convert_element_type3A = arith.truncf %add3A_9 : vector<32x128xf32> to vector<32x128xbf16>
    %get3A_10 = arith.constant 0 : index
    %get3A_11 = arith.constant 0 : index
    %get3A_12 = vector.load %arg8[%get3A_10, %get3A_11] : memref<32x128xf32, #tpu.memory_space<vmem>>, vector<32x128xf32>
    %get3A_13 = arith.constant 0 : index
    %get3A_14 = arith.constant 0 : index
    %get3A_15 = vector.load %arg13[%get3A_13, %get3A_14] : memref<128x128xf32, #tpu.memory_space<vmem>>, vector<128x128xf32>
    %dot_general3A_16 = arith.constant dense<0.000000e+00> : vector<32x128xf32>
    %dot_general3A_17 = tpu.matmul %get3A_12, %get3A_15, %dot_general3A_16 {dimension_numbers = #tpu.dot_dimension_numbers<[1], [0], [0], [1], [0, 0, 1, 1], [], []>, transpose_lhs_hint = false} : vector<32x128xf32>, vector<128x128xf32>, vector<32x128xf32> -> vector<32x128xf32>
    %get3A_18 = arith.constant 0 : index
    %get3A_19 = arith.constant 0 : index
    %get3A_20 = vector.load %arg14[%get3A_18, %get3A_19] : memref<1x128xf32, #tpu.memory_space<vmem>>, vector<1x128xf32>
    %add3A_21 = vector.broadcast %get3A_20 : vector<1x128xf32> to vector<32x128xf32>
    %add3A_22 = arith.addf %dot_general3A_17, %add3A_21 : vector<32x128xf32>
    %convert_element_type3A_23 = arith.truncf %add3A_22 : vector<32x128xf32> to vector<32x128xbf16>
    %iota3A = tpu.iota {dimensions = array<i32: 0>} : vector<16x32000xi32>
    %get3A_24 = arith.constant 0 : index
    %get3A_25 = arith.constant 0 : index
    %get3A_26 = arith.constant 0 : index
    %get3A_27 = vector.load %arg6[%get3A_24, %get3A_25, %get3A_26] : memref<1x1x32000xi32, #tpu.memory_space<vmem>>, vector<1x1x32000xi32>
    %reshape3A = vector.shape_cast %get3A_27 : vector<1x1x32000xi32> to vector<1x32000xi32>
    %eq3A = vector.broadcast %reshape3A : vector<1x32000xi32> to vector<16x32000xi32>
    %eq3A_28 = arith.cmpi eq, %iota3A, %eq3A : vector<16x32000xi32>
    %convert_element_type3A_29 = arith.extui %eq3A_28 : vector<16x32000xi1> to vector<16x32000xi32>
    %convert_element_type3A_30 = arith.sitofp %convert_element_type3A_29 : vector<16x32000xi32> to vector<16x32000xf32>
    %convert_element_type3A_31 = arith.truncf %convert_element_type3A_30 : vector<16x32000xf32> to vector<16x32000xbf16>
    %get3A_32 = arith.constant 0 : index
    %get3A_33 = arith.constant 0 : index
    %get3A_34 = vector.load %arg9[%get3A_32, %get3A_33] : memref<16x128xf32, #tpu.memory_space<vmem>>, vector<16x128xf32>
    %convert_element_type3A_35 = arith.truncf %get3A_34 : vector<16x128xf32> to vector<16x128xbf16>
    %dot_general3A_36 = arith.constant dense<0.000000e+00> : vector<32000x128xf32>
    %dot_general3A_37 = tpu.matmul %convert_element_type3A_31, %convert_element_type3A_35, %dot_general3A_36 {dimension_numbers = #tpu.dot_dimension_numbers<[0], [0], [1], [1], [0, 1, 1, 1], [], []>, transpose_lhs_hint = true} : vector<16x32000xbf16>, vector<16x128xbf16>, vector<32000x128xf32> -> vector<32000x128xf32>
    %convert_element_type3A_38 = arith.truncf %dot_general3A_37 : vector<32000x128xf32> to vector<32000x128xbf16>
    %swap3A = arith.constant 0 : index
    %swap3A_39 = arith.constant 0 : index
    %swap3A_40 = vector.load %arg24[%swap3A, %swap3A_39] : memref<32000x128xbf16, #tpu.memory_space<vmem>>, vector<32000x128xbf16>
    tpu.vector_store %arg24[%swap3A, %swap3A_39], %convert_element_type3A_38 {strides = array<i32>} : memref<32000x128xbf16, #tpu.memory_space<vmem>>, vector<32000x128xbf16>,
    %iota3A_41 = tpu.iota {dimensions = array<i32: 0>} : vector<32x16000xi32>
    %get3A_42 = arith.constant 0 : index
    %get3A_43 = arith.constant 0 : index
    %get3A_44 = arith.constant 0 : index
    %get3A_45 = vector.load %arg1[%get3A_42, %get3A_43, %get3A_44] : memref<1x1x16000xi32, #tpu.memory_space<vmem>>, vector<1x1x16000xi32>
    %reshape3A_46 = vector.shape_cast %get3A_45 : vector<1x1x16000xi32> to vector<1x16000xi32>
    %eq3A_47 = vector.broadcast %reshape3A_46 : vector<1x16000xi32> to vector<32x16000xi32>
    %eq3A_48 = arith.cmpi eq, %iota3A_41, %eq3A_47 : vector<32x16000xi32>
    %convert_element_type3A_49 = arith.extui %eq3A_48 : vector<32x16000xi1> to vector<32x16000xi32>
    %convert_element_type3A_50 = arith.sitofp %convert_element_type3A_49 : vector<32x16000xi32> to vector<32x16000xf32>
    %convert_element_type3A_51 = arith.truncf %convert_element_type3A_50 : vector<32x16000xf32> to vector<32x16000xbf16>
    %iota3A_52 = tpu.iota {dimensions = array<i32: 0>} : vector<32x16000xi32>
    %get3A_53 = arith.constant 0 : index
    %get3A_54 = arith.constant 0 : index
    %get3A_55 = arith.constant 0 : index
    %get3A_56 = vector.load %arg2[%get3A_53, %get3A_54, %get3A_55] : memref<1x1x16000xi32, #tpu.memory_space<vmem>>, vector<1x1x16000xi32>
    %reshape3A_57 = vector.shape_cast %get3A_56 : vector<1x1x16000xi32> to vector<1x16000xi32>
    %eq3A_58 = vector.broadcast %reshape3A_57 : vector<1x16000xi32> to vector<32x16000xi32>
    %eq3A_59 = arith.cmpi eq, %iota3A_52, %eq3A_58 : vector<32x16000xi32>
    %convert_element_type3A_60 = arith.extui %eq3A_59 : vector<32x16000xi1> to vector<32x16000xi32>
    %convert_element_type3A_61 = arith.sitofp %convert_element_type3A_60 : vector<32x16000xi32> to vector<32x16000xf32>
    %convert_element_type3A_62 = arith.truncf %convert_element_type3A_61 : vector<32x16000xf32> to vector<32x16000xbf16>
    %iota3A_63 = tpu.iota {dimensions = array<i32: 0>} : vector<16x16000xi32>
    %get3A_64 = arith.constant 0 : index
    %get3A_65 = arith.constant 0 : index
    %get3A_66 = arith.constant 0 : index
    %get3A_67 = vector.load %arg3[%get3A_64, %get3A_65, %get3A_66] : memref<1x1x16000xi32, #tpu.memory_space<vmem>>, vector<1x1x16000xi32>
    %reshape3A_68 = vector.shape_cast %get3A_67 : vector<1x1x16000xi32> to vector<1x16000xi32>
    %eq3A_69 = vector.broadcast %reshape3A_68 : vector<1x16000xi32> to vector<16x16000xi32>
    %eq3A_70 = arith.cmpi eq, %iota3A_63, %eq3A_69 : vector<16x16000xi32>
    %convert_element_type3A_71 = arith.extui %eq3A_70 : vector<16x16000xi1> to vector<16x16000xi32>
    %convert_element_type3A_72 = arith.sitofp %convert_element_type3A_71 : vector<16x16000xi32> to vector<16x16000xf32>
    %convert_element_type3A_73 = arith.truncf %convert_element_type3A_72 : vector<16x16000xf32> to vector<16x16000xbf16>
    %dot_general3A_74 = arith.constant dense<0.000000e+00> : vector<16000x128xf32>
    %dot_general3A_75 = tpu.matmul %convert_element_type3A_51, %convert_element_type3A, %dot_general3A_74 {dimension_numbers = #tpu.dot_dimension_numbers<[0], [0], [1], [1], [0, 1, 1, 1], [], []>, transpose_lhs_hint = true} : vector<32x16000xbf16>, vector<32x128xbf16>, vector<16000x128xf32> -> vector<16000x128xf32>
    %dot_general3A_76 = arith.constant dense<0.000000e+00> : vector<16000x128xf32>
    %dot_general3A_77 = tpu.matmul %convert_element_type3A_62, %convert_element_type3A_23, %dot_general3A_76 {dimension_numbers = #tpu.dot_dimension_numbers<[0], [0], [1], [1], [0, 1, 1, 1], [], []>, transpose_lhs_hint = true} : vector<32x16000xbf16>, vector<32x128xbf16>, vector<16000x128xf32> -> vector<16000x128xf32>
    %get3A_78 = arith.constant 0 : index
    %get3A_79 = arith.constant 0 : index
    %get3A_80 = vector.load %arg10[%get3A_78, %get3A_79] : memref<16x128xf32, #tpu.memory_space<vmem>>, vector<16x128xf32>
    %convert_element_type3A_81 = arith.truncf %get3A_80 : vector<16x128xf32> to vector<16x128xbf16>
    %dot_general3A_82 = arith.constant dense<0.000000e+00> : vector<16000x128xf32>
    %dot_general3A_83 = tpu.matmul %convert_element_type3A_73, %convert_element_type3A_81, %dot_general3A_82 {dimension_numbers = #tpu.dot_dimension_numbers<[0], [0], [1], [1], [0, 1, 1, 1], [], []>, transpose_lhs_hint = true} : vector<16x16000xbf16>, vector<16x128xbf16>, vector<16000x128xf32> -> vector<16000x128xf32>
    %mul3A = arith.mulf %dot_general3A_75, %dot_general3A_77 : vector<16000x128xf32>
    %mul3A_84 = arith.mulf %mul3A, %dot_general3A_83 : vector<16000x128xf32>
    %swap3A_85 = arith.constant 0 : index
    %swap3A_86 = arith.constant 0 : index
    %swap3A_87 = vector.load %arg22[%swap3A_85, %swap3A_86] : memref<16000x128xf32, #tpu.memory_space<vmem>>, vector<16000x128xf32>
    tpu.vector_store %arg22[%swap3A_85, %swap3A_86], %mul3A_84 {strides = array<i32>} : memref<16000x128xf32, #tpu.memory_space<vmem>>, vector<16000x128xf32>,
    %scan3A = arith.constant 0 : i32
    %scan3A_88 = arith.constant 125 : i32
    %scan3A_89 = arith.addi %scan3A, %scan3A_88 : i32
    %scan3A_90 = arith.constant 25 : i32
    scf.for %scan3A_321 = %scan3A to %scan3A_89 step %scan3A_90  : i32 {
      %get3A_322 = arith.constant 0 : index
      %get3A_323 = arith.index_cast %scan3A_321 : i32 to index
      %get3A_324 = arith.constant 0 : index
      %get3A_325 = vector.load %arg4[%get3A_322, %get3A_323, %get3A_324] : memref<1x125x256xi32, #tpu.memory_space<vmem>>, vector<1x1x256xi32>
      %reshape3A_326 = vector.shape_cast %get3A_325 : vector<1x1x256xi32> to vector<1x256xi32>
      %transpose3A = tpu.transpose %reshape3A_326, [1, 0] : vector<1x256xi32> -> vector<256x1xi32>
      %iota3A_327 = tpu.iota {dimensions = array<i32: 1>} : vector<256x128xi32>
      %eq3A_328 = vector.broadcast %transpose3A : vector<256x1xi32> to vector<256x128xi32>
      %eq3A_329 = arith.cmpi eq, %eq3A_328, %iota3A_327 : vector<256x128xi32>
      %convert_element_type3A_330 = arith.extui %eq3A_329 : vector<256x128xi1> to vector<256x128xi32>
      %convert_element_type3A_331 = arith.sitofp %convert_element_type3A_330 : vector<256x128xi32> to vector<256x128xf32>
      %convert_element_type3A_332 = arith.truncf %convert_element_type3A_331 : vector<256x128xf32> to vector<256x128xbf16>
      %mul3A_333 = arith.constant 256 : i32
      %mul3A_334 = arith.muli %scan3A_321, %mul3A_333 : i32
      %swap3A_335 = arith.index_cast %mul3A_334 : i32 to index
      %swap3A_336 = arith.constant 0 : index
      %swap3A_337 = vector.load %arg27[%swap3A_335, %swap3A_336] : memref<32000x128xbf16, #tpu.memory_space<vmem>>, vector<256x128xbf16>
      tpu.vector_store %arg27[%swap3A_335, %swap3A_336], %convert_element_type3A_332 {strides = array<i32>} : memref<32000x128xbf16, #tpu.memory_space<vmem>>, vector<256x128xbf16>,
      %get3A_338 = arith.constant 0 : index
      %get3A_339 = arith.index_cast %scan3A_321 : i32 to index
      %get3A_340 = arith.constant 0 : index
      %get3A_341 = vector.load %arg5[%get3A_338, %get3A_339, %get3A_340] : memref<1x125x256xi32, #tpu.memory_space<vmem>>, vector<1x1x256xi32>
      %reshape3A_342 = vector.shape_cast %get3A_341 : vector<1x1x256xi32> to vector<1x256xi32>
      %iota3A_343 = tpu.iota {dimensions = array<i32: 0>} : vector<128x256xi32>
      %eq3A_344 = vector.broadcast %reshape3A_342 : vector<1x256xi32> to vector<128x256xi32>
      %eq3A_345 = arith.cmpi eq, %iota3A_343, %eq3A_344 : vector<128x256xi32>
      %convert_element_type3A_346 = arith.extui %eq3A_345 : vector<128x256xi1> to vector<128x256xi32>
      %convert_element_type3A_347 = arith.sitofp %convert_element_type3A_346 : vector<128x256xi32> to vector<128x256xf32>
      %convert_element_type3A_348 = arith.truncf %convert_element_type3A_347 : vector<128x256xf32> to vector<128x256xbf16>
      %mul3A_349 = arith.constant 128 : i32
      %mul3A_350 = arith.muli %scan3A_321, %mul3A_349 : i32
      %swap3A_351 = arith.index_cast %mul3A_350 : i32 to index
      %swap3A_352 = arith.constant 0 : index
      %swap3A_353 = vector.load %arg28[%swap3A_351, %swap3A_352] : memref<16000x256xbf16, #tpu.memory_space<vmem>>, vector<128x256xbf16>
      tpu.vector_store %arg28[%swap3A_351, %swap3A_352], %convert_element_type3A_348 {strides = array<i32>} : memref<16000x256xbf16, #tpu.memory_space<vmem>>, vector<128x256xbf16>,
      %scan3A_354 = arith.constant 1 : i32
      %scan3A_355 = arith.addi %scan3A_321, %scan3A_354 : i32
      %get3A_356 = arith.constant 0 : index
      %get3A_357 = arith.index_cast %scan3A_355 : i32 to index
      %get3A_358 = arith.constant 0 : index
      %get3A_359 = vector.load %arg4[%get3A_356, %get3A_357, %get3A_358] : memref<1x125x256xi32, #tpu.memory_space<vmem>>, vector<1x1x256xi32>
      %reshape3A_360 = vector.shape_cast %get3A_359 : vector<1x1x256xi32> to vector<1x256xi32>
      %transpose3A_361 = tpu.transpose %reshape3A_360, [1, 0] : vector<1x256xi32> -> vector<256x1xi32>
      %iota3A_362 = tpu.iota {dimensions = array<i32: 1>} : vector<256x128xi32>
      %eq3A_363 = vector.broadcast %transpose3A_361 : vector<256x1xi32> to vector<256x128xi32>
      %eq3A_364 = arith.cmpi eq, %eq3A_363, %iota3A_362 : vector<256x128xi32>
      %convert_element_type3A_365 = arith.extui %eq3A_364 : vector<256x128xi1> to vector<256x128xi32>
      %convert_element_type3A_366 = arith.sitofp %convert_element_type3A_365 : vector<256x128xi32> to vector<256x128xf32>
      %convert_element_type3A_367 = arith.truncf %convert_element_type3A_366 : vector<256x128xf32> to vector<256x128xbf16>
      %mul3A_368 = arith.constant 256 : i32
      %mul3A_369 = arith.muli %scan3A_355, %mul3A_368 : i32
      %swap3A_370 = arith.index_cast %mul3A_369 : i32 to index
      %swap3A_371 = arith.constant 0 : index
      %swap3A_372 = vector.load %arg27[%swap3A_370, %swap3A_371] : memref<32000x128xbf16, #tpu.memory_space<vmem>>, vector<256x128xbf16>
      tpu.vector_store %arg27[%swap3A_370, %swap3A_371], %convert_element_type3A_367 {strides = array<i32>} : memref<32000x128xbf16, #tpu.memory_space<vmem>>, vector<256x128xbf16>,
      %get3A_373 = arith.constant 0 : index
      %get3A_374 = arith.index_cast %scan3A_355 : i32 to index
      %get3A_375 = arith.constant 0 : index
      %get3A_376 = vector.load %arg5[%get3A_373, %get3A_374, %get3A_375] : memref<1x125x256xi32, #tpu.memory_space<vmem>>, vector<1x1x256xi32>
      %reshape3A_377 = vector.shape_cast %get3A_376 : vector<1x1x256xi32> to vector<1x256xi32>
      %iota3A_378 = tpu.iota {dimensions = array<i32: 0>} : vector<128x256xi32>
      %eq3A_379 = vector.broadcast %reshape3A_377 : vector<1x256xi32> to vector<128x256xi32>
      %eq3A_380 = arith.cmpi eq, %iota3A_378, %eq3A_379 : vector<128x256xi32>
      %convert_element_type3A_381 = arith.extui %eq3A_380 : vector<128x256xi1> to vector<128x256xi32>
      %convert_element_type3A_382 = arith.sitofp %convert_element_type3A_381 : vector<128x256xi32> to vector<128x256xf32>
      %convert_element_type3A_383 = arith.truncf %convert_element_type3A_382 : vector<128x256xf32> to vector<128x256xbf16>
      %mul3A_384 = arith.constant 128 : i32
      %mul3A_385 = arith.muli %scan3A_355, %mul3A_384 : i32
      %swap3A_386 = arith.index_cast %mul3A_385 : i32 to index
      %swap3A_387 = arith.constant 0 : index
      %swap3A_388 = vector.load %arg28[%swap3A_386, %swap3A_387] : memref<16000x256xbf16, #tpu.memory_space<vmem>>, vector<128x256xbf16>
      tpu.vector_store %arg28[%swap3A_386, %swap3A_387], %convert_element_type3A_383 {strides = array<i32>} : memref<16000x256xbf16, #tpu.memory_space<vmem>>, vector<128x256xbf16>,
      %scan3A_389 = arith.constant 2 : i32
      %scan3A_390 = arith.addi %scan3A_321, %scan3A_389 : i32
      %get3A_391 = arith.constant 0 : index
      %get3A_392 = arith.index_cast %scan3A_390 : i32 to index
      %get3A_393 = arith.constant 0 : index
      %get3A_394 = vector.load %arg4[%get3A_391, %get3A_392, %get3A_393] : memref<1x125x256xi32, #tpu.memory_space<vmem>>, vector<1x1x256xi32>
      %reshape3A_395 = vector.shape_cast %get3A_394 : vector<1x1x256xi32> to vector<1x256xi32>
      %transpose3A_396 = tpu.transpose %reshape3A_395, [1, 0] : vector<1x256xi32> -> vector<256x1xi32>
      %iota3A_397 = tpu.iota {dimensions = array<i32: 1>} : vector<256x128xi32>
      %eq3A_398 = vector.broadcast %transpose3A_396 : vector<256x1xi32> to vector<256x128xi32>
      %eq3A_399 = arith.cmpi eq, %eq3A_398, %iota3A_397 : vector<256x128xi32>
      %convert_element_type3A_400 = arith.extui %eq3A_399 : vector<256x128xi1> to vector<256x128xi32>
      %convert_element_type3A_401 = arith.sitofp %convert_element_type3A_400 : vector<256x128xi32> to vector<256x128xf32>
      %convert_element_type3A_402 = arith.truncf %convert_element_type3A_401 : vector<256x128xf32> to vector<256x128xbf16>
      %mul3A_403 = arith.constant 256 : i32
      %mul3A_404 = arith.muli %scan3A_390, %mul3A_403 : i32
      %swap3A_405 = arith.index_cast %mul3A_404 : i32 to index
      %swap3A_406 = arith.constant 0 : index
      %swap3A_407 = vector.load %arg27[%swap3A_405, %swap3A_406] : memref<32000x128xbf16, #tpu.memory_space<vmem>>, vector<256x128xbf16>
      tpu.vector_store %arg27[%swap3A_405, %swap3A_406], %convert_element_type3A_402 {strides = array<i32>} : memref<32000x128xbf16, #tpu.memory_space<vmem>>, vector<256x128xbf16>,
      %get3A_408 = arith.constant 0 : index
      %get3A_409 = arith.index_cast %scan3A_390 : i32 to index
      %get3A_410 = arith.constant 0 : index
      %get3A_411 = vector.load %arg5[%get3A_408, %get3A_409, %get3A_410] : memref<1x125x256xi32, #tpu.memory_space<vmem>>, vector<1x1x256xi32>
      %reshape3A_412 = vector.shape_cast %get3A_411 : vector<1x1x256xi32> to vector<1x256xi32>
      %iota3A_413 = tpu.iota {dimensions = array<i32: 0>} : vector<128x256xi32>
      %eq3A_414 = vector.broadcast %reshape3A_412 : vector<1x256xi32> to vector<128x256xi32>
      %eq3A_415 = arith.cmpi eq, %iota3A_413, %eq3A_414 : vector<128x256xi32>
      %convert_element_type3A_416 = arith.extui %eq3A_415 : vector<128x256xi1> to vector<128x256xi32>
      %convert_element_type3A_417 = arith.sitofp %convert_element_type3A_416 : vector<128x256xi32> to vector<128x256xf32>
      %convert_element_type3A_418 = arith.truncf %convert_element_type3A_417 : vector<128x256xf32> to vector<128x256xbf16>
      %mul3A_419 = arith.constant 128 : i32
      %mul3A_420 = arith.muli %scan3A_390, %mul3A_419 : i32
      %swap3A_421 = arith.index_cast %mul3A_420 : i32 to index
      %swap3A_422 = arith.constant 0 : index
      %swap3A_423 = vector.load %arg28[%swap3A_421, %swap3A_422] : memref<16000x256xbf16, #tpu.memory_space<vmem>>, vector<128x256xbf16>
      tpu.vector_store %arg28[%swap3A_421, %swap3A_422], %convert_element_type3A_418 {strides = array<i32>} : memref<16000x256xbf16, #tpu.memory_space<vmem>>, vector<128x256xbf16>,
      %scan3A_424 = arith.constant 3 : i32
      %scan3A_425 = arith.addi %scan3A_321, %scan3A_424 : i32
      %get3A_426 = arith.constant 0 : index
      %get3A_427 = arith.index_cast %scan3A_425 : i32 to index
      %get3A_428 = arith.constant 0 : index
      %get3A_429 = vector.load %arg4[%get3A_426, %get3A_427, %get3A_428] : memref<1x125x256xi32, #tpu.memory_space<vmem>>, vector<1x1x256xi32>
      %reshape3A_430 = vector.shape_cast %get3A_429 : vector<1x1x256xi32> to vector<1x256xi32>
      %transpose3A_431 = tpu.transpose %reshape3A_430, [1, 0] : vector<1x256xi32> -> vector<256x1xi32>
      %iota3A_432 = tpu.iota {dimensions = array<i32: 1>} : vector<256x128xi32>
      %eq3A_433 = vector.broadcast %transpose3A_431 : vector<256x1xi32> to vector<256x128xi32>
      %eq3A_434 = arith.cmpi eq, %eq3A_433, %iota3A_432 : vector<256x128xi32>
      %convert_element_type3A_435 = arith.extui %eq3A_434 : vector<256x128xi1> to vector<256x128xi32>
      %convert_element_type3A_436 = arith.sitofp %convert_element_type3A_435 : vector<256x128xi32> to vector<256x128xf32>
      %convert_element_type3A_437 = arith.truncf %convert_element_type3A_436 : vector<256x128xf32> to vector<256x128xbf16>
      %mul3A_438 = arith.constant 256 : i32
      %mul3A_439 = arith.muli %scan3A_425, %mul3A_438 : i32
      %swap3A_440 = arith.index_cast %mul3A_439 : i32 to index
      %swap3A_441 = arith.constant 0 : index
      %swap3A_442 = vector.load %arg27[%swap3A_440, %swap3A_441] : memref<32000x128xbf16, #tpu.memory_space<vmem>>, vector<256x128xbf16>
      tpu.vector_store %arg27[%swap3A_440, %swap3A_441], %convert_element_type3A_437 {strides = array<i32>} : memref<32000x128xbf16, #tpu.memory_space<vmem>>, vector<256x128xbf16>,
      %get3A_443 = arith.constant 0 : index
      %get3A_444 = arith.index_cast %scan3A_425 : i32 to index
      %get3A_445 = arith.constant 0 : index
      %get3A_446 = vector.load %arg5[%get3A_443, %get3A_444, %get3A_445] : memref<1x125x256xi32, #tpu.memory_space<vmem>>, vector<1x1x256xi32>
      %reshape3A_447 = vector.shape_cast %get3A_446 : vector<1x1x256xi32> to vector<1x256xi32>
      %iota3A_448 = tpu.iota {dimensions = array<i32: 0>} : vector<128x256xi32>
      %eq3A_449 = vector.broadcast %reshape3A_447 : vector<1x256xi32> to vector<128x256xi32>
      %eq3A_450 = arith.cmpi eq, %iota3A_448, %eq3A_449 : vector<128x256xi32>
      %convert_element_type3A_451 = arith.extui %eq3A_450 : vector<128x256xi1> to vector<128x256xi32>
      %convert_element_type3A_452 = arith.sitofp %convert_element_type3A_451 : vector<128x256xi32> to vector<128x256xf32>
      %convert_element_type3A_453 = arith.truncf %convert_element_type3A_452 : vector<128x256xf32> to vector<128x256xbf16>
      %mul3A_454 = arith.constant 128 : i32
      %mul3A_455 = arith.muli %scan3A_425, %mul3A_454 : i32
      %swap3A_456 = arith.index_cast %mul3A_455 : i32 to index
      %swap3A_457 = arith.constant 0 : index
      %swap3A_458 = vector.load %arg28[%swap3A_456, %swap3A_457] : memref<16000x256xbf16, #tpu.memory_space<vmem>>, vector<128x256xbf16>
      tpu.vector_store %arg28[%swap3A_456, %swap3A_457], %convert_element_type3A_453 {strides = array<i32>} : memref<16000x256xbf16, #tpu.memory_space<vmem>>, vector<128x256xbf16>,
      %scan3A_459 = arith.constant 4 : i32
      %scan3A_460 = arith.addi %scan3A_321, %scan3A_459 : i32
      %get3A_461 = arith.constant 0 : index
      %get3A_462 = arith.index_cast %scan3A_460 : i32 to index
      %get3A_463 = arith.constant 0 : index
      %get3A_464 = vector.load %arg4[%get3A_461, %get3A_462, %get3A_463] : memref<1x125x256xi32, #tpu.memory_space<vmem>>, vector<1x1x256xi32>
      %reshape3A_465 = vector.shape_cast %get3A_464 : vector<1x1x256xi32> to vector<1x256xi32>
      %transpose3A_466 = tpu.transpose %reshape3A_465, [1, 0] : vector<1x256xi32> -> vector<256x1xi32>
      %iota3A_467 = tpu.iota {dimensions = array<i32: 1>} : vector<256x128xi32>
      %eq3A_468 = vector.broadcast %transpose3A_466 : vector<256x1xi32> to vector<256x128xi32>
      %eq3A_469 = arith.cmpi eq, %eq3A_468, %iota3A_467 : vector<256x128xi32>
      %convert_element_type3A_470 = arith.extui %eq3A_469 : vector<256x128xi1> to vector<256x128xi32>
      %convert_element_type3A_471 = arith.sitofp %convert_element_type3A_470 : vector<256x128xi32> to vector<256x128xf32>
      %convert_element_type3A_472 = arith.truncf %convert_element_type3A_471 : vector<256x128xf32> to vector<256x128xbf16>
      %mul3A_473 = arith.constant 256 : i32
      %mul3A_474 = arith.muli %scan3A_460, %mul3A_473 : i32
      %swap3A_475 = arith.index_cast %mul3A_474 : i32 to index
      %swap3A_476 = arith.constant 0 : index
      %swap3A_477 = vector.load %arg27[%swap3A_475, %swap3A_476] : memref<32000x128xbf16, #tpu.memory_space<vmem>>, vector<256x128xbf16>
      tpu.vector_store %arg27[%swap3A_475, %swap3A_476], %convert_element_type3A_472 {strides = array<i32>} : memref<32000x128xbf16, #tpu.memory_space<vmem>>, vector<256x128xbf16>,
      %get3A_478 = arith.constant 0 : index
      %get3A_479 = arith.index_cast %scan3A_460 : i32 to index
      %get3A_480 = arith.constant 0 : index
      %get3A_481 = vector.load %arg5[%get3A_478, %get3A_479, %get3A_480] : memref<1x125x256xi32, #tpu.memory_space<vmem>>, vector<1x1x256xi32>
      %reshape3A_482 = vector.shape_cast %get3A_481 : vector<1x1x256xi32> to vector<1x256xi32>
      %iota3A_483 = tpu.iota {dimensions = array<i32: 0>} : vector<128x256xi32>
      %eq3A_484 = vector.broadcast %reshape3A_482 : vector<1x256xi32> to vector<128x256xi32>
      %eq3A_485 = arith.cmpi eq, %iota3A_483, %eq3A_484 : vector<128x256xi32>
      %convert_element_type3A_486 = arith.extui %eq3A_485 : vector<128x256xi1> to vector<128x256xi32>
      %convert_element_type3A_487 = arith.sitofp %convert_element_type3A_486 : vector<128x256xi32> to vector<128x256xf32>
      %convert_element_type3A_488 = arith.truncf %convert_element_type3A_487 : vector<128x256xf32> to vector<128x256xbf16>
      %mul3A_489 = arith.constant 128 : i32
      %mul3A_490 = arith.muli %scan3A_460, %mul3A_489 : i32
      %swap3A_491 = arith.index_cast %mul3A_490 : i32 to index
      %swap3A_492 = arith.constant 0 : index
      %swap3A_493 = vector.load %arg28[%swap3A_491, %swap3A_492] : memref<16000x256xbf16, #tpu.memory_space<vmem>>, vector<128x256xbf16>
      tpu.vector_store %arg28[%swap3A_491, %swap3A_492], %convert_element_type3A_488 {strides = array<i32>} : memref<16000x256xbf16, #tpu.memory_space<vmem>>, vector<128x256xbf16>,
      %scan3A_494 = arith.constant 5 : i32
      %scan3A_495 = arith.addi %scan3A_321, %scan3A_494 : i32
      %get3A_496 = arith.constant 0 : index
      %get3A_497 = arith.index_cast %scan3A_495 : i32 to index
      %get3A_498 = arith.constant 0 : index
      %get3A_499 = vector.load %arg4[%get3A_496, %get3A_497, %get3A_498] : memref<1x125x256xi32, #tpu.memory_space<vmem>>, vector<1x1x256xi32>
      %reshape3A_500 = vector.shape_cast %get3A_499 : vector<1x1x256xi32> to vector<1x256xi32>
      %transpose3A_501 = tpu.transpose %reshape3A_500, [1, 0] : vector<1x256xi32> -> vector<256x1xi32>
      %iota3A_502 = tpu.iota {dimensions = array<i32: 1>} : vector<256x128xi32>
      %eq3A_503 = vector.broadcast %transpose3A_501 : vector<256x1xi32> to vector<256x128xi32>
      %eq3A_504 = arith.cmpi eq, %eq3A_503, %iota3A_502 : vector<256x128xi32>
      %convert_element_type3A_505 = arith.extui %eq3A_504 : vector<256x128xi1> to vector<256x128xi32>
      %convert_element_type3A_506 = arith.sitofp %convert_element_type3A_505 : vector<256x128xi32> to vector<256x128xf32>
      %convert_element_type3A_507 = arith.truncf %convert_element_type3A_506 : vector<256x128xf32> to vector<256x128xbf16>
      %mul3A_508 = arith.constant 256 : i32
      %mul3A_509 = arith.muli %scan3A_495, %mul3A_508 : i32
      %swap3A_510 = arith.index_cast %mul3A_509 : i32 to index
      %swap3A_511 = arith.constant 0 : index
      %swap3A_512 = vector.load %arg27[%swap3A_510, %swap3A_511] : memref<32000x128xbf16, #tpu.memory_space<vmem>>, vector<256x128xbf16>
      tpu.vector_store %arg27[%swap3A_510, %swap3A_511], %convert_element_type3A_507 {strides = array<i32>} : memref<32000x128xbf16, #tpu.memory_space<vmem>>, vector<256x128xbf16>,
      %get3A_513 = arith.constant 0 : index
      %get3A_514 = arith.index_cast %scan3A_495 : i32 to index
      %get3A_515 = arith.constant 0 : index
      %get3A_516 = vector.load %arg5[%get3A_513, %get3A_514, %get3A_515] : memref<1x125x256xi32, #tpu.memory_space<vmem>>, vector<1x1x256xi32>
      %reshape3A_517 = vector.shape_cast %get3A_516 : vector<1x1x256xi32> to vector<1x256xi32>
      %iota3A_518 = tpu.iota {dimensions = array<i32: 0>} : vector<128x256xi32>
      %eq3A_519 = vector.broadcast %reshape3A_517 : vector<1x256xi32> to vector<128x256xi32>
      %eq3A_520 = arith.cmpi eq, %iota3A_518, %eq3A_519 : vector<128x256xi32>
      %convert_element_type3A_521 = arith.extui %eq3A_520 : vector<128x256xi1> to vector<128x256xi32>
      %convert_element_type3A_522 = arith.sitofp %convert_element_type3A_521 : vector<128x256xi32> to vector<128x256xf32>
      %convert_element_type3A_523 = arith.truncf %convert_element_type3A_522 : vector<128x256xf32> to vector<128x256xbf16>
      %mul3A_524 = arith.constant 128 : i32
      %mul3A_525 = arith.muli %scan3A_495, %mul3A_524 : i32
      %swap3A_526 = arith.index_cast %mul3A_525 : i32 to index
      %swap3A_527 = arith.constant 0 : index
      %swap3A_528 = vector.load %arg28[%swap3A_526, %swap3A_527] : memref<16000x256xbf16, #tpu.memory_space<vmem>>, vector<128x256xbf16>
      tpu.vector_store %arg28[%swap3A_526, %swap3A_527], %convert_element_type3A_523 {strides = array<i32>} : memref<16000x256xbf16, #tpu.memory_space<vmem>>, vector<128x256xbf16>,
      %scan3A_529 = arith.constant 6 : i32
      %scan3A_530 = arith.addi %scan3A_321, %scan3A_529 : i32
      %get3A_531 = arith.constant 0 : index
      %get3A_532 = arith.index_cast %scan3A_530 : i32 to index
      %get3A_533 = arith.constant 0 : index
      %get3A_534 = vector.load %arg4[%get3A_531, %get3A_532, %get3A_533] : memref<1x125x256xi32, #tpu.memory_space<vmem>>, vector<1x1x256xi32>
      %reshape3A_535 = vector.shape_cast %get3A_534 : vector<1x1x256xi32> to vector<1x256xi32>
      %transpose3A_536 = tpu.transpose %reshape3A_535, [1, 0] : vector<1x256xi32> -> vector<256x1xi32>
      %iota3A_537 = tpu.iota {dimensions = array<i32: 1>} : vector<256x128xi32>
      %eq3A_538 = vector.broadcast %transpose3A_536 : vector<256x1xi32> to vector<256x128xi32>
      %eq3A_539 = arith.cmpi eq, %eq3A_538, %iota3A_537 : vector<256x128xi32>
      %convert_element_type3A_540 = arith.extui %eq3A_539 : vector<256x128xi1> to vector<256x128xi32>
      %convert_element_type3A_541 = arith.sitofp %convert_element_type3A_540 : vector<256x128xi32> to vector<256x128xf32>
      %convert_element_type3A_542 = arith.truncf %convert_element_type3A_541 : vector<256x128xf32> to vector<256x128xbf16>
      %mul3A_543 = arith.constant 256 : i32
      %mul3A_544 = arith.muli %scan3A_530, %mul3A_543 : i32
      %swap3A_545 = arith.index_cast %mul3A_544 : i32 to index
      %swap3A_546 = arith.constant 0 : index
      %swap3A_547 = vector.load %arg27[%swap3A_545, %swap3A_546] : memref<32000x128xbf16, #tpu.memory_space<vmem>>, vector<256x128xbf16>
      tpu.vector_store %arg27[%swap3A_545, %swap3A_546], %convert_element_type3A_542 {strides = array<i32>} : memref<32000x128xbf16, #tpu.memory_space<vmem>>, vector<256x128xbf16>,
      %get3A_548 = arith.constant 0 : index
      %get3A_549 = arith.index_cast %scan3A_530 : i32 to index
      %get3A_550 = arith.constant 0 : index
      %get3A_551 = vector.load %arg5[%get3A_548, %get3A_549, %get3A_550] : memref<1x125x256xi32, #tpu.memory_space<vmem>>, vector<1x1x256xi32>
      %reshape3A_552 = vector.shape_cast %get3A_551 : vector<1x1x256xi32> to vector<1x256xi32>
      %iota3A_553 = tpu.iota {dimensions = array<i32: 0>} : vector<128x256xi32>
      %eq3A_554 = vector.broadcast %reshape3A_552 : vector<1x256xi32> to vector<128x256xi32>
      %eq3A_555 = arith.cmpi eq, %iota3A_553, %eq3A_554 : vector<128x256xi32>
      %convert_element_type3A_556 = arith.extui %eq3A_555 : vector<128x256xi1> to vector<128x256xi32>
      %convert_element_type3A_557 = arith.sitofp %convert_element_type3A_556 : vector<128x256xi32> to vector<128x256xf32>
      %convert_element_type3A_558 = arith.truncf %convert_element_type3A_557 : vector<128x256xf32> to vector<128x256xbf16>
      %mul3A_559 = arith.constant 128 : i32
      %mul3A_560 = arith.muli %scan3A_530, %mul3A_559 : i32
      %swap3A_561 = arith.index_cast %mul3A_560 : i32 to index
      %swap3A_562 = arith.constant 0 : index
      %swap3A_563 = vector.load %arg28[%swap3A_561, %swap3A_562] : memref<16000x256xbf16, #tpu.memory_space<vmem>>, vector<128x256xbf16>
      tpu.vector_store %arg28[%swap3A_561, %swap3A_562], %convert_element_type3A_558 {strides = array<i32>} : memref<16000x256xbf16, #tpu.memory_space<vmem>>, vector<128x256xbf16>,
      %scan3A_564 = arith.constant 7 : i32
      %scan3A_565 = arith.addi %scan3A_321, %scan3A_564 : i32
      %get3A_566 = arith.constant 0 : index
      %get3A_567 = arith.index_cast %scan3A_565 : i32 to index
      %get3A_568 = arith.constant 0 : index
      %get3A_569 = vector.load %arg4[%get3A_566, %get3A_567, %get3A_568] : memref<1x125x256xi32, #tpu.memory_space<vmem>>, vector<1x1x256xi32>
      %reshape3A_570 = vector.shape_cast %get3A_569 : vector<1x1x256xi32> to vector<1x256xi32>
      %transpose3A_571 = tpu.transpose %reshape3A_570, [1, 0] : vector<1x256xi32> -> vector<256x1xi32>
      %iota3A_572 = tpu.iota {dimensions = array<i32: 1>} : vector<256x128xi32>
      %eq3A_573 = vector.broadcast %transpose3A_571 : vector<256x1xi32> to vector<256x128xi32>
      %eq3A_574 = arith.cmpi eq, %eq3A_573, %iota3A_572 : vector<256x128xi32>
      %convert_element_type3A_575 = arith.extui %eq3A_574 : vector<256x128xi1> to vector<256x128xi32>
      %convert_element_type3A_576 = arith.sitofp %convert_element_type3A_575 : vector<256x128xi32> to vector<256x128xf32>
      %convert_element_type3A_577 = arith.truncf %convert_element_type3A_576 : vector<256x128xf32> to vector<256x128xbf16>
      %mul3A_578 = arith.constant 256 : i32
      %mul3A_579 = arith.muli %scan3A_565, %mul3A_578 : i32
      %swap3A_580 = arith.index_cast %mul3A_579 : i32 to index
      %swap3A_581 = arith.constant 0 : index
      %swap3A_582 = vector.load %arg27[%swap3A_580, %swap3A_581] : memref<32000x128xbf16, #tpu.memory_space<vmem>>, vector<256x128xbf16>
      tpu.vector_store %arg27[%swap3A_580, %swap3A_581], %convert_element_type3A_577 {strides = array<i32>} : memref<32000x128xbf16, #tpu.memory_space<vmem>>, vector<256x128xbf16>,
      %get3A_583 = arith.constant 0 : index
      %get3A_584 = arith.index_cast %scan3A_565 : i32 to index
      %get3A_585 = arith.constant 0 : index
      %get3A_586 = vector.load %arg5[%get3A_583, %get3A_584, %get3A_585] : memref<1x125x256xi32, #tpu.memory_space<vmem>>, vector<1x1x256xi32>
      %reshape3A_587 = vector.shape_cast %get3A_586 : vector<1x1x256xi32> to vector<1x256xi32>
      %iota3A_588 = tpu.iota {dimensions = array<i32: 0>} : vector<128x256xi32>
      %eq3A_589 = vector.broadcast %reshape3A_587 : vector<1x256xi32> to vector<128x256xi32>
      %eq3A_590 = arith.cmpi eq, %iota3A_588, %eq3A_589 : vector<128x256xi32>
      %convert_element_type3A_591 = arith.extui %eq3A_590 : vector<128x256xi1> to vector<128x256xi32>
      %convert_element_type3A_592 = arith.sitofp %convert_element_type3A_591 : vector<128x256xi32> to vector<128x256xf32>
      %convert_element_type3A_593 = arith.truncf %convert_element_type3A_592 : vector<128x256xf32> to vector<128x256xbf16>
      %mul3A_594 = arith.constant 128 : i32
      %mul3A_595 = arith.muli %scan3A_565, %mul3A_594 : i32
      %swap3A_596 = arith.index_cast %mul3A_595 : i32 to index
      %swap3A_597 = arith.constant 0 : index
      %swap3A_598 = vector.load %arg28[%swap3A_596, %swap3A_597] : memref<16000x256xbf16, #tpu.memory_space<vmem>>, vector<128x256xbf16>
      tpu.vector_store %arg28[%swap3A_596, %swap3A_597], %convert_element_type3A_593 {strides = array<i32>} : memref<16000x256xbf16, #tpu.memory_space<vmem>>, vector<128x256xbf16>,
      %scan3A_599 = arith.constant 8 : i32
      %scan3A_600 = arith.addi %scan3A_321, %scan3A_599 : i32
      %get3A_601 = arith.constant 0 : index
      %get3A_602 = arith.index_cast %scan3A_600 : i32 to index
      %get3A_603 = arith.constant 0 : index
      %get3A_604 = vector.load %arg4[%get3A_601, %get3A_602, %get3A_603] : memref<1x125x256xi32, #tpu.memory_space<vmem>>, vector<1x1x256xi32>
      %reshape3A_605 = vector.shape_cast %get3A_604 : vector<1x1x256xi32> to vector<1x256xi32>
      %transpose3A_606 = tpu.transpose %reshape3A_605, [1, 0] : vector<1x256xi32> -> vector<256x1xi32>
      %iota3A_607 = tpu.iota {dimensions = array<i32: 1>} : vector<256x128xi32>
      %eq3A_608 = vector.broadcast %transpose3A_606 : vector<256x1xi32> to vector<256x128xi32>
      %eq3A_609 = arith.cmpi eq, %eq3A_608, %iota3A_607 : vector<256x128xi32>
      %convert_element_type3A_610 = arith.extui %eq3A_609 : vector<256x128xi1> to vector<256x128xi32>
      %convert_element_type3A_611 = arith.sitofp %convert_element_type3A_610 : vector<256x128xi32> to vector<256x128xf32>
      %convert_element_type3A_612 = arith.truncf %convert_element_type3A_611 : vector<256x128xf32> to vector<256x128xbf16>
      %mul3A_613 = arith.constant 256 : i32
      %mul3A_614 = arith.muli %scan3A_600, %mul3A_613 : i32
      %swap3A_615 = arith.index_cast %mul3A_614 : i32 to index
      %swap3A_616 = arith.constant 0 : index
      %swap3A_617 = vector.load %arg27[%swap3A_615, %swap3A_616] : memref<32000x128xbf16, #tpu.memory_space<vmem>>, vector<256x128xbf16>
      tpu.vector_store %arg27[%swap3A_615, %swap3A_616], %convert_element_type3A_612 {strides = array<i32>} : memref<32000x128xbf16, #tpu.memory_space<vmem>>, vector<256x128xbf16>,
      %get3A_618 = arith.constant 0 : index
      %get3A_619 = arith.index_cast %scan3A_600 : i32 to index
      %get3A_620 = arith.constant 0 : index
      %get3A_621 = vector.load %arg5[%get3A_618, %get3A_619, %get3A_620] : memref<1x125x256xi32, #tpu.memory_space<vmem>>, vector<1x1x256xi32>
      %reshape3A_622 = vector.shape_cast %get3A_621 : vector<1x1x256xi32> to vector<1x256xi32>
      %iota3A_623 = tpu.iota {dimensions = array<i32: 0>} : vector<128x256xi32>
      %eq3A_624 = vector.broadcast %reshape3A_622 : vector<1x256xi32> to vector<128x256xi32>
      %eq3A_625 = arith.cmpi eq, %iota3A_623, %eq3A_624 : vector<128x256xi32>
      %convert_element_type3A_626 = arith.extui %eq3A_625 : vector<128x256xi1> to vector<128x256xi32>
      %convert_element_type3A_627 = arith.sitofp %convert_element_type3A_626 : vector<128x256xi32> to vector<128x256xf32>
      %convert_element_type3A_628 = arith.truncf %convert_element_type3A_627 : vector<128x256xf32> to vector<128x256xbf16>
      %mul3A_629 = arith.constant 128 : i32
      %mul3A_630 = arith.muli %scan3A_600, %mul3A_629 : i32
      %swap3A_631 = arith.index_cast %mul3A_630 : i32 to index
      %swap3A_632 = arith.constant 0 : index
      %swap3A_633 = vector.load %arg28[%swap3A_631, %swap3A_632] : memref<16000x256xbf16, #tpu.memory_space<vmem>>, vector<128x256xbf16>
      tpu.vector_store %arg28[%swap3A_631, %swap3A_632], %convert_element_type3A_628 {strides = array<i32>} : memref<16000x256xbf16, #tpu.memory_space<vmem>>, vector<128x256xbf16>,
      %scan3A_634 = arith.constant 9 : i32
      %scan3A_635 = arith.addi %scan3A_321, %scan3A_634 : i32
      %get3A_636 = arith.constant 0 : index
      %get3A_637 = arith.index_cast %scan3A_635 : i32 to index
      %get3A_638 = arith.constant 0 : index
      %get3A_639 = vector.load %arg4[%get3A_636, %get3A_637, %get3A_638] : memref<1x125x256xi32, #tpu.memory_space<vmem>>, vector<1x1x256xi32>
      %reshape3A_640 = vector.shape_cast %get3A_639 : vector<1x1x256xi32> to vector<1x256xi32>
      %transpose3A_641 = tpu.transpose %reshape3A_640, [1, 0] : vector<1x256xi32> -> vector<256x1xi32>
      %iota3A_642 = tpu.iota {dimensions = array<i32: 1>} : vector<256x128xi32>
      %eq3A_643 = vector.broadcast %transpose3A_641 : vector<256x1xi32> to vector<256x128xi32>
      %eq3A_644 = arith.cmpi eq, %eq3A_643, %iota3A_642 : vector<256x128xi32>
      %convert_element_type3A_645 = arith.extui %eq3A_644 : vector<256x128xi1> to vector<256x128xi32>
      %convert_element_type3A_646 = arith.sitofp %convert_element_type3A_645 : vector<256x128xi32> to vector<256x128xf32>
      %convert_element_type3A_647 = arith.truncf %convert_element_type3A_646 : vector<256x128xf32> to vector<256x128xbf16>
      %mul3A_648 = arith.constant 256 : i32
      %mul3A_649 = arith.muli %scan3A_635, %mul3A_648 : i32
      %swap3A_650 = arith.index_cast %mul3A_649 : i32 to index
      %swap3A_651 = arith.constant 0 : index
      %swap3A_652 = vector.load %arg27[%swap3A_650, %swap3A_651] : memref<32000x128xbf16, #tpu.memory_space<vmem>>, vector<256x128xbf16>
      tpu.vector_store %arg27[%swap3A_650, %swap3A_651], %convert_element_type3A_647 {strides = array<i32>} : memref<32000x128xbf16, #tpu.memory_space<vmem>>, vector<256x128xbf16>,
      %get3A_653 = arith.constant 0 : index
      %get3A_654 = arith.index_cast %scan3A_635 : i32 to index
      %get3A_655 = arith.constant 0 : index
      %get3A_656 = vector.load %arg5[%get3A_653, %get3A_654, %get3A_655] : memref<1x125x256xi32, #tpu.memory_space<vmem>>, vector<1x1x256xi32>
      %reshape3A_657 = vector.shape_cast %get3A_656 : vector<1x1x256xi32> to vector<1x256xi32>
      %iota3A_658 = tpu.iota {dimensions = array<i32: 0>} : vector<128x256xi32>
      %eq3A_659 = vector.broadcast %reshape3A_657 : vector<1x256xi32> to vector<128x256xi32>
      %eq3A_660 = arith.cmpi eq, %iota3A_658, %eq3A_659 : vector<128x256xi32>
      %convert_element_type3A_661 = arith.extui %eq3A_660 : vector<128x256xi1> to vector<128x256xi32>
      %convert_element_type3A_662 = arith.sitofp %convert_element_type3A_661 : vector<128x256xi32> to vector<128x256xf32>
      %convert_element_type3A_663 = arith.truncf %convert_element_type3A_662 : vector<128x256xf32> to vector<128x256xbf16>
      %mul3A_664 = arith.constant 128 : i32
      %mul3A_665 = arith.muli %scan3A_635, %mul3A_664 : i32
      %swap3A_666 = arith.index_cast %mul3A_665 : i32 to index
      %swap3A_667 = arith.constant 0 : index
      %swap3A_668 = vector.load %arg28[%swap3A_666, %swap3A_667] : memref<16000x256xbf16, #tpu.memory_space<vmem>>, vector<128x256xbf16>
      tpu.vector_store %arg28[%swap3A_666, %swap3A_667], %convert_element_type3A_663 {strides = array<i32>} : memref<16000x256xbf16, #tpu.memory_space<vmem>>, vector<128x256xbf16>,
      %scan3A_669 = arith.constant 10 : i32
      %scan3A_670 = arith.addi %scan3A_321, %scan3A_669 : i32
      %get3A_671 = arith.constant 0 : index
      %get3A_672 = arith.index_cast %scan3A_670 : i32 to index
      %get3A_673 = arith.constant 0 : index
      %get3A_674 = vector.load %arg4[%get3A_671, %get3A_672, %get3A_673] : memref<1x125x256xi32, #tpu.memory_space<vmem>>, vector<1x1x256xi32>
      %reshape3A_675 = vector.shape_cast %get3A_674 : vector<1x1x256xi32> to vector<1x256xi32>
      %transpose3A_676 = tpu.transpose %reshape3A_675, [1, 0] : vector<1x256xi32> -> vector<256x1xi32>
      %iota3A_677 = tpu.iota {dimensions = array<i32: 1>} : vector<256x128xi32>
      %eq3A_678 = vector.broadcast %transpose3A_676 : vector<256x1xi32> to vector<256x128xi32>
      %eq3A_679 = arith.cmpi eq, %eq3A_678, %iota3A_677 : vector<256x128xi32>
      %convert_element_type3A_680 = arith.extui %eq3A_679 : vector<256x128xi1> to vector<256x128xi32>
      %convert_element_type3A_681 = arith.sitofp %convert_element_type3A_680 : vector<256x128xi32> to vector<256x128xf32>
      %convert_element_type3A_682 = arith.truncf %convert_element_type3A_681 : vector<256x128xf32> to vector<256x128xbf16>
      %mul3A_683 = arith.constant 256 : i32
      %mul3A_684 = arith.muli %scan3A_670, %mul3A_683 : i32
      %swap3A_685 = arith.index_cast %mul3A_684 : i32 to index
      %swap3A_686 = arith.constant 0 : index
      %swap3A_687 = vector.load %arg27[%swap3A_685, %swap3A_686] : memref<32000x128xbf16, #tpu.memory_space<vmem>>, vector<256x128xbf16>
      tpu.vector_store %arg27[%swap3A_685, %swap3A_686], %convert_element_type3A_682 {strides = array<i32>} : memref<32000x128xbf16, #tpu.memory_space<vmem>>, vector<256x128xbf16>,
      %get3A_688 = arith.constant 0 : index
      %get3A_689 = arith.index_cast %scan3A_670 : i32 to index
      %get3A_690 = arith.constant 0 : index
      %get3A_691 = vector.load %arg5[%get3A_688, %get3A_689, %get3A_690] : memref<1x125x256xi32, #tpu.memory_space<vmem>>, vector<1x1x256xi32>
      %reshape3A_692 = vector.shape_cast %get3A_691 : vector<1x1x256xi32> to vector<1x256xi32>
      %iota3A_693 = tpu.iota {dimensions = array<i32: 0>} : vector<128x256xi32>
      %eq3A_694 = vector.broadcast %reshape3A_692 : vector<1x256xi32> to vector<128x256xi32>
      %eq3A_695 = arith.cmpi eq, %iota3A_693, %eq3A_694 : vector<128x256xi32>
      %convert_element_type3A_696 = arith.extui %eq3A_695 : vector<128x256xi1> to vector<128x256xi32>
      %convert_element_type3A_697 = arith.sitofp %convert_element_type3A_696 : vector<128x256xi32> to vector<128x256xf32>
      %convert_element_type3A_698 = arith.truncf %convert_element_type3A_697 : vector<128x256xf32> to vector<128x256xbf16>
      %mul3A_699 = arith.constant 128 : i32
      %mul3A_700 = arith.muli %scan3A_670, %mul3A_699 : i32
      %swap3A_701 = arith.index_cast %mul3A_700 : i32 to index
      %swap3A_702 = arith.constant 0 : index
      %swap3A_703 = vector.load %arg28[%swap3A_701, %swap3A_702] : memref<16000x256xbf16, #tpu.memory_space<vmem>>, vector<128x256xbf16>
      tpu.vector_store %arg28[%swap3A_701, %swap3A_702], %convert_element_type3A_698 {strides = array<i32>} : memref<16000x256xbf16, #tpu.memory_space<vmem>>, vector<128x256xbf16>,
      %scan3A_704 = arith.constant 11 : i32
      %scan3A_705 = arith.addi %scan3A_321, %scan3A_704 : i32
      %get3A_706 = arith.constant 0 : index
      %get3A_707 = arith.index_cast %scan3A_705 : i32 to index
      %get3A_708 = arith.constant 0 : index
      %get3A_709 = vector.load %arg4[%get3A_706, %get3A_707, %get3A_708] : memref<1x125x256xi32, #tpu.memory_space<vmem>>, vector<1x1x256xi32>
      %reshape3A_710 = vector.shape_cast %get3A_709 : vector<1x1x256xi32> to vector<1x256xi32>
      %transpose3A_711 = tpu.transpose %reshape3A_710, [1, 0] : vector<1x256xi32> -> vector<256x1xi32>
      %iota3A_712 = tpu.iota {dimensions = array<i32: 1>} : vector<256x128xi32>
      %eq3A_713 = vector.broadcast %transpose3A_711 : vector<256x1xi32> to vector<256x128xi32>
      %eq3A_714 = arith.cmpi eq, %eq3A_713, %iota3A_712 : vector<256x128xi32>
      %convert_element_type3A_715 = arith.extui %eq3A_714 : vector<256x128xi1> to vector<256x128xi32>
      %convert_element_type3A_716 = arith.sitofp %convert_element_type3A_715 : vector<256x128xi32> to vector<256x128xf32>
      %convert_element_type3A_717 = arith.truncf %convert_element_type3A_716 : vector<256x128xf32> to vector<256x128xbf16>
      %mul3A_718 = arith.constant 256 : i32
      %mul3A_719 = arith.muli %scan3A_705, %mul3A_718 : i32
      %swap3A_720 = arith.index_cast %mul3A_719 : i32 to index
      %swap3A_721 = arith.constant 0 : index
      %swap3A_722 = vector.load %arg27[%swap3A_720, %swap3A_721] : memref<32000x128xbf16, #tpu.memory_space<vmem>>, vector<256x128xbf16>
      tpu.vector_store %arg27[%swap3A_720, %swap3A_721], %convert_element_type3A_717 {strides = array<i32>} : memref<32000x128xbf16, #tpu.memory_space<vmem>>, vector<256x128xbf16>,
      %get3A_723 = arith.constant 0 : index
      %get3A_724 = arith.index_cast %scan3A_705 : i32 to index
      %get3A_725 = arith.constant 0 : index
      %get3A_726 = vector.load %arg5[%get3A_723, %get3A_724, %get3A_725] : memref<1x125x256xi32, #tpu.memory_space<vmem>>, vector<1x1x256xi32>
      %reshape3A_727 = vector.shape_cast %get3A_726 : vector<1x1x256xi32> to vector<1x256xi32>
      %iota3A_728 = tpu.iota {dimensions = array<i32: 0>} : vector<128x256xi32>
      %eq3A_729 = vector.broadcast %reshape3A_727 : vector<1x256xi32> to vector<128x256xi32>
      %eq3A_730 = arith.cmpi eq, %iota3A_728, %eq3A_729 : vector<128x256xi32>
      %convert_element_type3A_731 = arith.extui %eq3A_730 : vector<128x256xi1> to vector<128x256xi32>
      %convert_element_type3A_732 = arith.sitofp %convert_element_type3A_731 : vector<128x256xi32> to vector<128x256xf32>
      %convert_element_type3A_733 = arith.truncf %convert_element_type3A_732 : vector<128x256xf32> to vector<128x256xbf16>
      %mul3A_734 = arith.constant 128 : i32
      %mul3A_735 = arith.muli %scan3A_705, %mul3A_734 : i32
      %swap3A_736 = arith.index_cast %mul3A_735 : i32 to index
      %swap3A_737 = arith.constant 0 : index
      %swap3A_738 = vector.load %arg28[%swap3A_736, %swap3A_737] : memref<16000x256xbf16, #tpu.memory_space<vmem>>, vector<128x256xbf16>
      tpu.vector_store %arg28[%swap3A_736, %swap3A_737], %convert_element_type3A_733 {strides = array<i32>} : memref<16000x256xbf16, #tpu.memory_space<vmem>>, vector<128x256xbf16>,
      %scan3A_739 = arith.constant 12 : i32
      %scan3A_740 = arith.addi %scan3A_321, %scan3A_739 : i32
      %get3A_741 = arith.constant 0 : index
      %get3A_742 = arith.index_cast %scan3A_740 : i32 to index
      %get3A_743 = arith.constant 0 : index
      %get3A_744 = vector.load %arg4[%get3A_741, %get3A_742, %get3A_743] : memref<1x125x256xi32, #tpu.memory_space<vmem>>, vector<1x1x256xi32>
      %reshape3A_745 = vector.shape_cast %get3A_744 : vector<1x1x256xi32> to vector<1x256xi32>
      %transpose3A_746 = tpu.transpose %reshape3A_745, [1, 0] : vector<1x256xi32> -> vector<256x1xi32>
      %iota3A_747 = tpu.iota {dimensions = array<i32: 1>} : vector<256x128xi32>
      %eq3A_748 = vector.broadcast %transpose3A_746 : vector<256x1xi32> to vector<256x128xi32>
      %eq3A_749 = arith.cmpi eq, %eq3A_748, %iota3A_747 : vector<256x128xi32>
      %convert_element_type3A_750 = arith.extui %eq3A_749 : vector<256x128xi1> to vector<256x128xi32>
      %convert_element_type3A_751 = arith.sitofp %convert_element_type3A_750 : vector<256x128xi32> to vector<256x128xf32>
      %convert_element_type3A_752 = arith.truncf %convert_element_type3A_751 : vector<256x128xf32> to vector<256x128xbf16>
      %mul3A_753 = arith.constant 256 : i32
      %mul3A_754 = arith.muli %scan3A_740, %mul3A_753 : i32
      %swap3A_755 = arith.index_cast %mul3A_754 : i32 to index
      %swap3A_756 = arith.constant 0 : index
      %swap3A_757 = vector.load %arg27[%swap3A_755, %swap3A_756] : memref<32000x128xbf16, #tpu.memory_space<vmem>>, vector<256x128xbf16>
      tpu.vector_store %arg27[%swap3A_755, %swap3A_756], %convert_element_type3A_752 {strides = array<i32>} : memref<32000x128xbf16, #tpu.memory_space<vmem>>, vector<256x128xbf16>,
      %get3A_758 = arith.constant 0 : index
      %get3A_759 = arith.index_cast %scan3A_740 : i32 to index
      %get3A_760 = arith.constant 0 : index
      %get3A_761 = vector.load %arg5[%get3A_758, %get3A_759, %get3A_760] : memref<1x125x256xi32, #tpu.memory_space<vmem>>, vector<1x1x256xi32>
      %reshape3A_762 = vector.shape_cast %get3A_761 : vector<1x1x256xi32> to vector<1x256xi32>
      %iota3A_763 = tpu.iota {dimensions = array<i32: 0>} : vector<128x256xi32>
      %eq3A_764 = vector.broadcast %reshape3A_762 : vector<1x256xi32> to vector<128x256xi32>
      %eq3A_765 = arith.cmpi eq, %iota3A_763, %eq3A_764 : vector<128x256xi32>
      %convert_element_type3A_766 = arith.extui %eq3A_765 : vector<128x256xi1> to vector<128x256xi32>
      %convert_element_type3A_767 = arith.sitofp %convert_element_type3A_766 : vector<128x256xi32> to vector<128x256xf32>
      %convert_element_type3A_768 = arith.truncf %convert_element_type3A_767 : vector<128x256xf32> to vector<128x256xbf16>
      %mul3A_769 = arith.constant 128 : i32
      %mul3A_770 = arith.muli %scan3A_740, %mul3A_769 : i32
      %swap3A_771 = arith.index_cast %mul3A_770 : i32 to index
      %swap3A_772 = arith.constant 0 : index
      %swap3A_773 = vector.load %arg28[%swap3A_771, %swap3A_772] : memref<16000x256xbf16, #tpu.memory_space<vmem>>, vector<128x256xbf16>
      tpu.vector_store %arg28[%swap3A_771, %swap3A_772], %convert_element_type3A_768 {strides = array<i32>} : memref<16000x256xbf16, #tpu.memory_space<vmem>>, vector<128x256xbf16>,
      %scan3A_774 = arith.constant 13 : i32
      %scan3A_775 = arith.addi %scan3A_321, %scan3A_774 : i32
      %get3A_776 = arith.constant 0 : index
      %get3A_777 = arith.index_cast %scan3A_775 : i32 to index
      %get3A_778 = arith.constant 0 : index
      %get3A_779 = vector.load %arg4[%get3A_776, %get3A_777, %get3A_778] : memref<1x125x256xi32, #tpu.memory_space<vmem>>, vector<1x1x256xi32>
      %reshape3A_780 = vector.shape_cast %get3A_779 : vector<1x1x256xi32> to vector<1x256xi32>
      %transpose3A_781 = tpu.transpose %reshape3A_780, [1, 0] : vector<1x256xi32> -> vector<256x1xi32>
      %iota3A_782 = tpu.iota {dimensions = array<i32: 1>} : vector<256x128xi32>
      %eq3A_783 = vector.broadcast %transpose3A_781 : vector<256x1xi32> to vector<256x128xi32>
      %eq3A_784 = arith.cmpi eq, %eq3A_783, %iota3A_782 : vector<256x128xi32>
      %convert_element_type3A_785 = arith.extui %eq3A_784 : vector<256x128xi1> to vector<256x128xi32>
      %convert_element_type3A_786 = arith.sitofp %convert_element_type3A_785 : vector<256x128xi32> to vector<256x128xf32>
      %convert_element_type3A_787 = arith.truncf %convert_element_type3A_786 : vector<256x128xf32> to vector<256x128xbf16>
      %mul3A_788 = arith.constant 256 : i32
      %mul3A_789 = arith.muli %scan3A_775, %mul3A_788 : i32
      %swap3A_790 = arith.index_cast %mul3A_789 : i32 to index
      %swap3A_791 = arith.constant 0 : index
      %swap3A_792 = vector.load %arg27[%swap3A_790, %swap3A_791] : memref<32000x128xbf16, #tpu.memory_space<vmem>>, vector<256x128xbf16>
      tpu.vector_store %arg27[%swap3A_790, %swap3A_791], %convert_element_type3A_787 {strides = array<i32>} : memref<32000x128xbf16, #tpu.memory_space<vmem>>, vector<256x128xbf16>,
      %get3A_793 = arith.constant 0 : index
      %get3A_794 = arith.index_cast %scan3A_775 : i32 to index
      %get3A_795 = arith.constant 0 : index
      %get3A_796 = vector.load %arg5[%get3A_793, %get3A_794, %get3A_795] : memref<1x125x256xi32, #tpu.memory_space<vmem>>, vector<1x1x256xi32>
      %reshape3A_797 = vector.shape_cast %get3A_796 : vector<1x1x256xi32> to vector<1x256xi32>
      %iota3A_798 = tpu.iota {dimensions = array<i32: 0>} : vector<128x256xi32>
      %eq3A_799 = vector.broadcast %reshape3A_797 : vector<1x256xi32> to vector<128x256xi32>
      %eq3A_800 = arith.cmpi eq, %iota3A_798, %eq3A_799 : vector<128x256xi32>
      %convert_element_type3A_801 = arith.extui %eq3A_800 : vector<128x256xi1> to vector<128x256xi32>
      %convert_element_type3A_802 = arith.sitofp %convert_element_type3A_801 : vector<128x256xi32> to vector<128x256xf32>
      %convert_element_type3A_803 = arith.truncf %convert_element_type3A_802 : vector<128x256xf32> to vector<128x256xbf16>
      %mul3A_804 = arith.constant 128 : i32
      %mul3A_805 = arith.muli %scan3A_775, %mul3A_804 : i32
      %swap3A_806 = arith.index_cast %mul3A_805 : i32 to index
      %swap3A_807 = arith.constant 0 : index
      %swap3A_808 = vector.load %arg28[%swap3A_806, %swap3A_807] : memref<16000x256xbf16, #tpu.memory_space<vmem>>, vector<128x256xbf16>
      tpu.vector_store %arg28[%swap3A_806, %swap3A_807], %convert_element_type3A_803 {strides = array<i32>} : memref<16000x256xbf16, #tpu.memory_space<vmem>>, vector<128x256xbf16>,
      %scan3A_809 = arith.constant 14 : i32
      %scan3A_810 = arith.addi %scan3A_321, %scan3A_809 : i32
      %get3A_811 = arith.constant 0 : index
      %get3A_812 = arith.index_cast %scan3A_810 : i32 to index
      %get3A_813 = arith.constant 0 : index
      %get3A_814 = vector.load %arg4[%get3A_811, %get3A_812, %get3A_813] : memref<1x125x256xi32, #tpu.memory_space<vmem>>, vector<1x1x256xi32>
      %reshape3A_815 = vector.shape_cast %get3A_814 : vector<1x1x256xi32> to vector<1x256xi32>
      %transpose3A_816 = tpu.transpose %reshape3A_815, [1, 0] : vector<1x256xi32> -> vector<256x1xi32>
      %iota3A_817 = tpu.iota {dimensions = array<i32: 1>} : vector<256x128xi32>
      %eq3A_818 = vector.broadcast %transpose3A_816 : vector<256x1xi32> to vector<256x128xi32>
      %eq3A_819 = arith.cmpi eq, %eq3A_818, %iota3A_817 : vector<256x128xi32>
      %convert_element_type3A_820 = arith.extui %eq3A_819 : vector<256x128xi1> to vector<256x128xi32>
      %convert_element_type3A_821 = arith.sitofp %convert_element_type3A_820 : vector<256x128xi32> to vector<256x128xf32>
      %convert_element_type3A_822 = arith.truncf %convert_element_type3A_821 : vector<256x128xf32> to vector<256x128xbf16>
      %mul3A_823 = arith.constant 256 : i32
      %mul3A_824 = arith.muli %scan3A_810, %mul3A_823 : i32
      %swap3A_825 = arith.index_cast %mul3A_824 : i32 to index
      %swap3A_826 = arith.constant 0 : index
      %swap3A_827 = vector.load %arg27[%swap3A_825, %swap3A_826] : memref<32000x128xbf16, #tpu.memory_space<vmem>>, vector<256x128xbf16>
      tpu.vector_store %arg27[%swap3A_825, %swap3A_826], %convert_element_type3A_822 {strides = array<i32>} : memref<32000x128xbf16, #tpu.memory_space<vmem>>, vector<256x128xbf16>,
      %get3A_828 = arith.constant 0 : index
      %get3A_829 = arith.index_cast %scan3A_810 : i32 to index
      %get3A_830 = arith.constant 0 : index
      %get3A_831 = vector.load %arg5[%get3A_828, %get3A_829, %get3A_830] : memref<1x125x256xi32, #tpu.memory_space<vmem>>, vector<1x1x256xi32>
      %reshape3A_832 = vector.shape_cast %get3A_831 : vector<1x1x256xi32> to vector<1x256xi32>
      %iota3A_833 = tpu.iota {dimensions = array<i32: 0>} : vector<128x256xi32>
      %eq3A_834 = vector.broadcast %reshape3A_832 : vector<1x256xi32> to vector<128x256xi32>
      %eq3A_835 = arith.cmpi eq, %iota3A_833, %eq3A_834 : vector<128x256xi32>
      %convert_element_type3A_836 = arith.extui %eq3A_835 : vector<128x256xi1> to vector<128x256xi32>
      %convert_element_type3A_837 = arith.sitofp %convert_element_type3A_836 : vector<128x256xi32> to vector<128x256xf32>
      %convert_element_type3A_838 = arith.truncf %convert_element_type3A_837 : vector<128x256xf32> to vector<128x256xbf16>
      %mul3A_839 = arith.constant 128 : i32
      %mul3A_840 = arith.muli %scan3A_810, %mul3A_839 : i32
      %swap3A_841 = arith.index_cast %mul3A_840 : i32 to index
      %swap3A_842 = arith.constant 0 : index
      %swap3A_843 = vector.load %arg28[%swap3A_841, %swap3A_842] : memref<16000x256xbf16, #tpu.memory_space<vmem>>, vector<128x256xbf16>
      tpu.vector_store %arg28[%swap3A_841, %swap3A_842], %convert_element_type3A_838 {strides = array<i32>} : memref<16000x256xbf16, #tpu.memory_space<vmem>>, vector<128x256xbf16>,
      %scan3A_844 = arith.constant 15 : i32
      %scan3A_845 = arith.addi %scan3A_321, %scan3A_844 : i32
      %get3A_846 = arith.constant 0 : index
      %get3A_847 = arith.index_cast %scan3A_845 : i32 to index
      %get3A_848 = arith.constant 0 : index
      %get3A_849 = vector.load %arg4[%get3A_846, %get3A_847, %get3A_848] : memref<1x125x256xi32, #tpu.memory_space<vmem>>, vector<1x1x256xi32>
      %reshape3A_850 = vector.shape_cast %get3A_849 : vector<1x1x256xi32> to vector<1x256xi32>
      %transpose3A_851 = tpu.transpose %reshape3A_850, [1, 0] : vector<1x256xi32> -> vector<256x1xi32>
      %iota3A_852 = tpu.iota {dimensions = array<i32: 1>} : vector<256x128xi32>
      %eq3A_853 = vector.broadcast %transpose3A_851 : vector<256x1xi32> to vector<256x128xi32>
      %eq3A_854 = arith.cmpi eq, %eq3A_853, %iota3A_852 : vector<256x128xi32>
      %convert_element_type3A_855 = arith.extui %eq3A_854 : vector<256x128xi1> to vector<256x128xi32>
      %convert_element_type3A_856 = arith.sitofp %convert_element_type3A_855 : vector<256x128xi32> to vector<256x128xf32>
      %convert_element_type3A_857 = arith.truncf %convert_element_type3A_856 : vector<256x128xf32> to vector<256x128xbf16>
      %mul3A_858 = arith.constant 256 : i32
      %mul3A_859 = arith.muli %scan3A_845, %mul3A_858 : i32
      %swap3A_860 = arith.index_cast %mul3A_859 : i32 to index
      %swap3A_861 = arith.constant 0 : index
      %swap3A_862 = vector.load %arg27[%swap3A_860, %swap3A_861] : memref<32000x128xbf16, #tpu.memory_space<vmem>>, vector<256x128xbf16>
      tpu.vector_store %arg27[%swap3A_860, %swap3A_861], %convert_element_type3A_857 {strides = array<i32>} : memref<32000x128xbf16, #tpu.memory_space<vmem>>, vector<256x128xbf16>,
      %get3A_863 = arith.constant 0 : index
      %get3A_864 = arith.index_cast %scan3A_845 : i32 to index
      %get3A_865 = arith.constant 0 : index
      %get3A_866 = vector.load %arg5[%get3A_863, %get3A_864, %get3A_865] : memref<1x125x256xi32, #tpu.memory_space<vmem>>, vector<1x1x256xi32>
      %reshape3A_867 = vector.shape_cast %get3A_866 : vector<1x1x256xi32> to vector<1x256xi32>
      %iota3A_868 = tpu.iota {dimensions = array<i32: 0>} : vector<128x256xi32>
      %eq3A_869 = vector.broadcast %reshape3A_867 : vector<1x256xi32> to vector<128x256xi32>
      %eq3A_870 = arith.cmpi eq, %iota3A_868, %eq3A_869 : vector<128x256xi32>
      %convert_element_type3A_871 = arith.extui %eq3A_870 : vector<128x256xi1> to vector<128x256xi32>
      %convert_element_type3A_872 = arith.sitofp %convert_element_type3A_871 : vector<128x256xi32> to vector<128x256xf32>
      %convert_element_type3A_873 = arith.truncf %convert_element_type3A_872 : vector<128x256xf32> to vector<128x256xbf16>
      %mul3A_874 = arith.constant 128 : i32
      %mul3A_875 = arith.muli %scan3A_845, %mul3A_874 : i32
      %swap3A_876 = arith.index_cast %mul3A_875 : i32 to index
      %swap3A_877 = arith.constant 0 : index
      %swap3A_878 = vector.load %arg28[%swap3A_876, %swap3A_877] : memref<16000x256xbf16, #tpu.memory_space<vmem>>, vector<128x256xbf16>
      tpu.vector_store %arg28[%swap3A_876, %swap3A_877], %convert_element_type3A_873 {strides = array<i32>} : memref<16000x256xbf16, #tpu.memory_space<vmem>>, vector<128x256xbf16>,
      %scan3A_879 = arith.constant 16 : i32
      %scan3A_880 = arith.addi %scan3A_321, %scan3A_879 : i32
      %get3A_881 = arith.constant 0 : index
      %get3A_882 = arith.index_cast %scan3A_880 : i32 to index
      %get3A_883 = arith.constant 0 : index
      %get3A_884 = vector.load %arg4[%get3A_881, %get3A_882, %get3A_883] : memref<1x125x256xi32, #tpu.memory_space<vmem>>, vector<1x1x256xi32>
      %reshape3A_885 = vector.shape_cast %get3A_884 : vector<1x1x256xi32> to vector<1x256xi32>
      %transpose3A_886 = tpu.transpose %reshape3A_885, [1, 0] : vector<1x256xi32> -> vector<256x1xi32>
      %iota3A_887 = tpu.iota {dimensions = array<i32: 1>} : vector<256x128xi32>
      %eq3A_888 = vector.broadcast %transpose3A_886 : vector<256x1xi32> to vector<256x128xi32>
      %eq3A_889 = arith.cmpi eq, %eq3A_888, %iota3A_887 : vector<256x128xi32>
      %convert_element_type3A_890 = arith.extui %eq3A_889 : vector<256x128xi1> to vector<256x128xi32>
      %convert_element_type3A_891 = arith.sitofp %convert_element_type3A_890 : vector<256x128xi32> to vector<256x128xf32>
      %convert_element_type3A_892 = arith.truncf %convert_element_type3A_891 : vector<256x128xf32> to vector<256x128xbf16>
      %mul3A_893 = arith.constant 256 : i32
      %mul3A_894 = arith.muli %scan3A_880, %mul3A_893 : i32
      %swap3A_895 = arith.index_cast %mul3A_894 : i32 to index
      %swap3A_896 = arith.constant 0 : index
      %swap3A_897 = vector.load %arg27[%swap3A_895, %swap3A_896] : memref<32000x128xbf16, #tpu.memory_space<vmem>>, vector<256x128xbf16>
      tpu.vector_store %arg27[%swap3A_895, %swap3A_896], %convert_element_type3A_892 {strides = array<i32>} : memref<32000x128xbf16, #tpu.memory_space<vmem>>, vector<256x128xbf16>,
      %get3A_898 = arith.constant 0 : index
      %get3A_899 = arith.index_cast %scan3A_880 : i32 to index
      %get3A_900 = arith.constant 0 : index
      %get3A_901 = vector.load %arg5[%get3A_898, %get3A_899, %get3A_900] : memref<1x125x256xi32, #tpu.memory_space<vmem>>, vector<1x1x256xi32>
      %reshape3A_902 = vector.shape_cast %get3A_901 : vector<1x1x256xi32> to vector<1x256xi32>
      %iota3A_903 = tpu.iota {dimensions = array<i32: 0>} : vector<128x256xi32>
      %eq3A_904 = vector.broadcast %reshape3A_902 : vector<1x256xi32> to vector<128x256xi32>
      %eq3A_905 = arith.cmpi eq, %iota3A_903, %eq3A_904 : vector<128x256xi32>
      %convert_element_type3A_906 = arith.extui %eq3A_905 : vector<128x256xi1> to vector<128x256xi32>
      %convert_element_type3A_907 = arith.sitofp %convert_element_type3A_906 : vector<128x256xi32> to vector<128x256xf32>
      %convert_element_type3A_908 = arith.truncf %convert_element_type3A_907 : vector<128x256xf32> to vector<128x256xbf16>
      %mul3A_909 = arith.constant 128 : i32
      %mul3A_910 = arith.muli %scan3A_880, %mul3A_909 : i32
      %swap3A_911 = arith.index_cast %mul3A_910 : i32 to index
      %swap3A_912 = arith.constant 0 : index
      %swap3A_913 = vector.load %arg28[%swap3A_911, %swap3A_912] : memref<16000x256xbf16, #tpu.memory_space<vmem>>, vector<128x256xbf16>
      tpu.vector_store %arg28[%swap3A_911, %swap3A_912], %convert_element_type3A_908 {strides = array<i32>} : memref<16000x256xbf16, #tpu.memory_space<vmem>>, vector<128x256xbf16>,
      %scan3A_914 = arith.constant 17 : i32
      %scan3A_915 = arith.addi %scan3A_321, %scan3A_914 : i32
      %get3A_916 = arith.constant 0 : index
      %get3A_917 = arith.index_cast %scan3A_915 : i32 to index
      %get3A_918 = arith.constant 0 : index
      %get3A_919 = vector.load %arg4[%get3A_916, %get3A_917, %get3A_918] : memref<1x125x256xi32, #tpu.memory_space<vmem>>, vector<1x1x256xi32>
      %reshape3A_920 = vector.shape_cast %get3A_919 : vector<1x1x256xi32> to vector<1x256xi32>
      %transpose3A_921 = tpu.transpose %reshape3A_920, [1, 0] : vector<1x256xi32> -> vector<256x1xi32>
      %iota3A_922 = tpu.iota {dimensions = array<i32: 1>} : vector<256x128xi32>
      %eq3A_923 = vector.broadcast %transpose3A_921 : vector<256x1xi32> to vector<256x128xi32>
      %eq3A_924 = arith.cmpi eq, %eq3A_923, %iota3A_922 : vector<256x128xi32>
      %convert_element_type3A_925 = arith.extui %eq3A_924 : vector<256x128xi1> to vector<256x128xi32>
      %convert_element_type3A_926 = arith.sitofp %convert_element_type3A_925 : vector<256x128xi32> to vector<256x128xf32>
      %convert_element_type3A_927 = arith.truncf %convert_element_type3A_926 : vector<256x128xf32> to vector<256x128xbf16>
      %mul3A_928 = arith.constant 256 : i32
      %mul3A_929 = arith.muli %scan3A_915, %mul3A_928 : i32
      %swap3A_930 = arith.index_cast %mul3A_929 : i32 to index
      %swap3A_931 = arith.constant 0 : index
      %swap3A_932 = vector.load %arg27[%swap3A_930, %swap3A_931] : memref<32000x128xbf16, #tpu.memory_space<vmem>>, vector<256x128xbf16>
      tpu.vector_store %arg27[%swap3A_930, %swap3A_931], %convert_element_type3A_927 {strides = array<i32>} : memref<32000x128xbf16, #tpu.memory_space<vmem>>, vector<256x128xbf16>,
      %get3A_933 = arith.constant 0 : index
      %get3A_934 = arith.index_cast %scan3A_915 : i32 to index
      %get3A_935 = arith.constant 0 : index
      %get3A_936 = vector.load %arg5[%get3A_933, %get3A_934, %get3A_935] : memref<1x125x256xi32, #tpu.memory_space<vmem>>, vector<1x1x256xi32>
      %reshape3A_937 = vector.shape_cast %get3A_936 : vector<1x1x256xi32> to vector<1x256xi32>
      %iota3A_938 = tpu.iota {dimensions = array<i32: 0>} : vector<128x256xi32>
      %eq3A_939 = vector.broadcast %reshape3A_937 : vector<1x256xi32> to vector<128x256xi32>
      %eq3A_940 = arith.cmpi eq, %iota3A_938, %eq3A_939 : vector<128x256xi32>
      %convert_element_type3A_941 = arith.extui %eq3A_940 : vector<128x256xi1> to vector<128x256xi32>
      %convert_element_type3A_942 = arith.sitofp %convert_element_type3A_941 : vector<128x256xi32> to vector<128x256xf32>
      %convert_element_type3A_943 = arith.truncf %convert_element_type3A_942 : vector<128x256xf32> to vector<128x256xbf16>
      %mul3A_944 = arith.constant 128 : i32
      %mul3A_945 = arith.muli %scan3A_915, %mul3A_944 : i32
      %swap3A_946 = arith.index_cast %mul3A_945 : i32 to index
      %swap3A_947 = arith.constant 0 : index
      %swap3A_948 = vector.load %arg28[%swap3A_946, %swap3A_947] : memref<16000x256xbf16, #tpu.memory_space<vmem>>, vector<128x256xbf16>
      tpu.vector_store %arg28[%swap3A_946, %swap3A_947], %convert_element_type3A_943 {strides = array<i32>} : memref<16000x256xbf16, #tpu.memory_space<vmem>>, vector<128x256xbf16>,
      %scan3A_949 = arith.constant 18 : i32
      %scan3A_950 = arith.addi %scan3A_321, %scan3A_949 : i32
      %get3A_951 = arith.constant 0 : index
      %get3A_952 = arith.index_cast %scan3A_950 : i32 to index
      %get3A_953 = arith.constant 0 : index
      %get3A_954 = vector.load %arg4[%get3A_951, %get3A_952, %get3A_953] : memref<1x125x256xi32, #tpu.memory_space<vmem>>, vector<1x1x256xi32>
      %reshape3A_955 = vector.shape_cast %get3A_954 : vector<1x1x256xi32> to vector<1x256xi32>
      %transpose3A_956 = tpu.transpose %reshape3A_955, [1, 0] : vector<1x256xi32> -> vector<256x1xi32>
      %iota3A_957 = tpu.iota {dimensions = array<i32: 1>} : vector<256x128xi32>
      %eq3A_958 = vector.broadcast %transpose3A_956 : vector<256x1xi32> to vector<256x128xi32>
      %eq3A_959 = arith.cmpi eq, %eq3A_958, %iota3A_957 : vector<256x128xi32>
      %convert_element_type3A_960 = arith.extui %eq3A_959 : vector<256x128xi1> to vector<256x128xi32>
      %convert_element_type3A_961 = arith.sitofp %convert_element_type3A_960 : vector<256x128xi32> to vector<256x128xf32>
      %convert_element_type3A_962 = arith.truncf %convert_element_type3A_961 : vector<256x128xf32> to vector<256x128xbf16>
      %mul3A_963 = arith.constant 256 : i32
      %mul3A_964 = arith.muli %scan3A_950, %mul3A_963 : i32
      %swap3A_965 = arith.index_cast %mul3A_964 : i32 to index
      %swap3A_966 = arith.constant 0 : index
      %swap3A_967 = vector.load %arg27[%swap3A_965, %swap3A_966] : memref<32000x128xbf16, #tpu.memory_space<vmem>>, vector<256x128xbf16>
      tpu.vector_store %arg27[%swap3A_965, %swap3A_966], %convert_element_type3A_962 {strides = array<i32>} : memref<32000x128xbf16, #tpu.memory_space<vmem>>, vector<256x128xbf16>,
      %get3A_968 = arith.constant 0 : index
      %get3A_969 = arith.index_cast %scan3A_950 : i32 to index
      %get3A_970 = arith.constant 0 : index
      %get3A_971 = vector.load %arg5[%get3A_968, %get3A_969, %get3A_970] : memref<1x125x256xi32, #tpu.memory_space<vmem>>, vector<1x1x256xi32>
      %reshape3A_972 = vector.shape_cast %get3A_971 : vector<1x1x256xi32> to vector<1x256xi32>
      %iota3A_973 = tpu.iota {dimensions = array<i32: 0>} : vector<128x256xi32>
      %eq3A_974 = vector.broadcast %reshape3A_972 : vector<1x256xi32> to vector<128x256xi32>
      %eq3A_975 = arith.cmpi eq, %iota3A_973, %eq3A_974 : vector<128x256xi32>
      %convert_element_type3A_976 = arith.extui %eq3A_975 : vector<128x256xi1> to vector<128x256xi32>
      %convert_element_type3A_977 = arith.sitofp %convert_element_type3A_976 : vector<128x256xi32> to vector<128x256xf32>
      %convert_element_type3A_978 = arith.truncf %convert_element_type3A_977 : vector<128x256xf32> to vector<128x256xbf16>
      %mul3A_979 = arith.constant 128 : i32
      %mul3A_980 = arith.muli %scan3A_950, %mul3A_979 : i32
      %swap3A_981 = arith.index_cast %mul3A_980 : i32 to index
      %swap3A_982 = arith.constant 0 : index
      %swap3A_983 = vector.load %arg28[%swap3A_981, %swap3A_982] : memref<16000x256xbf16, #tpu.memory_space<vmem>>, vector<128x256xbf16>
      tpu.vector_store %arg28[%swap3A_981, %swap3A_982], %convert_element_type3A_978 {strides = array<i32>} : memref<16000x256xbf16, #tpu.memory_space<vmem>>, vector<128x256xbf16>,
      %scan3A_984 = arith.constant 19 : i32
      %scan3A_985 = arith.addi %scan3A_321, %scan3A_984 : i32
      %get3A_986 = arith.constant 0 : index
      %get3A_987 = arith.index_cast %scan3A_985 : i32 to index
      %get3A_988 = arith.constant 0 : index
      %get3A_989 = vector.load %arg4[%get3A_986, %get3A_987, %get3A_988] : memref<1x125x256xi32, #tpu.memory_space<vmem>>, vector<1x1x256xi32>
      %reshape3A_990 = vector.shape_cast %get3A_989 : vector<1x1x256xi32> to vector<1x256xi32>
      %transpose3A_991 = tpu.transpose %reshape3A_990, [1, 0] : vector<1x256xi32> -> vector<256x1xi32>
      %iota3A_992 = tpu.iota {dimensions = array<i32: 1>} : vector<256x128xi32>
      %eq3A_993 = vector.broadcast %transpose3A_991 : vector<256x1xi32> to vector<256x128xi32>
      %eq3A_994 = arith.cmpi eq, %eq3A_993, %iota3A_992 : vector<256x128xi32>
      %convert_element_type3A_995 = arith.extui %eq3A_994 : vector<256x128xi1> to vector<256x128xi32>
      %convert_element_type3A_996 = arith.sitofp %convert_element_type3A_995 : vector<256x128xi32> to vector<256x128xf32>
      %convert_element_type3A_997 = arith.truncf %convert_element_type3A_996 : vector<256x128xf32> to vector<256x128xbf16>
      %mul3A_998 = arith.constant 256 : i32
      %mul3A_999 = arith.muli %scan3A_985, %mul3A_998 : i32
      %swap3A_1000 = arith.index_cast %mul3A_999 : i32 to index
      %swap3A_1001 = arith.constant 0 : index
      %swap3A_1002 = vector.load %arg27[%swap3A_1000, %swap3A_1001] : memref<32000x128xbf16, #tpu.memory_space<vmem>>, vector<256x128xbf16>
      tpu.vector_store %arg27[%swap3A_1000, %swap3A_1001], %convert_element_type3A_997 {strides = array<i32>} : memref<32000x128xbf16, #tpu.memory_space<vmem>>, vector<256x128xbf16>,
      %get3A_1003 = arith.constant 0 : index
      %get3A_1004 = arith.index_cast %scan3A_985 : i32 to index
      %get3A_1005 = arith.constant 0 : index
      %get3A_1006 = vector.load %arg5[%get3A_1003, %get3A_1004, %get3A_1005] : memref<1x125x256xi32, #tpu.memory_space<vmem>>, vector<1x1x256xi32>
      %reshape3A_1007 = vector.shape_cast %get3A_1006 : vector<1x1x256xi32> to vector<1x256xi32>
      %iota3A_1008 = tpu.iota {dimensions = array<i32: 0>} : vector<128x256xi32>
      %eq3A_1009 = vector.broadcast %reshape3A_1007 : vector<1x256xi32> to vector<128x256xi32>
      %eq3A_1010 = arith.cmpi eq, %iota3A_1008, %eq3A_1009 : vector<128x256xi32>
      %convert_element_type3A_1011 = arith.extui %eq3A_1010 : vector<128x256xi1> to vector<128x256xi32>
      %convert_element_type3A_1012 = arith.sitofp %convert_element_type3A_1011 : vector<128x256xi32> to vector<128x256xf32>
      %convert_element_type3A_1013 = arith.truncf %convert_element_type3A_1012 : vector<128x256xf32> to vector<128x256xbf16>
      %mul3A_1014 = arith.constant 128 : i32
      %mul3A_1015 = arith.muli %scan3A_985, %mul3A_1014 : i32
      %swap3A_1016 = arith.index_cast %mul3A_1015 : i32 to index
      %swap3A_1017 = arith.constant 0 : index
      %swap3A_1018 = vector.load %arg28[%swap3A_1016, %swap3A_1017] : memref<16000x256xbf16, #tpu.memory_space<vmem>>, vector<128x256xbf16>
      tpu.vector_store %arg28[%swap3A_1016, %swap3A_1017], %convert_element_type3A_1013 {strides = array<i32>} : memref<16000x256xbf16, #tpu.memory_space<vmem>>, vector<128x256xbf16>,
      %scan3A_1019 = arith.constant 20 : i32
      %scan3A_1020 = arith.addi %scan3A_321, %scan3A_1019 : i32
      %get3A_1021 = arith.constant 0 : index
      %get3A_1022 = arith.index_cast %scan3A_1020 : i32 to index
      %get3A_1023 = arith.constant 0 : index
      %get3A_1024 = vector.load %arg4[%get3A_1021, %get3A_1022, %get3A_1023] : memref<1x125x256xi32, #tpu.memory_space<vmem>>, vector<1x1x256xi32>
      %reshape3A_1025 = vector.shape_cast %get3A_1024 : vector<1x1x256xi32> to vector<1x256xi32>
      %transpose3A_1026 = tpu.transpose %reshape3A_1025, [1, 0] : vector<1x256xi32> -> vector<256x1xi32>
      %iota3A_1027 = tpu.iota {dimensions = array<i32: 1>} : vector<256x128xi32>
      %eq3A_1028 = vector.broadcast %transpose3A_1026 : vector<256x1xi32> to vector<256x128xi32>
      %eq3A_1029 = arith.cmpi eq, %eq3A_1028, %iota3A_1027 : vector<256x128xi32>
      %convert_element_type3A_1030 = arith.extui %eq3A_1029 : vector<256x128xi1> to vector<256x128xi32>
      %convert_element_type3A_1031 = arith.sitofp %convert_element_type3A_1030 : vector<256x128xi32> to vector<256x128xf32>
      %convert_element_type3A_1032 = arith.truncf %convert_element_type3A_1031 : vector<256x128xf32> to vector<256x128xbf16>
      %mul3A_1033 = arith.constant 256 : i32
      %mul3A_1034 = arith.muli %scan3A_1020, %mul3A_1033 : i32
      %swap3A_1035 = arith.index_cast %mul3A_1034 : i32 to index
      %swap3A_1036 = arith.constant 0 : index
      %swap3A_1037 = vector.load %arg27[%swap3A_1035, %swap3A_1036] : memref<32000x128xbf16, #tpu.memory_space<vmem>>, vector<256x128xbf16>
      tpu.vector_store %arg27[%swap3A_1035, %swap3A_1036], %convert_element_type3A_1032 {strides = array<i32>} : memref<32000x128xbf16, #tpu.memory_space<vmem>>, vector<256x128xbf16>,
      %get3A_1038 = arith.constant 0 : index
      %get3A_1039 = arith.index_cast %scan3A_1020 : i32 to index
      %get3A_1040 = arith.constant 0 : index
      %get3A_1041 = vector.load %arg5[%get3A_1038, %get3A_1039, %get3A_1040] : memref<1x125x256xi32, #tpu.memory_space<vmem>>, vector<1x1x256xi32>
      %reshape3A_1042 = vector.shape_cast %get3A_1041 : vector<1x1x256xi32> to vector<1x256xi32>
      %iota3A_1043 = tpu.iota {dimensions = array<i32: 0>} : vector<128x256xi32>
      %eq3A_1044 = vector.broadcast %reshape3A_1042 : vector<1x256xi32> to vector<128x256xi32>
      %eq3A_1045 = arith.cmpi eq, %iota3A_1043, %eq3A_1044 : vector<128x256xi32>
      %convert_element_type3A_1046 = arith.extui %eq3A_1045 : vector<128x256xi1> to vector<128x256xi32>
      %convert_element_type3A_1047 = arith.sitofp %convert_element_type3A_1046 : vector<128x256xi32> to vector<128x256xf32>
      %convert_element_type3A_1048 = arith.truncf %convert_element_type3A_1047 : vector<128x256xf32> to vector<128x256xbf16>
      %mul3A_1049 = arith.constant 128 : i32
      %mul3A_1050 = arith.muli %scan3A_1020, %mul3A_1049 : i32
      %swap3A_1051 = arith.index_cast %mul3A_1050 : i32 to index
      %swap3A_1052 = arith.constant 0 : index
      %swap3A_1053 = vector.load %arg28[%swap3A_1051, %swap3A_1052] : memref<16000x256xbf16, #tpu.memory_space<vmem>>, vector<128x256xbf16>
      tpu.vector_store %arg28[%swap3A_1051, %swap3A_1052], %convert_element_type3A_1048 {strides = array<i32>} : memref<16000x256xbf16, #tpu.memory_space<vmem>>, vector<128x256xbf16>,
      %scan3A_1054 = arith.constant 21 : i32
      %scan3A_1055 = arith.addi %scan3A_321, %scan3A_1054 : i32
      %get3A_1056 = arith.constant 0 : index
      %get3A_1057 = arith.index_cast %scan3A_1055 : i32 to index
      %get3A_1058 = arith.constant 0 : index
      %get3A_1059 = vector.load %arg4[%get3A_1056, %get3A_1057, %get3A_1058] : memref<1x125x256xi32, #tpu.memory_space<vmem>>, vector<1x1x256xi32>
      %reshape3A_1060 = vector.shape_cast %get3A_1059 : vector<1x1x256xi32> to vector<1x256xi32>
      %transpose3A_1061 = tpu.transpose %reshape3A_1060, [1, 0] : vector<1x256xi32> -> vector<256x1xi32>
      %iota3A_1062 = tpu.iota {dimensions = array<i32: 1>} : vector<256x128xi32>
      %eq3A_1063 = vector.broadcast %transpose3A_1061 : vector<256x1xi32> to vector<256x128xi32>
      %eq3A_1064 = arith.cmpi eq, %eq3A_1063, %iota3A_1062 : vector<256x128xi32>
      %convert_element_type3A_1065 = arith.extui %eq3A_1064 : vector<256x128xi1> to vector<256x128xi32>
      %convert_element_type3A_1066 = arith.sitofp %convert_element_type3A_1065 : vector<256x128xi32> to vector<256x128xf32>
      %convert_element_type3A_1067 = arith.truncf %convert_element_type3A_1066 : vector<256x128xf32> to vector<256x128xbf16>
      %mul3A_1068 = arith.constant 256 : i32
      %mul3A_1069 = arith.muli %scan3A_1055, %mul3A_1068 : i32
      %swap3A_1070 = arith.index_cast %mul3A_1069 : i32 to index
      %swap3A_1071 = arith.constant 0 : index
      %swap3A_1072 = vector.load %arg27[%swap3A_1070, %swap3A_1071] : memref<32000x128xbf16, #tpu.memory_space<vmem>>, vector<256x128xbf16>
      tpu.vector_store %arg27[%swap3A_1070, %swap3A_1071], %convert_element_type3A_1067 {strides = array<i32>} : memref<32000x128xbf16, #tpu.memory_space<vmem>>, vector<256x128xbf16>,
      %get3A_1073 = arith.constant 0 : index
      %get3A_1074 = arith.index_cast %scan3A_1055 : i32 to index
      %get3A_1075 = arith.constant 0 : index
      %get3A_1076 = vector.load %arg5[%get3A_1073, %get3A_1074, %get3A_1075] : memref<1x125x256xi32, #tpu.memory_space<vmem>>, vector<1x1x256xi32>
      %reshape3A_1077 = vector.shape_cast %get3A_1076 : vector<1x1x256xi32> to vector<1x256xi32>
      %iota3A_1078 = tpu.iota {dimensions = array<i32: 0>} : vector<128x256xi32>
      %eq3A_1079 = vector.broadcast %reshape3A_1077 : vector<1x256xi32> to vector<128x256xi32>
      %eq3A_1080 = arith.cmpi eq, %iota3A_1078, %eq3A_1079 : vector<128x256xi32>
      %convert_element_type3A_1081 = arith.extui %eq3A_1080 : vector<128x256xi1> to vector<128x256xi32>
      %convert_element_type3A_1082 = arith.sitofp %convert_element_type3A_1081 : vector<128x256xi32> to vector<128x256xf32>
      %convert_element_type3A_1083 = arith.truncf %convert_element_type3A_1082 : vector<128x256xf32> to vector<128x256xbf16>
      %mul3A_1084 = arith.constant 128 : i32
      %mul3A_1085 = arith.muli %scan3A_1055, %mul3A_1084 : i32
      %swap3A_1086 = arith.index_cast %mul3A_1085 : i32 to index
      %swap3A_1087 = arith.constant 0 : index
      %swap3A_1088 = vector.load %arg28[%swap3A_1086, %swap3A_1087] : memref<16000x256xbf16, #tpu.memory_space<vmem>>, vector<128x256xbf16>
      tpu.vector_store %arg28[%swap3A_1086, %swap3A_1087], %convert_element_type3A_1083 {strides = array<i32>} : memref<16000x256xbf16, #tpu.memory_space<vmem>>, vector<128x256xbf16>,
      %scan3A_1089 = arith.constant 22 : i32
      %scan3A_1090 = arith.addi %scan3A_321, %scan3A_1089 : i32
      %get3A_1091 = arith.constant 0 : index
      %get3A_1092 = arith.index_cast %scan3A_1090 : i32 to index
      %get3A_1093 = arith.constant 0 : index
      %get3A_1094 = vector.load %arg4[%get3A_1091, %get3A_1092, %get3A_1093] : memref<1x125x256xi32, #tpu.memory_space<vmem>>, vector<1x1x256xi32>
      %reshape3A_1095 = vector.shape_cast %get3A_1094 : vector<1x1x256xi32> to vector<1x256xi32>
      %transpose3A_1096 = tpu.transpose %reshape3A_1095, [1, 0] : vector<1x256xi32> -> vector<256x1xi32>
      %iota3A_1097 = tpu.iota {dimensions = array<i32: 1>} : vector<256x128xi32>
      %eq3A_1098 = vector.broadcast %transpose3A_1096 : vector<256x1xi32> to vector<256x128xi32>
      %eq3A_1099 = arith.cmpi eq, %eq3A_1098, %iota3A_1097 : vector<256x128xi32>
      %convert_element_type3A_1100 = arith.extui %eq3A_1099 : vector<256x128xi1> to vector<256x128xi32>
      %convert_element_type3A_1101 = arith.sitofp %convert_element_type3A_1100 : vector<256x128xi32> to vector<256x128xf32>
      %convert_element_type3A_1102 = arith.truncf %convert_element_type3A_1101 : vector<256x128xf32> to vector<256x128xbf16>
      %mul3A_1103 = arith.constant 256 : i32
      %mul3A_1104 = arith.muli %scan3A_1090, %mul3A_1103 : i32
      %swap3A_1105 = arith.index_cast %mul3A_1104 : i32 to index
      %swap3A_1106 = arith.constant 0 : index
      %swap3A_1107 = vector.load %arg27[%swap3A_1105, %swap3A_1106] : memref<32000x128xbf16, #tpu.memory_space<vmem>>, vector<256x128xbf16>
      tpu.vector_store %arg27[%swap3A_1105, %swap3A_1106], %convert_element_type3A_1102 {strides = array<i32>} : memref<32000x128xbf16, #tpu.memory_space<vmem>>, vector<256x128xbf16>,
      %get3A_1108 = arith.constant 0 : index
      %get3A_1109 = arith.index_cast %scan3A_1090 : i32 to index
      %get3A_1110 = arith.constant 0 : index
      %get3A_1111 = vector.load %arg5[%get3A_1108, %get3A_1109, %get3A_1110] : memref<1x125x256xi32, #tpu.memory_space<vmem>>, vector<1x1x256xi32>
      %reshape3A_1112 = vector.shape_cast %get3A_1111 : vector<1x1x256xi32> to vector<1x256xi32>
      %iota3A_1113 = tpu.iota {dimensions = array<i32: 0>} : vector<128x256xi32>
      %eq3A_1114 = vector.broadcast %reshape3A_1112 : vector<1x256xi32> to vector<128x256xi32>
      %eq3A_1115 = arith.cmpi eq, %iota3A_1113, %eq3A_1114 : vector<128x256xi32>
      %convert_element_type3A_1116 = arith.extui %eq3A_1115 : vector<128x256xi1> to vector<128x256xi32>
      %convert_element_type3A_1117 = arith.sitofp %convert_element_type3A_1116 : vector<128x256xi32> to vector<128x256xf32>
      %convert_element_type3A_1118 = arith.truncf %convert_element_type3A_1117 : vector<128x256xf32> to vector<128x256xbf16>
      %mul3A_1119 = arith.constant 128 : i32
      %mul3A_1120 = arith.muli %scan3A_1090, %mul3A_1119 : i32
      %swap3A_1121 = arith.index_cast %mul3A_1120 : i32 to index
      %swap3A_1122 = arith.constant 0 : index
      %swap3A_1123 = vector.load %arg28[%swap3A_1121, %swap3A_1122] : memref<16000x256xbf16, #tpu.memory_space<vmem>>, vector<128x256xbf16>
      tpu.vector_store %arg28[%swap3A_1121, %swap3A_1122], %convert_element_type3A_1118 {strides = array<i32>} : memref<16000x256xbf16, #tpu.memory_space<vmem>>, vector<128x256xbf16>,
      %scan3A_1124 = arith.constant 23 : i32
      %scan3A_1125 = arith.addi %scan3A_321, %scan3A_1124 : i32
      %get3A_1126 = arith.constant 0 : index
      %get3A_1127 = arith.index_cast %scan3A_1125 : i32 to index
      %get3A_1128 = arith.constant 0 : index
      %get3A_1129 = vector.load %arg4[%get3A_1126, %get3A_1127, %get3A_1128] : memref<1x125x256xi32, #tpu.memory_space<vmem>>, vector<1x1x256xi32>
      %reshape3A_1130 = vector.shape_cast %get3A_1129 : vector<1x1x256xi32> to vector<1x256xi32>
      %transpose3A_1131 = tpu.transpose %reshape3A_1130, [1, 0] : vector<1x256xi32> -> vector<256x1xi32>
      %iota3A_1132 = tpu.iota {dimensions = array<i32: 1>} : vector<256x128xi32>
      %eq3A_1133 = vector.broadcast %transpose3A_1131 : vector<256x1xi32> to vector<256x128xi32>
      %eq3A_1134 = arith.cmpi eq, %eq3A_1133, %iota3A_1132 : vector<256x128xi32>
      %convert_element_type3A_1135 = arith.extui %eq3A_1134 : vector<256x128xi1> to vector<256x128xi32>
      %convert_element_type3A_1136 = arith.sitofp %convert_element_type3A_1135 : vector<256x128xi32> to vector<256x128xf32>
      %convert_element_type3A_1137 = arith.truncf %convert_element_type3A_1136 : vector<256x128xf32> to vector<256x128xbf16>
      %mul3A_1138 = arith.constant 256 : i32
      %mul3A_1139 = arith.muli %scan3A_1125, %mul3A_1138 : i32
      %swap3A_1140 = arith.index_cast %mul3A_1139 : i32 to index
      %swap3A_1141 = arith.constant 0 : index
      %swap3A_1142 = vector.load %arg27[%swap3A_1140, %swap3A_1141] : memref<32000x128xbf16, #tpu.memory_space<vmem>>, vector<256x128xbf16>
      tpu.vector_store %arg27[%swap3A_1140, %swap3A_1141], %convert_element_type3A_1137 {strides = array<i32>} : memref<32000x128xbf16, #tpu.memory_space<vmem>>, vector<256x128xbf16>,
      %get3A_1143 = arith.constant 0 : index
      %get3A_1144 = arith.index_cast %scan3A_1125 : i32 to index
      %get3A_1145 = arith.constant 0 : index
      %get3A_1146 = vector.load %arg5[%get3A_1143, %get3A_1144, %get3A_1145] : memref<1x125x256xi32, #tpu.memory_space<vmem>>, vector<1x1x256xi32>
      %reshape3A_1147 = vector.shape_cast %get3A_1146 : vector<1x1x256xi32> to vector<1x256xi32>
      %iota3A_1148 = tpu.iota {dimensions = array<i32: 0>} : vector<128x256xi32>
      %eq3A_1149 = vector.broadcast %reshape3A_1147 : vector<1x256xi32> to vector<128x256xi32>
      %eq3A_1150 = arith.cmpi eq, %iota3A_1148, %eq3A_1149 : vector<128x256xi32>
      %convert_element_type3A_1151 = arith.extui %eq3A_1150 : vector<128x256xi1> to vector<128x256xi32>
      %convert_element_type3A_1152 = arith.sitofp %convert_element_type3A_1151 : vector<128x256xi32> to vector<128x256xf32>
      %convert_element_type3A_1153 = arith.truncf %convert_element_type3A_1152 : vector<128x256xf32> to vector<128x256xbf16>
      %mul3A_1154 = arith.constant 128 : i32
      %mul3A_1155 = arith.muli %scan3A_1125, %mul3A_1154 : i32
      %swap3A_1156 = arith.index_cast %mul3A_1155 : i32 to index
      %swap3A_1157 = arith.constant 0 : index
      %swap3A_1158 = vector.load %arg28[%swap3A_1156, %swap3A_1157] : memref<16000x256xbf16, #tpu.memory_space<vmem>>, vector<128x256xbf16>
      tpu.vector_store %arg28[%swap3A_1156, %swap3A_1157], %convert_element_type3A_1153 {strides = array<i32>} : memref<16000x256xbf16, #tpu.memory_space<vmem>>, vector<128x256xbf16>,
      %scan3A_1159 = arith.constant 24 : i32
      %scan3A_1160 = arith.addi %scan3A_321, %scan3A_1159 : i32
      %get3A_1161 = arith.constant 0 : index
      %get3A_1162 = arith.index_cast %scan3A_1160 : i32 to index
      %get3A_1163 = arith.constant 0 : index
      %get3A_1164 = vector.load %arg4[%get3A_1161, %get3A_1162, %get3A_1163] : memref<1x125x256xi32, #tpu.memory_space<vmem>>, vector<1x1x256xi32>
      %reshape3A_1165 = vector.shape_cast %get3A_1164 : vector<1x1x256xi32> to vector<1x256xi32>
      %transpose3A_1166 = tpu.transpose %reshape3A_1165, [1, 0] : vector<1x256xi32> -> vector<256x1xi32>
      %iota3A_1167 = tpu.iota {dimensions = array<i32: 1>} : vector<256x128xi32>
      %eq3A_1168 = vector.broadcast %transpose3A_1166 : vector<256x1xi32> to vector<256x128xi32>
      %eq3A_1169 = arith.cmpi eq, %eq3A_1168, %iota3A_1167 : vector<256x128xi32>
      %convert_element_type3A_1170 = arith.extui %eq3A_1169 : vector<256x128xi1> to vector<256x128xi32>
      %convert_element_type3A_1171 = arith.sitofp %convert_element_type3A_1170 : vector<256x128xi32> to vector<256x128xf32>
      %convert_element_type3A_1172 = arith.truncf %convert_element_type3A_1171 : vector<256x128xf32> to vector<256x128xbf16>
      %mul3A_1173 = arith.constant 256 : i32
      %mul3A_1174 = arith.muli %scan3A_1160, %mul3A_1173 : i32
      %swap3A_1175 = arith.index_cast %mul3A_1174 : i32 to index
      %swap3A_1176 = arith.constant 0 : index
      %swap3A_1177 = vector.load %arg27[%swap3A_1175, %swap3A_1176] : memref<32000x128xbf16, #tpu.memory_space<vmem>>, vector<256x128xbf16>
      tpu.vector_store %arg27[%swap3A_1175, %swap3A_1176], %convert_element_type3A_1172 {strides = array<i32>} : memref<32000x128xbf16, #tpu.memory_space<vmem>>, vector<256x128xbf16>,
      %get3A_1178 = arith.constant 0 : index
      %get3A_1179 = arith.index_cast %scan3A_1160 : i32 to index
      %get3A_1180 = arith.constant 0 : index
      %get3A_1181 = vector.load %arg5[%get3A_1178, %get3A_1179, %get3A_1180] : memref<1x125x256xi32, #tpu.memory_space<vmem>>, vector<1x1x256xi32>
      %reshape3A_1182 = vector.shape_cast %get3A_1181 : vector<1x1x256xi32> to vector<1x256xi32>
      %iota3A_1183 = tpu.iota {dimensions = array<i32: 0>} : vector<128x256xi32>
      %eq3A_1184 = vector.broadcast %reshape3A_1182 : vector<1x256xi32> to vector<128x256xi32>
      %eq3A_1185 = arith.cmpi eq, %iota3A_1183, %eq3A_1184 : vector<128x256xi32>
      %convert_element_type3A_1186 = arith.extui %eq3A_1185 : vector<128x256xi1> to vector<128x256xi32>
      %convert_element_type3A_1187 = arith.sitofp %convert_element_type3A_1186 : vector<128x256xi32> to vector<128x256xf32>
      %convert_element_type3A_1188 = arith.truncf %convert_element_type3A_1187 : vector<128x256xf32> to vector<128x256xbf16>
      %mul3A_1189 = arith.constant 128 : i32
      %mul3A_1190 = arith.muli %scan3A_1160, %mul3A_1189 : i32
      %swap3A_1191 = arith.index_cast %mul3A_1190 : i32 to index
      %swap3A_1192 = arith.constant 0 : index
      %swap3A_1193 = vector.load %arg28[%swap3A_1191, %swap3A_1192] : memref<16000x256xbf16, #tpu.memory_space<vmem>>, vector<128x256xbf16>
      tpu.vector_store %arg28[%swap3A_1191, %swap3A_1192], %convert_element_type3A_1188 {strides = array<i32>} : memref<16000x256xbf16, #tpu.memory_space<vmem>>, vector<128x256xbf16>,
    }
    %scan3A_91 = arith.constant 125 : i32
    %get3A_92 = arith.constant 0 : index
    %get3A_93 = arith.constant 0 : index
    %get3A_94 = vector.load %arg22[%get3A_92, %get3A_93] : memref<16000x128xf32, #tpu.memory_space<vmem>>, vector<16000x128xf32>
    %convert_element_type3A_95 = arith.truncf %get3A_94 : vector<16000x128xf32> to vector<16000x128xbf16>
    %swap3A_96 = arith.constant 0 : index
    %swap3A_97 = arith.constant 0 : index
    %swap3A_98 = vector.load %arg23[%swap3A_96, %swap3A_97] : memref<16000x128xbf16, #tpu.memory_space<vmem>>, vector<16000x128xbf16>
    tpu.vector_store %arg23[%swap3A_96, %swap3A_97], %convert_element_type3A_95 {strides = array<i32>} : memref<16000x128xbf16, #tpu.memory_space<vmem>>, vector<16000x128xbf16>,
    %scan3A_99 = arith.constant 0 : i32
    %scan3A_100 = arith.constant 125 : i32
    %scan3A_101 = arith.addi %scan3A_99, %scan3A_100 : i32
    %scan3A_102 = arith.constant 25 : i32
    scf.for %scan3A_321 = %scan3A_99 to %scan3A_101 step %scan3A_102  : i32 {
      %mul3A_322 = arith.constant 128 : i32
      %mul3A_323 = arith.muli %scan3A_321, %mul3A_322 : i32
      %get3A_324 = arith.index_cast %mul3A_323 : i32 to index
      %get3A_325 = arith.constant 0 : index
      %get3A_326 = vector.load %arg23[%get3A_324, %get3A_325] : memref<16000x128xbf16, #tpu.memory_space<vmem>>, vector<128x128xbf16>
      %mul3A_327 = arith.constant 256 : i32
      %mul3A_328 = arith.muli %scan3A_321, %mul3A_327 : i32
      %get3A_329 = arith.index_cast %mul3A_328 : i32 to index
      %get3A_330 = arith.constant 0 : index
      %get3A_331 = vector.load %arg27[%get3A_329, %get3A_330] : memref<32000x128xbf16, #tpu.memory_space<vmem>>, vector<256x128xbf16>
      %dot_general3A_332 = arith.constant dense<0.000000e+00> : vector<256x128xf32>
      %dot_general3A_333 = tpu.matmul %get3A_331, %get3A_326, %dot_general3A_332 {dimension_numbers = #tpu.dot_dimension_numbers<[1], [0], [0], [1], [0, 0, 1, 1], [], []>, transpose_lhs_hint = false} : vector<256x128xbf16>, vector<128x128xbf16>, vector<256x128xf32> -> vector<256x128xf32>
      %convert_element_type3A_334 = arith.truncf %dot_general3A_333 : vector<256x128xf32> to vector<256x128xbf16>
      %mul3A_335 = arith.constant 256 : i32
      %mul3A_336 = arith.muli %scan3A_321, %mul3A_335 : i32
      %get3A_337 = arith.index_cast %mul3A_336 : i32 to index
      %get3A_338 = arith.constant 0 : index
      %get3A_339 = vector.load %arg24[%get3A_337, %get3A_338] : memref<32000x128xbf16, #tpu.memory_space<vmem>>, vector<256x128xbf16>
      %mul3A_340 = arith.mulf %convert_element_type3A_334, %get3A_339 : vector<256x128xbf16>
      %mul3A_341 = arith.constant 128 : i32
      %mul3A_342 = arith.muli %scan3A_321, %mul3A_341 : i32
      %get3A_343 = arith.index_cast %mul3A_342 : i32 to index
      %get3A_344 = arith.constant 0 : index
      %get3A_345 = vector.load %arg28[%get3A_343, %get3A_344] : memref<16000x256xbf16, #tpu.memory_space<vmem>>, vector<128x256xbf16>
      %dot_general3A_346 = arith.constant dense<0.000000e+00> : vector<128x128xf32>
      %dot_general3A_347 = tpu.matmul %get3A_345, %mul3A_340, %dot_general3A_346 {dimension_numbers = #tpu.dot_dimension_numbers<[1], [0], [0], [1], [0, 0, 1, 1], [], []>, transpose_lhs_hint = false} : vector<128x256xbf16>, vector<256x128xbf16>, vector<128x128xf32> -> vector<128x128xf32>
      %convert_element_type3A_348 = arith.truncf %dot_general3A_347 : vector<128x128xf32> to vector<128x128xbf16>
      %mul3A_349 = arith.constant 128 : i32
      %mul3A_350 = arith.muli %scan3A_321, %mul3A_349 : i32
      %swap3A_351 = arith.index_cast %mul3A_350 : i32 to index
      %swap3A_352 = arith.constant 0 : index
      %swap3A_353 = vector.load %arg25[%swap3A_351, %swap3A_352] : memref<16000x128xbf16, #tpu.memory_space<vmem>>, vector<128x128xbf16>
      tpu.vector_store %arg25[%swap3A_351, %swap3A_352], %convert_element_type3A_348 {strides = array<i32>} : memref<16000x128xbf16, #tpu.memory_space<vmem>>, vector<128x128xbf16>,
      %scan3A_354 = arith.constant 1 : i32
      %scan3A_355 = arith.addi %scan3A_321, %scan3A_354 : i32
      %mul3A_356 = arith.constant 128 : i32
      %mul3A_357 = arith.muli %scan3A_355, %mul3A_356 : i32
      %get3A_358 = arith.index_cast %mul3A_357 : i32 to index
      %get3A_359 = arith.constant 0 : index
      %get3A_360 = vector.load %arg23[%get3A_358, %get3A_359] : memref<16000x128xbf16, #tpu.memory_space<vmem>>, vector<128x128xbf16>
      %mul3A_361 = arith.constant 256 : i32
      %mul3A_362 = arith.muli %scan3A_355, %mul3A_361 : i32
      %get3A_363 = arith.index_cast %mul3A_362 : i32 to index
      %get3A_364 = arith.constant 0 : index
      %get3A_365 = vector.load %arg27[%get3A_363, %get3A_364] : memref<32000x128xbf16, #tpu.memory_space<vmem>>, vector<256x128xbf16>
      %dot_general3A_366 = arith.constant dense<0.000000e+00> : vector<256x128xf32>
      %dot_general3A_367 = tpu.matmul %get3A_365, %get3A_360, %dot_general3A_366 {dimension_numbers = #tpu.dot_dimension_numbers<[1], [0], [0], [1], [0, 0, 1, 1], [], []>, transpose_lhs_hint = false} : vector<256x128xbf16>, vector<128x128xbf16>, vector<256x128xf32> -> vector<256x128xf32>
      %convert_element_type3A_368 = arith.truncf %dot_general3A_367 : vector<256x128xf32> to vector<256x128xbf16>
      %mul3A_369 = arith.constant 256 : i32
      %mul3A_370 = arith.muli %scan3A_355, %mul3A_369 : i32
      %get3A_371 = arith.index_cast %mul3A_370 : i32 to index
      %get3A_372 = arith.constant 0 : index
      %get3A_373 = vector.load %arg24[%get3A_371, %get3A_372] : memref<32000x128xbf16, #tpu.memory_space<vmem>>, vector<256x128xbf16>
      %mul3A_374 = arith.mulf %convert_element_type3A_368, %get3A_373 : vector<256x128xbf16>
      %mul3A_375 = arith.constant 128 : i32
      %mul3A_376 = arith.muli %scan3A_355, %mul3A_375 : i32
      %get3A_377 = arith.index_cast %mul3A_376 : i32 to index
      %get3A_378 = arith.constant 0 : index
      %get3A_379 = vector.load %arg28[%get3A_377, %get3A_378] : memref<16000x256xbf16, #tpu.memory_space<vmem>>, vector<128x256xbf16>
      %dot_general3A_380 = arith.constant dense<0.000000e+00> : vector<128x128xf32>
      %dot_general3A_381 = tpu.matmul %get3A_379, %mul3A_374, %dot_general3A_380 {dimension_numbers = #tpu.dot_dimension_numbers<[1], [0], [0], [1], [0, 0, 1, 1], [], []>, transpose_lhs_hint = false} : vector<128x256xbf16>, vector<256x128xbf16>, vector<128x128xf32> -> vector<128x128xf32>
      %convert_element_type3A_382 = arith.truncf %dot_general3A_381 : vector<128x128xf32> to vector<128x128xbf16>
      %mul3A_383 = arith.constant 128 : i32
      %mul3A_384 = arith.muli %scan3A_355, %mul3A_383 : i32
      %swap3A_385 = arith.index_cast %mul3A_384 : i32 to index
      %swap3A_386 = arith.constant 0 : index
      %swap3A_387 = vector.load %arg25[%swap3A_385, %swap3A_386] : memref<16000x128xbf16, #tpu.memory_space<vmem>>, vector<128x128xbf16>
      tpu.vector_store %arg25[%swap3A_385, %swap3A_386], %convert_element_type3A_382 {strides = array<i32>} : memref<16000x128xbf16, #tpu.memory_space<vmem>>, vector<128x128xbf16>,
      %scan3A_388 = arith.constant 2 : i32
      %scan3A_389 = arith.addi %scan3A_321, %scan3A_388 : i32
      %mul3A_390 = arith.constant 128 : i32
      %mul3A_391 = arith.muli %scan3A_389, %mul3A_390 : i32
      %get3A_392 = arith.index_cast %mul3A_391 : i32 to index
      %get3A_393 = arith.constant 0 : index
      %get3A_394 = vector.load %arg23[%get3A_392, %get3A_393] : memref<16000x128xbf16, #tpu.memory_space<vmem>>, vector<128x128xbf16>
      %mul3A_395 = arith.constant 256 : i32
      %mul3A_396 = arith.muli %scan3A_389, %mul3A_395 : i32
      %get3A_397 = arith.index_cast %mul3A_396 : i32 to index
      %get3A_398 = arith.constant 0 : index
      %get3A_399 = vector.load %arg27[%get3A_397, %get3A_398] : memref<32000x128xbf16, #tpu.memory_space<vmem>>, vector<256x128xbf16>
      %dot_general3A_400 = arith.constant dense<0.000000e+00> : vector<256x128xf32>
      %dot_general3A_401 = tpu.matmul %get3A_399, %get3A_394, %dot_general3A_400 {dimension_numbers = #tpu.dot_dimension_numbers<[1], [0], [0], [1], [0, 0, 1, 1], [], []>, transpose_lhs_hint = false} : vector<256x128xbf16>, vector<128x128xbf16>, vector<256x128xf32> -> vector<256x128xf32>
      %convert_element_type3A_402 = arith.truncf %dot_general3A_401 : vector<256x128xf32> to vector<256x128xbf16>
      %mul3A_403 = arith.constant 256 : i32
      %mul3A_404 = arith.muli %scan3A_389, %mul3A_403 : i32
      %get3A_405 = arith.index_cast %mul3A_404 : i32 to index
      %get3A_406 = arith.constant 0 : index
      %get3A_407 = vector.load %arg24[%get3A_405, %get3A_406] : memref<32000x128xbf16, #tpu.memory_space<vmem>>, vector<256x128xbf16>
      %mul3A_408 = arith.mulf %convert_element_type3A_402, %get3A_407 : vector<256x128xbf16>
      %mul3A_409 = arith.constant 128 : i32
      %mul3A_410 = arith.muli %scan3A_389, %mul3A_409 : i32
      %get3A_411 = arith.index_cast %mul3A_410 : i32 to index
      %get3A_412 = arith.constant 0 : index
      %get3A_413 = vector.load %arg28[%get3A_411, %get3A_412] : memref<16000x256xbf16, #tpu.memory_space<vmem>>, vector<128x256xbf16>
      %dot_general3A_414 = arith.constant dense<0.000000e+00> : vector<128x128xf32>
      %dot_general3A_415 = tpu.matmul %get3A_413, %mul3A_408, %dot_general3A_414 {dimension_numbers = #tpu.dot_dimension_numbers<[1], [0], [0], [1], [0, 0, 1, 1], [], []>, transpose_lhs_hint = false} : vector<128x256xbf16>, vector<256x128xbf16>, vector<128x128xf32> -> vector<128x128xf32>
      %convert_element_type3A_416 = arith.truncf %dot_general3A_415 : vector<128x128xf32> to vector<128x128xbf16>
      %mul3A_417 = arith.constant 128 : i32
      %mul3A_418 = arith.muli %scan3A_389, %mul3A_417 : i32
      %swap3A_419 = arith.index_cast %mul3A_418 : i32 to index
      %swap3A_420 = arith.constant 0 : index
      %swap3A_421 = vector.load %arg25[%swap3A_419, %swap3A_420] : memref<16000x128xbf16, #tpu.memory_space<vmem>>, vector<128x128xbf16>
      tpu.vector_store %arg25[%swap3A_419, %swap3A_420], %convert_element_type3A_416 {strides = array<i32>} : memref<16000x128xbf16, #tpu.memory_space<vmem>>, vector<128x128xbf16>,
      %scan3A_422 = arith.constant 3 : i32
      %scan3A_423 = arith.addi %scan3A_321, %scan3A_422 : i32
      %mul3A_424 = arith.constant 128 : i32
      %mul3A_425 = arith.muli %scan3A_423, %mul3A_424 : i32
      %get3A_426 = arith.index_cast %mul3A_425 : i32 to index
      %get3A_427 = arith.constant 0 : index
      %get3A_428 = vector.load %arg23[%get3A_426, %get3A_427] : memref<16000x128xbf16, #tpu.memory_space<vmem>>, vector<128x128xbf16>
      %mul3A_429 = arith.constant 256 : i32
      %mul3A_430 = arith.muli %scan3A_423, %mul3A_429 : i32
      %get3A_431 = arith.index_cast %mul3A_430 : i32 to index
      %get3A_432 = arith.constant 0 : index
      %get3A_433 = vector.load %arg27[%get3A_431, %get3A_432] : memref<32000x128xbf16, #tpu.memory_space<vmem>>, vector<256x128xbf16>
      %dot_general3A_434 = arith.constant dense<0.000000e+00> : vector<256x128xf32>
      %dot_general3A_435 = tpu.matmul %get3A_433, %get3A_428, %dot_general3A_434 {dimension_numbers = #tpu.dot_dimension_numbers<[1], [0], [0], [1], [0, 0, 1, 1], [], []>, transpose_lhs_hint = false} : vector<256x128xbf16>, vector<128x128xbf16>, vector<256x128xf32> -> vector<256x128xf32>
      %convert_element_type3A_436 = arith.truncf %dot_general3A_435 : vector<256x128xf32> to vector<256x128xbf16>
      %mul3A_437 = arith.constant 256 : i32
      %mul3A_438 = arith.muli %scan3A_423, %mul3A_437 : i32
      %get3A_439 = arith.index_cast %mul3A_438 : i32 to index
      %get3A_440 = arith.constant 0 : index
      %get3A_441 = vector.load %arg24[%get3A_439, %get3A_440] : memref<32000x128xbf16, #tpu.memory_space<vmem>>, vector<256x128xbf16>
      %mul3A_442 = arith.mulf %convert_element_type3A_436, %get3A_441 : vector<256x128xbf16>
      %mul3A_443 = arith.constant 128 : i32
      %mul3A_444 = arith.muli %scan3A_423, %mul3A_443 : i32
      %get3A_445 = arith.index_cast %mul3A_444 : i32 to index
      %get3A_446 = arith.constant 0 : index
      %get3A_447 = vector.load %arg28[%get3A_445, %get3A_446] : memref<16000x256xbf16, #tpu.memory_space<vmem>>, vector<128x256xbf16>
      %dot_general3A_448 = arith.constant dense<0.000000e+00> : vector<128x128xf32>
      %dot_general3A_449 = tpu.matmul %get3A_447, %mul3A_442, %dot_general3A_448 {dimension_numbers = #tpu.dot_dimension_numbers<[1], [0], [0], [1], [0, 0, 1, 1], [], []>, transpose_lhs_hint = false} : vector<128x256xbf16>, vector<256x128xbf16>, vector<128x128xf32> -> vector<128x128xf32>
      %convert_element_type3A_450 = arith.truncf %dot_general3A_449 : vector<128x128xf32> to vector<128x128xbf16>
      %mul3A_451 = arith.constant 128 : i32
      %mul3A_452 = arith.muli %scan3A_423, %mul3A_451 : i32
      %swap3A_453 = arith.index_cast %mul3A_452 : i32 to index
      %swap3A_454 = arith.constant 0 : index
      %swap3A_455 = vector.load %arg25[%swap3A_453, %swap3A_454] : memref<16000x128xbf16, #tpu.memory_space<vmem>>, vector<128x128xbf16>
      tpu.vector_store %arg25[%swap3A_453, %swap3A_454], %convert_element_type3A_450 {strides = array<i32>} : memref<16000x128xbf16, #tpu.memory_space<vmem>>, vector<128x128xbf16>,
      %scan3A_456 = arith.constant 4 : i32
      %scan3A_457 = arith.addi %scan3A_321, %scan3A_456 : i32
      %mul3A_458 = arith.constant 128 : i32
      %mul3A_459 = arith.muli %scan3A_457, %mul3A_458 : i32
      %get3A_460 = arith.index_cast %mul3A_459 : i32 to index
      %get3A_461 = arith.constant 0 : index
      %get3A_462 = vector.load %arg23[%get3A_460, %get3A_461] : memref<16000x128xbf16, #tpu.memory_space<vmem>>, vector<128x128xbf16>
      %mul3A_463 = arith.constant 256 : i32
      %mul3A_464 = arith.muli %scan3A_457, %mul3A_463 : i32
      %get3A_465 = arith.index_cast %mul3A_464 : i32 to index
      %get3A_466 = arith.constant 0 : index
      %get3A_467 = vector.load %arg27[%get3A_465, %get3A_466] : memref<32000x128xbf16, #tpu.memory_space<vmem>>, vector<256x128xbf16>
      %dot_general3A_468 = arith.constant dense<0.000000e+00> : vector<256x128xf32>
      %dot_general3A_469 = tpu.matmul %get3A_467, %get3A_462, %dot_general3A_468 {dimension_numbers = #tpu.dot_dimension_numbers<[1], [0], [0], [1], [0, 0, 1, 1], [], []>, transpose_lhs_hint = false} : vector<256x128xbf16>, vector<128x128xbf16>, vector<256x128xf32> -> vector<256x128xf32>
      %convert_element_type3A_470 = arith.truncf %dot_general3A_469 : vector<256x128xf32> to vector<256x128xbf16>
      %mul3A_471 = arith.constant 256 : i32
      %mul3A_472 = arith.muli %scan3A_457, %mul3A_471 : i32
      %get3A_473 = arith.index_cast %mul3A_472 : i32 to index
      %get3A_474 = arith.constant 0 : index
      %get3A_475 = vector.load %arg24[%get3A_473, %get3A_474] : memref<32000x128xbf16, #tpu.memory_space<vmem>>, vector<256x128xbf16>
      %mul3A_476 = arith.mulf %convert_element_type3A_470, %get3A_475 : vector<256x128xbf16>
      %mul3A_477 = arith.constant 128 : i32
      %mul3A_478 = arith.muli %scan3A_457, %mul3A_477 : i32
      %get3A_479 = arith.index_cast %mul3A_478 : i32 to index
      %get3A_480 = arith.constant 0 : index
      %get3A_481 = vector.load %arg28[%get3A_479, %get3A_480] : memref<16000x256xbf16, #tpu.memory_space<vmem>>, vector<128x256xbf16>
      %dot_general3A_482 = arith.constant dense<0.000000e+00> : vector<128x128xf32>
      %dot_general3A_483 = tpu.matmul %get3A_481, %mul3A_476, %dot_general3A_482 {dimension_numbers = #tpu.dot_dimension_numbers<[1], [0], [0], [1], [0, 0, 1, 1], [], []>, transpose_lhs_hint = false} : vector<128x256xbf16>, vector<256x128xbf16>, vector<128x128xf32> -> vector<128x128xf32>
      %convert_element_type3A_484 = arith.truncf %dot_general3A_483 : vector<128x128xf32> to vector<128x128xbf16>
      %mul3A_485 = arith.constant 128 : i32
      %mul3A_486 = arith.muli %scan3A_457, %mul3A_485 : i32
      %swap3A_487 = arith.index_cast %mul3A_486 : i32 to index
      %swap3A_488 = arith.constant 0 : index
      %swap3A_489 = vector.load %arg25[%swap3A_487, %swap3A_488] : memref<16000x128xbf16, #tpu.memory_space<vmem>>, vector<128x128xbf16>
      tpu.vector_store %arg25[%swap3A_487, %swap3A_488], %convert_element_type3A_484 {strides = array<i32>} : memref<16000x128xbf16, #tpu.memory_space<vmem>>, vector<128x128xbf16>,
      %scan3A_490 = arith.constant 5 : i32
      %scan3A_491 = arith.addi %scan3A_321, %scan3A_490 : i32
      %mul3A_492 = arith.constant 128 : i32
      %mul3A_493 = arith.muli %scan3A_491, %mul3A_492 : i32
      %get3A_494 = arith.index_cast %mul3A_493 : i32 to index
      %get3A_495 = arith.constant 0 : index
      %get3A_496 = vector.load %arg23[%get3A_494, %get3A_495] : memref<16000x128xbf16, #tpu.memory_space<vmem>>, vector<128x128xbf16>
      %mul3A_497 = arith.constant 256 : i32
      %mul3A_498 = arith.muli %scan3A_491, %mul3A_497 : i32
      %get3A_499 = arith.index_cast %mul3A_498 : i32 to index
      %get3A_500 = arith.constant 0 : index
      %get3A_501 = vector.load %arg27[%get3A_499, %get3A_500] : memref<32000x128xbf16, #tpu.memory_space<vmem>>, vector<256x128xbf16>
      %dot_general3A_502 = arith.constant dense<0.000000e+00> : vector<256x128xf32>
      %dot_general3A_503 = tpu.matmul %get3A_501, %get3A_496, %dot_general3A_502 {dimension_numbers = #tpu.dot_dimension_numbers<[1], [0], [0], [1], [0, 0, 1, 1], [], []>, transpose_lhs_hint = false} : vector<256x128xbf16>, vector<128x128xbf16>, vector<256x128xf32> -> vector<256x128xf32>
      %convert_element_type3A_504 = arith.truncf %dot_general3A_503 : vector<256x128xf32> to vector<256x128xbf16>
      %mul3A_505 = arith.constant 256 : i32
      %mul3A_506 = arith.muli %scan3A_491, %mul3A_505 : i32
      %get3A_507 = arith.index_cast %mul3A_506 : i32 to index
      %get3A_508 = arith.constant 0 : index
      %get3A_509 = vector.load %arg24[%get3A_507, %get3A_508] : memref<32000x128xbf16, #tpu.memory_space<vmem>>, vector<256x128xbf16>
      %mul3A_510 = arith.mulf %convert_element_type3A_504, %get3A_509 : vector<256x128xbf16>
      %mul3A_511 = arith.constant 128 : i32
      %mul3A_512 = arith.muli %scan3A_491, %mul3A_511 : i32
      %get3A_513 = arith.index_cast %mul3A_512 : i32 to index
      %get3A_514 = arith.constant 0 : index
      %get3A_515 = vector.load %arg28[%get3A_513, %get3A_514] : memref<16000x256xbf16, #tpu.memory_space<vmem>>, vector<128x256xbf16>
      %dot_general3A_516 = arith.constant dense<0.000000e+00> : vector<128x128xf32>
      %dot_general3A_517 = tpu.matmul %get3A_515, %mul3A_510, %dot_general3A_516 {dimension_numbers = #tpu.dot_dimension_numbers<[1], [0], [0], [1], [0, 0, 1, 1], [], []>, transpose_lhs_hint = false} : vector<128x256xbf16>, vector<256x128xbf16>, vector<128x128xf32> -> vector<128x128xf32>
      %convert_element_type3A_518 = arith.truncf %dot_general3A_517 : vector<128x128xf32> to vector<128x128xbf16>
      %mul3A_519 = arith.constant 128 : i32
      %mul3A_520 = arith.muli %scan3A_491, %mul3A_519 : i32
      %swap3A_521 = arith.index_cast %mul3A_520 : i32 to index
      %swap3A_522 = arith.constant 0 : index
      %swap3A_523 = vector.load %arg25[%swap3A_521, %swap3A_522] : memref<16000x128xbf16, #tpu.memory_space<vmem>>, vector<128x128xbf16>
      tpu.vector_store %arg25[%swap3A_521, %swap3A_522], %convert_element_type3A_518 {strides = array<i32>} : memref<16000x128xbf16, #tpu.memory_space<vmem>>, vector<128x128xbf16>,
      %scan3A_524 = arith.constant 6 : i32
      %scan3A_525 = arith.addi %scan3A_321, %scan3A_524 : i32
      %mul3A_526 = arith.constant 128 : i32
      %mul3A_527 = arith.muli %scan3A_525, %mul3A_526 : i32
      %get3A_528 = arith.index_cast %mul3A_527 : i32 to index
      %get3A_529 = arith.constant 0 : index
      %get3A_530 = vector.load %arg23[%get3A_528, %get3A_529] : memref<16000x128xbf16, #tpu.memory_space<vmem>>, vector<128x128xbf16>
      %mul3A_531 = arith.constant 256 : i32
      %mul3A_532 = arith.muli %scan3A_525, %mul3A_531 : i32
      %get3A_533 = arith.index_cast %mul3A_532 : i32 to index
      %get3A_534 = arith.constant 0 : index
      %get3A_535 = vector.load %arg27[%get3A_533, %get3A_534] : memref<32000x128xbf16, #tpu.memory_space<vmem>>, vector<256x128xbf16>
      %dot_general3A_536 = arith.constant dense<0.000000e+00> : vector<256x128xf32>
      %dot_general3A_537 = tpu.matmul %get3A_535, %get3A_530, %dot_general3A_536 {dimension_numbers = #tpu.dot_dimension_numbers<[1], [0], [0], [1], [0, 0, 1, 1], [], []>, transpose_lhs_hint = false} : vector<256x128xbf16>, vector<128x128xbf16>, vector<256x128xf32> -> vector<256x128xf32>
      %convert_element_type3A_538 = arith.truncf %dot_general3A_537 : vector<256x128xf32> to vector<256x128xbf16>
      %mul3A_539 = arith.constant 256 : i32
      %mul3A_540 = arith.muli %scan3A_525, %mul3A_539 : i32
      %get3A_541 = arith.index_cast %mul3A_540 : i32 to index
      %get3A_542 = arith.constant 0 : index
      %get3A_543 = vector.load %arg24[%get3A_541, %get3A_542] : memref<32000x128xbf16, #tpu.memory_space<vmem>>, vector<256x128xbf16>
      %mul3A_544 = arith.mulf %convert_element_type3A_538, %get3A_543 : vector<256x128xbf16>
      %mul3A_545 = arith.constant 128 : i32
      %mul3A_546 = arith.muli %scan3A_525, %mul3A_545 : i32
      %get3A_547 = arith.index_cast %mul3A_546 : i32 to index
      %get3A_548 = arith.constant 0 : index
      %get3A_549 = vector.load %arg28[%get3A_547, %get3A_548] : memref<16000x256xbf16, #tpu.memory_space<vmem>>, vector<128x256xbf16>
      %dot_general3A_550 = arith.constant dense<0.000000e+00> : vector<128x128xf32>
      %dot_general3A_551 = tpu.matmul %get3A_549, %mul3A_544, %dot_general3A_550 {dimension_numbers = #tpu.dot_dimension_numbers<[1], [0], [0], [1], [0, 0, 1, 1], [], []>, transpose_lhs_hint = false} : vector<128x256xbf16>, vector<256x128xbf16>, vector<128x128xf32> -> vector<128x128xf32>
      %convert_element_type3A_552 = arith.truncf %dot_general3A_551 : vector<128x128xf32> to vector<128x128xbf16>
      %mul3A_553 = arith.constant 128 : i32
      %mul3A_554 = arith.muli %scan3A_525, %mul3A_553 : i32
      %swap3A_555 = arith.index_cast %mul3A_554 : i32 to index
      %swap3A_556 = arith.constant 0 : index
      %swap3A_557 = vector.load %arg25[%swap3A_555, %swap3A_556] : memref<16000x128xbf16, #tpu.memory_space<vmem>>, vector<128x128xbf16>
      tpu.vector_store %arg25[%swap3A_555, %swap3A_556], %convert_element_type3A_552 {strides = array<i32>} : memref<16000x128xbf16, #tpu.memory_space<vmem>>, vector<128x128xbf16>,
      %scan3A_558 = arith.constant 7 : i32
      %scan3A_559 = arith.addi %scan3A_321, %scan3A_558 : i32
      %mul3A_560 = arith.constant 128 : i32
      %mul3A_561 = arith.muli %scan3A_559, %mul3A_560 : i32
      %get3A_562 = arith.index_cast %mul3A_561 : i32 to index
      %get3A_563 = arith.constant 0 : index
      %get3A_564 = vector.load %arg23[%get3A_562, %get3A_563] : memref<16000x128xbf16, #tpu.memory_space<vmem>>, vector<128x128xbf16>
      %mul3A_565 = arith.constant 256 : i32
      %mul3A_566 = arith.muli %scan3A_559, %mul3A_565 : i32
      %get3A_567 = arith.index_cast %mul3A_566 : i32 to index
      %get3A_568 = arith.constant 0 : index
      %get3A_569 = vector.load %arg27[%get3A_567, %get3A_568] : memref<32000x128xbf16, #tpu.memory_space<vmem>>, vector<256x128xbf16>
      %dot_general3A_570 = arith.constant dense<0.000000e+00> : vector<256x128xf32>
      %dot_general3A_571 = tpu.matmul %get3A_569, %get3A_564, %dot_general3A_570 {dimension_numbers = #tpu.dot_dimension_numbers<[1], [0], [0], [1], [0, 0, 1, 1], [], []>, transpose_lhs_hint = false} : vector<256x128xbf16>, vector<128x128xbf16>, vector<256x128xf32> -> vector<256x128xf32>
      %convert_element_type3A_572 = arith.truncf %dot_general3A_571 : vector<256x128xf32> to vector<256x128xbf16>
      %mul3A_573 = arith.constant 256 : i32
      %mul3A_574 = arith.muli %scan3A_559, %mul3A_573 : i32
      %get3A_575 = arith.index_cast %mul3A_574 : i32 to index
      %get3A_576 = arith.constant 0 : index
      %get3A_577 = vector.load %arg24[%get3A_575, %get3A_576] : memref<32000x128xbf16, #tpu.memory_space<vmem>>, vector<256x128xbf16>
      %mul3A_578 = arith.mulf %convert_element_type3A_572, %get3A_577 : vector<256x128xbf16>
      %mul3A_579 = arith.constant 128 : i32
      %mul3A_580 = arith.muli %scan3A_559, %mul3A_579 : i32
      %get3A_581 = arith.index_cast %mul3A_580 : i32 to index
      %get3A_582 = arith.constant 0 : index
      %get3A_583 = vector.load %arg28[%get3A_581, %get3A_582] : memref<16000x256xbf16, #tpu.memory_space<vmem>>, vector<128x256xbf16>
      %dot_general3A_584 = arith.constant dense<0.000000e+00> : vector<128x128xf32>
      %dot_general3A_585 = tpu.matmul %get3A_583, %mul3A_578, %dot_general3A_584 {dimension_numbers = #tpu.dot_dimension_numbers<[1], [0], [0], [1], [0, 0, 1, 1], [], []>, transpose_lhs_hint = false} : vector<128x256xbf16>, vector<256x128xbf16>, vector<128x128xf32> -> vector<128x128xf32>
      %convert_element_type3A_586 = arith.truncf %dot_general3A_585 : vector<128x128xf32> to vector<128x128xbf16>
      %mul3A_587 = arith.constant 128 : i32
      %mul3A_588 = arith.muli %scan3A_559, %mul3A_587 : i32
      %swap3A_589 = arith.index_cast %mul3A_588 : i32 to index
      %swap3A_590 = arith.constant 0 : index
      %swap3A_591 = vector.load %arg25[%swap3A_589, %swap3A_590] : memref<16000x128xbf16, #tpu.memory_space<vmem>>, vector<128x128xbf16>
      tpu.vector_store %arg25[%swap3A_589, %swap3A_590], %convert_element_type3A_586 {strides = array<i32>} : memref<16000x128xbf16, #tpu.memory_space<vmem>>, vector<128x128xbf16>,
      %scan3A_592 = arith.constant 8 : i32
      %scan3A_593 = arith.addi %scan3A_321, %scan3A_592 : i32
      %mul3A_594 = arith.constant 128 : i32
      %mul3A_595 = arith.muli %scan3A_593, %mul3A_594 : i32
      %get3A_596 = arith.index_cast %mul3A_595 : i32 to index
      %get3A_597 = arith.constant 0 : index
      %get3A_598 = vector.load %arg23[%get3A_596, %get3A_597] : memref<16000x128xbf16, #tpu.memory_space<vmem>>, vector<128x128xbf16>
      %mul3A_599 = arith.constant 256 : i32
      %mul3A_600 = arith.muli %scan3A_593, %mul3A_599 : i32
      %get3A_601 = arith.index_cast %mul3A_600 : i32 to index
      %get3A_602 = arith.constant 0 : index
      %get3A_603 = vector.load %arg27[%get3A_601, %get3A_602] : memref<32000x128xbf16, #tpu.memory_space<vmem>>, vector<256x128xbf16>
      %dot_general3A_604 = arith.constant dense<0.000000e+00> : vector<256x128xf32>
      %dot_general3A_605 = tpu.matmul %get3A_603, %get3A_598, %dot_general3A_604 {dimension_numbers = #tpu.dot_dimension_numbers<[1], [0], [0], [1], [0, 0, 1, 1], [], []>, transpose_lhs_hint = false} : vector<256x128xbf16>, vector<128x128xbf16>, vector<256x128xf32> -> vector<256x128xf32>
      %convert_element_type3A_606 = arith.truncf %dot_general3A_605 : vector<256x128xf32> to vector<256x128xbf16>
      %mul3A_607 = arith.constant 256 : i32
      %mul3A_608 = arith.muli %scan3A_593, %mul3A_607 : i32
      %get3A_609 = arith.index_cast %mul3A_608 : i32 to index
      %get3A_610 = arith.constant 0 : index
      %get3A_611 = vector.load %arg24[%get3A_609, %get3A_610] : memref<32000x128xbf16, #tpu.memory_space<vmem>>, vector<256x128xbf16>
      %mul3A_612 = arith.mulf %convert_element_type3A_606, %get3A_611 : vector<256x128xbf16>
      %mul3A_613 = arith.constant 128 : i32
      %mul3A_614 = arith.muli %scan3A_593, %mul3A_613 : i32
      %get3A_615 = arith.index_cast %mul3A_614 : i32 to index
      %get3A_616 = arith.constant 0 : index
      %get3A_617 = vector.load %arg28[%get3A_615, %get3A_616] : memref<16000x256xbf16, #tpu.memory_space<vmem>>, vector<128x256xbf16>
      %dot_general3A_618 = arith.constant dense<0.000000e+00> : vector<128x128xf32>
      %dot_general3A_619 = tpu.matmul %get3A_617, %mul3A_612, %dot_general3A_618 {dimension_numbers = #tpu.dot_dimension_numbers<[1], [0], [0], [1], [0, 0, 1, 1], [], []>, transpose_lhs_hint = false} : vector<128x256xbf16>, vector<256x128xbf16>, vector<128x128xf32> -> vector<128x128xf32>
      %convert_element_type3A_620 = arith.truncf %dot_general3A_619 : vector<128x128xf32> to vector<128x128xbf16>
      %mul3A_621 = arith.constant 128 : i32
      %mul3A_622 = arith.muli %scan3A_593, %mul3A_621 : i32
      %swap3A_623 = arith.index_cast %mul3A_622 : i32 to index
      %swap3A_624 = arith.constant 0 : index
      %swap3A_625 = vector.load %arg25[%swap3A_623, %swap3A_624] : memref<16000x128xbf16, #tpu.memory_space<vmem>>, vector<128x128xbf16>
      tpu.vector_store %arg25[%swap3A_623, %swap3A_624], %convert_element_type3A_620 {strides = array<i32>} : memref<16000x128xbf16, #tpu.memory_space<vmem>>, vector<128x128xbf16>,
      %scan3A_626 = arith.constant 9 : i32
      %scan3A_627 = arith.addi %scan3A_321, %scan3A_626 : i32
      %mul3A_628 = arith.constant 128 : i32
      %mul3A_629 = arith.muli %scan3A_627, %mul3A_628 : i32
      %get3A_630 = arith.index_cast %mul3A_629 : i32 to index
      %get3A_631 = arith.constant 0 : index
      %get3A_632 = vector.load %arg23[%get3A_630, %get3A_631] : memref<16000x128xbf16, #tpu.memory_space<vmem>>, vector<128x128xbf16>
      %mul3A_633 = arith.constant 256 : i32
      %mul3A_634 = arith.muli %scan3A_627, %mul3A_633 : i32
      %get3A_635 = arith.index_cast %mul3A_634 : i32 to index
      %get3A_636 = arith.constant 0 : index
      %get3A_637 = vector.load %arg27[%get3A_635, %get3A_636] : memref<32000x128xbf16, #tpu.memory_space<vmem>>, vector<256x128xbf16>
      %dot_general3A_638 = arith.constant dense<0.000000e+00> : vector<256x128xf32>
      %dot_general3A_639 = tpu.matmul %get3A_637, %get3A_632, %dot_general3A_638 {dimension_numbers = #tpu.dot_dimension_numbers<[1], [0], [0], [1], [0, 0, 1, 1], [], []>, transpose_lhs_hint = false} : vector<256x128xbf16>, vector<128x128xbf16>, vector<256x128xf32> -> vector<256x128xf32>
      %convert_element_type3A_640 = arith.truncf %dot_general3A_639 : vector<256x128xf32> to vector<256x128xbf16>
      %mul3A_641 = arith.constant 256 : i32
      %mul3A_642 = arith.muli %scan3A_627, %mul3A_641 : i32
      %get3A_643 = arith.index_cast %mul3A_642 : i32 to index
      %get3A_644 = arith.constant 0 : index
      %get3A_645 = vector.load %arg24[%get3A_643, %get3A_644] : memref<32000x128xbf16, #tpu.memory_space<vmem>>, vector<256x128xbf16>
      %mul3A_646 = arith.mulf %convert_element_type3A_640, %get3A_645 : vector<256x128xbf16>
      %mul3A_647 = arith.constant 128 : i32
      %mul3A_648 = arith.muli %scan3A_627, %mul3A_647 : i32
      %get3A_649 = arith.index_cast %mul3A_648 : i32 to index
      %get3A_650 = arith.constant 0 : index
      %get3A_651 = vector.load %arg28[%get3A_649, %get3A_650] : memref<16000x256xbf16, #tpu.memory_space<vmem>>, vector<128x256xbf16>
      %dot_general3A_652 = arith.constant dense<0.000000e+00> : vector<128x128xf32>
      %dot_general3A_653 = tpu.matmul %get3A_651, %mul3A_646, %dot_general3A_652 {dimension_numbers = #tpu.dot_dimension_numbers<[1], [0], [0], [1], [0, 0, 1, 1], [], []>, transpose_lhs_hint = false} : vector<128x256xbf16>, vector<256x128xbf16>, vector<128x128xf32> -> vector<128x128xf32>
      %convert_element_type3A_654 = arith.truncf %dot_general3A_653 : vector<128x128xf32> to vector<128x128xbf16>
      %mul3A_655 = arith.constant 128 : i32
      %mul3A_656 = arith.muli %scan3A_627, %mul3A_655 : i32
      %swap3A_657 = arith.index_cast %mul3A_656 : i32 to index
      %swap3A_658 = arith.constant 0 : index
      %swap3A_659 = vector.load %arg25[%swap3A_657, %swap3A_658] : memref<16000x128xbf16, #tpu.memory_space<vmem>>, vector<128x128xbf16>
      tpu.vector_store %arg25[%swap3A_657, %swap3A_658], %convert_element_type3A_654 {strides = array<i32>} : memref<16000x128xbf16, #tpu.memory_space<vmem>>, vector<128x128xbf16>,
      %scan3A_660 = arith.constant 10 : i32
      %scan3A_661 = arith.addi %scan3A_321, %scan3A_660 : i32
      %mul3A_662 = arith.constant 128 : i32
      %mul3A_663 = arith.muli %scan3A_661, %mul3A_662 : i32
      %get3A_664 = arith.index_cast %mul3A_663 : i32 to index
      %get3A_665 = arith.constant 0 : index
      %get3A_666 = vector.load %arg23[%get3A_664, %get3A_665] : memref<16000x128xbf16, #tpu.memory_space<vmem>>, vector<128x128xbf16>
      %mul3A_667 = arith.constant 256 : i32
      %mul3A_668 = arith.muli %scan3A_661, %mul3A_667 : i32
      %get3A_669 = arith.index_cast %mul3A_668 : i32 to index
      %get3A_670 = arith.constant 0 : index
      %get3A_671 = vector.load %arg27[%get3A_669, %get3A_670] : memref<32000x128xbf16, #tpu.memory_space<vmem>>, vector<256x128xbf16>
      %dot_general3A_672 = arith.constant dense<0.000000e+00> : vector<256x128xf32>
      %dot_general3A_673 = tpu.matmul %get3A_671, %get3A_666, %dot_general3A_672 {dimension_numbers = #tpu.dot_dimension_numbers<[1], [0], [0], [1], [0, 0, 1, 1], [], []>, transpose_lhs_hint = false} : vector<256x128xbf16>, vector<128x128xbf16>, vector<256x128xf32> -> vector<256x128xf32>
      %convert_element_type3A_674 = arith.truncf %dot_general3A_673 : vector<256x128xf32> to vector<256x128xbf16>
      %mul3A_675 = arith.constant 256 : i32
      %mul3A_676 = arith.muli %scan3A_661, %mul3A_675 : i32
      %get3A_677 = arith.index_cast %mul3A_676 : i32 to index
      %get3A_678 = arith.constant 0 : index
      %get3A_679 = vector.load %arg24[%get3A_677, %get3A_678] : memref<32000x128xbf16, #tpu.memory_space<vmem>>, vector<256x128xbf16>
      %mul3A_680 = arith.mulf %convert_element_type3A_674, %get3A_679 : vector<256x128xbf16>
      %mul3A_681 = arith.constant 128 : i32
      %mul3A_682 = arith.muli %scan3A_661, %mul3A_681 : i32
      %get3A_683 = arith.index_cast %mul3A_682 : i32 to index
      %get3A_684 = arith.constant 0 : index
      %get3A_685 = vector.load %arg28[%get3A_683, %get3A_684] : memref<16000x256xbf16, #tpu.memory_space<vmem>>, vector<128x256xbf16>
      %dot_general3A_686 = arith.constant dense<0.000000e+00> : vector<128x128xf32>
      %dot_general3A_687 = tpu.matmul %get3A_685, %mul3A_680, %dot_general3A_686 {dimension_numbers = #tpu.dot_dimension_numbers<[1], [0], [0], [1], [0, 0, 1, 1], [], []>, transpose_lhs_hint = false} : vector<128x256xbf16>, vector<256x128xbf16>, vector<128x128xf32> -> vector<128x128xf32>
      %convert_element_type3A_688 = arith.truncf %dot_general3A_687 : vector<128x128xf32> to vector<128x128xbf16>
      %mul3A_689 = arith.constant 128 : i32
      %mul3A_690 = arith.muli %scan3A_661, %mul3A_689 : i32
      %swap3A_691 = arith.index_cast %mul3A_690 : i32 to index
      %swap3A_692 = arith.constant 0 : index
      %swap3A_693 = vector.load %arg25[%swap3A_691, %swap3A_692] : memref<16000x128xbf16, #tpu.memory_space<vmem>>, vector<128x128xbf16>
      tpu.vector_store %arg25[%swap3A_691, %swap3A_692], %convert_element_type3A_688 {strides = array<i32>} : memref<16000x128xbf16, #tpu.memory_space<vmem>>, vector<128x128xbf16>,
      %scan3A_694 = arith.constant 11 : i32
      %scan3A_695 = arith.addi %scan3A_321, %scan3A_694 : i32
      %mul3A_696 = arith.constant 128 : i32
      %mul3A_697 = arith.muli %scan3A_695, %mul3A_696 : i32
      %get3A_698 = arith.index_cast %mul3A_697 : i32 to index
      %get3A_699 = arith.constant 0 : index
      %get3A_700 = vector.load %arg23[%get3A_698, %get3A_699] : memref<16000x128xbf16, #tpu.memory_space<vmem>>, vector<128x128xbf16>
      %mul3A_701 = arith.constant 256 : i32
      %mul3A_702 = arith.muli %scan3A_695, %mul3A_701 : i32
      %get3A_703 = arith.index_cast %mul3A_702 : i32 to index
      %get3A_704 = arith.constant 0 : index
      %get3A_705 = vector.load %arg27[%get3A_703, %get3A_704] : memref<32000x128xbf16, #tpu.memory_space<vmem>>, vector<256x128xbf16>
      %dot_general3A_706 = arith.constant dense<0.000000e+00> : vector<256x128xf32>
      %dot_general3A_707 = tpu.matmul %get3A_705, %get3A_700, %dot_general3A_706 {dimension_numbers = #tpu.dot_dimension_numbers<[1], [0], [0], [1], [0, 0, 1, 1], [], []>, transpose_lhs_hint = false} : vector<256x128xbf16>, vector<128x128xbf16>, vector<256x128xf32> -> vector<256x128xf32>
      %convert_element_type3A_708 = arith.truncf %dot_general3A_707 : vector<256x128xf32> to vector<256x128xbf16>
      %mul3A_709 = arith.constant 256 : i32
      %mul3A_710 = arith.muli %scan3A_695, %mul3A_709 : i32
      %get3A_711 = arith.index_cast %mul3A_710 : i32 to index
      %get3A_712 = arith.constant 0 : index
      %get3A_713 = vector.load %arg24[%get3A_711, %get3A_712] : memref<32000x128xbf16, #tpu.memory_space<vmem>>, vector<256x128xbf16>
      %mul3A_714 = arith.mulf %convert_element_type3A_708, %get3A_713 : vector<256x128xbf16>
      %mul3A_715 = arith.constant 128 : i32
      %mul3A_716 = arith.muli %scan3A_695, %mul3A_715 : i32
      %get3A_717 = arith.index_cast %mul3A_716 : i32 to index
      %get3A_718 = arith.constant 0 : index
      %get3A_719 = vector.load %arg28[%get3A_717, %get3A_718] : memref<16000x256xbf16, #tpu.memory_space<vmem>>, vector<128x256xbf16>
      %dot_general3A_720 = arith.constant dense<0.000000e+00> : vector<128x128xf32>
      %dot_general3A_721 = tpu.matmul %get3A_719, %mul3A_714, %dot_general3A_720 {dimension_numbers = #tpu.dot_dimension_numbers<[1], [0], [0], [1], [0, 0, 1, 1], [], []>, transpose_lhs_hint = false} : vector<128x256xbf16>, vector<256x128xbf16>, vector<128x128xf32> -> vector<128x128xf32>
      %convert_element_type3A_722 = arith.truncf %dot_general3A_721 : vector<128x128xf32> to vector<128x128xbf16>
      %mul3A_723 = arith.constant 128 : i32
      %mul3A_724 = arith.muli %scan3A_695, %mul3A_723 : i32
      %swap3A_725 = arith.index_cast %mul3A_724 : i32 to index
      %swap3A_726 = arith.constant 0 : index
      %swap3A_727 = vector.load %arg25[%swap3A_725, %swap3A_726] : memref<16000x128xbf16, #tpu.memory_space<vmem>>, vector<128x128xbf16>
      tpu.vector_store %arg25[%swap3A_725, %swap3A_726], %convert_element_type3A_722 {strides = array<i32>} : memref<16000x128xbf16, #tpu.memory_space<vmem>>, vector<128x128xbf16>,
      %scan3A_728 = arith.constant 12 : i32
      %scan3A_729 = arith.addi %scan3A_321, %scan3A_728 : i32
      %mul3A_730 = arith.constant 128 : i32
      %mul3A_731 = arith.muli %scan3A_729, %mul3A_730 : i32
      %get3A_732 = arith.index_cast %mul3A_731 : i32 to index
      %get3A_733 = arith.constant 0 : index
      %get3A_734 = vector.load %arg23[%get3A_732, %get3A_733] : memref<16000x128xbf16, #tpu.memory_space<vmem>>, vector<128x128xbf16>
      %mul3A_735 = arith.constant 256 : i32
      %mul3A_736 = arith.muli %scan3A_729, %mul3A_735 : i32
      %get3A_737 = arith.index_cast %mul3A_736 : i32 to index
      %get3A_738 = arith.constant 0 : index
      %get3A_739 = vector.load %arg27[%get3A_737, %get3A_738] : memref<32000x128xbf16, #tpu.memory_space<vmem>>, vector<256x128xbf16>
      %dot_general3A_740 = arith.constant dense<0.000000e+00> : vector<256x128xf32>
      %dot_general3A_741 = tpu.matmul %get3A_739, %get3A_734, %dot_general3A_740 {dimension_numbers = #tpu.dot_dimension_numbers<[1], [0], [0], [1], [0, 0, 1, 1], [], []>, transpose_lhs_hint = false} : vector<256x128xbf16>, vector<128x128xbf16>, vector<256x128xf32> -> vector<256x128xf32>
      %convert_element_type3A_742 = arith.truncf %dot_general3A_741 : vector<256x128xf32> to vector<256x128xbf16>
      %mul3A_743 = arith.constant 256 : i32
      %mul3A_744 = arith.muli %scan3A_729, %mul3A_743 : i32
      %get3A_745 = arith.index_cast %mul3A_744 : i32 to index
      %get3A_746 = arith.constant 0 : index
      %get3A_747 = vector.load %arg24[%get3A_745, %get3A_746] : memref<32000x128xbf16, #tpu.memory_space<vmem>>, vector<256x128xbf16>
      %mul3A_748 = arith.mulf %convert_element_type3A_742, %get3A_747 : vector<256x128xbf16>
      %mul3A_749 = arith.constant 128 : i32
      %mul3A_750 = arith.muli %scan3A_729, %mul3A_749 : i32
      %get3A_751 = arith.index_cast %mul3A_750 : i32 to index
      %get3A_752 = arith.constant 0 : index
      %get3A_753 = vector.load %arg28[%get3A_751, %get3A_752] : memref<16000x256xbf16, #tpu.memory_space<vmem>>, vector<128x256xbf16>
      %dot_general3A_754 = arith.constant dense<0.000000e+00> : vector<128x128xf32>
      %dot_general3A_755 = tpu.matmul %get3A_753, %mul3A_748, %dot_general3A_754 {dimension_numbers = #tpu.dot_dimension_numbers<[1], [0], [0], [1], [0, 0, 1, 1], [], []>, transpose_lhs_hint = false} : vector<128x256xbf16>, vector<256x128xbf16>, vector<128x128xf32> -> vector<128x128xf32>
      %convert_element_type3A_756 = arith.truncf %dot_general3A_755 : vector<128x128xf32> to vector<128x128xbf16>
      %mul3A_757 = arith.constant 128 : i32
      %mul3A_758 = arith.muli %scan3A_729, %mul3A_757 : i32
      %swap3A_759 = arith.index_cast %mul3A_758 : i32 to index
      %swap3A_760 = arith.constant 0 : index
      %swap3A_761 = vector.load %arg25[%swap3A_759, %swap3A_760] : memref<16000x128xbf16, #tpu.memory_space<vmem>>, vector<128x128xbf16>
      tpu.vector_store %arg25[%swap3A_759, %swap3A_760], %convert_element_type3A_756 {strides = array<i32>} : memref<16000x128xbf16, #tpu.memory_space<vmem>>, vector<128x128xbf16>,
      %scan3A_762 = arith.constant 13 : i32
      %scan3A_763 = arith.addi %scan3A_321, %scan3A_762 : i32
      %mul3A_764 = arith.constant 128 : i32
      %mul3A_765 = arith.muli %scan3A_763, %mul3A_764 : i32
      %get3A_766 = arith.index_cast %mul3A_765 : i32 to index
      %get3A_767 = arith.constant 0 : index
      %get3A_768 = vector.load %arg23[%get3A_766, %get3A_767] : memref<16000x128xbf16, #tpu.memory_space<vmem>>, vector<128x128xbf16>
      %mul3A_769 = arith.constant 256 : i32
      %mul3A_770 = arith.muli %scan3A_763, %mul3A_769 : i32
      %get3A_771 = arith.index_cast %mul3A_770 : i32 to index
      %get3A_772 = arith.constant 0 : index
      %get3A_773 = vector.load %arg27[%get3A_771, %get3A_772] : memref<32000x128xbf16, #tpu.memory_space<vmem>>, vector<256x128xbf16>
      %dot_general3A_774 = arith.constant dense<0.000000e+00> : vector<256x128xf32>
      %dot_general3A_775 = tpu.matmul %get3A_773, %get3A_768, %dot_general3A_774 {dimension_numbers = #tpu.dot_dimension_numbers<[1], [0], [0], [1], [0, 0, 1, 1], [], []>, transpose_lhs_hint = false} : vector<256x128xbf16>, vector<128x128xbf16>, vector<256x128xf32> -> vector<256x128xf32>
      %convert_element_type3A_776 = arith.truncf %dot_general3A_775 : vector<256x128xf32> to vector<256x128xbf16>
      %mul3A_777 = arith.constant 256 : i32
      %mul3A_778 = arith.muli %scan3A_763, %mul3A_777 : i32
      %get3A_779 = arith.index_cast %mul3A_778 : i32 to index
      %get3A_780 = arith.constant 0 : index
      %get3A_781 = vector.load %arg24[%get3A_779, %get3A_780] : memref<32000x128xbf16, #tpu.memory_space<vmem>>, vector<256x128xbf16>
      %mul3A_782 = arith.mulf %convert_element_type3A_776, %get3A_781 : vector<256x128xbf16>
      %mul3A_783 = arith.constant 128 : i32
      %mul3A_784 = arith.muli %scan3A_763, %mul3A_783 : i32
      %get3A_785 = arith.index_cast %mul3A_784 : i32 to index
      %get3A_786 = arith.constant 0 : index
      %get3A_787 = vector.load %arg28[%get3A_785, %get3A_786] : memref<16000x256xbf16, #tpu.memory_space<vmem>>, vector<128x256xbf16>
      %dot_general3A_788 = arith.constant dense<0.000000e+00> : vector<128x128xf32>
      %dot_general3A_789 = tpu.matmul %get3A_787, %mul3A_782, %dot_general3A_788 {dimension_numbers = #tpu.dot_dimension_numbers<[1], [0], [0], [1], [0, 0, 1, 1], [], []>, transpose_lhs_hint = false} : vector<128x256xbf16>, vector<256x128xbf16>, vector<128x128xf32> -> vector<128x128xf32>
      %convert_element_type3A_790 = arith.truncf %dot_general3A_789 : vector<128x128xf32> to vector<128x128xbf16>
      %mul3A_791 = arith.constant 128 : i32
      %mul3A_792 = arith.muli %scan3A_763, %mul3A_791 : i32
      %swap3A_793 = arith.index_cast %mul3A_792 : i32 to index
      %swap3A_794 = arith.constant 0 : index
      %swap3A_795 = vector.load %arg25[%swap3A_793, %swap3A_794] : memref<16000x128xbf16, #tpu.memory_space<vmem>>, vector<128x128xbf16>
      tpu.vector_store %arg25[%swap3A_793, %swap3A_794], %convert_element_type3A_790 {strides = array<i32>} : memref<16000x128xbf16, #tpu.memory_space<vmem>>, vector<128x128xbf16>,
      %scan3A_796 = arith.constant 14 : i32
      %scan3A_797 = arith.addi %scan3A_321, %scan3A_796 : i32
      %mul3A_798 = arith.constant 128 : i32
      %mul3A_799 = arith.muli %scan3A_797, %mul3A_798 : i32
      %get3A_800 = arith.index_cast %mul3A_799 : i32 to index
      %get3A_801 = arith.constant 0 : index
      %get3A_802 = vector.load %arg23[%get3A_800, %get3A_801] : memref<16000x128xbf16, #tpu.memory_space<vmem>>, vector<128x128xbf16>
      %mul3A_803 = arith.constant 256 : i32
      %mul3A_804 = arith.muli %scan3A_797, %mul3A_803 : i32
      %get3A_805 = arith.index_cast %mul3A_804 : i32 to index
      %get3A_806 = arith.constant 0 : index
      %get3A_807 = vector.load %arg27[%get3A_805, %get3A_806] : memref<32000x128xbf16, #tpu.memory_space<vmem>>, vector<256x128xbf16>
      %dot_general3A_808 = arith.constant dense<0.000000e+00> : vector<256x128xf32>
      %dot_general3A_809 = tpu.matmul %get3A_807, %get3A_802, %dot_general3A_808 {dimension_numbers = #tpu.dot_dimension_numbers<[1], [0], [0], [1], [0, 0, 1, 1], [], []>, transpose_lhs_hint = false} : vector<256x128xbf16>, vector<128x128xbf16>, vector<256x128xf32> -> vector<256x128xf32>
      %convert_element_type3A_810 = arith.truncf %dot_general3A_809 : vector<256x128xf32> to vector<256x128xbf16>
      %mul3A_811 = arith.constant 256 : i32
      %mul3A_812 = arith.muli %scan3A_797, %mul3A_811 : i32
      %get3A_813 = arith.index_cast %mul3A_812 : i32 to index
      %get3A_814 = arith.constant 0 : index
      %get3A_815 = vector.load %arg24[%get3A_813, %get3A_814] : memref<32000x128xbf16, #tpu.memory_space<vmem>>, vector<256x128xbf16>
      %mul3A_816 = arith.mulf %convert_element_type3A_810, %get3A_815 : vector<256x128xbf16>
      %mul3A_817 = arith.constant 128 : i32
      %mul3A_818 = arith.muli %scan3A_797, %mul3A_817 : i32
      %get3A_819 = arith.index_cast %mul3A_818 : i32 to index
      %get3A_820 = arith.constant 0 : index
      %get3A_821 = vector.load %arg28[%get3A_819, %get3A_820] : memref<16000x256xbf16, #tpu.memory_space<vmem>>, vector<128x256xbf16>
      %dot_general3A_822 = arith.constant dense<0.000000e+00> : vector<128x128xf32>
      %dot_general3A_823 = tpu.matmul %get3A_821, %mul3A_816, %dot_general3A_822 {dimension_numbers = #tpu.dot_dimension_numbers<[1], [0], [0], [1], [0, 0, 1, 1], [], []>, transpose_lhs_hint = false} : vector<128x256xbf16>, vector<256x128xbf16>, vector<128x128xf32> -> vector<128x128xf32>
      %convert_element_type3A_824 = arith.truncf %dot_general3A_823 : vector<128x128xf32> to vector<128x128xbf16>
      %mul3A_825 = arith.constant 128 : i32
      %mul3A_826 = arith.muli %scan3A_797, %mul3A_825 : i32
      %swap3A_827 = arith.index_cast %mul3A_826 : i32 to index
      %swap3A_828 = arith.constant 0 : index
      %swap3A_829 = vector.load %arg25[%swap3A_827, %swap3A_828] : memref<16000x128xbf16, #tpu.memory_space<vmem>>, vector<128x128xbf16>
      tpu.vector_store %arg25[%swap3A_827, %swap3A_828], %convert_element_type3A_824 {strides = array<i32>} : memref<16000x128xbf16, #tpu.memory_space<vmem>>, vector<128x128xbf16>,
      %scan3A_830 = arith.constant 15 : i32
      %scan3A_831 = arith.addi %scan3A_321, %scan3A_830 : i32
      %mul3A_832 = arith.constant 128 : i32
      %mul3A_833 = arith.muli %scan3A_831, %mul3A_832 : i32
      %get3A_834 = arith.index_cast %mul3A_833 : i32 to index
      %get3A_835 = arith.constant 0 : index
      %get3A_836 = vector.load %arg23[%get3A_834, %get3A_835] : memref<16000x128xbf16, #tpu.memory_space<vmem>>, vector<128x128xbf16>
      %mul3A_837 = arith.constant 256 : i32
      %mul3A_838 = arith.muli %scan3A_831, %mul3A_837 : i32
      %get3A_839 = arith.index_cast %mul3A_838 : i32 to index
      %get3A_840 = arith.constant 0 : index
      %get3A_841 = vector.load %arg27[%get3A_839, %get3A_840] : memref<32000x128xbf16, #tpu.memory_space<vmem>>, vector<256x128xbf16>
      %dot_general3A_842 = arith.constant dense<0.000000e+00> : vector<256x128xf32>
      %dot_general3A_843 = tpu.matmul %get3A_841, %get3A_836, %dot_general3A_842 {dimension_numbers = #tpu.dot_dimension_numbers<[1], [0], [0], [1], [0, 0, 1, 1], [], []>, transpose_lhs_hint = false} : vector<256x128xbf16>, vector<128x128xbf16>, vector<256x128xf32> -> vector<256x128xf32>
      %convert_element_type3A_844 = arith.truncf %dot_general3A_843 : vector<256x128xf32> to vector<256x128xbf16>
      %mul3A_845 = arith.constant 256 : i32
      %mul3A_846 = arith.muli %scan3A_831, %mul3A_845 : i32
      %get3A_847 = arith.index_cast %mul3A_846 : i32 to index
      %get3A_848 = arith.constant 0 : index
      %get3A_849 = vector.load %arg24[%get3A_847, %get3A_848] : memref<32000x128xbf16, #tpu.memory_space<vmem>>, vector<256x128xbf16>
      %mul3A_850 = arith.mulf %convert_element_type3A_844, %get3A_849 : vector<256x128xbf16>
      %mul3A_851 = arith.constant 128 : i32
      %mul3A_852 = arith.muli %scan3A_831, %mul3A_851 : i32
      %get3A_853 = arith.index_cast %mul3A_852 : i32 to index
      %get3A_854 = arith.constant 0 : index
      %get3A_855 = vector.load %arg28[%get3A_853, %get3A_854] : memref<16000x256xbf16, #tpu.memory_space<vmem>>, vector<128x256xbf16>
      %dot_general3A_856 = arith.constant dense<0.000000e+00> : vector<128x128xf32>
      %dot_general3A_857 = tpu.matmul %get3A_855, %mul3A_850, %dot_general3A_856 {dimension_numbers = #tpu.dot_dimension_numbers<[1], [0], [0], [1], [0, 0, 1, 1], [], []>, transpose_lhs_hint = false} : vector<128x256xbf16>, vector<256x128xbf16>, vector<128x128xf32> -> vector<128x128xf32>
      %convert_element_type3A_858 = arith.truncf %dot_general3A_857 : vector<128x128xf32> to vector<128x128xbf16>
      %mul3A_859 = arith.constant 128 : i32
      %mul3A_860 = arith.muli %scan3A_831, %mul3A_859 : i32
      %swap3A_861 = arith.index_cast %mul3A_860 : i32 to index
      %swap3A_862 = arith.constant 0 : index
      %swap3A_863 = vector.load %arg25[%swap3A_861, %swap3A_862] : memref<16000x128xbf16, #tpu.memory_space<vmem>>, vector<128x128xbf16>
      tpu.vector_store %arg25[%swap3A_861, %swap3A_862], %convert_element_type3A_858 {strides = array<i32>} : memref<16000x128xbf16, #tpu.memory_space<vmem>>, vector<128x128xbf16>,
      %scan3A_864 = arith.constant 16 : i32
      %scan3A_865 = arith.addi %scan3A_321, %scan3A_864 : i32
      %mul3A_866 = arith.constant 128 : i32
      %mul3A_867 = arith.muli %scan3A_865, %mul3A_866 : i32
      %get3A_868 = arith.index_cast %mul3A_867 : i32 to index
      %get3A_869 = arith.constant 0 : index
      %get3A_870 = vector.load %arg23[%get3A_868, %get3A_869] : memref<16000x128xbf16, #tpu.memory_space<vmem>>, vector<128x128xbf16>
      %mul3A_871 = arith.constant 256 : i32
      %mul3A_872 = arith.muli %scan3A_865, %mul3A_871 : i32
      %get3A_873 = arith.index_cast %mul3A_872 : i32 to index
      %get3A_874 = arith.constant 0 : index
      %get3A_875 = vector.load %arg27[%get3A_873, %get3A_874] : memref<32000x128xbf16, #tpu.memory_space<vmem>>, vector<256x128xbf16>
      %dot_general3A_876 = arith.constant dense<0.000000e+00> : vector<256x128xf32>
      %dot_general3A_877 = tpu.matmul %get3A_875, %get3A_870, %dot_general3A_876 {dimension_numbers = #tpu.dot_dimension_numbers<[1], [0], [0], [1], [0, 0, 1, 1], [], []>, transpose_lhs_hint = false} : vector<256x128xbf16>, vector<128x128xbf16>, vector<256x128xf32> -> vector<256x128xf32>
      %convert_element_type3A_878 = arith.truncf %dot_general3A_877 : vector<256x128xf32> to vector<256x128xbf16>
      %mul3A_879 = arith.constant 256 : i32
      %mul3A_880 = arith.muli %scan3A_865, %mul3A_879 : i32
      %get3A_881 = arith.index_cast %mul3A_880 : i32 to index
      %get3A_882 = arith.constant 0 : index
      %get3A_883 = vector.load %arg24[%get3A_881, %get3A_882] : memref<32000x128xbf16, #tpu.memory_space<vmem>>, vector<256x128xbf16>
      %mul3A_884 = arith.mulf %convert_element_type3A_878, %get3A_883 : vector<256x128xbf16>
      %mul3A_885 = arith.constant 128 : i32
      %mul3A_886 = arith.muli %scan3A_865, %mul3A_885 : i32
      %get3A_887 = arith.index_cast %mul3A_886 : i32 to index
      %get3A_888 = arith.constant 0 : index
      %get3A_889 = vector.load %arg28[%get3A_887, %get3A_888] : memref<16000x256xbf16, #tpu.memory_space<vmem>>, vector<128x256xbf16>
      %dot_general3A_890 = arith.constant dense<0.000000e+00> : vector<128x128xf32>
      %dot_general3A_891 = tpu.matmul %get3A_889, %mul3A_884, %dot_general3A_890 {dimension_numbers = #tpu.dot_dimension_numbers<[1], [0], [0], [1], [0, 0, 1, 1], [], []>, transpose_lhs_hint = false} : vector<128x256xbf16>, vector<256x128xbf16>, vector<128x128xf32> -> vector<128x128xf32>
      %convert_element_type3A_892 = arith.truncf %dot_general3A_891 : vector<128x128xf32> to vector<128x128xbf16>
      %mul3A_893 = arith.constant 128 : i32
      %mul3A_894 = arith.muli %scan3A_865, %mul3A_893 : i32
      %swap3A_895 = arith.index_cast %mul3A_894 : i32 to index
      %swap3A_896 = arith.constant 0 : index
      %swap3A_897 = vector.load %arg25[%swap3A_895, %swap3A_896] : memref<16000x128xbf16, #tpu.memory_space<vmem>>, vector<128x128xbf16>
      tpu.vector_store %arg25[%swap3A_895, %swap3A_896], %convert_element_type3A_892 {strides = array<i32>} : memref<16000x128xbf16, #tpu.memory_space<vmem>>, vector<128x128xbf16>,
      %scan3A_898 = arith.constant 17 : i32
      %scan3A_899 = arith.addi %scan3A_321, %scan3A_898 : i32
      %mul3A_900 = arith.constant 128 : i32
      %mul3A_901 = arith.muli %scan3A_899, %mul3A_900 : i32
      %get3A_902 = arith.index_cast %mul3A_901 : i32 to index
      %get3A_903 = arith.constant 0 : index
      %get3A_904 = vector.load %arg23[%get3A_902, %get3A_903] : memref<16000x128xbf16, #tpu.memory_space<vmem>>, vector<128x128xbf16>
      %mul3A_905 = arith.constant 256 : i32
      %mul3A_906 = arith.muli %scan3A_899, %mul3A_905 : i32
      %get3A_907 = arith.index_cast %mul3A_906 : i32 to index
      %get3A_908 = arith.constant 0 : index
      %get3A_909 = vector.load %arg27[%get3A_907, %get3A_908] : memref<32000x128xbf16, #tpu.memory_space<vmem>>, vector<256x128xbf16>
      %dot_general3A_910 = arith.constant dense<0.000000e+00> : vector<256x128xf32>
      %dot_general3A_911 = tpu.matmul %get3A_909, %get3A_904, %dot_general3A_910 {dimension_numbers = #tpu.dot_dimension_numbers<[1], [0], [0], [1], [0, 0, 1, 1], [], []>, transpose_lhs_hint = false} : vector<256x128xbf16>, vector<128x128xbf16>, vector<256x128xf32> -> vector<256x128xf32>
      %convert_element_type3A_912 = arith.truncf %dot_general3A_911 : vector<256x128xf32> to vector<256x128xbf16>
      %mul3A_913 = arith.constant 256 : i32
      %mul3A_914 = arith.muli %scan3A_899, %mul3A_913 : i32
      %get3A_915 = arith.index_cast %mul3A_914 : i32 to index
      %get3A_916 = arith.constant 0 : index
      %get3A_917 = vector.load %arg24[%get3A_915, %get3A_916] : memref<32000x128xbf16, #tpu.memory_space<vmem>>, vector<256x128xbf16>
      %mul3A_918 = arith.mulf %convert_element_type3A_912, %get3A_917 : vector<256x128xbf16>
      %mul3A_919 = arith.constant 128 : i32
      %mul3A_920 = arith.muli %scan3A_899, %mul3A_919 : i32
      %get3A_921 = arith.index_cast %mul3A_920 : i32 to index
      %get3A_922 = arith.constant 0 : index
      %get3A_923 = vector.load %arg28[%get3A_921, %get3A_922] : memref<16000x256xbf16, #tpu.memory_space<vmem>>, vector<128x256xbf16>
      %dot_general3A_924 = arith.constant dense<0.000000e+00> : vector<128x128xf32>
      %dot_general3A_925 = tpu.matmul %get3A_923, %mul3A_918, %dot_general3A_924 {dimension_numbers = #tpu.dot_dimension_numbers<[1], [0], [0], [1], [0, 0, 1, 1], [], []>, transpose_lhs_hint = false} : vector<128x256xbf16>, vector<256x128xbf16>, vector<128x128xf32> -> vector<128x128xf32>
      %convert_element_type3A_926 = arith.truncf %dot_general3A_925 : vector<128x128xf32> to vector<128x128xbf16>
      %mul3A_927 = arith.constant 128 : i32
      %mul3A_928 = arith.muli %scan3A_899, %mul3A_927 : i32
      %swap3A_929 = arith.index_cast %mul3A_928 : i32 to index
      %swap3A_930 = arith.constant 0 : index
      %swap3A_931 = vector.load %arg25[%swap3A_929, %swap3A_930] : memref<16000x128xbf16, #tpu.memory_space<vmem>>, vector<128x128xbf16>
      tpu.vector_store %arg25[%swap3A_929, %swap3A_930], %convert_element_type3A_926 {strides = array<i32>} : memref<16000x128xbf16, #tpu.memory_space<vmem>>, vector<128x128xbf16>,
      %scan3A_932 = arith.constant 18 : i32
      %scan3A_933 = arith.addi %scan3A_321, %scan3A_932 : i32
      %mul3A_934 = arith.constant 128 : i32
      %mul3A_935 = arith.muli %scan3A_933, %mul3A_934 : i32
      %get3A_936 = arith.index_cast %mul3A_935 : i32 to index
      %get3A_937 = arith.constant 0 : index
      %get3A_938 = vector.load %arg23[%get3A_936, %get3A_937] : memref<16000x128xbf16, #tpu.memory_space<vmem>>, vector<128x128xbf16>
      %mul3A_939 = arith.constant 256 : i32
      %mul3A_940 = arith.muli %scan3A_933, %mul3A_939 : i32
      %get3A_941 = arith.index_cast %mul3A_940 : i32 to index
      %get3A_942 = arith.constant 0 : index
      %get3A_943 = vector.load %arg27[%get3A_941, %get3A_942] : memref<32000x128xbf16, #tpu.memory_space<vmem>>, vector<256x128xbf16>
      %dot_general3A_944 = arith.constant dense<0.000000e+00> : vector<256x128xf32>
      %dot_general3A_945 = tpu.matmul %get3A_943, %get3A_938, %dot_general3A_944 {dimension_numbers = #tpu.dot_dimension_numbers<[1], [0], [0], [1], [0, 0, 1, 1], [], []>, transpose_lhs_hint = false} : vector<256x128xbf16>, vector<128x128xbf16>, vector<256x128xf32> -> vector<256x128xf32>
      %convert_element_type3A_946 = arith.truncf %dot_general3A_945 : vector<256x128xf32> to vector<256x128xbf16>
      %mul3A_947 = arith.constant 256 : i32
      %mul3A_948 = arith.muli %scan3A_933, %mul3A_947 : i32
      %get3A_949 = arith.index_cast %mul3A_948 : i32 to index
      %get3A_950 = arith.constant 0 : index
      %get3A_951 = vector.load %arg24[%get3A_949, %get3A_950] : memref<32000x128xbf16, #tpu.memory_space<vmem>>, vector<256x128xbf16>
      %mul3A_952 = arith.mulf %convert_element_type3A_946, %get3A_951 : vector<256x128xbf16>
      %mul3A_953 = arith.constant 128 : i32
      %mul3A_954 = arith.muli %scan3A_933, %mul3A_953 : i32
      %get3A_955 = arith.index_cast %mul3A_954 : i32 to index
      %get3A_956 = arith.constant 0 : index
      %get3A_957 = vector.load %arg28[%get3A_955, %get3A_956] : memref<16000x256xbf16, #tpu.memory_space<vmem>>, vector<128x256xbf16>
      %dot_general3A_958 = arith.constant dense<0.000000e+00> : vector<128x128xf32>
      %dot_general3A_959 = tpu.matmul %get3A_957, %mul3A_952, %dot_general3A_958 {dimension_numbers = #tpu.dot_dimension_numbers<[1], [0], [0], [1], [0, 0, 1, 1], [], []>, transpose_lhs_hint = false} : vector<128x256xbf16>, vector<256x128xbf16>, vector<128x128xf32> -> vector<128x128xf32>
      %convert_element_type3A_960 = arith.truncf %dot_general3A_959 : vector<128x128xf32> to vector<128x128xbf16>
      %mul3A_961 = arith.constant 128 : i32
      %mul3A_962 = arith.muli %scan3A_933, %mul3A_961 : i32
      %swap3A_963 = arith.index_cast %mul3A_962 : i32 to index
      %swap3A_964 = arith.constant 0 : index
      %swap3A_965 = vector.load %arg25[%swap3A_963, %swap3A_964] : memref<16000x128xbf16, #tpu.memory_space<vmem>>, vector<128x128xbf16>
      tpu.vector_store %arg25[%swap3A_963, %swap3A_964], %convert_element_type3A_960 {strides = array<i32>} : memref<16000x128xbf16, #tpu.memory_space<vmem>>, vector<128x128xbf16>,
      %scan3A_966 = arith.constant 19 : i32
      %scan3A_967 = arith.addi %scan3A_321, %scan3A_966 : i32
      %mul3A_968 = arith.constant 128 : i32
      %mul3A_969 = arith.muli %scan3A_967, %mul3A_968 : i32
      %get3A_970 = arith.index_cast %mul3A_969 : i32 to index
      %get3A_971 = arith.constant 0 : index
      %get3A_972 = vector.load %arg23[%get3A_970, %get3A_971] : memref<16000x128xbf16, #tpu.memory_space<vmem>>, vector<128x128xbf16>
      %mul3A_973 = arith.constant 256 : i32
      %mul3A_974 = arith.muli %scan3A_967, %mul3A_973 : i32
      %get3A_975 = arith.index_cast %mul3A_974 : i32 to index
      %get3A_976 = arith.constant 0 : index
      %get3A_977 = vector.load %arg27[%get3A_975, %get3A_976] : memref<32000x128xbf16, #tpu.memory_space<vmem>>, vector<256x128xbf16>
      %dot_general3A_978 = arith.constant dense<0.000000e+00> : vector<256x128xf32>
      %dot_general3A_979 = tpu.matmul %get3A_977, %get3A_972, %dot_general3A_978 {dimension_numbers = #tpu.dot_dimension_numbers<[1], [0], [0], [1], [0, 0, 1, 1], [], []>, transpose_lhs_hint = false} : vector<256x128xbf16>, vector<128x128xbf16>, vector<256x128xf32> -> vector<256x128xf32>
      %convert_element_type3A_980 = arith.truncf %dot_general3A_979 : vector<256x128xf32> to vector<256x128xbf16>
      %mul3A_981 = arith.constant 256 : i32
      %mul3A_982 = arith.muli %scan3A_967, %mul3A_981 : i32
      %get3A_983 = arith.index_cast %mul3A_982 : i32 to index
      %get3A_984 = arith.constant 0 : index
      %get3A_985 = vector.load %arg24[%get3A_983, %get3A_984] : memref<32000x128xbf16, #tpu.memory_space<vmem>>, vector<256x128xbf16>
      %mul3A_986 = arith.mulf %convert_element_type3A_980, %get3A_985 : vector<256x128xbf16>
      %mul3A_987 = arith.constant 128 : i32
      %mul3A_988 = arith.muli %scan3A_967, %mul3A_987 : i32
      %get3A_989 = arith.index_cast %mul3A_988 : i32 to index
      %get3A_990 = arith.constant 0 : index
      %get3A_991 = vector.load %arg28[%get3A_989, %get3A_990] : memref<16000x256xbf16, #tpu.memory_space<vmem>>, vector<128x256xbf16>
      %dot_general3A_992 = arith.constant dense<0.000000e+00> : vector<128x128xf32>
      %dot_general3A_993 = tpu.matmul %get3A_991, %mul3A_986, %dot_general3A_992 {dimension_numbers = #tpu.dot_dimension_numbers<[1], [0], [0], [1], [0, 0, 1, 1], [], []>, transpose_lhs_hint = false} : vector<128x256xbf16>, vector<256x128xbf16>, vector<128x128xf32> -> vector<128x128xf32>
      %convert_element_type3A_994 = arith.truncf %dot_general3A_993 : vector<128x128xf32> to vector<128x128xbf16>
      %mul3A_995 = arith.constant 128 : i32
      %mul3A_996 = arith.muli %scan3A_967, %mul3A_995 : i32
      %swap3A_997 = arith.index_cast %mul3A_996 : i32 to index
      %swap3A_998 = arith.constant 0 : index
      %swap3A_999 = vector.load %arg25[%swap3A_997, %swap3A_998] : memref<16000x128xbf16, #tpu.memory_space<vmem>>, vector<128x128xbf16>
      tpu.vector_store %arg25[%swap3A_997, %swap3A_998], %convert_element_type3A_994 {strides = array<i32>} : memref<16000x128xbf16, #tpu.memory_space<vmem>>, vector<128x128xbf16>,
      %scan3A_1000 = arith.constant 20 : i32
      %scan3A_1001 = arith.addi %scan3A_321, %scan3A_1000 : i32
      %mul3A_1002 = arith.constant 128 : i32
      %mul3A_1003 = arith.muli %scan3A_1001, %mul3A_1002 : i32
      %get3A_1004 = arith.index_cast %mul3A_1003 : i32 to index
      %get3A_1005 = arith.constant 0 : index
      %get3A_1006 = vector.load %arg23[%get3A_1004, %get3A_1005] : memref<16000x128xbf16, #tpu.memory_space<vmem>>, vector<128x128xbf16>
      %mul3A_1007 = arith.constant 256 : i32
      %mul3A_1008 = arith.muli %scan3A_1001, %mul3A_1007 : i32
      %get3A_1009 = arith.index_cast %mul3A_1008 : i32 to index
      %get3A_1010 = arith.constant 0 : index
      %get3A_1011 = vector.load %arg27[%get3A_1009, %get3A_1010] : memref<32000x128xbf16, #tpu.memory_space<vmem>>, vector<256x128xbf16>
      %dot_general3A_1012 = arith.constant dense<0.000000e+00> : vector<256x128xf32>
      %dot_general3A_1013 = tpu.matmul %get3A_1011, %get3A_1006, %dot_general3A_1012 {dimension_numbers = #tpu.dot_dimension_numbers<[1], [0], [0], [1], [0, 0, 1, 1], [], []>, transpose_lhs_hint = false} : vector<256x128xbf16>, vector<128x128xbf16>, vector<256x128xf32> -> vector<256x128xf32>
      %convert_element_type3A_1014 = arith.truncf %dot_general3A_1013 : vector<256x128xf32> to vector<256x128xbf16>
      %mul3A_1015 = arith.constant 256 : i32
      %mul3A_1016 = arith.muli %scan3A_1001, %mul3A_1015 : i32
      %get3A_1017 = arith.index_cast %mul3A_1016 : i32 to index
      %get3A_1018 = arith.constant 0 : index
      %get3A_1019 = vector.load %arg24[%get3A_1017, %get3A_1018] : memref<32000x128xbf16, #tpu.memory_space<vmem>>, vector<256x128xbf16>
      %mul3A_1020 = arith.mulf %convert_element_type3A_1014, %get3A_1019 : vector<256x128xbf16>
      %mul3A_1021 = arith.constant 128 : i32
      %mul3A_1022 = arith.muli %scan3A_1001, %mul3A_1021 : i32
      %get3A_1023 = arith.index_cast %mul3A_1022 : i32 to index
      %get3A_1024 = arith.constant 0 : index
      %get3A_1025 = vector.load %arg28[%get3A_1023, %get3A_1024] : memref<16000x256xbf16, #tpu.memory_space<vmem>>, vector<128x256xbf16>
      %dot_general3A_1026 = arith.constant dense<0.000000e+00> : vector<128x128xf32>
      %dot_general3A_1027 = tpu.matmul %get3A_1025, %mul3A_1020, %dot_general3A_1026 {dimension_numbers = #tpu.dot_dimension_numbers<[1], [0], [0], [1], [0, 0, 1, 1], [], []>, transpose_lhs_hint = false} : vector<128x256xbf16>, vector<256x128xbf16>, vector<128x128xf32> -> vector<128x128xf32>
      %convert_element_type3A_1028 = arith.truncf %dot_general3A_1027 : vector<128x128xf32> to vector<128x128xbf16>
      %mul3A_1029 = arith.constant 128 : i32
      %mul3A_1030 = arith.muli %scan3A_1001, %mul3A_1029 : i32
      %swap3A_1031 = arith.index_cast %mul3A_1030 : i32 to index
      %swap3A_1032 = arith.constant 0 : index
      %swap3A_1033 = vector.load %arg25[%swap3A_1031, %swap3A_1032] : memref<16000x128xbf16, #tpu.memory_space<vmem>>, vector<128x128xbf16>
      tpu.vector_store %arg25[%swap3A_1031, %swap3A_1032], %convert_element_type3A_1028 {strides = array<i32>} : memref<16000x128xbf16, #tpu.memory_space<vmem>>, vector<128x128xbf16>,
      %scan3A_1034 = arith.constant 21 : i32
      %scan3A_1035 = arith.addi %scan3A_321, %scan3A_1034 : i32
      %mul3A_1036 = arith.constant 128 : i32
      %mul3A_1037 = arith.muli %scan3A_1035, %mul3A_1036 : i32
      %get3A_1038 = arith.index_cast %mul3A_1037 : i32 to index
      %get3A_1039 = arith.constant 0 : index
      %get3A_1040 = vector.load %arg23[%get3A_1038, %get3A_1039] : memref<16000x128xbf16, #tpu.memory_space<vmem>>, vector<128x128xbf16>
      %mul3A_1041 = arith.constant 256 : i32
      %mul3A_1042 = arith.muli %scan3A_1035, %mul3A_1041 : i32
      %get3A_1043 = arith.index_cast %mul3A_1042 : i32 to index
      %get3A_1044 = arith.constant 0 : index
      %get3A_1045 = vector.load %arg27[%get3A_1043, %get3A_1044] : memref<32000x128xbf16, #tpu.memory_space<vmem>>, vector<256x128xbf16>
      %dot_general3A_1046 = arith.constant dense<0.000000e+00> : vector<256x128xf32>
      %dot_general3A_1047 = tpu.matmul %get3A_1045, %get3A_1040, %dot_general3A_1046 {dimension_numbers = #tpu.dot_dimension_numbers<[1], [0], [0], [1], [0, 0, 1, 1], [], []>, transpose_lhs_hint = false} : vector<256x128xbf16>, vector<128x128xbf16>, vector<256x128xf32> -> vector<256x128xf32>
      %convert_element_type3A_1048 = arith.truncf %dot_general3A_1047 : vector<256x128xf32> to vector<256x128xbf16>
      %mul3A_1049 = arith.constant 256 : i32
      %mul3A_1050 = arith.muli %scan3A_1035, %mul3A_1049 : i32
      %get3A_1051 = arith.index_cast %mul3A_1050 : i32 to index
      %get3A_1052 = arith.constant 0 : index
      %get3A_1053 = vector.load %arg24[%get3A_1051, %get3A_1052] : memref<32000x128xbf16, #tpu.memory_space<vmem>>, vector<256x128xbf16>
      %mul3A_1054 = arith.mulf %convert_element_type3A_1048, %get3A_1053 : vector<256x128xbf16>
      %mul3A_1055 = arith.constant 128 : i32
      %mul3A_1056 = arith.muli %scan3A_1035, %mul3A_1055 : i32
      %get3A_1057 = arith.index_cast %mul3A_1056 : i32 to index
      %get3A_1058 = arith.constant 0 : index
      %get3A_1059 = vector.load %arg28[%get3A_1057, %get3A_1058] : memref<16000x256xbf16, #tpu.memory_space<vmem>>, vector<128x256xbf16>
      %dot_general3A_1060 = arith.constant dense<0.000000e+00> : vector<128x128xf32>
      %dot_general3A_1061 = tpu.matmul %get3A_1059, %mul3A_1054, %dot_general3A_1060 {dimension_numbers = #tpu.dot_dimension_numbers<[1], [0], [0], [1], [0, 0, 1, 1], [], []>, transpose_lhs_hint = false} : vector<128x256xbf16>, vector<256x128xbf16>, vector<128x128xf32> -> vector<128x128xf32>
      %convert_element_type3A_1062 = arith.truncf %dot_general3A_1061 : vector<128x128xf32> to vector<128x128xbf16>
      %mul3A_1063 = arith.constant 128 : i32
      %mul3A_1064 = arith.muli %scan3A_1035, %mul3A_1063 : i32
      %swap3A_1065 = arith.index_cast %mul3A_1064 : i32 to index
      %swap3A_1066 = arith.constant 0 : index
      %swap3A_1067 = vector.load %arg25[%swap3A_1065, %swap3A_1066] : memref<16000x128xbf16, #tpu.memory_space<vmem>>, vector<128x128xbf16>
      tpu.vector_store %arg25[%swap3A_1065, %swap3A_1066], %convert_element_type3A_1062 {strides = array<i32>} : memref<16000x128xbf16, #tpu.memory_space<vmem>>, vector<128x128xbf16>,
      %scan3A_1068 = arith.constant 22 : i32
      %scan3A_1069 = arith.addi %scan3A_321, %scan3A_1068 : i32
      %mul3A_1070 = arith.constant 128 : i32
      %mul3A_1071 = arith.muli %scan3A_1069, %mul3A_1070 : i32
      %get3A_1072 = arith.index_cast %mul3A_1071 : i32 to index
      %get3A_1073 = arith.constant 0 : index
      %get3A_1074 = vector.load %arg23[%get3A_1072, %get3A_1073] : memref<16000x128xbf16, #tpu.memory_space<vmem>>, vector<128x128xbf16>
      %mul3A_1075 = arith.constant 256 : i32
      %mul3A_1076 = arith.muli %scan3A_1069, %mul3A_1075 : i32
      %get3A_1077 = arith.index_cast %mul3A_1076 : i32 to index
      %get3A_1078 = arith.constant 0 : index
      %get3A_1079 = vector.load %arg27[%get3A_1077, %get3A_1078] : memref<32000x128xbf16, #tpu.memory_space<vmem>>, vector<256x128xbf16>
      %dot_general3A_1080 = arith.constant dense<0.000000e+00> : vector<256x128xf32>
      %dot_general3A_1081 = tpu.matmul %get3A_1079, %get3A_1074, %dot_general3A_1080 {dimension_numbers = #tpu.dot_dimension_numbers<[1], [0], [0], [1], [0, 0, 1, 1], [], []>, transpose_lhs_hint = false} : vector<256x128xbf16>, vector<128x128xbf16>, vector<256x128xf32> -> vector<256x128xf32>
      %convert_element_type3A_1082 = arith.truncf %dot_general3A_1081 : vector<256x128xf32> to vector<256x128xbf16>
      %mul3A_1083 = arith.constant 256 : i32
      %mul3A_1084 = arith.muli %scan3A_1069, %mul3A_1083 : i32
      %get3A_1085 = arith.index_cast %mul3A_1084 : i32 to index
      %get3A_1086 = arith.constant 0 : index
      %get3A_1087 = vector.load %arg24[%get3A_1085, %get3A_1086] : memref<32000x128xbf16, #tpu.memory_space<vmem>>, vector<256x128xbf16>
      %mul3A_1088 = arith.mulf %convert_element_type3A_1082, %get3A_1087 : vector<256x128xbf16>
      %mul3A_1089 = arith.constant 128 : i32
      %mul3A_1090 = arith.muli %scan3A_1069, %mul3A_1089 : i32
      %get3A_1091 = arith.index_cast %mul3A_1090 : i32 to index
      %get3A_1092 = arith.constant 0 : index
      %get3A_1093 = vector.load %arg28[%get3A_1091, %get3A_1092] : memref<16000x256xbf16, #tpu.memory_space<vmem>>, vector<128x256xbf16>
      %dot_general3A_1094 = arith.constant dense<0.000000e+00> : vector<128x128xf32>
      %dot_general3A_1095 = tpu.matmul %get3A_1093, %mul3A_1088, %dot_general3A_1094 {dimension_numbers = #tpu.dot_dimension_numbers<[1], [0], [0], [1], [0, 0, 1, 1], [], []>, transpose_lhs_hint = false} : vector<128x256xbf16>, vector<256x128xbf16>, vector<128x128xf32> -> vector<128x128xf32>
      %convert_element_type3A_1096 = arith.truncf %dot_general3A_1095 : vector<128x128xf32> to vector<128x128xbf16>
      %mul3A_1097 = arith.constant 128 : i32
      %mul3A_1098 = arith.muli %scan3A_1069, %mul3A_1097 : i32
      %swap3A_1099 = arith.index_cast %mul3A_1098 : i32 to index
      %swap3A_1100 = arith.constant 0 : index
      %swap3A_1101 = vector.load %arg25[%swap3A_1099, %swap3A_1100] : memref<16000x128xbf16, #tpu.memory_space<vmem>>, vector<128x128xbf16>
      tpu.vector_store %arg25[%swap3A_1099, %swap3A_1100], %convert_element_type3A_1096 {strides = array<i32>} : memref<16000x128xbf16, #tpu.memory_space<vmem>>, vector<128x128xbf16>,
      %scan3A_1102 = arith.constant 23 : i32
      %scan3A_1103 = arith.addi %scan3A_321, %scan3A_1102 : i32
      %mul3A_1104 = arith.constant 128 : i32
      %mul3A_1105 = arith.muli %scan3A_1103, %mul3A_1104 : i32
      %get3A_1106 = arith.index_cast %mul3A_1105 : i32 to index
      %get3A_1107 = arith.constant 0 : index
      %get3A_1108 = vector.load %arg23[%get3A_1106, %get3A_1107] : memref<16000x128xbf16, #tpu.memory_space<vmem>>, vector<128x128xbf16>
      %mul3A_1109 = arith.constant 256 : i32
      %mul3A_1110 = arith.muli %scan3A_1103, %mul3A_1109 : i32
      %get3A_1111 = arith.index_cast %mul3A_1110 : i32 to index
      %get3A_1112 = arith.constant 0 : index
      %get3A_1113 = vector.load %arg27[%get3A_1111, %get3A_1112] : memref<32000x128xbf16, #tpu.memory_space<vmem>>, vector<256x128xbf16>
      %dot_general3A_1114 = arith.constant dense<0.000000e+00> : vector<256x128xf32>
      %dot_general3A_1115 = tpu.matmul %get3A_1113, %get3A_1108, %dot_general3A_1114 {dimension_numbers = #tpu.dot_dimension_numbers<[1], [0], [0], [1], [0, 0, 1, 1], [], []>, transpose_lhs_hint = false} : vector<256x128xbf16>, vector<128x128xbf16>, vector<256x128xf32> -> vector<256x128xf32>
      %convert_element_type3A_1116 = arith.truncf %dot_general3A_1115 : vector<256x128xf32> to vector<256x128xbf16>
      %mul3A_1117 = arith.constant 256 : i32
      %mul3A_1118 = arith.muli %scan3A_1103, %mul3A_1117 : i32
      %get3A_1119 = arith.index_cast %mul3A_1118 : i32 to index
      %get3A_1120 = arith.constant 0 : index
      %get3A_1121 = vector.load %arg24[%get3A_1119, %get3A_1120] : memref<32000x128xbf16, #tpu.memory_space<vmem>>, vector<256x128xbf16>
      %mul3A_1122 = arith.mulf %convert_element_type3A_1116, %get3A_1121 : vector<256x128xbf16>
      %mul3A_1123 = arith.constant 128 : i32
      %mul3A_1124 = arith.muli %scan3A_1103, %mul3A_1123 : i32
      %get3A_1125 = arith.index_cast %mul3A_1124 : i32 to index
      %get3A_1126 = arith.constant 0 : index
      %get3A_1127 = vector.load %arg28[%get3A_1125, %get3A_1126] : memref<16000x256xbf16, #tpu.memory_space<vmem>>, vector<128x256xbf16>
      %dot_general3A_1128 = arith.constant dense<0.000000e+00> : vector<128x128xf32>
      %dot_general3A_1129 = tpu.matmul %get3A_1127, %mul3A_1122, %dot_general3A_1128 {dimension_numbers = #tpu.dot_dimension_numbers<[1], [0], [0], [1], [0, 0, 1, 1], [], []>, transpose_lhs_hint = false} : vector<128x256xbf16>, vector<256x128xbf16>, vector<128x128xf32> -> vector<128x128xf32>
      %convert_element_type3A_1130 = arith.truncf %dot_general3A_1129 : vector<128x128xf32> to vector<128x128xbf16>
      %mul3A_1131 = arith.constant 128 : i32
      %mul3A_1132 = arith.muli %scan3A_1103, %mul3A_1131 : i32
      %swap3A_1133 = arith.index_cast %mul3A_1132 : i32 to index
      %swap3A_1134 = arith.constant 0 : index
      %swap3A_1135 = vector.load %arg25[%swap3A_1133, %swap3A_1134] : memref<16000x128xbf16, #tpu.memory_space<vmem>>, vector<128x128xbf16>
      tpu.vector_store %arg25[%swap3A_1133, %swap3A_1134], %convert_element_type3A_1130 {strides = array<i32>} : memref<16000x128xbf16, #tpu.memory_space<vmem>>, vector<128x128xbf16>,
      %scan3A_1136 = arith.constant 24 : i32
      %scan3A_1137 = arith.addi %scan3A_321, %scan3A_1136 : i32
      %mul3A_1138 = arith.constant 128 : i32
      %mul3A_1139 = arith.muli %scan3A_1137, %mul3A_1138 : i32
      %get3A_1140 = arith.index_cast %mul3A_1139 : i32 to index
      %get3A_1141 = arith.constant 0 : index
      %get3A_1142 = vector.load %arg23[%get3A_1140, %get3A_1141] : memref<16000x128xbf16, #tpu.memory_space<vmem>>, vector<128x128xbf16>
      %mul3A_1143 = arith.constant 256 : i32
      %mul3A_1144 = arith.muli %scan3A_1137, %mul3A_1143 : i32
      %get3A_1145 = arith.index_cast %mul3A_1144 : i32 to index
      %get3A_1146 = arith.constant 0 : index
      %get3A_1147 = vector.load %arg27[%get3A_1145, %get3A_1146] : memref<32000x128xbf16, #tpu.memory_space<vmem>>, vector<256x128xbf16>
      %dot_general3A_1148 = arith.constant dense<0.000000e+00> : vector<256x128xf32>
      %dot_general3A_1149 = tpu.matmul %get3A_1147, %get3A_1142, %dot_general3A_1148 {dimension_numbers = #tpu.dot_dimension_numbers<[1], [0], [0], [1], [0, 0, 1, 1], [], []>, transpose_lhs_hint = false} : vector<256x128xbf16>, vector<128x128xbf16>, vector<256x128xf32> -> vector<256x128xf32>
      %convert_element_type3A_1150 = arith.truncf %dot_general3A_1149 : vector<256x128xf32> to vector<256x128xbf16>
      %mul3A_1151 = arith.constant 256 : i32
      %mul3A_1152 = arith.muli %scan3A_1137, %mul3A_1151 : i32
      %get3A_1153 = arith.index_cast %mul3A_1152 : i32 to index
      %get3A_1154 = arith.constant 0 : index
      %get3A_1155 = vector.load %arg24[%get3A_1153, %get3A_1154] : memref<32000x128xbf16, #tpu.memory_space<vmem>>, vector<256x128xbf16>
      %mul3A_1156 = arith.mulf %convert_element_type3A_1150, %get3A_1155 : vector<256x128xbf16>
      %mul3A_1157 = arith.constant 128 : i32
      %mul3A_1158 = arith.muli %scan3A_1137, %mul3A_1157 : i32
      %get3A_1159 = arith.index_cast %mul3A_1158 : i32 to index
      %get3A_1160 = arith.constant 0 : index
      %get3A_1161 = vector.load %arg28[%get3A_1159, %get3A_1160] : memref<16000x256xbf16, #tpu.memory_space<vmem>>, vector<128x256xbf16>
      %dot_general3A_1162 = arith.constant dense<0.000000e+00> : vector<128x128xf32>
      %dot_general3A_1163 = tpu.matmul %get3A_1161, %mul3A_1156, %dot_general3A_1162 {dimension_numbers = #tpu.dot_dimension_numbers<[1], [0], [0], [1], [0, 0, 1, 1], [], []>, transpose_lhs_hint = false} : vector<128x256xbf16>, vector<256x128xbf16>, vector<128x128xf32> -> vector<128x128xf32>
      %convert_element_type3A_1164 = arith.truncf %dot_general3A_1163 : vector<128x128xf32> to vector<128x128xbf16>
      %mul3A_1165 = arith.constant 128 : i32
      %mul3A_1166 = arith.muli %scan3A_1137, %mul3A_1165 : i32
      %swap3A_1167 = arith.index_cast %mul3A_1166 : i32 to index
      %swap3A_1168 = arith.constant 0 : index
      %swap3A_1169 = vector.load %arg25[%swap3A_1167, %swap3A_1168] : memref<16000x128xbf16, #tpu.memory_space<vmem>>, vector<128x128xbf16>
      tpu.vector_store %arg25[%swap3A_1167, %swap3A_1168], %convert_element_type3A_1164 {strides = array<i32>} : memref<16000x128xbf16, #tpu.memory_space<vmem>>, vector<128x128xbf16>,
    }
    %scan3A_103 = arith.constant 125 : i32
    %get3A_104 = arith.constant 0 : index
    %get3A_105 = arith.constant 0 : index
    %get3A_106 = vector.load %arg25[%get3A_104, %get3A_105] : memref<16000x128xbf16, #tpu.memory_space<vmem>>, vector<16000x128xbf16>
    %get3A_107 = arith.constant 0 : index
    %get3A_108 = arith.constant 0 : index
    %get3A_109 = arith.constant 0 : index
    %get3A_110 = vector.load %arg15[%get3A_107, %get3A_108, %get3A_109] : memref<3x128x128xf32, #tpu.memory_space<vmem>>, vector<1x128x128xf32>
    %get3A_111 = vector.shape_cast %get3A_110 : vector<1x128x128xf32> to vector<128x128xf32>
    %convert_element_type3A_112 = arith.truncf %get3A_111 : vector<128x128xf32> to vector<128x128xbf16>
    %dot_general3A_113 = arith.constant dense<0.000000e+00> : vector<16000x128xf32>
    %dot_general3A_114 = tpu.matmul %get3A_106, %convert_element_type3A_112, %dot_general3A_113 {dimension_numbers = #tpu.dot_dimension_numbers<[1], [0], [0], [1], [0, 0, 1, 1], [], []>, transpose_lhs_hint = false} : vector<16000x128xbf16>, vector<128x128xbf16>, vector<16000x128xf32> -> vector<16000x128xf32>
    %get3A_115 = arith.constant 0 : index
    %get3A_116 = arith.constant 0 : index
    %get3A_117 = vector.load %arg16[%get3A_115, %get3A_116] : memref<3x128xf32, #tpu.memory_space<vmem>>, vector<1x128xf32>
    %add3A_118 = vector.broadcast %get3A_117 : vector<1x128xf32> to vector<16000x128xf32>
    %add3A_119 = arith.addf %dot_general3A_114, %add3A_118 : vector<16000x128xf32>
    %max3A = arith.constant 0.000000e+00 : f32
    %max3A_120 = vector.broadcast %max3A : f32 to vector<16000x128xf32>
    %max3A_121 = arith.maximumf %add3A_119, %max3A_120 : vector<16000x128xf32>
    %get3A_122 = arith.constant 0 : index
    %get3A_123 = arith.constant 0 : index
    %get3A_124 = vector.load %arg22[%get3A_122, %get3A_123] : memref<16000x128xf32, #tpu.memory_space<vmem>>, vector<16000x128xf32>
    %convert_element_type3A_125 = arith.truncf %max3A_121 : vector<16000x128xf32> to vector<16000x128xbf16>
    %get3A_126 = arith.constant 0 : index
    %get3A_127 = arith.constant 0 : index
    %get3A_128 = arith.constant 0 : index
    %get3A_129 = vector.load %arg17[%get3A_126, %get3A_127, %get3A_128] : memref<3x128x128xf32, #tpu.memory_space<vmem>>, vector<1x128x128xf32>
    %get3A_130 = vector.shape_cast %get3A_129 : vector<1x128x128xf32> to vector<128x128xf32>
    %convert_element_type3A_131 = arith.truncf %get3A_130 : vector<128x128xf32> to vector<128x128xbf16>
    %dot_general3A_132 = arith.constant dense<0.000000e+00> : vector<16000x128xf32>
    %dot_general3A_133 = tpu.matmul %convert_element_type3A_125, %convert_element_type3A_131, %dot_general3A_132 {dimension_numbers = #tpu.dot_dimension_numbers<[1], [0], [0], [1], [0, 0, 1, 1], [], []>, transpose_lhs_hint = false} : vector<16000x128xbf16>, vector<128x128xbf16>, vector<16000x128xf32> -> vector<16000x128xf32>
    %add3A_134 = arith.addf %get3A_124, %dot_general3A_133 : vector<16000x128xf32>
    %get3A_135 = arith.constant 0 : index
    %get3A_136 = arith.constant 0 : index
    %get3A_137 = vector.load %arg18[%get3A_135, %get3A_136] : memref<3x128xf32, #tpu.memory_space<vmem>>, vector<1x128xf32>
    %add3A_138 = vector.broadcast %get3A_137 : vector<1x128xf32> to vector<16000x128xf32>
    %add3A_139 = arith.addf %add3A_134, %add3A_138 : vector<16000x128xf32>
    %swap3A_140 = arith.constant 0 : index
    %swap3A_141 = arith.constant 0 : index
    %swap3A_142 = vector.load %arg22[%swap3A_140, %swap3A_141] : memref<16000x128xf32, #tpu.memory_space<vmem>>, vector<16000x128xf32>
    tpu.vector_store %arg22[%swap3A_140, %swap3A_141], %add3A_139 {strides = array<i32>} : memref<16000x128xf32, #tpu.memory_space<vmem>>, vector<16000x128xf32>,
    %get3A_143 = arith.constant 0 : index
    %get3A_144 = arith.constant 0 : index
    %get3A_145 = vector.load %arg22[%get3A_143, %get3A_144] : memref<16000x128xf32, #tpu.memory_space<vmem>>, vector<16000x128xf32>
    %convert_element_type3A_146 = arith.truncf %get3A_145 : vector<16000x128xf32> to vector<16000x128xbf16>
    %swap3A_147 = arith.constant 0 : index
    %swap3A_148 = arith.constant 0 : index
    %swap3A_149 = vector.load %arg23[%swap3A_147, %swap3A_148] : memref<16000x128xbf16, #tpu.memory_space<vmem>>, vector<16000x128xbf16>
    tpu.vector_store %arg23[%swap3A_147, %swap3A_148], %convert_element_type3A_146 {strides = array<i32>} : memref<16000x128xbf16, #tpu.memory_space<vmem>>, vector<16000x128xbf16>,
    %scan3A_150 = arith.constant 0 : i32
    %scan3A_151 = arith.constant 125 : i32
    %scan3A_152 = arith.addi %scan3A_150, %scan3A_151 : i32
    %scan3A_153 = arith.constant 25 : i32
    scf.for %scan3A_321 = %scan3A_150 to %scan3A_152 step %scan3A_153  : i32 {
      %mul3A_322 = arith.constant 128 : i32
      %mul3A_323 = arith.muli %scan3A_321, %mul3A_322 : i32
      %get3A_324 = arith.index_cast %mul3A_323 : i32 to index
      %get3A_325 = arith.constant 0 : index
      %get3A_326 = vector.load %arg23[%get3A_324, %get3A_325] : memref<16000x128xbf16, #tpu.memory_space<vmem>>, vector<128x128xbf16>
      %mul3A_327 = arith.constant 256 : i32
      %mul3A_328 = arith.muli %scan3A_321, %mul3A_327 : i32
      %get3A_329 = arith.index_cast %mul3A_328 : i32 to index
      %get3A_330 = arith.constant 0 : index
      %get3A_331 = vector.load %arg27[%get3A_329, %get3A_330] : memref<32000x128xbf16, #tpu.memory_space<vmem>>, vector<256x128xbf16>
      %dot_general3A_332 = arith.constant dense<0.000000e+00> : vector<256x128xf32>
      %dot_general3A_333 = tpu.matmul %get3A_331, %get3A_326, %dot_general3A_332 {dimension_numbers = #tpu.dot_dimension_numbers<[1], [0], [0], [1], [0, 0, 1, 1], [], []>, transpose_lhs_hint = false} : vector<256x128xbf16>, vector<128x128xbf16>, vector<256x128xf32> -> vector<256x128xf32>
      %convert_element_type3A_334 = arith.truncf %dot_general3A_333 : vector<256x128xf32> to vector<256x128xbf16>
      %mul3A_335 = arith.constant 256 : i32
      %mul3A_336 = arith.muli %scan3A_321, %mul3A_335 : i32
      %get3A_337 = arith.index_cast %mul3A_336 : i32 to index
      %get3A_338 = arith.constant 0 : index
      %get3A_339 = vector.load %arg24[%get3A_337, %get3A_338] : memref<32000x128xbf16, #tpu.memory_space<vmem>>, vector<256x128xbf16>
      %mul3A_340 = arith.mulf %convert_element_type3A_334, %get3A_339 : vector<256x128xbf16>
      %mul3A_341 = arith.constant 128 : i32
      %mul3A_342 = arith.muli %scan3A_321, %mul3A_341 : i32
      %get3A_343 = arith.index_cast %mul3A_342 : i32 to index
      %get3A_344 = arith.constant 0 : index
      %get3A_345 = vector.load %arg28[%get3A_343, %get3A_344] : memref<16000x256xbf16, #tpu.memory_space<vmem>>, vector<128x256xbf16>
      %dot_general3A_346 = arith.constant dense<0.000000e+00> : vector<128x128xf32>
      %dot_general3A_347 = tpu.matmul %get3A_345, %mul3A_340, %dot_general3A_346 {dimension_numbers = #tpu.dot_dimension_numbers<[1], [0], [0], [1], [0, 0, 1, 1], [], []>, transpose_lhs_hint = false} : vector<128x256xbf16>, vector<256x128xbf16>, vector<128x128xf32> -> vector<128x128xf32>
      %convert_element_type3A_348 = arith.truncf %dot_general3A_347 : vector<128x128xf32> to vector<128x128xbf16>
      %mul3A_349 = arith.constant 128 : i32
      %mul3A_350 = arith.muli %scan3A_321, %mul3A_349 : i32
      %swap3A_351 = arith.index_cast %mul3A_350 : i32 to index
      %swap3A_352 = arith.constant 0 : index
      %swap3A_353 = vector.load %arg25[%swap3A_351, %swap3A_352] : memref<16000x128xbf16, #tpu.memory_space<vmem>>, vector<128x128xbf16>
      tpu.vector_store %arg25[%swap3A_351, %swap3A_352], %convert_element_type3A_348 {strides = array<i32>} : memref<16000x128xbf16, #tpu.memory_space<vmem>>, vector<128x128xbf16>,
      %scan3A_354 = arith.constant 1 : i32
      %scan3A_355 = arith.addi %scan3A_321, %scan3A_354 : i32
      %mul3A_356 = arith.constant 128 : i32
      %mul3A_357 = arith.muli %scan3A_355, %mul3A_356 : i32
      %get3A_358 = arith.index_cast %mul3A_357 : i32 to index
      %get3A_359 = arith.constant 0 : index
      %get3A_360 = vector.load %arg23[%get3A_358, %get3A_359] : memref<16000x128xbf16, #tpu.memory_space<vmem>>, vector<128x128xbf16>
      %mul3A_361 = arith.constant 256 : i32
      %mul3A_362 = arith.muli %scan3A_355, %mul3A_361 : i32
      %get3A_363 = arith.index_cast %mul3A_362 : i32 to index
      %get3A_364 = arith.constant 0 : index
      %get3A_365 = vector.load %arg27[%get3A_363, %get3A_364] : memref<32000x128xbf16, #tpu.memory_space<vmem>>, vector<256x128xbf16>
      %dot_general3A_366 = arith.constant dense<0.000000e+00> : vector<256x128xf32>
      %dot_general3A_367 = tpu.matmul %get3A_365, %get3A_360, %dot_general3A_366 {dimension_numbers = #tpu.dot_dimension_numbers<[1], [0], [0], [1], [0, 0, 1, 1], [], []>, transpose_lhs_hint = false} : vector<256x128xbf16>, vector<128x128xbf16>, vector<256x128xf32> -> vector<256x128xf32>
      %convert_element_type3A_368 = arith.truncf %dot_general3A_367 : vector<256x128xf32> to vector<256x128xbf16>
      %mul3A_369 = arith.constant 256 : i32
      %mul3A_370 = arith.muli %scan3A_355, %mul3A_369 : i32
      %get3A_371 = arith.index_cast %mul3A_370 : i32 to index
      %get3A_372 = arith.constant 0 : index
      %get3A_373 = vector.load %arg24[%get3A_371, %get3A_372] : memref<32000x128xbf16, #tpu.memory_space<vmem>>, vector<256x128xbf16>
      %mul3A_374 = arith.mulf %convert_element_type3A_368, %get3A_373 : vector<256x128xbf16>
      %mul3A_375 = arith.constant 128 : i32
      %mul3A_376 = arith.muli %scan3A_355, %mul3A_375 : i32
      %get3A_377 = arith.index_cast %mul3A_376 : i32 to index
      %get3A_378 = arith.constant 0 : index
      %get3A_379 = vector.load %arg28[%get3A_377, %get3A_378] : memref<16000x256xbf16, #tpu.memory_space<vmem>>, vector<128x256xbf16>
      %dot_general3A_380 = arith.constant dense<0.000000e+00> : vector<128x128xf32>
      %dot_general3A_381 = tpu.matmul %get3A_379, %mul3A_374, %dot_general3A_380 {dimension_numbers = #tpu.dot_dimension_numbers<[1], [0], [0], [1], [0, 0, 1, 1], [], []>, transpose_lhs_hint = false} : vector<128x256xbf16>, vector<256x128xbf16>, vector<128x128xf32> -> vector<128x128xf32>
      %convert_element_type3A_382 = arith.truncf %dot_general3A_381 : vector<128x128xf32> to vector<128x128xbf16>
      %mul3A_383 = arith.constant 128 : i32
      %mul3A_384 = arith.muli %scan3A_355, %mul3A_383 : i32
      %swap3A_385 = arith.index_cast %mul3A_384 : i32 to index
      %swap3A_386 = arith.constant 0 : index
      %swap3A_387 = vector.load %arg25[%swap3A_385, %swap3A_386] : memref<16000x128xbf16, #tpu.memory_space<vmem>>, vector<128x128xbf16>
      tpu.vector_store %arg25[%swap3A_385, %swap3A_386], %convert_element_type3A_382 {strides = array<i32>} : memref<16000x128xbf16, #tpu.memory_space<vmem>>, vector<128x128xbf16>,
      %scan3A_388 = arith.constant 2 : i32
      %scan3A_389 = arith.addi %scan3A_321, %scan3A_388 : i32
      %mul3A_390 = arith.constant 128 : i32
      %mul3A_391 = arith.muli %scan3A_389, %mul3A_390 : i32
      %get3A_392 = arith.index_cast %mul3A_391 : i32 to index
      %get3A_393 = arith.constant 0 : index
      %get3A_394 = vector.load %arg23[%get3A_392, %get3A_393] : memref<16000x128xbf16, #tpu.memory_space<vmem>>, vector<128x128xbf16>
      %mul3A_395 = arith.constant 256 : i32
      %mul3A_396 = arith.muli %scan3A_389, %mul3A_395 : i32
      %get3A_397 = arith.index_cast %mul3A_396 : i32 to index
      %get3A_398 = arith.constant 0 : index
      %get3A_399 = vector.load %arg27[%get3A_397, %get3A_398] : memref<32000x128xbf16, #tpu.memory_space<vmem>>, vector<256x128xbf16>
      %dot_general3A_400 = arith.constant dense<0.000000e+00> : vector<256x128xf32>
      %dot_general3A_401 = tpu.matmul %get3A_399, %get3A_394, %dot_general3A_400 {dimension_numbers = #tpu.dot_dimension_numbers<[1], [0], [0], [1], [0, 0, 1, 1], [], []>, transpose_lhs_hint = false} : vector<256x128xbf16>, vector<128x128xbf16>, vector<256x128xf32> -> vector<256x128xf32>
      %convert_element_type3A_402 = arith.truncf %dot_general3A_401 : vector<256x128xf32> to vector<256x128xbf16>
      %mul3A_403 = arith.constant 256 : i32
      %mul3A_404 = arith.muli %scan3A_389, %mul3A_403 : i32
      %get3A_405 = arith.index_cast %mul3A_404 : i32 to index
      %get3A_406 = arith.constant 0 : index
      %get3A_407 = vector.load %arg24[%get3A_405, %get3A_406] : memref<32000x128xbf16, #tpu.memory_space<vmem>>, vector<256x128xbf16>
      %mul3A_408 = arith.mulf %convert_element_type3A_402, %get3A_407 : vector<256x128xbf16>
      %mul3A_409 = arith.constant 128 : i32
      %mul3A_410 = arith.muli %scan3A_389, %mul3A_409 : i32
      %get3A_411 = arith.index_cast %mul3A_410 : i32 to index
      %get3A_412 = arith.constant 0 : index
      %get3A_413 = vector.load %arg28[%get3A_411, %get3A_412] : memref<16000x256xbf16, #tpu.memory_space<vmem>>, vector<128x256xbf16>
      %dot_general3A_414 = arith.constant dense<0.000000e+00> : vector<128x128xf32>
      %dot_general3A_415 = tpu.matmul %get3A_413, %mul3A_408, %dot_general3A_414 {dimension_numbers = #tpu.dot_dimension_numbers<[1], [0], [0], [1], [0, 0, 1, 1], [], []>, transpose_lhs_hint = false} : vector<128x256xbf16>, vector<256x128xbf16>, vector<128x128xf32> -> vector<128x128xf32>
      %convert_element_type3A_416 = arith.truncf %dot_general3A_415 : vector<128x128xf32> to vector<128x128xbf16>
      %mul3A_417 = arith.constant 128 : i32
      %mul3A_418 = arith.muli %scan3A_389, %mul3A_417 : i32
      %swap3A_419 = arith.index_cast %mul3A_418 : i32 to index
      %swap3A_420 = arith.constant 0 : index
      %swap3A_421 = vector.load %arg25[%swap3A_419, %swap3A_420] : memref<16000x128xbf16, #tpu.memory_space<vmem>>, vector<128x128xbf16>
      tpu.vector_store %arg25[%swap3A_419, %swap3A_420], %convert_element_type3A_416 {strides = array<i32>} : memref<16000x128xbf16, #tpu.memory_space<vmem>>, vector<128x128xbf16>,
      %scan3A_422 = arith.constant 3 : i32
      %scan3A_423 = arith.addi %scan3A_321, %scan3A_422 : i32
      %mul3A_424 = arith.constant 128 : i32
      %mul3A_425 = arith.muli %scan3A_423, %mul3A_424 : i32
      %get3A_426 = arith.index_cast %mul3A_425 : i32 to index
      %get3A_427 = arith.constant 0 : index
      %get3A_428 = vector.load %arg23[%get3A_426, %get3A_427] : memref<16000x128xbf16, #tpu.memory_space<vmem>>, vector<128x128xbf16>
      %mul3A_429 = arith.constant 256 : i32
      %mul3A_430 = arith.muli %scan3A_423, %mul3A_429 : i32
      %get3A_431 = arith.index_cast %mul3A_430 : i32 to index
      %get3A_432 = arith.constant 0 : index
      %get3A_433 = vector.load %arg27[%get3A_431, %get3A_432] : memref<32000x128xbf16, #tpu.memory_space<vmem>>, vector<256x128xbf16>
      %dot_general3A_434 = arith.constant dense<0.000000e+00> : vector<256x128xf32>
      %dot_general3A_435 = tpu.matmul %get3A_433, %get3A_428, %dot_general3A_434 {dimension_numbers = #tpu.dot_dimension_numbers<[1], [0], [0], [1], [0, 0, 1, 1], [], []>, transpose_lhs_hint = false} : vector<256x128xbf16>, vector<128x128xbf16>, vector<256x128xf32> -> vector<256x128xf32>
      %convert_element_type3A_436 = arith.truncf %dot_general3A_435 : vector<256x128xf32> to vector<256x128xbf16>
      %mul3A_437 = arith.constant 256 : i32
      %mul3A_438 = arith.muli %scan3A_423, %mul3A_437 : i32
      %get3A_439 = arith.index_cast %mul3A_438 : i32 to index
      %get3A_440 = arith.constant 0 : index
      %get3A_441 = vector.load %arg24[%get3A_439, %get3A_440] : memref<32000x128xbf16, #tpu.memory_space<vmem>>, vector<256x128xbf16>
      %mul3A_442 = arith.mulf %convert_element_type3A_436, %get3A_441 : vector<256x128xbf16>
      %mul3A_443 = arith.constant 128 : i32
      %mul3A_444 = arith.muli %scan3A_423, %mul3A_443 : i32
      %get3A_445 = arith.index_cast %mul3A_444 : i32 to index
      %get3A_446 = arith.constant 0 : index
      %get3A_447 = vector.load %arg28[%get3A_445, %get3A_446] : memref<16000x256xbf16, #tpu.memory_space<vmem>>, vector<128x256xbf16>
      %dot_general3A_448 = arith.constant dense<0.000000e+00> : vector<128x128xf32>
      %dot_general3A_449 = tpu.matmul %get3A_447, %mul3A_442, %dot_general3A_448 {dimension_numbers = #tpu.dot_dimension_numbers<[1], [0], [0], [1], [0, 0, 1, 1], [], []>, transpose_lhs_hint = false} : vector<128x256xbf16>, vector<256x128xbf16>, vector<128x128xf32> -> vector<128x128xf32>
      %convert_element_type3A_450 = arith.truncf %dot_general3A_449 : vector<128x128xf32> to vector<128x128xbf16>
      %mul3A_451 = arith.constant 128 : i32
      %mul3A_452 = arith.muli %scan3A_423, %mul3A_451 : i32
      %swap3A_453 = arith.index_cast %mul3A_452 : i32 to index
      %swap3A_454 = arith.constant 0 : index
      %swap3A_455 = vector.load %arg25[%swap3A_453, %swap3A_454] : memref<16000x128xbf16, #tpu.memory_space<vmem>>, vector<128x128xbf16>
      tpu.vector_store %arg25[%swap3A_453, %swap3A_454], %convert_element_type3A_450 {strides = array<i32>} : memref<16000x128xbf16, #tpu.memory_space<vmem>>, vector<128x128xbf16>,
      %scan3A_456 = arith.constant 4 : i32
      %scan3A_457 = arith.addi %scan3A_321, %scan3A_456 : i32
      %mul3A_458 = arith.constant 128 : i32
      %mul3A_459 = arith.muli %scan3A_457, %mul3A_458 : i32
      %get3A_460 = arith.index_cast %mul3A_459 : i32 to index
      %get3A_461 = arith.constant 0 : index
      %get3A_462 = vector.load %arg23[%get3A_460, %get3A_461] : memref<16000x128xbf16, #tpu.memory_space<vmem>>, vector<128x128xbf16>
      %mul3A_463 = arith.constant 256 : i32
      %mul3A_464 = arith.muli %scan3A_457, %mul3A_463 : i32
      %get3A_465 = arith.index_cast %mul3A_464 : i32 to index
      %get3A_466 = arith.constant 0 : index
      %get3A_467 = vector.load %arg27[%get3A_465, %get3A_466] : memref<32000x128xbf16, #tpu.memory_space<vmem>>, vector<256x128xbf16>
      %dot_general3A_468 = arith.constant dense<0.000000e+00> : vector<256x128xf32>
      %dot_general3A_469 = tpu.matmul %get3A_467, %get3A_462, %dot_general3A_468 {dimension_numbers = #tpu.dot_dimension_numbers<[1], [0], [0], [1], [0, 0, 1, 1], [], []>, transpose_lhs_hint = false} : vector<256x128xbf16>, vector<128x128xbf16>, vector<256x128xf32> -> vector<256x128xf32>
      %convert_element_type3A_470 = arith.truncf %dot_general3A_469 : vector<256x128xf32> to vector<256x128xbf16>
      %mul3A_471 = arith.constant 256 : i32
      %mul3A_472 = arith.muli %scan3A_457, %mul3A_471 : i32
      %get3A_473 = arith.index_cast %mul3A_472 : i32 to index
      %get3A_474 = arith.constant 0 : index
      %get3A_475 = vector.load %arg24[%get3A_473, %get3A_474] : memref<32000x128xbf16, #tpu.memory_space<vmem>>, vector<256x128xbf16>
      %mul3A_476 = arith.mulf %convert_element_type3A_470, %get3A_475 : vector<256x128xbf16>
      %mul3A_477 = arith.constant 128 : i32
      %mul3A_478 = arith.muli %scan3A_457, %mul3A_477 : i32
      %get3A_479 = arith.index_cast %mul3A_478 : i32 to index
      %get3A_480 = arith.constant 0 : index
      %get3A_481 = vector.load %arg28[%get3A_479, %get3A_480] : memref<16000x256xbf16, #tpu.memory_space<vmem>>, vector<128x256xbf16>
      %dot_general3A_482 = arith.constant dense<0.000000e+00> : vector<128x128xf32>
      %dot_general3A_483 = tpu.matmul %get3A_481, %mul3A_476, %dot_general3A_482 {dimension_numbers = #tpu.dot_dimension_numbers<[1], [0], [0], [1], [0, 0, 1, 1], [], []>, transpose_lhs_hint = false} : vector<128x256xbf16>, vector<256x128xbf16>, vector<128x128xf32> -> vector<128x128xf32>
      %convert_element_type3A_484 = arith.truncf %dot_general3A_483 : vector<128x128xf32> to vector<128x128xbf16>
      %mul3A_485 = arith.constant 128 : i32
      %mul3A_486 = arith.muli %scan3A_457, %mul3A_485 : i32
      %swap3A_487 = arith.index_cast %mul3A_486 : i32 to index
      %swap3A_488 = arith.constant 0 : index
      %swap3A_489 = vector.load %arg25[%swap3A_487, %swap3A_488] : memref<16000x128xbf16, #tpu.memory_space<vmem>>, vector<128x128xbf16>
      tpu.vector_store %arg25[%swap3A_487, %swap3A_488], %convert_element_type3A_484 {strides = array<i32>} : memref<16000x128xbf16, #tpu.memory_space<vmem>>, vector<128x128xbf16>,
      %scan3A_490 = arith.constant 5 : i32
      %scan3A_491 = arith.addi %scan3A_321, %scan3A_490 : i32
      %mul3A_492 = arith.constant 128 : i32
      %mul3A_493 = arith.muli %scan3A_491, %mul3A_492 : i32
      %get3A_494 = arith.index_cast %mul3A_493 : i32 to index
      %get3A_495 = arith.constant 0 : index
      %get3A_496 = vector.load %arg23[%get3A_494, %get3A_495] : memref<16000x128xbf16, #tpu.memory_space<vmem>>, vector<128x128xbf16>
      %mul3A_497 = arith.constant 256 : i32
      %mul3A_498 = arith.muli %scan3A_491, %mul3A_497 : i32
      %get3A_499 = arith.index_cast %mul3A_498 : i32 to index
      %get3A_500 = arith.constant 0 : index
      %get3A_501 = vector.load %arg27[%get3A_499, %get3A_500] : memref<32000x128xbf16, #tpu.memory_space<vmem>>, vector<256x128xbf16>
      %dot_general3A_502 = arith.constant dense<0.000000e+00> : vector<256x128xf32>
      %dot_general3A_503 = tpu.matmul %get3A_501, %get3A_496, %dot_general3A_502 {dimension_numbers = #tpu.dot_dimension_numbers<[1], [0], [0], [1], [0, 0, 1, 1], [], []>, transpose_lhs_hint = false} : vector<256x128xbf16>, vector<128x128xbf16>, vector<256x128xf32> -> vector<256x128xf32>
      %convert_element_type3A_504 = arith.truncf %dot_general3A_503 : vector<256x128xf32> to vector<256x128xbf16>
      %mul3A_505 = arith.constant 256 : i32
      %mul3A_506 = arith.muli %scan3A_491, %mul3A_505 : i32
      %get3A_507 = arith.index_cast %mul3A_506 : i32 to index
      %get3A_508 = arith.constant 0 : index
      %get3A_509 = vector.load %arg24[%get3A_507, %get3A_508] : memref<32000x128xbf16, #tpu.memory_space<vmem>>, vector<256x128xbf16>
      %mul3A_510 = arith.mulf %convert_element_type3A_504, %get3A_509 : vector<256x128xbf16>
      %mul3A_511 = arith.constant 128 : i32
      %mul3A_512 = arith.muli %scan3A_491, %mul3A_511 : i32
      %get3A_513 = arith.index_cast %mul3A_512 : i32 to index
      %get3A_514 = arith.constant 0 : index
      %get3A_515 = vector.load %arg28[%get3A_513, %get3A_514] : memref<16000x256xbf16, #tpu.memory_space<vmem>>, vector<128x256xbf16>
      %dot_general3A_516 = arith.constant dense<0.000000e+00> : vector<128x128xf32>
      %dot_general3A_517 = tpu.matmul %get3A_515, %mul3A_510, %dot_general3A_516 {dimension_numbers = #tpu.dot_dimension_numbers<[1], [0], [0], [1], [0, 0, 1, 1], [], []>, transpose_lhs_hint = false} : vector<128x256xbf16>, vector<256x128xbf16>, vector<128x128xf32> -> vector<128x128xf32>
      %convert_element_type3A_518 = arith.truncf %dot_general3A_517 : vector<128x128xf32> to vector<128x128xbf16>
      %mul3A_519 = arith.constant 128 : i32
      %mul3A_520 = arith.muli %scan3A_491, %mul3A_519 : i32
      %swap3A_521 = arith.index_cast %mul3A_520 : i32 to index
      %swap3A_522 = arith.constant 0 : index
      %swap3A_523 = vector.load %arg25[%swap3A_521, %swap3A_522] : memref<16000x128xbf16, #tpu.memory_space<vmem>>, vector<128x128xbf16>
      tpu.vector_store %arg25[%swap3A_521, %swap3A_522], %convert_element_type3A_518 {strides = array<i32>} : memref<16000x128xbf16, #tpu.memory_space<vmem>>, vector<128x128xbf16>,
      %scan3A_524 = arith.constant 6 : i32
      %scan3A_525 = arith.addi %scan3A_321, %scan3A_524 : i32
      %mul3A_526 = arith.constant 128 : i32
      %mul3A_527 = arith.muli %scan3A_525, %mul3A_526 : i32
      %get3A_528 = arith.index_cast %mul3A_527 : i32 to index
      %get3A_529 = arith.constant 0 : index
      %get3A_530 = vector.load %arg23[%get3A_528, %get3A_529] : memref<16000x128xbf16, #tpu.memory_space<vmem>>, vector<128x128xbf16>
      %mul3A_531 = arith.constant 256 : i32
      %mul3A_532 = arith.muli %scan3A_525, %mul3A_531 : i32
      %get3A_533 = arith.index_cast %mul3A_532 : i32 to index
      %get3A_534 = arith.constant 0 : index
      %get3A_535 = vector.load %arg27[%get3A_533, %get3A_534] : memref<32000x128xbf16, #tpu.memory_space<vmem>>, vector<256x128xbf16>
      %dot_general3A_536 = arith.constant dense<0.000000e+00> : vector<256x128xf32>
      %dot_general3A_537 = tpu.matmul %get3A_535, %get3A_530, %dot_general3A_536 {dimension_numbers = #tpu.dot_dimension_numbers<[1], [0], [0], [1], [0, 0, 1, 1], [], []>, transpose_lhs_hint = false} : vector<256x128xbf16>, vector<128x128xbf16>, vector<256x128xf32> -> vector<256x128xf32>
      %convert_element_type3A_538 = arith.truncf %dot_general3A_537 : vector<256x128xf32> to vector<256x128xbf16>
      %mul3A_539 = arith.constant 256 : i32
      %mul3A_540 = arith.muli %scan3A_525, %mul3A_539 : i32
      %get3A_541 = arith.index_cast %mul3A_540 : i32 to index
      %get3A_542 = arith.constant 0 : index
      %get3A_543 = vector.load %arg24[%get3A_541, %get3A_542] : memref<32000x128xbf16, #tpu.memory_space<vmem>>, vector<256x128xbf16>
      %mul3A_544 = arith.mulf %convert_element_type3A_538, %get3A_543 : vector<256x128xbf16>
      %mul3A_545 = arith.constant 128 : i32
      %mul3A_546 = arith.muli %scan3A_525, %mul3A_545 : i32
      %get3A_547 = arith.index_cast %mul3A_546 : i32 to index
      %get3A_548 = arith.constant 0 : index
      %get3A_549 = vector.load %arg28[%get3A_547, %get3A_548] : memref<16000x256xbf16, #tpu.memory_space<vmem>>, vector<128x256xbf16>
      %dot_general3A_550 = arith.constant dense<0.000000e+00> : vector<128x128xf32>
      %dot_general3A_551 = tpu.matmul %get3A_549, %mul3A_544, %dot_general3A_550 {dimension_numbers = #tpu.dot_dimension_numbers<[1], [0], [0], [1], [0, 0, 1, 1], [], []>, transpose_lhs_hint = false} : vector<128x256xbf16>, vector<256x128xbf16>, vector<128x128xf32> -> vector<128x128xf32>
      %convert_element_type3A_552 = arith.truncf %dot_general3A_551 : vector<128x128xf32> to vector<128x128xbf16>
      %mul3A_553 = arith.constant 128 : i32
      %mul3A_554 = arith.muli %scan3A_525, %mul3A_553 : i32
      %swap3A_555 = arith.index_cast %mul3A_554 : i32 to index
      %swap3A_556 = arith.constant 0 : index
      %swap3A_557 = vector.load %arg25[%swap3A_555, %swap3A_556] : memref<16000x128xbf16, #tpu.memory_space<vmem>>, vector<128x128xbf16>
      tpu.vector_store %arg25[%swap3A_555, %swap3A_556], %convert_element_type3A_552 {strides = array<i32>} : memref<16000x128xbf16, #tpu.memory_space<vmem>>, vector<128x128xbf16>,
      %scan3A_558 = arith.constant 7 : i32
      %scan3A_559 = arith.addi %scan3A_321, %scan3A_558 : i32
      %mul3A_560 = arith.constant 128 : i32
      %mul3A_561 = arith.muli %scan3A_559, %mul3A_560 : i32
      %get3A_562 = arith.index_cast %mul3A_561 : i32 to index
      %get3A_563 = arith.constant 0 : index
      %get3A_564 = vector.load %arg23[%get3A_562, %get3A_563] : memref<16000x128xbf16, #tpu.memory_space<vmem>>, vector<128x128xbf16>
      %mul3A_565 = arith.constant 256 : i32
      %mul3A_566 = arith.muli %scan3A_559, %mul3A_565 : i32
      %get3A_567 = arith.index_cast %mul3A_566 : i32 to index
      %get3A_568 = arith.constant 0 : index
      %get3A_569 = vector.load %arg27[%get3A_567, %get3A_568] : memref<32000x128xbf16, #tpu.memory_space<vmem>>, vector<256x128xbf16>
      %dot_general3A_570 = arith.constant dense<0.000000e+00> : vector<256x128xf32>
      %dot_general3A_571 = tpu.matmul %get3A_569, %get3A_564, %dot_general3A_570 {dimension_numbers = #tpu.dot_dimension_numbers<[1], [0], [0], [1], [0, 0, 1, 1], [], []>, transpose_lhs_hint = false} : vector<256x128xbf16>, vector<128x128xbf16>, vector<256x128xf32> -> vector<256x128xf32>
      %convert_element_type3A_572 = arith.truncf %dot_general3A_571 : vector<256x128xf32> to vector<256x128xbf16>
      %mul3A_573 = arith.constant 256 : i32
      %mul3A_574 = arith.muli %scan3A_559, %mul3A_573 : i32
      %get3A_575 = arith.index_cast %mul3A_574 : i32 to index
      %get3A_576 = arith.constant 0 : index
      %get3A_577 = vector.load %arg24[%get3A_575, %get3A_576] : memref<32000x128xbf16, #tpu.memory_space<vmem>>, vector<256x128xbf16>
      %mul3A_578 = arith.mulf %convert_element_type3A_572, %get3A_577 : vector<256x128xbf16>
      %mul3A_579 = arith.constant 128 : i32
      %mul3A_580 = arith.muli %scan3A_559, %mul3A_579 : i32
      %get3A_581 = arith.index_cast %mul3A_580 : i32 to index
      %get3A_582 = arith.constant 0 : index
      %get3A_583 = vector.load %arg28[%get3A_581, %get3A_582] : memref<16000x256xbf16, #tpu.memory_space<vmem>>, vector<128x256xbf16>
      %dot_general3A_584 = arith.constant dense<0.000000e+00> : vector<128x128xf32>
      %dot_general3A_585 = tpu.matmul %get3A_583, %mul3A_578, %dot_general3A_584 {dimension_numbers = #tpu.dot_dimension_numbers<[1], [0], [0], [1], [0, 0, 1, 1], [], []>, transpose_lhs_hint = false} : vector<128x256xbf16>, vector<256x128xbf16>, vector<128x128xf32> -> vector<128x128xf32>
      %convert_element_type3A_586 = arith.truncf %dot_general3A_585 : vector<128x128xf32> to vector<128x128xbf16>
      %mul3A_587 = arith.constant 128 : i32
      %mul3A_588 = arith.muli %scan3A_559, %mul3A_587 : i32
      %swap3A_589 = arith.index_cast %mul3A_588 : i32 to index
      %swap3A_590 = arith.constant 0 : index
      %swap3A_591 = vector.load %arg25[%swap3A_589, %swap3A_590] : memref<16000x128xbf16, #tpu.memory_space<vmem>>, vector<128x128xbf16>
      tpu.vector_store %arg25[%swap3A_589, %swap3A_590], %convert_element_type3A_586 {strides = array<i32>} : memref<16000x128xbf16, #tpu.memory_space<vmem>>, vector<128x128xbf16>,
      %scan3A_592 = arith.constant 8 : i32
      %scan3A_593 = arith.addi %scan3A_321, %scan3A_592 : i32
      %mul3A_594 = arith.constant 128 : i32
      %mul3A_595 = arith.muli %scan3A_593, %mul3A_594 : i32
      %get3A_596 = arith.index_cast %mul3A_595 : i32 to index
      %get3A_597 = arith.constant 0 : index
      %get3A_598 = vector.load %arg23[%get3A_596, %get3A_597] : memref<16000x128xbf16, #tpu.memory_space<vmem>>, vector<128x128xbf16>
      %mul3A_599 = arith.constant 256 : i32
      %mul3A_600 = arith.muli %scan3A_593, %mul3A_599 : i32
      %get3A_601 = arith.index_cast %mul3A_600 : i32 to index
      %get3A_602 = arith.constant 0 : index
      %get3A_603 = vector.load %arg27[%get3A_601, %get3A_602] : memref<32000x128xbf16, #tpu.memory_space<vmem>>, vector<256x128xbf16>
      %dot_general3A_604 = arith.constant dense<0.000000e+00> : vector<256x128xf32>
      %dot_general3A_605 = tpu.matmul %get3A_603, %get3A_598, %dot_general3A_604 {dimension_numbers = #tpu.dot_dimension_numbers<[1], [0], [0], [1], [0, 0, 1, 1], [], []>, transpose_lhs_hint = false} : vector<256x128xbf16>, vector<128x128xbf16>, vector<256x128xf32> -> vector<256x128xf32>
      %convert_element_type3A_606 = arith.truncf %dot_general3A_605 : vector<256x128xf32> to vector<256x128xbf16>
      %mul3A_607 = arith.constant 256 : i32
      %mul3A_608 = arith.muli %scan3A_593, %mul3A_607 : i32
      %get3A_609 = arith.index_cast %mul3A_608 : i32 to index
      %get3A_610 = arith.constant 0 : index
      %get3A_611 = vector.load %arg24[%get3A_609, %get3A_610] : memref<32000x128xbf16, #tpu.memory_space<vmem>>, vector<256x128xbf16>
      %mul3A_612 = arith.mulf %convert_element_type3A_606, %get3A_611 : vector<256x128xbf16>
      %mul3A_613 = arith.constant 128 : i32
      %mul3A_614 = arith.muli %scan3A_593, %mul3A_613 : i32
      %get3A_615 = arith.index_cast %mul3A_614 : i32 to index
      %get3A_616 = arith.constant 0 : index
      %get3A_617 = vector.load %arg28[%get3A_615, %get3A_616] : memref<16000x256xbf16, #tpu.memory_space<vmem>>, vector<128x256xbf16>
      %dot_general3A_618 = arith.constant dense<0.000000e+00> : vector<128x128xf32>
      %dot_general3A_619 = tpu.matmul %get3A_617, %mul3A_612, %dot_general3A_618 {dimension_numbers = #tpu.dot_dimension_numbers<[1], [0], [0], [1], [0, 0, 1, 1], [], []>, transpose_lhs_hint = false} : vector<128x256xbf16>, vector<256x128xbf16>, vector<128x128xf32> -> vector<128x128xf32>
      %convert_element_type3A_620 = arith.truncf %dot_general3A_619 : vector<128x128xf32> to vector<128x128xbf16>
      %mul3A_621 = arith.constant 128 : i32
      %mul3A_622 = arith.muli %scan3A_593, %mul3A_621 : i32
      %swap3A_623 = arith.index_cast %mul3A_622 : i32 to index
      %swap3A_624 = arith.constant 0 : index
      %swap3A_625 = vector.load %arg25[%swap3A_623, %swap3A_624] : memref<16000x128xbf16, #tpu.memory_space<vmem>>, vector<128x128xbf16>
      tpu.vector_store %arg25[%swap3A_623, %swap3A_624], %convert_element_type3A_620 {strides = array<i32>} : memref<16000x128xbf16, #tpu.memory_space<vmem>>, vector<128x128xbf16>,
      %scan3A_626 = arith.constant 9 : i32
      %scan3A_627 = arith.addi %scan3A_321, %scan3A_626 : i32
      %mul3A_628 = arith.constant 128 : i32
      %mul3A_629 = arith.muli %scan3A_627, %mul3A_628 : i32
      %get3A_630 = arith.index_cast %mul3A_629 : i32 to index
      %get3A_631 = arith.constant 0 : index
      %get3A_632 = vector.load %arg23[%get3A_630, %get3A_631] : memref<16000x128xbf16, #tpu.memory_space<vmem>>, vector<128x128xbf16>
      %mul3A_633 = arith.constant 256 : i32
      %mul3A_634 = arith.muli %scan3A_627, %mul3A_633 : i32
      %get3A_635 = arith.index_cast %mul3A_634 : i32 to index
      %get3A_636 = arith.constant 0 : index
      %get3A_637 = vector.load %arg27[%get3A_635, %get3A_636] : memref<32000x128xbf16, #tpu.memory_space<vmem>>, vector<256x128xbf16>
      %dot_general3A_638 = arith.constant dense<0.000000e+00> : vector<256x128xf32>
      %dot_general3A_639 = tpu.matmul %get3A_637, %get3A_632, %dot_general3A_638 {dimension_numbers = #tpu.dot_dimension_numbers<[1], [0], [0], [1], [0, 0, 1, 1], [], []>, transpose_lhs_hint = false} : vector<256x128xbf16>, vector<128x128xbf16>, vector<256x128xf32> -> vector<256x128xf32>
      %convert_element_type3A_640 = arith.truncf %dot_general3A_639 : vector<256x128xf32> to vector<256x128xbf16>
      %mul3A_641 = arith.constant 256 : i32
      %mul3A_642 = arith.muli %scan3A_627, %mul3A_641 : i32
      %get3A_643 = arith.index_cast %mul3A_642 : i32 to index
      %get3A_644 = arith.constant 0 : index
      %get3A_645 = vector.load %arg24[%get3A_643, %get3A_644] : memref<32000x128xbf16, #tpu.memory_space<vmem>>, vector<256x128xbf16>
      %mul3A_646 = arith.mulf %convert_element_type3A_640, %get3A_645 : vector<256x128xbf16>
      %mul3A_647 = arith.constant 128 : i32
      %mul3A_648 = arith.muli %scan3A_627, %mul3A_647 : i32
      %get3A_649 = arith.index_cast %mul3A_648 : i32 to index
      %get3A_650 = arith.constant 0 : index
      %get3A_651 = vector.load %arg28[%get3A_649, %get3A_650] : memref<16000x256xbf16, #tpu.memory_space<vmem>>, vector<128x256xbf16>
      %dot_general3A_652 = arith.constant dense<0.000000e+00> : vector<128x128xf32>
      %dot_general3A_653 = tpu.matmul %get3A_651, %mul3A_646, %dot_general3A_652 {dimension_numbers = #tpu.dot_dimension_numbers<[1], [0], [0], [1], [0, 0, 1, 1], [], []>, transpose_lhs_hint = false} : vector<128x256xbf16>, vector<256x128xbf16>, vector<128x128xf32> -> vector<128x128xf32>
      %convert_element_type3A_654 = arith.truncf %dot_general3A_653 : vector<128x128xf32> to vector<128x128xbf16>
      %mul3A_655 = arith.constant 128 : i32
      %mul3A_656 = arith.muli %scan3A_627, %mul3A_655 : i32
      %swap3A_657 = arith.index_cast %mul3A_656 : i32 to index
      %swap3A_658 = arith.constant 0 : index
      %swap3A_659 = vector.load %arg25[%swap3A_657, %swap3A_658] : memref<16000x128xbf16, #tpu.memory_space<vmem>>, vector<128x128xbf16>
      tpu.vector_store %arg25[%swap3A_657, %swap3A_658], %convert_element_type3A_654 {strides = array<i32>} : memref<16000x128xbf16, #tpu.memory_space<vmem>>, vector<128x128xbf16>,
      %scan3A_660 = arith.constant 10 : i32
      %scan3A_661 = arith.addi %scan3A_321, %scan3A_660 : i32
      %mul3A_662 = arith.constant 128 : i32
      %mul3A_663 = arith.muli %scan3A_661, %mul3A_662 : i32
      %get3A_664 = arith.index_cast %mul3A_663 : i32 to index
      %get3A_665 = arith.constant 0 : index
      %get3A_666 = vector.load %arg23[%get3A_664, %get3A_665] : memref<16000x128xbf16, #tpu.memory_space<vmem>>, vector<128x128xbf16>
      %mul3A_667 = arith.constant 256 : i32
      %mul3A_668 = arith.muli %scan3A_661, %mul3A_667 : i32
      %get3A_669 = arith.index_cast %mul3A_668 : i32 to index
      %get3A_670 = arith.constant 0 : index
      %get3A_671 = vector.load %arg27[%get3A_669, %get3A_670] : memref<32000x128xbf16, #tpu.memory_space<vmem>>, vector<256x128xbf16>
      %dot_general3A_672 = arith.constant dense<0.000000e+00> : vector<256x128xf32>
      %dot_general3A_673 = tpu.matmul %get3A_671, %get3A_666, %dot_general3A_672 {dimension_numbers = #tpu.dot_dimension_numbers<[1], [0], [0], [1], [0, 0, 1, 1], [], []>, transpose_lhs_hint = false} : vector<256x128xbf16>, vector<128x128xbf16>, vector<256x128xf32> -> vector<256x128xf32>
      %convert_element_type3A_674 = arith.truncf %dot_general3A_673 : vector<256x128xf32> to vector<256x128xbf16>
      %mul3A_675 = arith.constant 256 : i32
      %mul3A_676 = arith.muli %scan3A_661, %mul3A_675 : i32
      %get3A_677 = arith.index_cast %mul3A_676 : i32 to index
      %get3A_678 = arith.constant 0 : index
      %get3A_679 = vector.load %arg24[%get3A_677, %get3A_678] : memref<32000x128xbf16, #tpu.memory_space<vmem>>, vector<256x128xbf16>
      %mul3A_680 = arith.mulf %convert_element_type3A_674, %get3A_679 : vector<256x128xbf16>
      %mul3A_681 = arith.constant 128 : i32
      %mul3A_682 = arith.muli %scan3A_661, %mul3A_681 : i32
      %get3A_683 = arith.index_cast %mul3A_682 : i32 to index
      %get3A_684 = arith.constant 0 : index
      %get3A_685 = vector.load %arg28[%get3A_683, %get3A_684] : memref<16000x256xbf16, #tpu.memory_space<vmem>>, vector<128x256xbf16>
      %dot_general3A_686 = arith.constant dense<0.000000e+00> : vector<128x128xf32>
      %dot_general3A_687 = tpu.matmul %get3A_685, %mul3A_680, %dot_general3A_686 {dimension_numbers = #tpu.dot_dimension_numbers<[1], [0], [0], [1], [0, 0, 1, 1], [], []>, transpose_lhs_hint = false} : vector<128x256xbf16>, vector<256x128xbf16>, vector<128x128xf32> -> vector<128x128xf32>
      %convert_element_type3A_688 = arith.truncf %dot_general3A_687 : vector<128x128xf32> to vector<128x128xbf16>
      %mul3A_689 = arith.constant 128 : i32
      %mul3A_690 = arith.muli %scan3A_661, %mul3A_689 : i32
      %swap3A_691 = arith.index_cast %mul3A_690 : i32 to index
      %swap3A_692 = arith.constant 0 : index
      %swap3A_693 = vector.load %arg25[%swap3A_691, %swap3A_692] : memref<16000x128xbf16, #tpu.memory_space<vmem>>, vector<128x128xbf16>
      tpu.vector_store %arg25[%swap3A_691, %swap3A_692], %convert_element_type3A_688 {strides = array<i32>} : memref<16000x128xbf16, #tpu.memory_space<vmem>>, vector<128x128xbf16>,
      %scan3A_694 = arith.constant 11 : i32
      %scan3A_695 = arith.addi %scan3A_321, %scan3A_694 : i32
      %mul3A_696 = arith.constant 128 : i32
      %mul3A_697 = arith.muli %scan3A_695, %mul3A_696 : i32
      %get3A_698 = arith.index_cast %mul3A_697 : i32 to index
      %get3A_699 = arith.constant 0 : index
      %get3A_700 = vector.load %arg23[%get3A_698, %get3A_699] : memref<16000x128xbf16, #tpu.memory_space<vmem>>, vector<128x128xbf16>
      %mul3A_701 = arith.constant 256 : i32
      %mul3A_702 = arith.muli %scan3A_695, %mul3A_701 : i32
      %get3A_703 = arith.index_cast %mul3A_702 : i32 to index
      %get3A_704 = arith.constant 0 : index
      %get3A_705 = vector.load %arg27[%get3A_703, %get3A_704] : memref<32000x128xbf16, #tpu.memory_space<vmem>>, vector<256x128xbf16>
      %dot_general3A_706 = arith.constant dense<0.000000e+00> : vector<256x128xf32>
      %dot_general3A_707 = tpu.matmul %get3A_705, %get3A_700, %dot_general3A_706 {dimension_numbers = #tpu.dot_dimension_numbers<[1], [0], [0], [1], [0, 0, 1, 1], [], []>, transpose_lhs_hint = false} : vector<256x128xbf16>, vector<128x128xbf16>, vector<256x128xf32> -> vector<256x128xf32>
      %convert_element_type3A_708 = arith.truncf %dot_general3A_707 : vector<256x128xf32> to vector<256x128xbf16>
      %mul3A_709 = arith.constant 256 : i32
      %mul3A_710 = arith.muli %scan3A_695, %mul3A_709 : i32
      %get3A_711 = arith.index_cast %mul3A_710 : i32 to index
      %get3A_712 = arith.constant 0 : index
      %get3A_713 = vector.load %arg24[%get3A_711, %get3A_712] : memref<32000x128xbf16, #tpu.memory_space<vmem>>, vector<256x128xbf16>
      %mul3A_714 = arith.mulf %convert_element_type3A_708, %get3A_713 : vector<256x128xbf16>
      %mul3A_715 = arith.constant 128 : i32
      %mul3A_716 = arith.muli %scan3A_695, %mul3A_715 : i32
      %get3A_717 = arith.index_cast %mul3A_716 : i32 to index
      %get3A_718 = arith.constant 0 : index
      %get3A_719 = vector.load %arg28[%get3A_717, %get3A_718] : memref<16000x256xbf16, #tpu.memory_space<vmem>>, vector<128x256xbf16>
      %dot_general3A_720 = arith.constant dense<0.000000e+00> : vector<128x128xf32>
      %dot_general3A_721 = tpu.matmul %get3A_719, %mul3A_714, %dot_general3A_720 {dimension_numbers = #tpu.dot_dimension_numbers<[1], [0], [0], [1], [0, 0, 1, 1], [], []>, transpose_lhs_hint = false} : vector<128x256xbf16>, vector<256x128xbf16>, vector<128x128xf32> -> vector<128x128xf32>
      %convert_element_type3A_722 = arith.truncf %dot_general3A_721 : vector<128x128xf32> to vector<128x128xbf16>
      %mul3A_723 = arith.constant 128 : i32
      %mul3A_724 = arith.muli %scan3A_695, %mul3A_723 : i32
      %swap3A_725 = arith.index_cast %mul3A_724 : i32 to index
      %swap3A_726 = arith.constant 0 : index
      %swap3A_727 = vector.load %arg25[%swap3A_725, %swap3A_726] : memref<16000x128xbf16, #tpu.memory_space<vmem>>, vector<128x128xbf16>
      tpu.vector_store %arg25[%swap3A_725, %swap3A_726], %convert_element_type3A_722 {strides = array<i32>} : memref<16000x128xbf16, #tpu.memory_space<vmem>>, vector<128x128xbf16>,
      %scan3A_728 = arith.constant 12 : i32
      %scan3A_729 = arith.addi %scan3A_321, %scan3A_728 : i32
      %mul3A_730 = arith.constant 128 : i32
      %mul3A_731 = arith.muli %scan3A_729, %mul3A_730 : i32
      %get3A_732 = arith.index_cast %mul3A_731 : i32 to index
      %get3A_733 = arith.constant 0 : index
      %get3A_734 = vector.load %arg23[%get3A_732, %get3A_733] : memref<16000x128xbf16, #tpu.memory_space<vmem>>, vector<128x128xbf16>
      %mul3A_735 = arith.constant 256 : i32
      %mul3A_736 = arith.muli %scan3A_729, %mul3A_735 : i32
      %get3A_737 = arith.index_cast %mul3A_736 : i32 to index
      %get3A_738 = arith.constant 0 : index
      %get3A_739 = vector.load %arg27[%get3A_737, %get3A_738] : memref<32000x128xbf16, #tpu.memory_space<vmem>>, vector<256x128xbf16>
      %dot_general3A_740 = arith.constant dense<0.000000e+00> : vector<256x128xf32>
      %dot_general3A_741 = tpu.matmul %get3A_739, %get3A_734, %dot_general3A_740 {dimension_numbers = #tpu.dot_dimension_numbers<[1], [0], [0], [1], [0, 0, 1, 1], [], []>, transpose_lhs_hint = false} : vector<256x128xbf16>, vector<128x128xbf16>, vector<256x128xf32> -> vector<256x128xf32>
      %convert_element_type3A_742 = arith.truncf %dot_general3A_741 : vector<256x128xf32> to vector<256x128xbf16>
      %mul3A_743 = arith.constant 256 : i32
      %mul3A_744 = arith.muli %scan3A_729, %mul3A_743 : i32
      %get3A_745 = arith.index_cast %mul3A_744 : i32 to index
      %get3A_746 = arith.constant 0 : index
      %get3A_747 = vector.load %arg24[%get3A_745, %get3A_746] : memref<32000x128xbf16, #tpu.memory_space<vmem>>, vector<256x128xbf16>
      %mul3A_748 = arith.mulf %convert_element_type3A_742, %get3A_747 : vector<256x128xbf16>
      %mul3A_749 = arith.constant 128 : i32
      %mul3A_750 = arith.muli %scan3A_729, %mul3A_749 : i32
      %get3A_751 = arith.index_cast %mul3A_750 : i32 to index
      %get3A_752 = arith.constant 0 : index
      %get3A_753 = vector.load %arg28[%get3A_751, %get3A_752] : memref<16000x256xbf16, #tpu.memory_space<vmem>>, vector<128x256xbf16>
      %dot_general3A_754 = arith.constant dense<0.000000e+00> : vector<128x128xf32>
      %dot_general3A_755 = tpu.matmul %get3A_753, %mul3A_748, %dot_general3A_754 {dimension_numbers = #tpu.dot_dimension_numbers<[1], [0], [0], [1], [0, 0, 1, 1], [], []>, transpose_lhs_hint = false} : vector<128x256xbf16>, vector<256x128xbf16>, vector<128x128xf32> -> vector<128x128xf32>
      %convert_element_type3A_756 = arith.truncf %dot_general3A_755 : vector<128x128xf32> to vector<128x128xbf16>
      %mul3A_757 = arith.constant 128 : i32
      %mul3A_758 = arith.muli %scan3A_729, %mul3A_757 : i32
      %swap3A_759 = arith.index_cast %mul3A_758 : i32 to index
      %swap3A_760 = arith.constant 0 : index
      %swap3A_761 = vector.load %arg25[%swap3A_759, %swap3A_760] : memref<16000x128xbf16, #tpu.memory_space<vmem>>, vector<128x128xbf16>
      tpu.vector_store %arg25[%swap3A_759, %swap3A_760], %convert_element_type3A_756 {strides = array<i32>} : memref<16000x128xbf16, #tpu.memory_space<vmem>>, vector<128x128xbf16>,
      %scan3A_762 = arith.constant 13 : i32
      %scan3A_763 = arith.addi %scan3A_321, %scan3A_762 : i32
      %mul3A_764 = arith.constant 128 : i32
      %mul3A_765 = arith.muli %scan3A_763, %mul3A_764 : i32
      %get3A_766 = arith.index_cast %mul3A_765 : i32 to index
      %get3A_767 = arith.constant 0 : index
      %get3A_768 = vector.load %arg23[%get3A_766, %get3A_767] : memref<16000x128xbf16, #tpu.memory_space<vmem>>, vector<128x128xbf16>
      %mul3A_769 = arith.constant 256 : i32
      %mul3A_770 = arith.muli %scan3A_763, %mul3A_769 : i32
      %get3A_771 = arith.index_cast %mul3A_770 : i32 to index
      %get3A_772 = arith.constant 0 : index
      %get3A_773 = vector.load %arg27[%get3A_771, %get3A_772] : memref<32000x128xbf16, #tpu.memory_space<vmem>>, vector<256x128xbf16>
      %dot_general3A_774 = arith.constant dense<0.000000e+00> : vector<256x128xf32>
      %dot_general3A_775 = tpu.matmul %get3A_773, %get3A_768, %dot_general3A_774 {dimension_numbers = #tpu.dot_dimension_numbers<[1], [0], [0], [1], [0, 0, 1, 1], [], []>, transpose_lhs_hint = false} : vector<256x128xbf16>, vector<128x128xbf16>, vector<256x128xf32> -> vector<256x128xf32>
      %convert_element_type3A_776 = arith.truncf %dot_general3A_775 : vector<256x128xf32> to vector<256x128xbf16>
      %mul3A_777 = arith.constant 256 : i32
      %mul3A_778 = arith.muli %scan3A_763, %mul3A_777 : i32
      %get3A_779 = arith.index_cast %mul3A_778 : i32 to index
      %get3A_780 = arith.constant 0 : index
      %get3A_781 = vector.load %arg24[%get3A_779, %get3A_780] : memref<32000x128xbf16, #tpu.memory_space<vmem>>, vector<256x128xbf16>
      %mul3A_782 = arith.mulf %convert_element_type3A_776, %get3A_781 : vector<256x128xbf16>
      %mul3A_783 = arith.constant 128 : i32
      %mul3A_784 = arith.muli %scan3A_763, %mul3A_783 : i32
      %get3A_785 = arith.index_cast %mul3A_784 : i32 to index
      %get3A_786 = arith.constant 0 : index
      %get3A_787 = vector.load %arg28[%get3A_785, %get3A_786] : memref<16000x256xbf16, #tpu.memory_space<vmem>>, vector<128x256xbf16>
      %dot_general3A_788 = arith.constant dense<0.000000e+00> : vector<128x128xf32>
      %dot_general3A_789 = tpu.matmul %get3A_787, %mul3A_782, %dot_general3A_788 {dimension_numbers = #tpu.dot_dimension_numbers<[1], [0], [0], [1], [0, 0, 1, 1], [], []>, transpose_lhs_hint = false} : vector<128x256xbf16>, vector<256x128xbf16>, vector<128x128xf32> -> vector<128x128xf32>
      %convert_element_type3A_790 = arith.truncf %dot_general3A_789 : vector<128x128xf32> to vector<128x128xbf16>
      %mul3A_791 = arith.constant 128 : i32
      %mul3A_792 = arith.muli %scan3A_763, %mul3A_791 : i32
      %swap3A_793 = arith.index_cast %mul3A_792 : i32 to index
      %swap3A_794 = arith.constant 0 : index
      %swap3A_795 = vector.load %arg25[%swap3A_793, %swap3A_794] : memref<16000x128xbf16, #tpu.memory_space<vmem>>, vector<128x128xbf16>
      tpu.vector_store %arg25[%swap3A_793, %swap3A_794], %convert_element_type3A_790 {strides = array<i32>} : memref<16000x128xbf16, #tpu.memory_space<vmem>>, vector<128x128xbf16>,
      %scan3A_796 = arith.constant 14 : i32
      %scan3A_797 = arith.addi %scan3A_321, %scan3A_796 : i32
      %mul3A_798 = arith.constant 128 : i32
      %mul3A_799 = arith.muli %scan3A_797, %mul3A_798 : i32
      %get3A_800 = arith.index_cast %mul3A_799 : i32 to index
      %get3A_801 = arith.constant 0 : index
      %get3A_802 = vector.load %arg23[%get3A_800, %get3A_801] : memref<16000x128xbf16, #tpu.memory_space<vmem>>, vector<128x128xbf16>
      %mul3A_803 = arith.constant 256 : i32
      %mul3A_804 = arith.muli %scan3A_797, %mul3A_803 : i32
      %get3A_805 = arith.index_cast %mul3A_804 : i32 to index
      %get3A_806 = arith.constant 0 : index
      %get3A_807 = vector.load %arg27[%get3A_805, %get3A_806] : memref<32000x128xbf16, #tpu.memory_space<vmem>>, vector<256x128xbf16>
      %dot_general3A_808 = arith.constant dense<0.000000e+00> : vector<256x128xf32>
      %dot_general3A_809 = tpu.matmul %get3A_807, %get3A_802, %dot_general3A_808 {dimension_numbers = #tpu.dot_dimension_numbers<[1], [0], [0], [1], [0, 0, 1, 1], [], []>, transpose_lhs_hint = false} : vector<256x128xbf16>, vector<128x128xbf16>, vector<256x128xf32> -> vector<256x128xf32>
      %convert_element_type3A_810 = arith.truncf %dot_general3A_809 : vector<256x128xf32> to vector<256x128xbf16>
      %mul3A_811 = arith.constant 256 : i32
      %mul3A_812 = arith.muli %scan3A_797, %mul3A_811 : i32
      %get3A_813 = arith.index_cast %mul3A_812 : i32 to index
      %get3A_814 = arith.constant 0 : index
      %get3A_815 = vector.load %arg24[%get3A_813, %get3A_814] : memref<32000x128xbf16, #tpu.memory_space<vmem>>, vector<256x128xbf16>
      %mul3A_816 = arith.mulf %convert_element_type3A_810, %get3A_815 : vector<256x128xbf16>
      %mul3A_817 = arith.constant 128 : i32
      %mul3A_818 = arith.muli %scan3A_797, %mul3A_817 : i32
      %get3A_819 = arith.index_cast %mul3A_818 : i32 to index
      %get3A_820 = arith.constant 0 : index
      %get3A_821 = vector.load %arg28[%get3A_819, %get3A_820] : memref<16000x256xbf16, #tpu.memory_space<vmem>>, vector<128x256xbf16>
      %dot_general3A_822 = arith.constant dense<0.000000e+00> : vector<128x128xf32>
      %dot_general3A_823 = tpu.matmul %get3A_821, %mul3A_816, %dot_general3A_822 {dimension_numbers = #tpu.dot_dimension_numbers<[1], [0], [0], [1], [0, 0, 1, 1], [], []>, transpose_lhs_hint = false} : vector<128x256xbf16>, vector<256x128xbf16>, vector<128x128xf32> -> vector<128x128xf32>
      %convert_element_type3A_824 = arith.truncf %dot_general3A_823 : vector<128x128xf32> to vector<128x128xbf16>
      %mul3A_825 = arith.constant 128 : i32
      %mul3A_826 = arith.muli %scan3A_797, %mul3A_825 : i32
      %swap3A_827 = arith.index_cast %mul3A_826 : i32 to index
      %swap3A_828 = arith.constant 0 : index
      %swap3A_829 = vector.load %arg25[%swap3A_827, %swap3A_828] : memref<16000x128xbf16, #tpu.memory_space<vmem>>, vector<128x128xbf16>
      tpu.vector_store %arg25[%swap3A_827, %swap3A_828], %convert_element_type3A_824 {strides = array<i32>} : memref<16000x128xbf16, #tpu.memory_space<vmem>>, vector<128x128xbf16>,
      %scan3A_830 = arith.constant 15 : i32
      %scan3A_831 = arith.addi %scan3A_321, %scan3A_830 : i32
      %mul3A_832 = arith.constant 128 : i32
      %mul3A_833 = arith.muli %scan3A_831, %mul3A_832 : i32
      %get3A_834 = arith.index_cast %mul3A_833 : i32 to index
      %get3A_835 = arith.constant 0 : index
      %get3A_836 = vector.load %arg23[%get3A_834, %get3A_835] : memref<16000x128xbf16, #tpu.memory_space<vmem>>, vector<128x128xbf16>
      %mul3A_837 = arith.constant 256 : i32
      %mul3A_838 = arith.muli %scan3A_831, %mul3A_837 : i32
      %get3A_839 = arith.index_cast %mul3A_838 : i32 to index
      %get3A_840 = arith.constant 0 : index
      %get3A_841 = vector.load %arg27[%get3A_839, %get3A_840] : memref<32000x128xbf16, #tpu.memory_space<vmem>>, vector<256x128xbf16>
      %dot_general3A_842 = arith.constant dense<0.000000e+00> : vector<256x128xf32>
      %dot_general3A_843 = tpu.matmul %get3A_841, %get3A_836, %dot_general3A_842 {dimension_numbers = #tpu.dot_dimension_numbers<[1], [0], [0], [1], [0, 0, 1, 1], [], []>, transpose_lhs_hint = false} : vector<256x128xbf16>, vector<128x128xbf16>, vector<256x128xf32> -> vector<256x128xf32>
      %convert_element_type3A_844 = arith.truncf %dot_general3A_843 : vector<256x128xf32> to vector<256x128xbf16>
      %mul3A_845 = arith.constant 256 : i32
      %mul3A_846 = arith.muli %scan3A_831, %mul3A_845 : i32
      %get3A_847 = arith.index_cast %mul3A_846 : i32 to index
      %get3A_848 = arith.constant 0 : index
      %get3A_849 = vector.load %arg24[%get3A_847, %get3A_848] : memref<32000x128xbf16, #tpu.memory_space<vmem>>, vector<256x128xbf16>
      %mul3A_850 = arith.mulf %convert_element_type3A_844, %get3A_849 : vector<256x128xbf16>
      %mul3A_851 = arith.constant 128 : i32
      %mul3A_852 = arith.muli %scan3A_831, %mul3A_851 : i32
      %get3A_853 = arith.index_cast %mul3A_852 : i32 to index
      %get3A_854 = arith.constant 0 : index
      %get3A_855 = vector.load %arg28[%get3A_853, %get3A_854] : memref<16000x256xbf16, #tpu.memory_space<vmem>>, vector<128x256xbf16>
      %dot_general3A_856 = arith.constant dense<0.000000e+00> : vector<128x128xf32>
      %dot_general3A_857 = tpu.matmul %get3A_855, %mul3A_850, %dot_general3A_856 {dimension_numbers = #tpu.dot_dimension_numbers<[1], [0], [0], [1], [0, 0, 1, 1], [], []>, transpose_lhs_hint = false} : vector<128x256xbf16>, vector<256x128xbf16>, vector<128x128xf32> -> vector<128x128xf32>
      %convert_element_type3A_858 = arith.truncf %dot_general3A_857 : vector<128x128xf32> to vector<128x128xbf16>
      %mul3A_859 = arith.constant 128 : i32
      %mul3A_860 = arith.muli %scan3A_831, %mul3A_859 : i32
      %swap3A_861 = arith.index_cast %mul3A_860 : i32 to index
      %swap3A_862 = arith.constant 0 : index
      %swap3A_863 = vector.load %arg25[%swap3A_861, %swap3A_862] : memref<16000x128xbf16, #tpu.memory_space<vmem>>, vector<128x128xbf16>
      tpu.vector_store %arg25[%swap3A_861, %swap3A_862], %convert_element_type3A_858 {strides = array<i32>} : memref<16000x128xbf16, #tpu.memory_space<vmem>>, vector<128x128xbf16>,
      %scan3A_864 = arith.constant 16 : i32
      %scan3A_865 = arith.addi %scan3A_321, %scan3A_864 : i32
      %mul3A_866 = arith.constant 128 : i32
      %mul3A_867 = arith.muli %scan3A_865, %mul3A_866 : i32
      %get3A_868 = arith.index_cast %mul3A_867 : i32 to index
      %get3A_869 = arith.constant 0 : index
      %get3A_870 = vector.load %arg23[%get3A_868, %get3A_869] : memref<16000x128xbf16, #tpu.memory_space<vmem>>, vector<128x128xbf16>
      %mul3A_871 = arith.constant 256 : i32
      %mul3A_872 = arith.muli %scan3A_865, %mul3A_871 : i32
      %get3A_873 = arith.index_cast %mul3A_872 : i32 to index
      %get3A_874 = arith.constant 0 : index
      %get3A_875 = vector.load %arg27[%get3A_873, %get3A_874] : memref<32000x128xbf16, #tpu.memory_space<vmem>>, vector<256x128xbf16>
      %dot_general3A_876 = arith.constant dense<0.000000e+00> : vector<256x128xf32>
      %dot_general3A_877 = tpu.matmul %get3A_875, %get3A_870, %dot_general3A_876 {dimension_numbers = #tpu.dot_dimension_numbers<[1], [0], [0], [1], [0, 0, 1, 1], [], []>, transpose_lhs_hint = false} : vector<256x128xbf16>, vector<128x128xbf16>, vector<256x128xf32> -> vector<256x128xf32>
      %convert_element_type3A_878 = arith.truncf %dot_general3A_877 : vector<256x128xf32> to vector<256x128xbf16>
      %mul3A_879 = arith.constant 256 : i32
      %mul3A_880 = arith.muli %scan3A_865, %mul3A_879 : i32
      %get3A_881 = arith.index_cast %mul3A_880 : i32 to index
      %get3A_882 = arith.constant 0 : index
      %get3A_883 = vector.load %arg24[%get3A_881, %get3A_882] : memref<32000x128xbf16, #tpu.memory_space<vmem>>, vector<256x128xbf16>
      %mul3A_884 = arith.mulf %convert_element_type3A_878, %get3A_883 : vector<256x128xbf16>
      %mul3A_885 = arith.constant 128 : i32
      %mul3A_886 = arith.muli %scan3A_865, %mul3A_885 : i32
      %get3A_887 = arith.index_cast %mul3A_886 : i32 to index
      %get3A_888 = arith.constant 0 : index
      %get3A_889 = vector.load %arg28[%get3A_887, %get3A_888] : memref<16000x256xbf16, #tpu.memory_space<vmem>>, vector<128x256xbf16>
      %dot_general3A_890 = arith.constant dense<0.000000e+00> : vector<128x128xf32>
      %dot_general3A_891 = tpu.matmul %get3A_889, %mul3A_884, %dot_general3A_890 {dimension_numbers = #tpu.dot_dimension_numbers<[1], [0], [0], [1], [0, 0, 1, 1], [], []>, transpose_lhs_hint = false} : vector<128x256xbf16>, vector<256x128xbf16>, vector<128x128xf32> -> vector<128x128xf32>
      %convert_element_type3A_892 = arith.truncf %dot_general3A_891 : vector<128x128xf32> to vector<128x128xbf16>
      %mul3A_893 = arith.constant 128 : i32
      %mul3A_894 = arith.muli %scan3A_865, %mul3A_893 : i32
      %swap3A_895 = arith.index_cast %mul3A_894 : i32 to index
      %swap3A_896 = arith.constant 0 : index
      %swap3A_897 = vector.load %arg25[%swap3A_895, %swap3A_896] : memref<16000x128xbf16, #tpu.memory_space<vmem>>, vector<128x128xbf16>
      tpu.vector_store %arg25[%swap3A_895, %swap3A_896], %convert_element_type3A_892 {strides = array<i32>} : memref<16000x128xbf16, #tpu.memory_space<vmem>>, vector<128x128xbf16>,
      %scan3A_898 = arith.constant 17 : i32
      %scan3A_899 = arith.addi %scan3A_321, %scan3A_898 : i32
      %mul3A_900 = arith.constant 128 : i32
      %mul3A_901 = arith.muli %scan3A_899, %mul3A_900 : i32
      %get3A_902 = arith.index_cast %mul3A_901 : i32 to index
      %get3A_903 = arith.constant 0 : index
      %get3A_904 = vector.load %arg23[%get3A_902, %get3A_903] : memref<16000x128xbf16, #tpu.memory_space<vmem>>, vector<128x128xbf16>
      %mul3A_905 = arith.constant 256 : i32
      %mul3A_906 = arith.muli %scan3A_899, %mul3A_905 : i32
      %get3A_907 = arith.index_cast %mul3A_906 : i32 to index
      %get3A_908 = arith.constant 0 : index
      %get3A_909 = vector.load %arg27[%get3A_907, %get3A_908] : memref<32000x128xbf16, #tpu.memory_space<vmem>>, vector<256x128xbf16>
      %dot_general3A_910 = arith.constant dense<0.000000e+00> : vector<256x128xf32>
      %dot_general3A_911 = tpu.matmul %get3A_909, %get3A_904, %dot_general3A_910 {dimension_numbers = #tpu.dot_dimension_numbers<[1], [0], [0], [1], [0, 0, 1, 1], [], []>, transpose_lhs_hint = false} : vector<256x128xbf16>, vector<128x128xbf16>, vector<256x128xf32> -> vector<256x128xf32>
      %convert_element_type3A_912 = arith.truncf %dot_general3A_911 : vector<256x128xf32> to vector<256x128xbf16>
      %mul3A_913 = arith.constant 256 : i32
      %mul3A_914 = arith.muli %scan3A_899, %mul3A_913 : i32
      %get3A_915 = arith.index_cast %mul3A_914 : i32 to index
      %get3A_916 = arith.constant 0 : index
      %get3A_917 = vector.load %arg24[%get3A_915, %get3A_916] : memref<32000x128xbf16, #tpu.memory_space<vmem>>, vector<256x128xbf16>
      %mul3A_918 = arith.mulf %convert_element_type3A_912, %get3A_917 : vector<256x128xbf16>
      %mul3A_919 = arith.constant 128 : i32
      %mul3A_920 = arith.muli %scan3A_899, %mul3A_919 : i32
      %get3A_921 = arith.index_cast %mul3A_920 : i32 to index
      %get3A_922 = arith.constant 0 : index
      %get3A_923 = vector.load %arg28[%get3A_921, %get3A_922] : memref<16000x256xbf16, #tpu.memory_space<vmem>>, vector<128x256xbf16>
      %dot_general3A_924 = arith.constant dense<0.000000e+00> : vector<128x128xf32>
      %dot_general3A_925 = tpu.matmul %get3A_923, %mul3A_918, %dot_general3A_924 {dimension_numbers = #tpu.dot_dimension_numbers<[1], [0], [0], [1], [0, 0, 1, 1], [], []>, transpose_lhs_hint = false} : vector<128x256xbf16>, vector<256x128xbf16>, vector<128x128xf32> -> vector<128x128xf32>
      %convert_element_type3A_926 = arith.truncf %dot_general3A_925 : vector<128x128xf32> to vector<128x128xbf16>
      %mul3A_927 = arith.constant 128 : i32
      %mul3A_928 = arith.muli %scan3A_899, %mul3A_927 : i32
      %swap3A_929 = arith.index_cast %mul3A_928 : i32 to index
      %swap3A_930 = arith.constant 0 : index
      %swap3A_931 = vector.load %arg25[%swap3A_929, %swap3A_930] : memref<16000x128xbf16, #tpu.memory_space<vmem>>, vector<128x128xbf16>
      tpu.vector_store %arg25[%swap3A_929, %swap3A_930], %convert_element_type3A_926 {strides = array<i32>} : memref<16000x128xbf16, #tpu.memory_space<vmem>>, vector<128x128xbf16>,
      %scan3A_932 = arith.constant 18 : i32
      %scan3A_933 = arith.addi %scan3A_321, %scan3A_932 : i32
      %mul3A_934 = arith.constant 128 : i32
      %mul3A_935 = arith.muli %scan3A_933, %mul3A_934 : i32
      %get3A_936 = arith.index_cast %mul3A_935 : i32 to index
      %get3A_937 = arith.constant 0 : index
      %get3A_938 = vector.load %arg23[%get3A_936, %get3A_937] : memref<16000x128xbf16, #tpu.memory_space<vmem>>, vector<128x128xbf16>
      %mul3A_939 = arith.constant 256 : i32
      %mul3A_940 = arith.muli %scan3A_933, %mul3A_939 : i32
      %get3A_941 = arith.index_cast %mul3A_940 : i32 to index
      %get3A_942 = arith.constant 0 : index
      %get3A_943 = vector.load %arg27[%get3A_941, %get3A_942] : memref<32000x128xbf16, #tpu.memory_space<vmem>>, vector<256x128xbf16>
      %dot_general3A_944 = arith.constant dense<0.000000e+00> : vector<256x128xf32>
      %dot_general3A_945 = tpu.matmul %get3A_943, %get3A_938, %dot_general3A_944 {dimension_numbers = #tpu.dot_dimension_numbers<[1], [0], [0], [1], [0, 0, 1, 1], [], []>, transpose_lhs_hint = false} : vector<256x128xbf16>, vector<128x128xbf16>, vector<256x128xf32> -> vector<256x128xf32>
      %convert_element_type3A_946 = arith.truncf %dot_general3A_945 : vector<256x128xf32> to vector<256x128xbf16>
      %mul3A_947 = arith.constant 256 : i32
      %mul3A_948 = arith.muli %scan3A_933, %mul3A_947 : i32
      %get3A_949 = arith.index_cast %mul3A_948 : i32 to index
      %get3A_950 = arith.constant 0 : index
      %get3A_951 = vector.load %arg24[%get3A_949, %get3A_950] : memref<32000x128xbf16, #tpu.memory_space<vmem>>, vector<256x128xbf16>
      %mul3A_952 = arith.mulf %convert_element_type3A_946, %get3A_951 : vector<256x128xbf16>
      %mul3A_953 = arith.constant 128 : i32
      %mul3A_954 = arith.muli %scan3A_933, %mul3A_953 : i32
      %get3A_955 = arith.index_cast %mul3A_954 : i32 to index
      %get3A_956 = arith.constant 0 : index
      %get3A_957 = vector.load %arg28[%get3A_955, %get3A_956] : memref<16000x256xbf16, #tpu.memory_space<vmem>>, vector<128x256xbf16>
      %dot_general3A_958 = arith.constant dense<0.000000e+00> : vector<128x128xf32>
      %dot_general3A_959 = tpu.matmul %get3A_957, %mul3A_952, %dot_general3A_958 {dimension_numbers = #tpu.dot_dimension_numbers<[1], [0], [0], [1], [0, 0, 1, 1], [], []>, transpose_lhs_hint = false} : vector<128x256xbf16>, vector<256x128xbf16>, vector<128x128xf32> -> vector<128x128xf32>
      %convert_element_type3A_960 = arith.truncf %dot_general3A_959 : vector<128x128xf32> to vector<128x128xbf16>
      %mul3A_961 = arith.constant 128 : i32
      %mul3A_962 = arith.muli %scan3A_933, %mul3A_961 : i32
      %swap3A_963 = arith.index_cast %mul3A_962 : i32 to index
      %swap3A_964 = arith.constant 0 : index
      %swap3A_965 = vector.load %arg25[%swap3A_963, %swap3A_964] : memref<16000x128xbf16, #tpu.memory_space<vmem>>, vector<128x128xbf16>
      tpu.vector_store %arg25[%swap3A_963, %swap3A_964], %convert_element_type3A_960 {strides = array<i32>} : memref<16000x128xbf16, #tpu.memory_space<vmem>>, vector<128x128xbf16>,
      %scan3A_966 = arith.constant 19 : i32
      %scan3A_967 = arith.addi %scan3A_321, %scan3A_966 : i32
      %mul3A_968 = arith.constant 128 : i32
      %mul3A_969 = arith.muli %scan3A_967, %mul3A_968 : i32
      %get3A_970 = arith.index_cast %mul3A_969 : i32 to index
      %get3A_971 = arith.constant 0 : index
      %get3A_972 = vector.load %arg23[%get3A_970, %get3A_971] : memref<16000x128xbf16, #tpu.memory_space<vmem>>, vector<128x128xbf16>
      %mul3A_973 = arith.constant 256 : i32
      %mul3A_974 = arith.muli %scan3A_967, %mul3A_973 : i32
      %get3A_975 = arith.index_cast %mul3A_974 : i32 to index
      %get3A_976 = arith.constant 0 : index
      %get3A_977 = vector.load %arg27[%get3A_975, %get3A_976] : memref<32000x128xbf16, #tpu.memory_space<vmem>>, vector<256x128xbf16>
      %dot_general3A_978 = arith.constant dense<0.000000e+00> : vector<256x128xf32>
      %dot_general3A_979 = tpu.matmul %get3A_977, %get3A_972, %dot_general3A_978 {dimension_numbers = #tpu.dot_dimension_numbers<[1], [0], [0], [1], [0, 0, 1, 1], [], []>, transpose_lhs_hint = false} : vector<256x128xbf16>, vector<128x128xbf16>, vector<256x128xf32> -> vector<256x128xf32>
      %convert_element_type3A_980 = arith.truncf %dot_general3A_979 : vector<256x128xf32> to vector<256x128xbf16>
      %mul3A_981 = arith.constant 256 : i32
      %mul3A_982 = arith.muli %scan3A_967, %mul3A_981 : i32
      %get3A_983 = arith.index_cast %mul3A_982 : i32 to index
      %get3A_984 = arith.constant 0 : index
      %get3A_985 = vector.load %arg24[%get3A_983, %get3A_984] : memref<32000x128xbf16, #tpu.memory_space<vmem>>, vector<256x128xbf16>
      %mul3A_986 = arith.mulf %convert_element_type3A_980, %get3A_985 : vector<256x128xbf16>
      %mul3A_987 = arith.constant 128 : i32
      %mul3A_988 = arith.muli %scan3A_967, %mul3A_987 : i32
      %get3A_989 = arith.index_cast %mul3A_988 : i32 to index
      %get3A_990 = arith.constant 0 : index
      %get3A_991 = vector.load %arg28[%get3A_989, %get3A_990] : memref<16000x256xbf16, #tpu.memory_space<vmem>>, vector<128x256xbf16>
      %dot_general3A_992 = arith.constant dense<0.000000e+00> : vector<128x128xf32>
      %dot_general3A_993 = tpu.matmul %get3A_991, %mul3A_986, %dot_general3A_992 {dimension_numbers = #tpu.dot_dimension_numbers<[1], [0], [0], [1], [0, 0, 1, 1], [], []>, transpose_lhs_hint = false} : vector<128x256xbf16>, vector<256x128xbf16>, vector<128x128xf32> -> vector<128x128xf32>
      %convert_element_type3A_994 = arith.truncf %dot_general3A_993 : vector<128x128xf32> to vector<128x128xbf16>
      %mul3A_995 = arith.constant 128 : i32
      %mul3A_996 = arith.muli %scan3A_967, %mul3A_995 : i32
      %swap3A_997 = arith.index_cast %mul3A_996 : i32 to index
      %swap3A_998 = arith.constant 0 : index
      %swap3A_999 = vector.load %arg25[%swap3A_997, %swap3A_998] : memref<16000x128xbf16, #tpu.memory_space<vmem>>, vector<128x128xbf16>
      tpu.vector_store %arg25[%swap3A_997, %swap3A_998], %convert_element_type3A_994 {strides = array<i32>} : memref<16000x128xbf16, #tpu.memory_space<vmem>>, vector<128x128xbf16>,
      %scan3A_1000 = arith.constant 20 : i32
      %scan3A_1001 = arith.addi %scan3A_321, %scan3A_1000 : i32
      %mul3A_1002 = arith.constant 128 : i32
      %mul3A_1003 = arith.muli %scan3A_1001, %mul3A_1002 : i32
      %get3A_1004 = arith.index_cast %mul3A_1003 : i32 to index
      %get3A_1005 = arith.constant 0 : index
      %get3A_1006 = vector.load %arg23[%get3A_1004, %get3A_1005] : memref<16000x128xbf16, #tpu.memory_space<vmem>>, vector<128x128xbf16>
      %mul3A_1007 = arith.constant 256 : i32
      %mul3A_1008 = arith.muli %scan3A_1001, %mul3A_1007 : i32
      %get3A_1009 = arith.index_cast %mul3A_1008 : i32 to index
      %get3A_1010 = arith.constant 0 : index
      %get3A_1011 = vector.load %arg27[%get3A_1009, %get3A_1010] : memref<32000x128xbf16, #tpu.memory_space<vmem>>, vector<256x128xbf16>
      %dot_general3A_1012 = arith.constant dense<0.000000e+00> : vector<256x128xf32>
      %dot_general3A_1013 = tpu.matmul %get3A_1011, %get3A_1006, %dot_general3A_1012 {dimension_numbers = #tpu.dot_dimension_numbers<[1], [0], [0], [1], [0, 0, 1, 1], [], []>, transpose_lhs_hint = false} : vector<256x128xbf16>, vector<128x128xbf16>, vector<256x128xf32> -> vector<256x128xf32>
      %convert_element_type3A_1014 = arith.truncf %dot_general3A_1013 : vector<256x128xf32> to vector<256x128xbf16>
      %mul3A_1015 = arith.constant 256 : i32
      %mul3A_1016 = arith.muli %scan3A_1001, %mul3A_1015 : i32
      %get3A_1017 = arith.index_cast %mul3A_1016 : i32 to index
      %get3A_1018 = arith.constant 0 : index
      %get3A_1019 = vector.load %arg24[%get3A_1017, %get3A_1018] : memref<32000x128xbf16, #tpu.memory_space<vmem>>, vector<256x128xbf16>
      %mul3A_1020 = arith.mulf %convert_element_type3A_1014, %get3A_1019 : vector<256x128xbf16>
      %mul3A_1021 = arith.constant 128 : i32
      %mul3A_1022 = arith.muli %scan3A_1001, %mul3A_1021 : i32
      %get3A_1023 = arith.index_cast %mul3A_1022 : i32 to index
      %get3A_1024 = arith.constant 0 : index
      %get3A_1025 = vector.load %arg28[%get3A_1023, %get3A_1024] : memref<16000x256xbf16, #tpu.memory_space<vmem>>, vector<128x256xbf16>
      %dot_general3A_1026 = arith.constant dense<0.000000e+00> : vector<128x128xf32>
      %dot_general3A_1027 = tpu.matmul %get3A_1025, %mul3A_1020, %dot_general3A_1026 {dimension_numbers = #tpu.dot_dimension_numbers<[1], [0], [0], [1], [0, 0, 1, 1], [], []>, transpose_lhs_hint = false} : vector<128x256xbf16>, vector<256x128xbf16>, vector<128x128xf32> -> vector<128x128xf32>
      %convert_element_type3A_1028 = arith.truncf %dot_general3A_1027 : vector<128x128xf32> to vector<128x128xbf16>
      %mul3A_1029 = arith.constant 128 : i32
      %mul3A_1030 = arith.muli %scan3A_1001, %mul3A_1029 : i32
      %swap3A_1031 = arith.index_cast %mul3A_1030 : i32 to index
      %swap3A_1032 = arith.constant 0 : index
      %swap3A_1033 = vector.load %arg25[%swap3A_1031, %swap3A_1032] : memref<16000x128xbf16, #tpu.memory_space<vmem>>, vector<128x128xbf16>
      tpu.vector_store %arg25[%swap3A_1031, %swap3A_1032], %convert_element_type3A_1028 {strides = array<i32>} : memref<16000x128xbf16, #tpu.memory_space<vmem>>, vector<128x128xbf16>,
      %scan3A_1034 = arith.constant 21 : i32
      %scan3A_1035 = arith.addi %scan3A_321, %scan3A_1034 : i32
      %mul3A_1036 = arith.constant 128 : i32
      %mul3A_1037 = arith.muli %scan3A_1035, %mul3A_1036 : i32
      %get3A_1038 = arith.index_cast %mul3A_1037 : i32 to index
      %get3A_1039 = arith.constant 0 : index
      %get3A_1040 = vector.load %arg23[%get3A_1038, %get3A_1039] : memref<16000x128xbf16, #tpu.memory_space<vmem>>, vector<128x128xbf16>
      %mul3A_1041 = arith.constant 256 : i32
      %mul3A_1042 = arith.muli %scan3A_1035, %mul3A_1041 : i32
      %get3A_1043 = arith.index_cast %mul3A_1042 : i32 to index
      %get3A_1044 = arith.constant 0 : index
      %get3A_1045 = vector.load %arg27[%get3A_1043, %get3A_1044] : memref<32000x128xbf16, #tpu.memory_space<vmem>>, vector<256x128xbf16>
      %dot_general3A_1046 = arith.constant dense<0.000000e+00> : vector<256x128xf32>
      %dot_general3A_1047 = tpu.matmul %get3A_1045, %get3A_1040, %dot_general3A_1046 {dimension_numbers = #tpu.dot_dimension_numbers<[1], [0], [0], [1], [0, 0, 1, 1], [], []>, transpose_lhs_hint = false} : vector<256x128xbf16>, vector<128x128xbf16>, vector<256x128xf32> -> vector<256x128xf32>
      %convert_element_type3A_1048 = arith.truncf %dot_general3A_1047 : vector<256x128xf32> to vector<256x128xbf16>
      %mul3A_1049 = arith.constant 256 : i32
      %mul3A_1050 = arith.muli %scan3A_1035, %mul3A_1049 : i32
      %get3A_1051 = arith.index_cast %mul3A_1050 : i32 to index
      %get3A_1052 = arith.constant 0 : index
      %get3A_1053 = vector.load %arg24[%get3A_1051, %get3A_1052] : memref<32000x128xbf16, #tpu.memory_space<vmem>>, vector<256x128xbf16>
      %mul3A_1054 = arith.mulf %convert_element_type3A_1048, %get3A_1053 : vector<256x128xbf16>
      %mul3A_1055 = arith.constant 128 : i32
      %mul3A_1056 = arith.muli %scan3A_1035, %mul3A_1055 : i32
      %get3A_1057 = arith.index_cast %mul3A_1056 : i32 to index
      %get3A_1058 = arith.constant 0 : index
      %get3A_1059 = vector.load %arg28[%get3A_1057, %get3A_1058] : memref<16000x256xbf16, #tpu.memory_space<vmem>>, vector<128x256xbf16>
      %dot_general3A_1060 = arith.constant dense<0.000000e+00> : vector<128x128xf32>
      %dot_general3A_1061 = tpu.matmul %get3A_1059, %mul3A_1054, %dot_general3A_1060 {dimension_numbers = #tpu.dot_dimension_numbers<[1], [0], [0], [1], [0, 0, 1, 1], [], []>, transpose_lhs_hint = false} : vector<128x256xbf16>, vector<256x128xbf16>, vector<128x128xf32> -> vector<128x128xf32>
      %convert_element_type3A_1062 = arith.truncf %dot_general3A_1061 : vector<128x128xf32> to vector<128x128xbf16>
      %mul3A_1063 = arith.constant 128 : i32
      %mul3A_1064 = arith.muli %scan3A_1035, %mul3A_1063 : i32
      %swap3A_1065 = arith.index_cast %mul3A_1064 : i32 to index
      %swap3A_1066 = arith.constant 0 : index
      %swap3A_1067 = vector.load %arg25[%swap3A_1065, %swap3A_1066] : memref<16000x128xbf16, #tpu.memory_space<vmem>>, vector<128x128xbf16>
      tpu.vector_store %arg25[%swap3A_1065, %swap3A_1066], %convert_element_type3A_1062 {strides = array<i32>} : memref<16000x128xbf16, #tpu.memory_space<vmem>>, vector<128x128xbf16>,
      %scan3A_1068 = arith.constant 22 : i32
      %scan3A_1069 = arith.addi %scan3A_321, %scan3A_1068 : i32
      %mul3A_1070 = arith.constant 128 : i32
      %mul3A_1071 = arith.muli %scan3A_1069, %mul3A_1070 : i32
      %get3A_1072 = arith.index_cast %mul3A_1071 : i32 to index
      %get3A_1073 = arith.constant 0 : index
      %get3A_1074 = vector.load %arg23[%get3A_1072, %get3A_1073] : memref<16000x128xbf16, #tpu.memory_space<vmem>>, vector<128x128xbf16>
      %mul3A_1075 = arith.constant 256 : i32
      %mul3A_1076 = arith.muli %scan3A_1069, %mul3A_1075 : i32
      %get3A_1077 = arith.index_cast %mul3A_1076 : i32 to index
      %get3A_1078 = arith.constant 0 : index
      %get3A_1079 = vector.load %arg27[%get3A_1077, %get3A_1078] : memref<32000x128xbf16, #tpu.memory_space<vmem>>, vector<256x128xbf16>
      %dot_general3A_1080 = arith.constant dense<0.000000e+00> : vector<256x128xf32>
      %dot_general3A_1081 = tpu.matmul %get3A_1079, %get3A_1074, %dot_general3A_1080 {dimension_numbers = #tpu.dot_dimension_numbers<[1], [0], [0], [1], [0, 0, 1, 1], [], []>, transpose_lhs_hint = false} : vector<256x128xbf16>, vector<128x128xbf16>, vector<256x128xf32> -> vector<256x128xf32>
      %convert_element_type3A_1082 = arith.truncf %dot_general3A_1081 : vector<256x128xf32> to vector<256x128xbf16>
      %mul3A_1083 = arith.constant 256 : i32
      %mul3A_1084 = arith.muli %scan3A_1069, %mul3A_1083 : i32
      %get3A_1085 = arith.index_cast %mul3A_1084 : i32 to index
      %get3A_1086 = arith.constant 0 : index
      %get3A_1087 = vector.load %arg24[%get3A_1085, %get3A_1086] : memref<32000x128xbf16, #tpu.memory_space<vmem>>, vector<256x128xbf16>
      %mul3A_1088 = arith.mulf %convert_element_type3A_1082, %get3A_1087 : vector<256x128xbf16>
      %mul3A_1089 = arith.constant 128 : i32
      %mul3A_1090 = arith.muli %scan3A_1069, %mul3A_1089 : i32
      %get3A_1091 = arith.index_cast %mul3A_1090 : i32 to index
      %get3A_1092 = arith.constant 0 : index
      %get3A_1093 = vector.load %arg28[%get3A_1091, %get3A_1092] : memref<16000x256xbf16, #tpu.memory_space<vmem>>, vector<128x256xbf16>
      %dot_general3A_1094 = arith.constant dense<0.000000e+00> : vector<128x128xf32>
      %dot_general3A_1095 = tpu.matmul %get3A_1093, %mul3A_1088, %dot_general3A_1094 {dimension_numbers = #tpu.dot_dimension_numbers<[1], [0], [0], [1], [0, 0, 1, 1], [], []>, transpose_lhs_hint = false} : vector<128x256xbf16>, vector<256x128xbf16>, vector<128x128xf32> -> vector<128x128xf32>
      %convert_element_type3A_1096 = arith.truncf %dot_general3A_1095 : vector<128x128xf32> to vector<128x128xbf16>
      %mul3A_1097 = arith.constant 128 : i32
      %mul3A_1098 = arith.muli %scan3A_1069, %mul3A_1097 : i32
      %swap3A_1099 = arith.index_cast %mul3A_1098 : i32 to index
      %swap3A_1100 = arith.constant 0 : index
      %swap3A_1101 = vector.load %arg25[%swap3A_1099, %swap3A_1100] : memref<16000x128xbf16, #tpu.memory_space<vmem>>, vector<128x128xbf16>
      tpu.vector_store %arg25[%swap3A_1099, %swap3A_1100], %convert_element_type3A_1096 {strides = array<i32>} : memref<16000x128xbf16, #tpu.memory_space<vmem>>, vector<128x128xbf16>,
      %scan3A_1102 = arith.constant 23 : i32
      %scan3A_1103 = arith.addi %scan3A_321, %scan3A_1102 : i32
      %mul3A_1104 = arith.constant 128 : i32
      %mul3A_1105 = arith.muli %scan3A_1103, %mul3A_1104 : i32
      %get3A_1106 = arith.index_cast %mul3A_1105 : i32 to index
      %get3A_1107 = arith.constant 0 : index
      %get3A_1108 = vector.load %arg23[%get3A_1106, %get3A_1107] : memref<16000x128xbf16, #tpu.memory_space<vmem>>, vector<128x128xbf16>
      %mul3A_1109 = arith.constant 256 : i32
      %mul3A_1110 = arith.muli %scan3A_1103, %mul3A_1109 : i32
      %get3A_1111 = arith.index_cast %mul3A_1110 : i32 to index
      %get3A_1112 = arith.constant 0 : index
      %get3A_1113 = vector.load %arg27[%get3A_1111, %get3A_1112] : memref<32000x128xbf16, #tpu.memory_space<vmem>>, vector<256x128xbf16>
      %dot_general3A_1114 = arith.constant dense<0.000000e+00> : vector<256x128xf32>
      %dot_general3A_1115 = tpu.matmul %get3A_1113, %get3A_1108, %dot_general3A_1114 {dimension_numbers = #tpu.dot_dimension_numbers<[1], [0], [0], [1], [0, 0, 1, 1], [], []>, transpose_lhs_hint = false} : vector<256x128xbf16>, vector<128x128xbf16>, vector<256x128xf32> -> vector<256x128xf32>
      %convert_element_type3A_1116 = arith.truncf %dot_general3A_1115 : vector<256x128xf32> to vector<256x128xbf16>
      %mul3A_1117 = arith.constant 256 : i32
      %mul3A_1118 = arith.muli %scan3A_1103, %mul3A_1117 : i32
      %get3A_1119 = arith.index_cast %mul3A_1118 : i32 to index
      %get3A_1120 = arith.constant 0 : index
      %get3A_1121 = vector.load %arg24[%get3A_1119, %get3A_1120] : memref<32000x128xbf16, #tpu.memory_space<vmem>>, vector<256x128xbf16>
      %mul3A_1122 = arith.mulf %convert_element_type3A_1116, %get3A_1121 : vector<256x128xbf16>
      %mul3A_1123 = arith.constant 128 : i32
      %mul3A_1124 = arith.muli %scan3A_1103, %mul3A_1123 : i32
      %get3A_1125 = arith.index_cast %mul3A_1124 : i32 to index
      %get3A_1126 = arith.constant 0 : index
      %get3A_1127 = vector.load %arg28[%get3A_1125, %get3A_1126] : memref<16000x256xbf16, #tpu.memory_space<vmem>>, vector<128x256xbf16>
      %dot_general3A_1128 = arith.constant dense<0.000000e+00> : vector<128x128xf32>
      %dot_general3A_1129 = tpu.matmul %get3A_1127, %mul3A_1122, %dot_general3A_1128 {dimension_numbers = #tpu.dot_dimension_numbers<[1], [0], [0], [1], [0, 0, 1, 1], [], []>, transpose_lhs_hint = false} : vector<128x256xbf16>, vector<256x128xbf16>, vector<128x128xf32> -> vector<128x128xf32>
      %convert_element_type3A_1130 = arith.truncf %dot_general3A_1129 : vector<128x128xf32> to vector<128x128xbf16>
      %mul3A_1131 = arith.constant 128 : i32
      %mul3A_1132 = arith.muli %scan3A_1103, %mul3A_1131 : i32
      %swap3A_1133 = arith.index_cast %mul3A_1132 : i32 to index
      %swap3A_1134 = arith.constant 0 : index
      %swap3A_1135 = vector.load %arg25[%swap3A_1133, %swap3A_1134] : memref<16000x128xbf16, #tpu.memory_space<vmem>>, vector<128x128xbf16>
      tpu.vector_store %arg25[%swap3A_1133, %swap3A_1134], %convert_element_type3A_1130 {strides = array<i32>} : memref<16000x128xbf16, #tpu.memory_space<vmem>>, vector<128x128xbf16>,
      %scan3A_1136 = arith.constant 24 : i32
      %scan3A_1137 = arith.addi %scan3A_321, %scan3A_1136 : i32
      %mul3A_1138 = arith.constant 128 : i32
      %mul3A_1139 = arith.muli %scan3A_1137, %mul3A_1138 : i32
      %get3A_1140 = arith.index_cast %mul3A_1139 : i32 to index
      %get3A_1141 = arith.constant 0 : index
      %get3A_1142 = vector.load %arg23[%get3A_1140, %get3A_1141] : memref<16000x128xbf16, #tpu.memory_space<vmem>>, vector<128x128xbf16>
      %mul3A_1143 = arith.constant 256 : i32
      %mul3A_1144 = arith.muli %scan3A_1137, %mul3A_1143 : i32
      %get3A_1145 = arith.index_cast %mul3A_1144 : i32 to index
      %get3A_1146 = arith.constant 0 : index
      %get3A_1147 = vector.load %arg27[%get3A_1145, %get3A_1146] : memref<32000x128xbf16, #tpu.memory_space<vmem>>, vector<256x128xbf16>
      %dot_general3A_1148 = arith.constant dense<0.000000e+00> : vector<256x128xf32>
      %dot_general3A_1149 = tpu.matmul %get3A_1147, %get3A_1142, %dot_general3A_1148 {dimension_numbers = #tpu.dot_dimension_numbers<[1], [0], [0], [1], [0, 0, 1, 1], [], []>, transpose_lhs_hint = false} : vector<256x128xbf16>, vector<128x128xbf16>, vector<256x128xf32> -> vector<256x128xf32>
      %convert_element_type3A_1150 = arith.truncf %dot_general3A_1149 : vector<256x128xf32> to vector<256x128xbf16>
      %mul3A_1151 = arith.constant 256 : i32
      %mul3A_1152 = arith.muli %scan3A_1137, %mul3A_1151 : i32
      %get3A_1153 = arith.index_cast %mul3A_1152 : i32 to index
      %get3A_1154 = arith.constant 0 : index
      %get3A_1155 = vector.load %arg24[%get3A_1153, %get3A_1154] : memref<32000x128xbf16, #tpu.memory_space<vmem>>, vector<256x128xbf16>
      %mul3A_1156 = arith.mulf %convert_element_type3A_1150, %get3A_1155 : vector<256x128xbf16>
      %mul3A_1157 = arith.constant 128 : i32
      %mul3A_1158 = arith.muli %scan3A_1137, %mul3A_1157 : i32
      %get3A_1159 = arith.index_cast %mul3A_1158 : i32 to index
      %get3A_1160 = arith.constant 0 : index
      %get3A_1161 = vector.load %arg28[%get3A_1159, %get3A_1160] : memref<16000x256xbf16, #tpu.memory_space<vmem>>, vector<128x256xbf16>
      %dot_general3A_1162 = arith.constant dense<0.000000e+00> : vector<128x128xf32>
      %dot_general3A_1163 = tpu.matmul %get3A_1161, %mul3A_1156, %dot_general3A_1162 {dimension_numbers = #tpu.dot_dimension_numbers<[1], [0], [0], [1], [0, 0, 1, 1], [], []>, transpose_lhs_hint = false} : vector<128x256xbf16>, vector<256x128xbf16>, vector<128x128xf32> -> vector<128x128xf32>
      %convert_element_type3A_1164 = arith.truncf %dot_general3A_1163 : vector<128x128xf32> to vector<128x128xbf16>
      %mul3A_1165 = arith.constant 128 : i32
      %mul3A_1166 = arith.muli %scan3A_1137, %mul3A_1165 : i32
      %swap3A_1167 = arith.index_cast %mul3A_1166 : i32 to index
      %swap3A_1168 = arith.constant 0 : index
      %swap3A_1169 = vector.load %arg25[%swap3A_1167, %swap3A_1168] : memref<16000x128xbf16, #tpu.memory_space<vmem>>, vector<128x128xbf16>
      tpu.vector_store %arg25[%swap3A_1167, %swap3A_1168], %convert_element_type3A_1164 {strides = array<i32>} : memref<16000x128xbf16, #tpu.memory_space<vmem>>, vector<128x128xbf16>,
    }
    %scan3A_154 = arith.constant 125 : i32
    %get3A_155 = arith.constant 0 : index
    %get3A_156 = arith.constant 0 : index
    %get3A_157 = vector.load %arg25[%get3A_155, %get3A_156] : memref<16000x128xbf16, #tpu.memory_space<vmem>>, vector<16000x128xbf16>
    %get3A_158 = arith.constant 1 : index
    %get3A_159 = arith.constant 0 : index
    %get3A_160 = arith.constant 0 : index
    %get3A_161 = vector.load %arg15[%get3A_158, %get3A_159, %get3A_160] : memref<3x128x128xf32, #tpu.memory_space<vmem>>, vector<1x128x128xf32>
    %get3A_162 = vector.shape_cast %get3A_161 : vector<1x128x128xf32> to vector<128x128xf32>
    %convert_element_type3A_163 = arith.truncf %get3A_162 : vector<128x128xf32> to vector<128x128xbf16>
    %dot_general3A_164 = arith.constant dense<0.000000e+00> : vector<16000x128xf32>
    %dot_general3A_165 = tpu.matmul %get3A_157, %convert_element_type3A_163, %dot_general3A_164 {dimension_numbers = #tpu.dot_dimension_numbers<[1], [0], [0], [1], [0, 0, 1, 1], [], []>, transpose_lhs_hint = false} : vector<16000x128xbf16>, vector<128x128xbf16>, vector<16000x128xf32> -> vector<16000x128xf32>
    %get3A_166 = arith.constant 1 : index
    %get3A_167 = arith.constant 0 : index
    %get3A_168 = vector.load %arg16[%get3A_166, %get3A_167] : memref<3x128xf32, #tpu.memory_space<vmem>>, vector<1x128xf32>
    %add3A_169 = vector.broadcast %get3A_168 : vector<1x128xf32> to vector<16000x128xf32>
    %add3A_170 = arith.addf %dot_general3A_165, %add3A_169 : vector<16000x128xf32>
    %max3A_171 = arith.constant 0.000000e+00 : f32
    %max3A_172 = vector.broadcast %max3A_171 : f32 to vector<16000x128xf32>
    %max3A_173 = arith.maximumf %add3A_170, %max3A_172 : vector<16000x128xf32>
    %get3A_174 = arith.constant 0 : index
    %get3A_175 = arith.constant 0 : index
    %get3A_176 = vector.load %arg22[%get3A_174, %get3A_175] : memref<16000x128xf32, #tpu.memory_space<vmem>>, vector<16000x128xf32>
    %convert_element_type3A_177 = arith.truncf %max3A_173 : vector<16000x128xf32> to vector<16000x128xbf16>
    %get3A_178 = arith.constant 1 : index
    %get3A_179 = arith.constant 0 : index
    %get3A_180 = arith.constant 0 : index
    %get3A_181 = vector.load %arg17[%get3A_178, %get3A_179, %get3A_180] : memref<3x128x128xf32, #tpu.memory_space<vmem>>, vector<1x128x128xf32>
    %get3A_182 = vector.shape_cast %get3A_181 : vector<1x128x128xf32> to vector<128x128xf32>
    %convert_element_type3A_183 = arith.truncf %get3A_182 : vector<128x128xf32> to vector<128x128xbf16>
    %dot_general3A_184 = arith.constant dense<0.000000e+00> : vector<16000x128xf32>
    %dot_general3A_185 = tpu.matmul %convert_element_type3A_177, %convert_element_type3A_183, %dot_general3A_184 {dimension_numbers = #tpu.dot_dimension_numbers<[1], [0], [0], [1], [0, 0, 1, 1], [], []>, transpose_lhs_hint = false} : vector<16000x128xbf16>, vector<128x128xbf16>, vector<16000x128xf32> -> vector<16000x128xf32>
    %add3A_186 = arith.addf %get3A_176, %dot_general3A_185 : vector<16000x128xf32>
    %get3A_187 = arith.constant 1 : index
    %get3A_188 = arith.constant 0 : index
    %get3A_189 = vector.load %arg18[%get3A_187, %get3A_188] : memref<3x128xf32, #tpu.memory_space<vmem>>, vector<1x128xf32>
    %add3A_190 = vector.broadcast %get3A_189 : vector<1x128xf32> to vector<16000x128xf32>
    %add3A_191 = arith.addf %add3A_186, %add3A_190 : vector<16000x128xf32>
    %swap3A_192 = arith.constant 0 : index
    %swap3A_193 = arith.constant 0 : index
    %swap3A_194 = vector.load %arg22[%swap3A_192, %swap3A_193] : memref<16000x128xf32, #tpu.memory_space<vmem>>, vector<16000x128xf32>
    tpu.vector_store %arg22[%swap3A_192, %swap3A_193], %add3A_191 {strides = array<i32>} : memref<16000x128xf32, #tpu.memory_space<vmem>>, vector<16000x128xf32>,
    %get3A_195 = arith.constant 0 : index
    %get3A_196 = arith.constant 0 : index
    %get3A_197 = vector.load %arg22[%get3A_195, %get3A_196] : memref<16000x128xf32, #tpu.memory_space<vmem>>, vector<16000x128xf32>
    %convert_element_type3A_198 = arith.truncf %get3A_197 : vector<16000x128xf32> to vector<16000x128xbf16>
    %swap3A_199 = arith.constant 0 : index
    %swap3A_200 = arith.constant 0 : index
    %swap3A_201 = vector.load %arg23[%swap3A_199, %swap3A_200] : memref<16000x128xbf16, #tpu.memory_space<vmem>>, vector<16000x128xbf16>
    tpu.vector_store %arg23[%swap3A_199, %swap3A_200], %convert_element_type3A_198 {strides = array<i32>} : memref<16000x128xbf16, #tpu.memory_space<vmem>>, vector<16000x128xbf16>,
    %scan3A_202 = arith.constant 0 : i32
    %scan3A_203 = arith.constant 125 : i32
    %scan3A_204 = arith.addi %scan3A_202, %scan3A_203 : i32
    %scan3A_205 = arith.constant 25 : i32
    scf.for %scan3A_321 = %scan3A_202 to %scan3A_204 step %scan3A_205  : i32 {
      %mul3A_322 = arith.constant 128 : i32
      %mul3A_323 = arith.muli %scan3A_321, %mul3A_322 : i32
      %get3A_324 = arith.index_cast %mul3A_323 : i32 to index
      %get3A_325 = arith.constant 0 : index
      %get3A_326 = vector.load %arg23[%get3A_324, %get3A_325] : memref<16000x128xbf16, #tpu.memory_space<vmem>>, vector<128x128xbf16>
      %mul3A_327 = arith.constant 256 : i32
      %mul3A_328 = arith.muli %scan3A_321, %mul3A_327 : i32
      %get3A_329 = arith.index_cast %mul3A_328 : i32 to index
      %get3A_330 = arith.constant 0 : index
      %get3A_331 = vector.load %arg27[%get3A_329, %get3A_330] : memref<32000x128xbf16, #tpu.memory_space<vmem>>, vector<256x128xbf16>
      %dot_general3A_332 = arith.constant dense<0.000000e+00> : vector<256x128xf32>
      %dot_general3A_333 = tpu.matmul %get3A_331, %get3A_326, %dot_general3A_332 {dimension_numbers = #tpu.dot_dimension_numbers<[1], [0], [0], [1], [0, 0, 1, 1], [], []>, transpose_lhs_hint = false} : vector<256x128xbf16>, vector<128x128xbf16>, vector<256x128xf32> -> vector<256x128xf32>
      %convert_element_type3A_334 = arith.truncf %dot_general3A_333 : vector<256x128xf32> to vector<256x128xbf16>
      %mul3A_335 = arith.constant 256 : i32
      %mul3A_336 = arith.muli %scan3A_321, %mul3A_335 : i32
      %get3A_337 = arith.index_cast %mul3A_336 : i32 to index
      %get3A_338 = arith.constant 0 : index
      %get3A_339 = vector.load %arg24[%get3A_337, %get3A_338] : memref<32000x128xbf16, #tpu.memory_space<vmem>>, vector<256x128xbf16>
      %mul3A_340 = arith.mulf %convert_element_type3A_334, %get3A_339 : vector<256x128xbf16>
      %mul3A_341 = arith.constant 128 : i32
      %mul3A_342 = arith.muli %scan3A_321, %mul3A_341 : i32
      %get3A_343 = arith.index_cast %mul3A_342 : i32 to index
      %get3A_344 = arith.constant 0 : index
      %get3A_345 = vector.load %arg28[%get3A_343, %get3A_344] : memref<16000x256xbf16, #tpu.memory_space<vmem>>, vector<128x256xbf16>
      %dot_general3A_346 = arith.constant dense<0.000000e+00> : vector<128x128xf32>
      %dot_general3A_347 = tpu.matmul %get3A_345, %mul3A_340, %dot_general3A_346 {dimension_numbers = #tpu.dot_dimension_numbers<[1], [0], [0], [1], [0, 0, 1, 1], [], []>, transpose_lhs_hint = false} : vector<128x256xbf16>, vector<256x128xbf16>, vector<128x128xf32> -> vector<128x128xf32>
      %convert_element_type3A_348 = arith.truncf %dot_general3A_347 : vector<128x128xf32> to vector<128x128xbf16>
      %mul3A_349 = arith.constant 128 : i32
      %mul3A_350 = arith.muli %scan3A_321, %mul3A_349 : i32
      %swap3A_351 = arith.index_cast %mul3A_350 : i32 to index
      %swap3A_352 = arith.constant 0 : index
      %swap3A_353 = vector.load %arg25[%swap3A_351, %swap3A_352] : memref<16000x128xbf16, #tpu.memory_space<vmem>>, vector<128x128xbf16>
      tpu.vector_store %arg25[%swap3A_351, %swap3A_352], %convert_element_type3A_348 {strides = array<i32>} : memref<16000x128xbf16, #tpu.memory_space<vmem>>, vector<128x128xbf16>,
      %scan3A_354 = arith.constant 1 : i32
      %scan3A_355 = arith.addi %scan3A_321, %scan3A_354 : i32
      %mul3A_356 = arith.constant 128 : i32
      %mul3A_357 = arith.muli %scan3A_355, %mul3A_356 : i32
      %get3A_358 = arith.index_cast %mul3A_357 : i32 to index
      %get3A_359 = arith.constant 0 : index
      %get3A_360 = vector.load %arg23[%get3A_358, %get3A_359] : memref<16000x128xbf16, #tpu.memory_space<vmem>>, vector<128x128xbf16>
      %mul3A_361 = arith.constant 256 : i32
      %mul3A_362 = arith.muli %scan3A_355, %mul3A_361 : i32
      %get3A_363 = arith.index_cast %mul3A_362 : i32 to index
      %get3A_364 = arith.constant 0 : index
      %get3A_365 = vector.load %arg27[%get3A_363, %get3A_364] : memref<32000x128xbf16, #tpu.memory_space<vmem>>, vector<256x128xbf16>
      %dot_general3A_366 = arith.constant dense<0.000000e+00> : vector<256x128xf32>
      %dot_general3A_367 = tpu.matmul %get3A_365, %get3A_360, %dot_general3A_366 {dimension_numbers = #tpu.dot_dimension_numbers<[1], [0], [0], [1], [0, 0, 1, 1], [], []>, transpose_lhs_hint = false} : vector<256x128xbf16>, vector<128x128xbf16>, vector<256x128xf32> -> vector<256x128xf32>
      %convert_element_type3A_368 = arith.truncf %dot_general3A_367 : vector<256x128xf32> to vector<256x128xbf16>
      %mul3A_369 = arith.constant 256 : i32
      %mul3A_370 = arith.muli %scan3A_355, %mul3A_369 : i32
      %get3A_371 = arith.index_cast %mul3A_370 : i32 to index
      %get3A_372 = arith.constant 0 : index
      %get3A_373 = vector.load %arg24[%get3A_371, %get3A_372] : memref<32000x128xbf16, #tpu.memory_space<vmem>>, vector<256x128xbf16>
      %mul3A_374 = arith.mulf %convert_element_type3A_368, %get3A_373 : vector<256x128xbf16>
      %mul3A_375 = arith.constant 128 : i32
      %mul3A_376 = arith.muli %scan3A_355, %mul3A_375 : i32
      %get3A_377 = arith.index_cast %mul3A_376 : i32 to index
      %get3A_378 = arith.constant 0 : index
      %get3A_379 = vector.load %arg28[%get3A_377, %get3A_378] : memref<16000x256xbf16, #tpu.memory_space<vmem>>, vector<128x256xbf16>
      %dot_general3A_380 = arith.constant dense<0.000000e+00> : vector<128x128xf32>
      %dot_general3A_381 = tpu.matmul %get3A_379, %mul3A_374, %dot_general3A_380 {dimension_numbers = #tpu.dot_dimension_numbers<[1], [0], [0], [1], [0, 0, 1, 1], [], []>, transpose_lhs_hint = false} : vector<128x256xbf16>, vector<256x128xbf16>, vector<128x128xf32> -> vector<128x128xf32>
      %convert_element_type3A_382 = arith.truncf %dot_general3A_381 : vector<128x128xf32> to vector<128x128xbf16>
      %mul3A_383 = arith.constant 128 : i32
      %mul3A_384 = arith.muli %scan3A_355, %mul3A_383 : i32
      %swap3A_385 = arith.index_cast %mul3A_384 : i32 to index
      %swap3A_386 = arith.constant 0 : index
      %swap3A_387 = vector.load %arg25[%swap3A_385, %swap3A_386] : memref<16000x128xbf16, #tpu.memory_space<vmem>>, vector<128x128xbf16>
      tpu.vector_store %arg25[%swap3A_385, %swap3A_386], %convert_element_type3A_382 {strides = array<i32>} : memref<16000x128xbf16, #tpu.memory_space<vmem>>, vector<128x128xbf16>,
      %scan3A_388 = arith.constant 2 : i32
      %scan3A_389 = arith.addi %scan3A_321, %scan3A_388 : i32
      %mul3A_390 = arith.constant 128 : i32
      %mul3A_391 = arith.muli %scan3A_389, %mul3A_390 : i32
      %get3A_392 = arith.index_cast %mul3A_391 : i32 to index
      %get3A_393 = arith.constant 0 : index
      %get3A_394 = vector.load %arg23[%get3A_392, %get3A_393] : memref<16000x128xbf16, #tpu.memory_space<vmem>>, vector<128x128xbf16>
      %mul3A_395 = arith.constant 256 : i32
      %mul3A_396 = arith.muli %scan3A_389, %mul3A_395 : i32
      %get3A_397 = arith.index_cast %mul3A_396 : i32 to index
      %get3A_398 = arith.constant 0 : index
      %get3A_399 = vector.load %arg27[%get3A_397, %get3A_398] : memref<32000x128xbf16, #tpu.memory_space<vmem>>, vector<256x128xbf16>
      %dot_general3A_400 = arith.constant dense<0.000000e+00> : vector<256x128xf32>
      %dot_general3A_401 = tpu.matmul %get3A_399, %get3A_394, %dot_general3A_400 {dimension_numbers = #tpu.dot_dimension_numbers<[1], [0], [0], [1], [0, 0, 1, 1], [], []>, transpose_lhs_hint = false} : vector<256x128xbf16>, vector<128x128xbf16>, vector<256x128xf32> -> vector<256x128xf32>
      %convert_element_type3A_402 = arith.truncf %dot_general3A_401 : vector<256x128xf32> to vector<256x128xbf16>
      %mul3A_403 = arith.constant 256 : i32
      %mul3A_404 = arith.muli %scan3A_389, %mul3A_403 : i32
      %get3A_405 = arith.index_cast %mul3A_404 : i32 to index
      %get3A_406 = arith.constant 0 : index
      %get3A_407 = vector.load %arg24[%get3A_405, %get3A_406] : memref<32000x128xbf16, #tpu.memory_space<vmem>>, vector<256x128xbf16>
      %mul3A_408 = arith.mulf %convert_element_type3A_402, %get3A_407 : vector<256x128xbf16>
      %mul3A_409 = arith.constant 128 : i32
      %mul3A_410 = arith.muli %scan3A_389, %mul3A_409 : i32
      %get3A_411 = arith.index_cast %mul3A_410 : i32 to index
      %get3A_412 = arith.constant 0 : index
      %get3A_413 = vector.load %arg28[%get3A_411, %get3A_412] : memref<16000x256xbf16, #tpu.memory_space<vmem>>, vector<128x256xbf16>
      %dot_general3A_414 = arith.constant dense<0.000000e+00> : vector<128x128xf32>
      %dot_general3A_415 = tpu.matmul %get3A_413, %mul3A_408, %dot_general3A_414 {dimension_numbers = #tpu.dot_dimension_numbers<[1], [0], [0], [1], [0, 0, 1, 1], [], []>, transpose_lhs_hint = false} : vector<128x256xbf16>, vector<256x128xbf16>, vector<128x128xf32> -> vector<128x128xf32>
      %convert_element_type3A_416 = arith.truncf %dot_general3A_415 : vector<128x128xf32> to vector<128x128xbf16>
      %mul3A_417 = arith.constant 128 : i32
      %mul3A_418 = arith.muli %scan3A_389, %mul3A_417 : i32
      %swap3A_419 = arith.index_cast %mul3A_418 : i32 to index
      %swap3A_420 = arith.constant 0 : index
      %swap3A_421 = vector.load %arg25[%swap3A_419, %swap3A_420] : memref<16000x128xbf16, #tpu.memory_space<vmem>>, vector<128x128xbf16>
      tpu.vector_store %arg25[%swap3A_419, %swap3A_420], %convert_element_type3A_416 {strides = array<i32>} : memref<16000x128xbf16, #tpu.memory_space<vmem>>, vector<128x128xbf16>,
      %scan3A_422 = arith.constant 3 : i32
      %scan3A_423 = arith.addi %scan3A_321, %scan3A_422 : i32
      %mul3A_424 = arith.constant 128 : i32
      %mul3A_425 = arith.muli %scan3A_423, %mul3A_424 : i32
      %get3A_426 = arith.index_cast %mul3A_425 : i32 to index
      %get3A_427 = arith.constant 0 : index
      %get3A_428 = vector.load %arg23[%get3A_426, %get3A_427] : memref<16000x128xbf16, #tpu.memory_space<vmem>>, vector<128x128xbf16>
      %mul3A_429 = arith.constant 256 : i32
      %mul3A_430 = arith.muli %scan3A_423, %mul3A_429 : i32
      %get3A_431 = arith.index_cast %mul3A_430 : i32 to index
      %get3A_432 = arith.constant 0 : index
      %get3A_433 = vector.load %arg27[%get3A_431, %get3A_432] : memref<32000x128xbf16, #tpu.memory_space<vmem>>, vector<256x128xbf16>
      %dot_general3A_434 = arith.constant dense<0.000000e+00> : vector<256x128xf32>
      %dot_general3A_435 = tpu.matmul %get3A_433, %get3A_428, %dot_general3A_434 {dimension_numbers = #tpu.dot_dimension_numbers<[1], [0], [0], [1], [0, 0, 1, 1], [], []>, transpose_lhs_hint = false} : vector<256x128xbf16>, vector<128x128xbf16>, vector<256x128xf32> -> vector<256x128xf32>
      %convert_element_type3A_436 = arith.truncf %dot_general3A_435 : vector<256x128xf32> to vector<256x128xbf16>
      %mul3A_437 = arith.constant 256 : i32
      %mul3A_438 = arith.muli %scan3A_423, %mul3A_437 : i32
      %get3A_439 = arith.index_cast %mul3A_438 : i32 to index
      %get3A_440 = arith.constant 0 : index
      %get3A_441 = vector.load %arg24[%get3A_439, %get3A_440] : memref<32000x128xbf16, #tpu.memory_space<vmem>>, vector<256x128xbf16>
      %mul3A_442 = arith.mulf %convert_element_type3A_436, %get3A_441 : vector<256x128xbf16>
      %mul3A_443 = arith.constant 128 : i32
      %mul3A_444 = arith.muli %scan3A_423, %mul3A_443 : i32
      %get3A_445 = arith.index_cast %mul3A_444 : i32 to index
      %get3A_446 = arith.constant 0 : index
      %get3A_447 = vector.load %arg28[%get3A_445, %get3A_446] : memref<16000x256xbf16, #tpu.memory_space<vmem>>, vector<128x256xbf16>
      %dot_general3A_448 = arith.constant dense<0.000000e+00> : vector<128x128xf32>
      %dot_general3A_449 = tpu.matmul %get3A_447, %mul3A_442, %dot_general3A_448 {dimension_numbers = #tpu.dot_dimension_numbers<[1], [0], [0], [1], [0, 0, 1, 1], [], []>, transpose_lhs_hint = false} : vector<128x256xbf16>, vector<256x128xbf16>, vector<128x128xf32> -> vector<128x128xf32>
      %convert_element_type3A_450 = arith.truncf %dot_general3A_449 : vector<128x128xf32> to vector<128x128xbf16>
      %mul3A_451 = arith.constant 128 : i32
      %mul3A_452 = arith.muli %scan3A_423, %mul3A_451 : i32
      %swap3A_453 = arith.index_cast %mul3A_452 : i32 to index
      %swap3A_454 = arith.constant 0 : index
      %swap3A_455 = vector.load %arg25[%swap3A_453, %swap3A_454] : memref<16000x128xbf16, #tpu.memory_space<vmem>>, vector<128x128xbf16>
      tpu.vector_store %arg25[%swap3A_453, %swap3A_454], %convert_element_type3A_450 {strides = array<i32>} : memref<16000x128xbf16, #tpu.memory_space<vmem>>, vector<128x128xbf16>,
      %scan3A_456 = arith.constant 4 : i32
      %scan3A_457 = arith.addi %scan3A_321, %scan3A_456 : i32
      %mul3A_458 = arith.constant 128 : i32
      %mul3A_459 = arith.muli %scan3A_457, %mul3A_458 : i32
      %get3A_460 = arith.index_cast %mul3A_459 : i32 to index
      %get3A_461 = arith.constant 0 : index
      %get3A_462 = vector.load %arg23[%get3A_460, %get3A_461] : memref<16000x128xbf16, #tpu.memory_space<vmem>>, vector<128x128xbf16>
      %mul3A_463 = arith.constant 256 : i32
      %mul3A_464 = arith.muli %scan3A_457, %mul3A_463 : i32
      %get3A_465 = arith.index_cast %mul3A_464 : i32 to index
      %get3A_466 = arith.constant 0 : index
      %get3A_467 = vector.load %arg27[%get3A_465, %get3A_466] : memref<32000x128xbf16, #tpu.memory_space<vmem>>, vector<256x128xbf16>
      %dot_general3A_468 = arith.constant dense<0.000000e+00> : vector<256x128xf32>
      %dot_general3A_469 = tpu.matmul %get3A_467, %get3A_462, %dot_general3A_468 {dimension_numbers = #tpu.dot_dimension_numbers<[1], [0], [0], [1], [0, 0, 1, 1], [], []>, transpose_lhs_hint = false} : vector<256x128xbf16>, vector<128x128xbf16>, vector<256x128xf32> -> vector<256x128xf32>
      %convert_element_type3A_470 = arith.truncf %dot_general3A_469 : vector<256x128xf32> to vector<256x128xbf16>
      %mul3A_471 = arith.constant 256 : i32
      %mul3A_472 = arith.muli %scan3A_457, %mul3A_471 : i32
      %get3A_473 = arith.index_cast %mul3A_472 : i32 to index
      %get3A_474 = arith.constant 0 : index
      %get3A_475 = vector.load %arg24[%get3A_473, %get3A_474] : memref<32000x128xbf16, #tpu.memory_space<vmem>>, vector<256x128xbf16>
      %mul3A_476 = arith.mulf %convert_element_type3A_470, %get3A_475 : vector<256x128xbf16>
      %mul3A_477 = arith.constant 128 : i32
      %mul3A_478 = arith.muli %scan3A_457, %mul3A_477 : i32
      %get3A_479 = arith.index_cast %mul3A_478 : i32 to index
      %get3A_480 = arith.constant 0 : index
      %get3A_481 = vector.load %arg28[%get3A_479, %get3A_480] : memref<16000x256xbf16, #tpu.memory_space<vmem>>, vector<128x256xbf16>
      %dot_general3A_482 = arith.constant dense<0.000000e+00> : vector<128x128xf32>
      %dot_general3A_483 = tpu.matmul %get3A_481, %mul3A_476, %dot_general3A_482 {dimension_numbers = #tpu.dot_dimension_numbers<[1], [0], [0], [1], [0, 0, 1, 1], [], []>, transpose_lhs_hint = false} : vector<128x256xbf16>, vector<256x128xbf16>, vector<128x128xf32> -> vector<128x128xf32>
      %convert_element_type3A_484 = arith.truncf %dot_general3A_483 : vector<128x128xf32> to vector<128x128xbf16>
      %mul3A_485 = arith.constant 128 : i32
      %mul3A_486 = arith.muli %scan3A_457, %mul3A_485 : i32
      %swap3A_487 = arith.index_cast %mul3A_486 : i32 to index
      %swap3A_488 = arith.constant 0 : index
      %swap3A_489 = vector.load %arg25[%swap3A_487, %swap3A_488] : memref<16000x128xbf16, #tpu.memory_space<vmem>>, vector<128x128xbf16>
      tpu.vector_store %arg25[%swap3A_487, %swap3A_488], %convert_element_type3A_484 {strides = array<i32>} : memref<16000x128xbf16, #tpu.memory_space<vmem>>, vector<128x128xbf16>,
      %scan3A_490 = arith.constant 5 : i32
      %scan3A_491 = arith.addi %scan3A_321, %scan3A_490 : i32
      %mul3A_492 = arith.constant 128 : i32
      %mul3A_493 = arith.muli %scan3A_491, %mul3A_492 : i32
      %get3A_494 = arith.index_cast %mul3A_493 : i32 to index
      %get3A_495 = arith.constant 0 : index
      %get3A_496 = vector.load %arg23[%get3A_494, %get3A_495] : memref<16000x128xbf16, #tpu.memory_space<vmem>>, vector<128x128xbf16>
      %mul3A_497 = arith.constant 256 : i32
      %mul3A_498 = arith.muli %scan3A_491, %mul3A_497 : i32
      %get3A_499 = arith.index_cast %mul3A_498 : i32 to index
      %get3A_500 = arith.constant 0 : index
      %get3A_501 = vector.load %arg27[%get3A_499, %get3A_500] : memref<32000x128xbf16, #tpu.memory_space<vmem>>, vector<256x128xbf16>
      %dot_general3A_502 = arith.constant dense<0.000000e+00> : vector<256x128xf32>
      %dot_general3A_503 = tpu.matmul %get3A_501, %get3A_496, %dot_general3A_502 {dimension_numbers = #tpu.dot_dimension_numbers<[1], [0], [0], [1], [0, 0, 1, 1], [], []>, transpose_lhs_hint = false} : vector<256x128xbf16>, vector<128x128xbf16>, vector<256x128xf32> -> vector<256x128xf32>
      %convert_element_type3A_504 = arith.truncf %dot_general3A_503 : vector<256x128xf32> to vector<256x128xbf16>
      %mul3A_505 = arith.constant 256 : i32
      %mul3A_506 = arith.muli %scan3A_491, %mul3A_505 : i32
      %get3A_507 = arith.index_cast %mul3A_506 : i32 to index
      %get3A_508 = arith.constant 0 : index
      %get3A_509 = vector.load %arg24[%get3A_507, %get3A_508] : memref<32000x128xbf16, #tpu.memory_space<vmem>>, vector<256x128xbf16>
      %mul3A_510 = arith.mulf %convert_element_type3A_504, %get3A_509 : vector<256x128xbf16>
      %mul3A_511 = arith.constant 128 : i32
      %mul3A_512 = arith.muli %scan3A_491, %mul3A_511 : i32
      %get3A_513 = arith.index_cast %mul3A_512 : i32 to index
      %get3A_514 = arith.constant 0 : index
      %get3A_515 = vector.load %arg28[%get3A_513, %get3A_514] : memref<16000x256xbf16, #tpu.memory_space<vmem>>, vector<128x256xbf16>
      %dot_general3A_516 = arith.constant dense<0.000000e+00> : vector<128x128xf32>
      %dot_general3A_517 = tpu.matmul %get3A_515, %mul3A_510, %dot_general3A_516 {dimension_numbers = #tpu.dot_dimension_numbers<[1], [0], [0], [1], [0, 0, 1, 1], [], []>, transpose_lhs_hint = false} : vector<128x256xbf16>, vector<256x128xbf16>, vector<128x128xf32> -> vector<128x128xf32>
      %convert_element_type3A_518 = arith.truncf %dot_general3A_517 : vector<128x128xf32> to vector<128x128xbf16>
      %mul3A_519 = arith.constant 128 : i32
      %mul3A_520 = arith.muli %scan3A_491, %mul3A_519 : i32
      %swap3A_521 = arith.index_cast %mul3A_520 : i32 to index
      %swap3A_522 = arith.constant 0 : index
      %swap3A_523 = vector.load %arg25[%swap3A_521, %swap3A_522] : memref<16000x128xbf16, #tpu.memory_space<vmem>>, vector<128x128xbf16>
      tpu.vector_store %arg25[%swap3A_521, %swap3A_522], %convert_element_type3A_518 {strides = array<i32>} : memref<16000x128xbf16, #tpu.memory_space<vmem>>, vector<128x128xbf16>,
      %scan3A_524 = arith.constant 6 : i32
      %scan3A_525 = arith.addi %scan3A_321, %scan3A_524 : i32
      %mul3A_526 = arith.constant 128 : i32
      %mul3A_527 = arith.muli %scan3A_525, %mul3A_526 : i32
      %get3A_528 = arith.index_cast %mul3A_527 : i32 to index
      %get3A_529 = arith.constant 0 : index
      %get3A_530 = vector.load %arg23[%get3A_528, %get3A_529] : memref<16000x128xbf16, #tpu.memory_space<vmem>>, vector<128x128xbf16>
      %mul3A_531 = arith.constant 256 : i32
      %mul3A_532 = arith.muli %scan3A_525, %mul3A_531 : i32
      %get3A_533 = arith.index_cast %mul3A_532 : i32 to index
      %get3A_534 = arith.constant 0 : index
      %get3A_535 = vector.load %arg27[%get3A_533, %get3A_534] : memref<32000x128xbf16, #tpu.memory_space<vmem>>, vector<256x128xbf16>
      %dot_general3A_536 = arith.constant dense<0.000000e+00> : vector<256x128xf32>
      %dot_general3A_537 = tpu.matmul %get3A_535, %get3A_530, %dot_general3A_536 {dimension_numbers = #tpu.dot_dimension_numbers<[1], [0], [0], [1], [0, 0, 1, 1], [], []>, transpose_lhs_hint = false} : vector<256x128xbf16>, vector<128x128xbf16>, vector<256x128xf32> -> vector<256x128xf32>
      %convert_element_type3A_538 = arith.truncf %dot_general3A_537 : vector<256x128xf32> to vector<256x128xbf16>
      %mul3A_539 = arith.constant 256 : i32
      %mul3A_540 = arith.muli %scan3A_525, %mul3A_539 : i32
      %get3A_541 = arith.index_cast %mul3A_540 : i32 to index
      %get3A_542 = arith.constant 0 : index
      %get3A_543 = vector.load %arg24[%get3A_541, %get3A_542] : memref<32000x128xbf16, #tpu.memory_space<vmem>>, vector<256x128xbf16>
      %mul3A_544 = arith.mulf %convert_element_type3A_538, %get3A_543 : vector<256x128xbf16>
      %mul3A_545 = arith.constant 128 : i32
      %mul3A_546 = arith.muli %scan3A_525, %mul3A_545 : i32
      %get3A_547 = arith.index_cast %mul3A_546 : i32 to index
      %get3A_548 = arith.constant 0 : index
      %get3A_549 = vector.load %arg28[%get3A_547, %get3A_548] : memref<16000x256xbf16, #tpu.memory_space<vmem>>, vector<128x256xbf16>
      %dot_general3A_550 = arith.constant dense<0.000000e+00> : vector<128x128xf32>
      %dot_general3A_551 = tpu.matmul %get3A_549, %mul3A_544, %dot_general3A_550 {dimension_numbers = #tpu.dot_dimension_numbers<[1], [0], [0], [1], [0, 0, 1, 1], [], []>, transpose_lhs_hint = false} : vector<128x256xbf16>, vector<256x128xbf16>, vector<128x128xf32> -> vector<128x128xf32>
      %convert_element_type3A_552 = arith.truncf %dot_general3A_551 : vector<128x128xf32> to vector<128x128xbf16>
      %mul3A_553 = arith.constant 128 : i32
      %mul3A_554 = arith.muli %scan3A_525, %mul3A_553 : i32
      %swap3A_555 = arith.index_cast %mul3A_554 : i32 to index
      %swap3A_556 = arith.constant 0 : index
      %swap3A_557 = vector.load %arg25[%swap3A_555, %swap3A_556] : memref<16000x128xbf16, #tpu.memory_space<vmem>>, vector<128x128xbf16>
      tpu.vector_store %arg25[%swap3A_555, %swap3A_556], %convert_element_type3A_552 {strides = array<i32>} : memref<16000x128xbf16, #tpu.memory_space<vmem>>, vector<128x128xbf16>,
      %scan3A_558 = arith.constant 7 : i32
      %scan3A_559 = arith.addi %scan3A_321, %scan3A_558 : i32
      %mul3A_560 = arith.constant 128 : i32
      %mul3A_561 = arith.muli %scan3A_559, %mul3A_560 : i32
      %get3A_562 = arith.index_cast %mul3A_561 : i32 to index
      %get3A_563 = arith.constant 0 : index
      %get3A_564 = vector.load %arg23[%get3A_562, %get3A_563] : memref<16000x128xbf16, #tpu.memory_space<vmem>>, vector<128x128xbf16>
      %mul3A_565 = arith.constant 256 : i32
      %mul3A_566 = arith.muli %scan3A_559, %mul3A_565 : i32
      %get3A_567 = arith.index_cast %mul3A_566 : i32 to index
      %get3A_568 = arith.constant 0 : index
      %get3A_569 = vector.load %arg27[%get3A_567, %get3A_568] : memref<32000x128xbf16, #tpu.memory_space<vmem>>, vector<256x128xbf16>
      %dot_general3A_570 = arith.constant dense<0.000000e+00> : vector<256x128xf32>
      %dot_general3A_571 = tpu.matmul %get3A_569, %get3A_564, %dot_general3A_570 {dimension_numbers = #tpu.dot_dimension_numbers<[1], [0], [0], [1], [0, 0, 1, 1], [], []>, transpose_lhs_hint = false} : vector<256x128xbf16>, vector<128x128xbf16>, vector<256x128xf32> -> vector<256x128xf32>
      %convert_element_type3A_572 = arith.truncf %dot_general3A_571 : vector<256x128xf32> to vector<256x128xbf16>
      %mul3A_573 = arith.constant 256 : i32
      %mul3A_574 = arith.muli %scan3A_559, %mul3A_573 : i32
      %get3A_575 = arith.index_cast %mul3A_574 : i32 to index
      %get3A_576 = arith.constant 0 : index
      %get3A_577 = vector.load %arg24[%get3A_575, %get3A_576] : memref<32000x128xbf16, #tpu.memory_space<vmem>>, vector<256x128xbf16>
      %mul3A_578 = arith.mulf %convert_element_type3A_572, %get3A_577 : vector<256x128xbf16>
      %mul3A_579 = arith.constant 128 : i32
      %mul3A_580 = arith.muli %scan3A_559, %mul3A_579 : i32
      %get3A_581 = arith.index_cast %mul3A_580 : i32 to index
      %get3A_582 = arith.constant 0 : index
      %get3A_583 = vector.load %arg28[%get3A_581, %get3A_582] : memref<16000x256xbf16, #tpu.memory_space<vmem>>, vector<128x256xbf16>
      %dot_general3A_584 = arith.constant dense<0.000000e+00> : vector<128x128xf32>
      %dot_general3A_585 = tpu.matmul %get3A_583, %mul3A_578, %dot_general3A_584 {dimension_numbers = #tpu.dot_dimension_numbers<[1], [0], [0], [1], [0, 0, 1, 1], [], []>, transpose_lhs_hint = false} : vector<128x256xbf16>, vector<256x128xbf16>, vector<128x128xf32> -> vector<128x128xf32>
      %convert_element_type3A_586 = arith.truncf %dot_general3A_585 : vector<128x128xf32> to vector<128x128xbf16>
      %mul3A_587 = arith.constant 128 : i32
      %mul3A_588 = arith.muli %scan3A_559, %mul3A_587 : i32
      %swap3A_589 = arith.index_cast %mul3A_588 : i32 to index
      %swap3A_590 = arith.constant 0 : index
      %swap3A_591 = vector.load %arg25[%swap3A_589, %swap3A_590] : memref<16000x128xbf16, #tpu.memory_space<vmem>>, vector<128x128xbf16>
      tpu.vector_store %arg25[%swap3A_589, %swap3A_590], %convert_element_type3A_586 {strides = array<i32>} : memref<16000x128xbf16, #tpu.memory_space<vmem>>, vector<128x128xbf16>,
      %scan3A_592 = arith.constant 8 : i32
      %scan3A_593 = arith.addi %scan3A_321, %scan3A_592 : i32
      %mul3A_594 = arith.constant 128 : i32
      %mul3A_595 = arith.muli %scan3A_593, %mul3A_594 : i32
      %get3A_596 = arith.index_cast %mul3A_595 : i32 to index
      %get3A_597 = arith.constant 0 : index
      %get3A_598 = vector.load %arg23[%get3A_596, %get3A_597] : memref<16000x128xbf16, #tpu.memory_space<vmem>>, vector<128x128xbf16>
      %mul3A_599 = arith.constant 256 : i32
      %mul3A_600 = arith.muli %scan3A_593, %mul3A_599 : i32
      %get3A_601 = arith.index_cast %mul3A_600 : i32 to index
      %get3A_602 = arith.constant 0 : index
      %get3A_603 = vector.load %arg27[%get3A_601, %get3A_602] : memref<32000x128xbf16, #tpu.memory_space<vmem>>, vector<256x128xbf16>
      %dot_general3A_604 = arith.constant dense<0.000000e+00> : vector<256x128xf32>
      %dot_general3A_605 = tpu.matmul %get3A_603, %get3A_598, %dot_general3A_604 {dimension_numbers = #tpu.dot_dimension_numbers<[1], [0], [0], [1], [0, 0, 1, 1], [], []>, transpose_lhs_hint = false} : vector<256x128xbf16>, vector<128x128xbf16>, vector<256x128xf32> -> vector<256x128xf32>
      %convert_element_type3A_606 = arith.truncf %dot_general3A_605 : vector<256x128xf32> to vector<256x128xbf16>
      %mul3A_607 = arith.constant 256 : i32
      %mul3A_608 = arith.muli %scan3A_593, %mul3A_607 : i32
      %get3A_609 = arith.index_cast %mul3A_608 : i32 to index
      %get3A_610 = arith.constant 0 : index
      %get3A_611 = vector.load %arg24[%get3A_609, %get3A_610] : memref<32000x128xbf16, #tpu.memory_space<vmem>>, vector<256x128xbf16>
      %mul3A_612 = arith.mulf %convert_element_type3A_606, %get3A_611 : vector<256x128xbf16>
      %mul3A_613 = arith.constant 128 : i32
      %mul3A_614 = arith.muli %scan3A_593, %mul3A_613 : i32
      %get3A_615 = arith.index_cast %mul3A_614 : i32 to index
      %get3A_616 = arith.constant 0 : index
      %get3A_617 = vector.load %arg28[%get3A_615, %get3A_616] : memref<16000x256xbf16, #tpu.memory_space<vmem>>, vector<128x256xbf16>
      %dot_general3A_618 = arith.constant dense<0.000000e+00> : vector<128x128xf32>
      %dot_general3A_619 = tpu.matmul %get3A_617, %mul3A_612, %dot_general3A_618 {dimension_numbers = #tpu.dot_dimension_numbers<[1], [0], [0], [1], [0, 0, 1, 1], [], []>, transpose_lhs_hint = false} : vector<128x256xbf16>, vector<256x128xbf16>, vector<128x128xf32> -> vector<128x128xf32>
      %convert_element_type3A_620 = arith.truncf %dot_general3A_619 : vector<128x128xf32> to vector<128x128xbf16>
      %mul3A_621 = arith.constant 128 : i32
      %mul3A_622 = arith.muli %scan3A_593, %mul3A_621 : i32
      %swap3A_623 = arith.index_cast %mul3A_622 : i32 to index
      %swap3A_624 = arith.constant 0 : index
      %swap3A_625 = vector.load %arg25[%swap3A_623, %swap3A_624] : memref<16000x128xbf16, #tpu.memory_space<vmem>>, vector<128x128xbf16>
      tpu.vector_store %arg25[%swap3A_623, %swap3A_624], %convert_element_type3A_620 {strides = array<i32>} : memref<16000x128xbf16, #tpu.memory_space<vmem>>, vector<128x128xbf16>,
      %scan3A_626 = arith.constant 9 : i32
      %scan3A_627 = arith.addi %scan3A_321, %scan3A_626 : i32
      %mul3A_628 = arith.constant 128 : i32
      %mul3A_629 = arith.muli %scan3A_627, %mul3A_628 : i32
      %get3A_630 = arith.index_cast %mul3A_629 : i32 to index
      %get3A_631 = arith.constant 0 : index
      %get3A_632 = vector.load %arg23[%get3A_630, %get3A_631] : memref<16000x128xbf16, #tpu.memory_space<vmem>>, vector<128x128xbf16>
      %mul3A_633 = arith.constant 256 : i32
      %mul3A_634 = arith.muli %scan3A_627, %mul3A_633 : i32
      %get3A_635 = arith.index_cast %mul3A_634 : i32 to index
      %get3A_636 = arith.constant 0 : index
      %get3A_637 = vector.load %arg27[%get3A_635, %get3A_636] : memref<32000x128xbf16, #tpu.memory_space<vmem>>, vector<256x128xbf16>
      %dot_general3A_638 = arith.constant dense<0.000000e+00> : vector<256x128xf32>
      %dot_general3A_639 = tpu.matmul %get3A_637, %get3A_632, %dot_general3A_638 {dimension_numbers = #tpu.dot_dimension_numbers<[1], [0], [0], [1], [0, 0, 1, 1], [], []>, transpose_lhs_hint = false} : vector<256x128xbf16>, vector<128x128xbf16>, vector<256x128xf32> -> vector<256x128xf32>
      %convert_element_type3A_640 = arith.truncf %dot_general3A_639 : vector<256x128xf32> to vector<256x128xbf16>
      %mul3A_641 = arith.constant 256 : i32
      %mul3A_642 = arith.muli %scan3A_627, %mul3A_641 : i32
      %get3A_643 = arith.index_cast %mul3A_642 : i32 to index
      %get3A_644 = arith.constant 0 : index
      %get3A_645 = vector.load %arg24[%get3A_643, %get3A_644] : memref<32000x128xbf16, #tpu.memory_space<vmem>>, vector<256x128xbf16>
      %mul3A_646 = arith.mulf %convert_element_type3A_640, %get3A_645 : vector<256x128xbf16>
      %mul3A_647 = arith.constant 128 : i32
      %mul3A_648 = arith.muli %scan3A_627, %mul3A_647 : i32
      %get3A_649 = arith.index_cast %mul3A_648 : i32 to index
      %get3A_650 = arith.constant 0 : index
      %get3A_651 = vector.load %arg28[%get3A_649, %get3A_650] : memref<16000x256xbf16, #tpu.memory_space<vmem>>, vector<128x256xbf16>
      %dot_general3A_652 = arith.constant dense<0.000000e+00> : vector<128x128xf32>
      %dot_general3A_653 = tpu.matmul %get3A_651, %mul3A_646, %dot_general3A_652 {dimension_numbers = #tpu.dot_dimension_numbers<[1], [0], [0], [1], [0, 0, 1, 1], [], []>, transpose_lhs_hint = false} : vector<128x256xbf16>, vector<256x128xbf16>, vector<128x128xf32> -> vector<128x128xf32>
      %convert_element_type3A_654 = arith.truncf %dot_general3A_653 : vector<128x128xf32> to vector<128x128xbf16>
      %mul3A_655 = arith.constant 128 : i32
      %mul3A_656 = arith.muli %scan3A_627, %mul3A_655 : i32
      %swap3A_657 = arith.index_cast %mul3A_656 : i32 to index
      %swap3A_658 = arith.constant 0 : index
      %swap3A_659 = vector.load %arg25[%swap3A_657, %swap3A_658] : memref<16000x128xbf16, #tpu.memory_space<vmem>>, vector<128x128xbf16>
      tpu.vector_store %arg25[%swap3A_657, %swap3A_658], %convert_element_type3A_654 {strides = array<i32>} : memref<16000x128xbf16, #tpu.memory_space<vmem>>, vector<128x128xbf16>,
      %scan3A_660 = arith.constant 10 : i32
      %scan3A_661 = arith.addi %scan3A_321, %scan3A_660 : i32
      %mul3A_662 = arith.constant 128 : i32
      %mul3A_663 = arith.muli %scan3A_661, %mul3A_662 : i32
      %get3A_664 = arith.index_cast %mul3A_663 : i32 to index
      %get3A_665 = arith.constant 0 : index
      %get3A_666 = vector.load %arg23[%get3A_664, %get3A_665] : memref<16000x128xbf16, #tpu.memory_space<vmem>>, vector<128x128xbf16>
      %mul3A_667 = arith.constant 256 : i32
      %mul3A_668 = arith.muli %scan3A_661, %mul3A_667 : i32
      %get3A_669 = arith.index_cast %mul3A_668 : i32 to index
      %get3A_670 = arith.constant 0 : index
      %get3A_671 = vector.load %arg27[%get3A_669, %get3A_670] : memref<32000x128xbf16, #tpu.memory_space<vmem>>, vector<256x128xbf16>
      %dot_general3A_672 = arith.constant dense<0.000000e+00> : vector<256x128xf32>
      %dot_general3A_673 = tpu.matmul %get3A_671, %get3A_666, %dot_general3A_672 {dimension_numbers = #tpu.dot_dimension_numbers<[1], [0], [0], [1], [0, 0, 1, 1], [], []>, transpose_lhs_hint = false} : vector<256x128xbf16>, vector<128x128xbf16>, vector<256x128xf32> -> vector<256x128xf32>
      %convert_element_type3A_674 = arith.truncf %dot_general3A_673 : vector<256x128xf32> to vector<256x128xbf16>
      %mul3A_675 = arith.constant 256 : i32
      %mul3A_676 = arith.muli %scan3A_661, %mul3A_675 : i32
      %get3A_677 = arith.index_cast %mul3A_676 : i32 to index
      %get3A_678 = arith.constant 0 : index
      %get3A_679 = vector.load %arg24[%get3A_677, %get3A_678] : memref<32000x128xbf16, #tpu.memory_space<vmem>>, vector<256x128xbf16>
      %mul3A_680 = arith.mulf %convert_element_type3A_674, %get3A_679 : vector<256x128xbf16>
      %mul3A_681 = arith.constant 128 : i32
      %mul3A_682 = arith.muli %scan3A_661, %mul3A_681 : i32
      %get3A_683 = arith.index_cast %mul3A_682 : i32 to index
      %get3A_684 = arith.constant 0 : index
      %get3A_685 = vector.load %arg28[%get3A_683, %get3A_684] : memref<16000x256xbf16, #tpu.memory_space<vmem>>, vector<128x256xbf16>
      %dot_general3A_686 = arith.constant dense<0.000000e+00> : vector<128x128xf32>
      %dot_general3A_687 = tpu.matmul %get3A_685, %mul3A_680, %dot_general3A_686 {dimension_numbers = #tpu.dot_dimension_numbers<[1], [0], [0], [1], [0, 0, 1, 1], [], []>, transpose_lhs_hint = false} : vector<128x256xbf16>, vector<256x128xbf16>, vector<128x128xf32> -> vector<128x128xf32>
      %convert_element_type3A_688 = arith.truncf %dot_general3A_687 : vector<128x128xf32> to vector<128x128xbf16>
      %mul3A_689 = arith.constant 128 : i32
      %mul3A_690 = arith.muli %scan3A_661, %mul3A_689 : i32
      %swap3A_691 = arith.index_cast %mul3A_690 : i32 to index
      %swap3A_692 = arith.constant 0 : index
      %swap3A_693 = vector.load %arg25[%swap3A_691, %swap3A_692] : memref<16000x128xbf16, #tpu.memory_space<vmem>>, vector<128x128xbf16>
      tpu.vector_store %arg25[%swap3A_691, %swap3A_692], %convert_element_type3A_688 {strides = array<i32>} : memref<16000x128xbf16, #tpu.memory_space<vmem>>, vector<128x128xbf16>,
      %scan3A_694 = arith.constant 11 : i32
      %scan3A_695 = arith.addi %scan3A_321, %scan3A_694 : i32
      %mul3A_696 = arith.constant 128 : i32
      %mul3A_697 = arith.muli %scan3A_695, %mul3A_696 : i32
      %get3A_698 = arith.index_cast %mul3A_697 : i32 to index
      %get3A_699 = arith.constant 0 : index
      %get3A_700 = vector.load %arg23[%get3A_698, %get3A_699] : memref<16000x128xbf16, #tpu.memory_space<vmem>>, vector<128x128xbf16>
      %mul3A_701 = arith.constant 256 : i32
      %mul3A_702 = arith.muli %scan3A_695, %mul3A_701 : i32
      %get3A_703 = arith.index_cast %mul3A_702 : i32 to index
      %get3A_704 = arith.constant 0 : index
      %get3A_705 = vector.load %arg27[%get3A_703, %get3A_704] : memref<32000x128xbf16, #tpu.memory_space<vmem>>, vector<256x128xbf16>
      %dot_general3A_706 = arith.constant dense<0.000000e+00> : vector<256x128xf32>
      %dot_general3A_707 = tpu.matmul %get3A_705, %get3A_700, %dot_general3A_706 {dimension_numbers = #tpu.dot_dimension_numbers<[1], [0], [0], [1], [0, 0, 1, 1], [], []>, transpose_lhs_hint = false} : vector<256x128xbf16>, vector<128x128xbf16>, vector<256x128xf32> -> vector<256x128xf32>
      %convert_element_type3A_708 = arith.truncf %dot_general3A_707 : vector<256x128xf32> to vector<256x128xbf16>
      %mul3A_709 = arith.constant 256 : i32
      %mul3A_710 = arith.muli %scan3A_695, %mul3A_709 : i32
      %get3A_711 = arith.index_cast %mul3A_710 : i32 to index
      %get3A_712 = arith.constant 0 : index
      %get3A_713 = vector.load %arg24[%get3A_711, %get3A_712] : memref<32000x128xbf16, #tpu.memory_space<vmem>>, vector<256x128xbf16>
      %mul3A_714 = arith.mulf %convert_element_type3A_708, %get3A_713 : vector<256x128xbf16>
      %mul3A_715 = arith.constant 128 : i32
      %mul3A_716 = arith.muli %scan3A_695, %mul3A_715 : i32
      %get3A_717 = arith.index_cast %mul3A_716 : i32 to index
      %get3A_718 = arith.constant 0 : index
      %get3A_719 = vector.load %arg28[%get3A_717, %get3A_718] : memref<16000x256xbf16, #tpu.memory_space<vmem>>, vector<128x256xbf16>
      %dot_general3A_720 = arith.constant dense<0.000000e+00> : vector<128x128xf32>
      %dot_general3A_721 = tpu.matmul %get3A_719, %mul3A_714, %dot_general3A_720 {dimension_numbers = #tpu.dot_dimension_numbers<[1], [0], [0], [1], [0, 0, 1, 1], [], []>, transpose_lhs_hint = false} : vector<128x256xbf16>, vector<256x128xbf16>, vector<128x128xf32> -> vector<128x128xf32>
      %convert_element_type3A_722 = arith.truncf %dot_general3A_721 : vector<128x128xf32> to vector<128x128xbf16>
      %mul3A_723 = arith.constant 128 : i32
      %mul3A_724 = arith.muli %scan3A_695, %mul3A_723 : i32
      %swap3A_725 = arith.index_cast %mul3A_724 : i32 to index
      %swap3A_726 = arith.constant 0 : index
      %swap3A_727 = vector.load %arg25[%swap3A_725, %swap3A_726] : memref<16000x128xbf16, #tpu.memory_space<vmem>>, vector<128x128xbf16>
      tpu.vector_store %arg25[%swap3A_725, %swap3A_726], %convert_element_type3A_722 {strides = array<i32>} : memref<16000x128xbf16, #tpu.memory_space<vmem>>, vector<128x128xbf16>,
      %scan3A_728 = arith.constant 12 : i32
      %scan3A_729 = arith.addi %scan3A_321, %scan3A_728 : i32
      %mul3A_730 = arith.constant 128 : i32
      %mul3A_731 = arith.muli %scan3A_729, %mul3A_730 : i32
      %get3A_732 = arith.index_cast %mul3A_731 : i32 to index
      %get3A_733 = arith.constant 0 : index
      %get3A_734 = vector.load %arg23[%get3A_732, %get3A_733] : memref<16000x128xbf16, #tpu.memory_space<vmem>>, vector<128x128xbf16>
      %mul3A_735 = arith.constant 256 : i32
      %mul3A_736 = arith.muli %scan3A_729, %mul3A_735 : i32
      %get3A_737 = arith.index_cast %mul3A_736 : i32 to index
      %get3A_738 = arith.constant 0 : index
      %get3A_739 = vector.load %arg27[%get3A_737, %get3A_738] : memref<32000x128xbf16, #tpu.memory_space<vmem>>, vector<256x128xbf16>
      %dot_general3A_740 = arith.constant dense<0.000000e+00> : vector<256x128xf32>
      %dot_general3A_741 = tpu.matmul %get3A_739, %get3A_734, %dot_general3A_740 {dimension_numbers = #tpu.dot_dimension_numbers<[1], [0], [0], [1], [0, 0, 1, 1], [], []>, transpose_lhs_hint = false} : vector<256x128xbf16>, vector<128x128xbf16>, vector<256x128xf32> -> vector<256x128xf32>
      %convert_element_type3A_742 = arith.truncf %dot_general3A_741 : vector<256x128xf32> to vector<256x128xbf16>
      %mul3A_743 = arith.constant 256 : i32
      %mul3A_744 = arith.muli %scan3A_729, %mul3A_743 : i32
      %get3A_745 = arith.index_cast %mul3A_744 : i32 to index
      %get3A_746 = arith.constant 0 : index
      %get3A_747 = vector.load %arg24[%get3A_745, %get3A_746] : memref<32000x128xbf16, #tpu.memory_space<vmem>>, vector<256x128xbf16>
      %mul3A_748 = arith.mulf %convert_element_type3A_742, %get3A_747 : vector<256x128xbf16>
      %mul3A_749 = arith.constant 128 : i32
      %mul3A_750 = arith.muli %scan3A_729, %mul3A_749 : i32
      %get3A_751 = arith.index_cast %mul3A_750 : i32 to index
      %get3A_752 = arith.constant 0 : index
      %get3A_753 = vector.load %arg28[%get3A_751, %get3A_752] : memref<16000x256xbf16, #tpu.memory_space<vmem>>, vector<128x256xbf16>
      %dot_general3A_754 = arith.constant dense<0.000000e+00> : vector<128x128xf32>
      %dot_general3A_755 = tpu.matmul %get3A_753, %mul3A_748, %dot_general3A_754 {dimension_numbers = #tpu.dot_dimension_numbers<[1], [0], [0], [1], [0, 0, 1, 1], [], []>, transpose_lhs_hint = false} : vector<128x256xbf16>, vector<256x128xbf16>, vector<128x128xf32> -> vector<128x128xf32>
      %convert_element_type3A_756 = arith.truncf %dot_general3A_755 : vector<128x128xf32> to vector<128x128xbf16>
      %mul3A_757 = arith.constant 128 : i32
      %mul3A_758 = arith.muli %scan3A_729, %mul3A_757 : i32
      %swap3A_759 = arith.index_cast %mul3A_758 : i32 to index
      %swap3A_760 = arith.constant 0 : index
      %swap3A_761 = vector.load %arg25[%swap3A_759, %swap3A_760] : memref<16000x128xbf16, #tpu.memory_space<vmem>>, vector<128x128xbf16>
      tpu.vector_store %arg25[%swap3A_759, %swap3A_760], %convert_element_type3A_756 {strides = array<i32>} : memref<16000x128xbf16, #tpu.memory_space<vmem>>, vector<128x128xbf16>,
      %scan3A_762 = arith.constant 13 : i32
      %scan3A_763 = arith.addi %scan3A_321, %scan3A_762 : i32
      %mul3A_764 = arith.constant 128 : i32
      %mul3A_765 = arith.muli %scan3A_763, %mul3A_764 : i32
      %get3A_766 = arith.index_cast %mul3A_765 : i32 to index
      %get3A_767 = arith.constant 0 : index
      %get3A_768 = vector.load %arg23[%get3A_766, %get3A_767] : memref<16000x128xbf16, #tpu.memory_space<vmem>>, vector<128x128xbf16>
      %mul3A_769 = arith.constant 256 : i32
      %mul3A_770 = arith.muli %scan3A_763, %mul3A_769 : i32
      %get3A_771 = arith.index_cast %mul3A_770 : i32 to index
      %get3A_772 = arith.constant 0 : index
      %get3A_773 = vector.load %arg27[%get3A_771, %get3A_772] : memref<32000x128xbf16, #tpu.memory_space<vmem>>, vector<256x128xbf16>
      %dot_general3A_774 = arith.constant dense<0.000000e+00> : vector<256x128xf32>
      %dot_general3A_775 = tpu.matmul %get3A_773, %get3A_768, %dot_general3A_774 {dimension_numbers = #tpu.dot_dimension_numbers<[1], [0], [0], [1], [0, 0, 1, 1], [], []>, transpose_lhs_hint = false} : vector<256x128xbf16>, vector<128x128xbf16>, vector<256x128xf32> -> vector<256x128xf32>
      %convert_element_type3A_776 = arith.truncf %dot_general3A_775 : vector<256x128xf32> to vector<256x128xbf16>
      %mul3A_777 = arith.constant 256 : i32
      %mul3A_778 = arith.muli %scan3A_763, %mul3A_777 : i32
      %get3A_779 = arith.index_cast %mul3A_778 : i32 to index
      %get3A_780 = arith.constant 0 : index
      %get3A_781 = vector.load %arg24[%get3A_779, %get3A_780] : memref<32000x128xbf16, #tpu.memory_space<vmem>>, vector<256x128xbf16>
      %mul3A_782 = arith.mulf %convert_element_type3A_776, %get3A_781 : vector<256x128xbf16>
      %mul3A_783 = arith.constant 128 : i32
      %mul3A_784 = arith.muli %scan3A_763, %mul3A_783 : i32
      %get3A_785 = arith.index_cast %mul3A_784 : i32 to index
      %get3A_786 = arith.constant 0 : index
      %get3A_787 = vector.load %arg28[%get3A_785, %get3A_786] : memref<16000x256xbf16, #tpu.memory_space<vmem>>, vector<128x256xbf16>
      %dot_general3A_788 = arith.constant dense<0.000000e+00> : vector<128x128xf32>
      %dot_general3A_789 = tpu.matmul %get3A_787, %mul3A_782, %dot_general3A_788 {dimension_numbers = #tpu.dot_dimension_numbers<[1], [0], [0], [1], [0, 0, 1, 1], [], []>, transpose_lhs_hint = false} : vector<128x256xbf16>, vector<256x128xbf16>, vector<128x128xf32> -> vector<128x128xf32>
      %convert_element_type3A_790 = arith.truncf %dot_general3A_789 : vector<128x128xf32> to vector<128x128xbf16>
      %mul3A_791 = arith.constant 128 : i32
      %mul3A_792 = arith.muli %scan3A_763, %mul3A_791 : i32
      %swap3A_793 = arith.index_cast %mul3A_792 : i32 to index
      %swap3A_794 = arith.constant 0 : index
      %swap3A_795 = vector.load %arg25[%swap3A_793, %swap3A_794] : memref<16000x128xbf16, #tpu.memory_space<vmem>>, vector<128x128xbf16>
      tpu.vector_store %arg25[%swap3A_793, %swap3A_794], %convert_element_type3A_790 {strides = array<i32>} : memref<16000x128xbf16, #tpu.memory_space<vmem>>, vector<128x128xbf16>,
      %scan3A_796 = arith.constant 14 : i32
      %scan3A_797 = arith.addi %scan3A_321, %scan3A_796 : i32
      %mul3A_798 = arith.constant 128 : i32
      %mul3A_799 = arith.muli %scan3A_797, %mul3A_798 : i32
      %get3A_800 = arith.index_cast %mul3A_799 : i32 to index
      %get3A_801 = arith.constant 0 : index
      %get3A_802 = vector.load %arg23[%get3A_800, %get3A_801] : memref<16000x128xbf16, #tpu.memory_space<vmem>>, vector<128x128xbf16>
      %mul3A_803 = arith.constant 256 : i32
      %mul3A_804 = arith.muli %scan3A_797, %mul3A_803 : i32
      %get3A_805 = arith.index_cast %mul3A_804 : i32 to index
      %get3A_806 = arith.constant 0 : index
      %get3A_807 = vector.load %arg27[%get3A_805, %get3A_806] : memref<32000x128xbf16, #tpu.memory_space<vmem>>, vector<256x128xbf16>
      %dot_general3A_808 = arith.constant dense<0.000000e+00> : vector<256x128xf32>
      %dot_general3A_809 = tpu.matmul %get3A_807, %get3A_802, %dot_general3A_808 {dimension_numbers = #tpu.dot_dimension_numbers<[1], [0], [0], [1], [0, 0, 1, 1], [], []>, transpose_lhs_hint = false} : vector<256x128xbf16>, vector<128x128xbf16>, vector<256x128xf32> -> vector<256x128xf32>
      %convert_element_type3A_810 = arith.truncf %dot_general3A_809 : vector<256x128xf32> to vector<256x128xbf16>
      %mul3A_811 = arith.constant 256 : i32
      %mul3A_812 = arith.muli %scan3A_797, %mul3A_811 : i32
      %get3A_813 = arith.index_cast %mul3A_812 : i32 to index
      %get3A_814 = arith.constant 0 : index
      %get3A_815 = vector.load %arg24[%get3A_813, %get3A_814] : memref<32000x128xbf16, #tpu.memory_space<vmem>>, vector<256x128xbf16>
      %mul3A_816 = arith.mulf %convert_element_type3A_810, %get3A_815 : vector<256x128xbf16>
      %mul3A_817 = arith.constant 128 : i32
      %mul3A_818 = arith.muli %scan3A_797, %mul3A_817 : i32
      %get3A_819 = arith.index_cast %mul3A_818 : i32 to index
      %get3A_820 = arith.constant 0 : index
      %get3A_821 = vector.load %arg28[%get3A_819, %get3A_820] : memref<16000x256xbf16, #tpu.memory_space<vmem>>, vector<128x256xbf16>
      %dot_general3A_822 = arith.constant dense<0.000000e+00> : vector<128x128xf32>
      %dot_general3A_823 = tpu.matmul %get3A_821, %mul3A_816, %dot_general3A_822 {dimension_numbers = #tpu.dot_dimension_numbers<[1], [0], [0], [1], [0, 0, 1, 1], [], []>, transpose_lhs_hint = false} : vector<128x256xbf16>, vector<256x128xbf16>, vector<128x128xf32> -> vector<128x128xf32>
      %convert_element_type3A_824 = arith.truncf %dot_general3A_823 : vector<128x128xf32> to vector<128x128xbf16>
      %mul3A_825 = arith.constant 128 : i32
      %mul3A_826 = arith.muli %scan3A_797, %mul3A_825 : i32
      %swap3A_827 = arith.index_cast %mul3A_826 : i32 to index
      %swap3A_828 = arith.constant 0 : index
      %swap3A_829 = vector.load %arg25[%swap3A_827, %swap3A_828] : memref<16000x128xbf16, #tpu.memory_space<vmem>>, vector<128x128xbf16>
      tpu.vector_store %arg25[%swap3A_827, %swap3A_828], %convert_element_type3A_824 {strides = array<i32>} : memref<16000x128xbf16, #tpu.memory_space<vmem>>, vector<128x128xbf16>,
      %scan3A_830 = arith.constant 15 : i32
      %scan3A_831 = arith.addi %scan3A_321, %scan3A_830 : i32
      %mul3A_832 = arith.constant 128 : i32
      %mul3A_833 = arith.muli %scan3A_831, %mul3A_832 : i32
      %get3A_834 = arith.index_cast %mul3A_833 : i32 to index
      %get3A_835 = arith.constant 0 : index
      %get3A_836 = vector.load %arg23[%get3A_834, %get3A_835] : memref<16000x128xbf16, #tpu.memory_space<vmem>>, vector<128x128xbf16>
      %mul3A_837 = arith.constant 256 : i32
      %mul3A_838 = arith.muli %scan3A_831, %mul3A_837 : i32
      %get3A_839 = arith.index_cast %mul3A_838 : i32 to index
      %get3A_840 = arith.constant 0 : index
      %get3A_841 = vector.load %arg27[%get3A_839, %get3A_840] : memref<32000x128xbf16, #tpu.memory_space<vmem>>, vector<256x128xbf16>
      %dot_general3A_842 = arith.constant dense<0.000000e+00> : vector<256x128xf32>
      %dot_general3A_843 = tpu.matmul %get3A_841, %get3A_836, %dot_general3A_842 {dimension_numbers = #tpu.dot_dimension_numbers<[1], [0], [0], [1], [0, 0, 1, 1], [], []>, transpose_lhs_hint = false} : vector<256x128xbf16>, vector<128x128xbf16>, vector<256x128xf32> -> vector<256x128xf32>
      %convert_element_type3A_844 = arith.truncf %dot_general3A_843 : vector<256x128xf32> to vector<256x128xbf16>
      %mul3A_845 = arith.constant 256 : i32
      %mul3A_846 = arith.muli %scan3A_831, %mul3A_845 : i32
      %get3A_847 = arith.index_cast %mul3A_846 : i32 to index
      %get3A_848 = arith.constant 0 : index
      %get3A_849 = vector.load %arg24[%get3A_847, %get3A_848] : memref<32000x128xbf16, #tpu.memory_space<vmem>>, vector<256x128xbf16>
      %mul3A_850 = arith.mulf %convert_element_type3A_844, %get3A_849 : vector<256x128xbf16>
      %mul3A_851 = arith.constant 128 : i32
      %mul3A_852 = arith.muli %scan3A_831, %mul3A_851 : i32
      %get3A_853 = arith.index_cast %mul3A_852 : i32 to index
      %get3A_854 = arith.constant 0 : index
      %get3A_855 = vector.load %arg28[%get3A_853, %get3A_854] : memref<16000x256xbf16, #tpu.memory_space<vmem>>, vector<128x256xbf16>
      %dot_general3A_856 = arith.constant dense<0.000000e+00> : vector<128x128xf32>
      %dot_general3A_857 = tpu.matmul %get3A_855, %mul3A_850, %dot_general3A_856 {dimension_numbers = #tpu.dot_dimension_numbers<[1], [0], [0], [1], [0, 0, 1, 1], [], []>, transpose_lhs_hint = false} : vector<128x256xbf16>, vector<256x128xbf16>, vector<128x128xf32> -> vector<128x128xf32>
      %convert_element_type3A_858 = arith.truncf %dot_general3A_857 : vector<128x128xf32> to vector<128x128xbf16>
      %mul3A_859 = arith.constant 128 : i32
      %mul3A_860 = arith.muli %scan3A_831, %mul3A_859 : i32
      %swap3A_861 = arith.index_cast %mul3A_860 : i32 to index
      %swap3A_862 = arith.constant 0 : index
      %swap3A_863 = vector.load %arg25[%swap3A_861, %swap3A_862] : memref<16000x128xbf16, #tpu.memory_space<vmem>>, vector<128x128xbf16>
      tpu.vector_store %arg25[%swap3A_861, %swap3A_862], %convert_element_type3A_858 {strides = array<i32>} : memref<16000x128xbf16, #tpu.memory_space<vmem>>, vector<128x128xbf16>,
      %scan3A_864 = arith.constant 16 : i32
      %scan3A_865 = arith.addi %scan3A_321, %scan3A_864 : i32
      %mul3A_866 = arith.constant 128 : i32
      %mul3A_867 = arith.muli %scan3A_865, %mul3A_866 : i32
      %get3A_868 = arith.index_cast %mul3A_867 : i32 to index
      %get3A_869 = arith.constant 0 : index
      %get3A_870 = vector.load %arg23[%get3A_868, %get3A_869] : memref<16000x128xbf16, #tpu.memory_space<vmem>>, vector<128x128xbf16>
      %mul3A_871 = arith.constant 256 : i32
      %mul3A_872 = arith.muli %scan3A_865, %mul3A_871 : i32
      %get3A_873 = arith.index_cast %mul3A_872 : i32 to index
      %get3A_874 = arith.constant 0 : index
      %get3A_875 = vector.load %arg27[%get3A_873, %get3A_874] : memref<32000x128xbf16, #tpu.memory_space<vmem>>, vector<256x128xbf16>
      %dot_general3A_876 = arith.constant dense<0.000000e+00> : vector<256x128xf32>
      %dot_general3A_877 = tpu.matmul %get3A_875, %get3A_870, %dot_general3A_876 {dimension_numbers = #tpu.dot_dimension_numbers<[1], [0], [0], [1], [0, 0, 1, 1], [], []>, transpose_lhs_hint = false} : vector<256x128xbf16>, vector<128x128xbf16>, vector<256x128xf32> -> vector<256x128xf32>
      %convert_element_type3A_878 = arith.truncf %dot_general3A_877 : vector<256x128xf32> to vector<256x128xbf16>
      %mul3A_879 = arith.constant 256 : i32
      %mul3A_880 = arith.muli %scan3A_865, %mul3A_879 : i32
      %get3A_881 = arith.index_cast %mul3A_880 : i32 to index
      %get3A_882 = arith.constant 0 : index
      %get3A_883 = vector.load %arg24[%get3A_881, %get3A_882] : memref<32000x128xbf16, #tpu.memory_space<vmem>>, vector<256x128xbf16>
      %mul3A_884 = arith.mulf %convert_element_type3A_878, %get3A_883 : vector<256x128xbf16>
      %mul3A_885 = arith.constant 128 : i32
      %mul3A_886 = arith.muli %scan3A_865, %mul3A_885 : i32
      %get3A_887 = arith.index_cast %mul3A_886 : i32 to index
      %get3A_888 = arith.constant 0 : index
      %get3A_889 = vector.load %arg28[%get3A_887, %get3A_888] : memref<16000x256xbf16, #tpu.memory_space<vmem>>, vector<128x256xbf16>
      %dot_general3A_890 = arith.constant dense<0.000000e+00> : vector<128x128xf32>
      %dot_general3A_891 = tpu.matmul %get3A_889, %mul3A_884, %dot_general3A_890 {dimension_numbers = #tpu.dot_dimension_numbers<[1], [0], [0], [1], [0, 0, 1, 1], [], []>, transpose_lhs_hint = false} : vector<128x256xbf16>, vector<256x128xbf16>, vector<128x128xf32> -> vector<128x128xf32>
      %convert_element_type3A_892 = arith.truncf %dot_general3A_891 : vector<128x128xf32> to vector<128x128xbf16>
      %mul3A_893 = arith.constant 128 : i32
      %mul3A_894 = arith.muli %scan3A_865, %mul3A_893 : i32
      %swap3A_895 = arith.index_cast %mul3A_894 : i32 to index
      %swap3A_896 = arith.constant 0 : index
      %swap3A_897 = vector.load %arg25[%swap3A_895, %swap3A_896] : memref<16000x128xbf16, #tpu.memory_space<vmem>>, vector<128x128xbf16>
      tpu.vector_store %arg25[%swap3A_895, %swap3A_896], %convert_element_type3A_892 {strides = array<i32>} : memref<16000x128xbf16, #tpu.memory_space<vmem>>, vector<128x128xbf16>,
      %scan3A_898 = arith.constant 17 : i32
      %scan3A_899 = arith.addi %scan3A_321, %scan3A_898 : i32
      %mul3A_900 = arith.constant 128 : i32
      %mul3A_901 = arith.muli %scan3A_899, %mul3A_900 : i32
      %get3A_902 = arith.index_cast %mul3A_901 : i32 to index
      %get3A_903 = arith.constant 0 : index
      %get3A_904 = vector.load %arg23[%get3A_902, %get3A_903] : memref<16000x128xbf16, #tpu.memory_space<vmem>>, vector<128x128xbf16>
      %mul3A_905 = arith.constant 256 : i32
      %mul3A_906 = arith.muli %scan3A_899, %mul3A_905 : i32
      %get3A_907 = arith.index_cast %mul3A_906 : i32 to index
      %get3A_908 = arith.constant 0 : index
      %get3A_909 = vector.load %arg27[%get3A_907, %get3A_908] : memref<32000x128xbf16, #tpu.memory_space<vmem>>, vector<256x128xbf16>
      %dot_general3A_910 = arith.constant dense<0.000000e+00> : vector<256x128xf32>
      %dot_general3A_911 = tpu.matmul %get3A_909, %get3A_904, %dot_general3A_910 {dimension_numbers = #tpu.dot_dimension_numbers<[1], [0], [0], [1], [0, 0, 1, 1], [], []>, transpose_lhs_hint = false} : vector<256x128xbf16>, vector<128x128xbf16>, vector<256x128xf32> -> vector<256x128xf32>
      %convert_element_type3A_912 = arith.truncf %dot_general3A_911 : vector<256x128xf32> to vector<256x128xbf16>
      %mul3A_913 = arith.constant 256 : i32
      %mul3A_914 = arith.muli %scan3A_899, %mul3A_913 : i32
      %get3A_915 = arith.index_cast %mul3A_914 : i32 to index
      %get3A_916 = arith.constant 0 : index
      %get3A_917 = vector.load %arg24[%get3A_915, %get3A_916] : memref<32000x128xbf16, #tpu.memory_space<vmem>>, vector<256x128xbf16>
      %mul3A_918 = arith.mulf %convert_element_type3A_912, %get3A_917 : vector<256x128xbf16>
      %mul3A_919 = arith.constant 128 : i32
      %mul3A_920 = arith.muli %scan3A_899, %mul3A_919 : i32
      %get3A_921 = arith.index_cast %mul3A_920 : i32 to index
      %get3A_922 = arith.constant 0 : index
      %get3A_923 = vector.load %arg28[%get3A_921, %get3A_922] : memref<16000x256xbf16, #tpu.memory_space<vmem>>, vector<128x256xbf16>
      %dot_general3A_924 = arith.constant dense<0.000000e+00> : vector<128x128xf32>
      %dot_general3A_925 = tpu.matmul %get3A_923, %mul3A_918, %dot_general3A_924 {dimension_numbers = #tpu.dot_dimension_numbers<[1], [0], [0], [1], [0, 0, 1, 1], [], []>, transpose_lhs_hint = false} : vector<128x256xbf16>, vector<256x128xbf16>, vector<128x128xf32> -> vector<128x128xf32>
      %convert_element_type3A_926 = arith.truncf %dot_general3A_925 : vector<128x128xf32> to vector<128x128xbf16>
      %mul3A_927 = arith.constant 128 : i32
      %mul3A_928 = arith.muli %scan3A_899, %mul3A_927 : i32
      %swap3A_929 = arith.index_cast %mul3A_928 : i32 to index
      %swap3A_930 = arith.constant 0 : index
      %swap3A_931 = vector.load %arg25[%swap3A_929, %swap3A_930] : memref<16000x128xbf16, #tpu.memory_space<vmem>>, vector<128x128xbf16>
      tpu.vector_store %arg25[%swap3A_929, %swap3A_930], %convert_element_type3A_926 {strides = array<i32>} : memref<16000x128xbf16, #tpu.memory_space<vmem>>, vector<128x128xbf16>,
      %scan3A_932 = arith.constant 18 : i32
      %scan3A_933 = arith.addi %scan3A_321, %scan3A_932 : i32
      %mul3A_934 = arith.constant 128 : i32
      %mul3A_935 = arith.muli %scan3A_933, %mul3A_934 : i32
      %get3A_936 = arith.index_cast %mul3A_935 : i32 to index
      %get3A_937 = arith.constant 0 : index
      %get3A_938 = vector.load %arg23[%get3A_936, %get3A_937] : memref<16000x128xbf16, #tpu.memory_space<vmem>>, vector<128x128xbf16>
      %mul3A_939 = arith.constant 256 : i32
      %mul3A_940 = arith.muli %scan3A_933, %mul3A_939 : i32
      %get3A_941 = arith.index_cast %mul3A_940 : i32 to index
      %get3A_942 = arith.constant 0 : index
      %get3A_943 = vector.load %arg27[%get3A_941, %get3A_942] : memref<32000x128xbf16, #tpu.memory_space<vmem>>, vector<256x128xbf16>
      %dot_general3A_944 = arith.constant dense<0.000000e+00> : vector<256x128xf32>
      %dot_general3A_945 = tpu.matmul %get3A_943, %get3A_938, %dot_general3A_944 {dimension_numbers = #tpu.dot_dimension_numbers<[1], [0], [0], [1], [0, 0, 1, 1], [], []>, transpose_lhs_hint = false} : vector<256x128xbf16>, vector<128x128xbf16>, vector<256x128xf32> -> vector<256x128xf32>
      %convert_element_type3A_946 = arith.truncf %dot_general3A_945 : vector<256x128xf32> to vector<256x128xbf16>
      %mul3A_947 = arith.constant 256 : i32
      %mul3A_948 = arith.muli %scan3A_933, %mul3A_947 : i32
      %get3A_949 = arith.index_cast %mul3A_948 : i32 to index
      %get3A_950 = arith.constant 0 : index
      %get3A_951 = vector.load %arg24[%get3A_949, %get3A_950] : memref<32000x128xbf16, #tpu.memory_space<vmem>>, vector<256x128xbf16>
      %mul3A_952 = arith.mulf %convert_element_type3A_946, %get3A_951 : vector<256x128xbf16>
      %mul3A_953 = arith.constant 128 : i32
      %mul3A_954 = arith.muli %scan3A_933, %mul3A_953 : i32
      %get3A_955 = arith.index_cast %mul3A_954 : i32 to index
      %get3A_956 = arith.constant 0 : index
      %get3A_957 = vector.load %arg28[%get3A_955, %get3A_956] : memref<16000x256xbf16, #tpu.memory_space<vmem>>, vector<128x256xbf16>
      %dot_general3A_958 = arith.constant dense<0.000000e+00> : vector<128x128xf32>
      %dot_general3A_959 = tpu.matmul %get3A_957, %mul3A_952, %dot_general3A_958 {dimension_numbers = #tpu.dot_dimension_numbers<[1], [0], [0], [1], [0, 0, 1, 1], [], []>, transpose_lhs_hint = false} : vector<128x256xbf16>, vector<256x128xbf16>, vector<128x128xf32> -> vector<128x128xf32>
      %convert_element_type3A_960 = arith.truncf %dot_general3A_959 : vector<128x128xf32> to vector<128x128xbf16>
      %mul3A_961 = arith.constant 128 : i32
      %mul3A_962 = arith.muli %scan3A_933, %mul3A_961 : i32
      %swap3A_963 = arith.index_cast %mul3A_962 : i32 to index
      %swap3A_964 = arith.constant 0 : index
      %swap3A_965 = vector.load %arg25[%swap3A_963, %swap3A_964] : memref<16000x128xbf16, #tpu.memory_space<vmem>>, vector<128x128xbf16>
      tpu.vector_store %arg25[%swap3A_963, %swap3A_964], %convert_element_type3A_960 {strides = array<i32>} : memref<16000x128xbf16, #tpu.memory_space<vmem>>, vector<128x128xbf16>,
      %scan3A_966 = arith.constant 19 : i32
      %scan3A_967 = arith.addi %scan3A_321, %scan3A_966 : i32
      %mul3A_968 = arith.constant 128 : i32
      %mul3A_969 = arith.muli %scan3A_967, %mul3A_968 : i32
      %get3A_970 = arith.index_cast %mul3A_969 : i32 to index
      %get3A_971 = arith.constant 0 : index
      %get3A_972 = vector.load %arg23[%get3A_970, %get3A_971] : memref<16000x128xbf16, #tpu.memory_space<vmem>>, vector<128x128xbf16>
      %mul3A_973 = arith.constant 256 : i32
      %mul3A_974 = arith.muli %scan3A_967, %mul3A_973 : i32
      %get3A_975 = arith.index_cast %mul3A_974 : i32 to index
      %get3A_976 = arith.constant 0 : index
      %get3A_977 = vector.load %arg27[%get3A_975, %get3A_976] : memref<32000x128xbf16, #tpu.memory_space<vmem>>, vector<256x128xbf16>
      %dot_general3A_978 = arith.constant dense<0.000000e+00> : vector<256x128xf32>
      %dot_general3A_979 = tpu.matmul %get3A_977, %get3A_972, %dot_general3A_978 {dimension_numbers = #tpu.dot_dimension_numbers<[1], [0], [0], [1], [0, 0, 1, 1], [], []>, transpose_lhs_hint = false} : vector<256x128xbf16>, vector<128x128xbf16>, vector<256x128xf32> -> vector<256x128xf32>
      %convert_element_type3A_980 = arith.truncf %dot_general3A_979 : vector<256x128xf32> to vector<256x128xbf16>
      %mul3A_981 = arith.constant 256 : i32
      %mul3A_982 = arith.muli %scan3A_967, %mul3A_981 : i32
      %get3A_983 = arith.index_cast %mul3A_982 : i32 to index
      %get3A_984 = arith.constant 0 : index
      %get3A_985 = vector.load %arg24[%get3A_983, %get3A_984] : memref<32000x128xbf16, #tpu.memory_space<vmem>>, vector<256x128xbf16>
      %mul3A_986 = arith.mulf %convert_element_type3A_980, %get3A_985 : vector<256x128xbf16>
      %mul3A_987 = arith.constant 128 : i32
      %mul3A_988 = arith.muli %scan3A_967, %mul3A_987 : i32
      %get3A_989 = arith.index_cast %mul3A_988 : i32 to index
      %get3A_990 = arith.constant 0 : index
      %get3A_991 = vector.load %arg28[%get3A_989, %get3A_990] : memref<16000x256xbf16, #tpu.memory_space<vmem>>, vector<128x256xbf16>
      %dot_general3A_992 = arith.constant dense<0.000000e+00> : vector<128x128xf32>
      %dot_general3A_993 = tpu.matmul %get3A_991, %mul3A_986, %dot_general3A_992 {dimension_numbers = #tpu.dot_dimension_numbers<[1], [0], [0], [1], [0, 0, 1, 1], [], []>, transpose_lhs_hint = false} : vector<128x256xbf16>, vector<256x128xbf16>, vector<128x128xf32> -> vector<128x128xf32>
      %convert_element_type3A_994 = arith.truncf %dot_general3A_993 : vector<128x128xf32> to vector<128x128xbf16>
      %mul3A_995 = arith.constant 128 : i32
      %mul3A_996 = arith.muli %scan3A_967, %mul3A_995 : i32
      %swap3A_997 = arith.index_cast %mul3A_996 : i32 to index
      %swap3A_998 = arith.constant 0 : index
      %swap3A_999 = vector.load %arg25[%swap3A_997, %swap3A_998] : memref<16000x128xbf16, #tpu.memory_space<vmem>>, vector<128x128xbf16>
      tpu.vector_store %arg25[%swap3A_997, %swap3A_998], %convert_element_type3A_994 {strides = array<i32>} : memref<16000x128xbf16, #tpu.memory_space<vmem>>, vector<128x128xbf16>,
      %scan3A_1000 = arith.constant 20 : i32
      %scan3A_1001 = arith.addi %scan3A_321, %scan3A_1000 : i32
      %mul3A_1002 = arith.constant 128 : i32
      %mul3A_1003 = arith.muli %scan3A_1001, %mul3A_1002 : i32
      %get3A_1004 = arith.index_cast %mul3A_1003 : i32 to index
      %get3A_1005 = arith.constant 0 : index
      %get3A_1006 = vector.load %arg23[%get3A_1004, %get3A_1005] : memref<16000x128xbf16, #tpu.memory_space<vmem>>, vector<128x128xbf16>
      %mul3A_1007 = arith.constant 256 : i32
      %mul3A_1008 = arith.muli %scan3A_1001, %mul3A_1007 : i32
      %get3A_1009 = arith.index_cast %mul3A_1008 : i32 to index
      %get3A_1010 = arith.constant 0 : index
      %get3A_1011 = vector.load %arg27[%get3A_1009, %get3A_1010] : memref<32000x128xbf16, #tpu.memory_space<vmem>>, vector<256x128xbf16>
      %dot_general3A_1012 = arith.constant dense<0.000000e+00> : vector<256x128xf32>
      %dot_general3A_1013 = tpu.matmul %get3A_1011, %get3A_1006, %dot_general3A_1012 {dimension_numbers = #tpu.dot_dimension_numbers<[1], [0], [0], [1], [0, 0, 1, 1], [], []>, transpose_lhs_hint = false} : vector<256x128xbf16>, vector<128x128xbf16>, vector<256x128xf32> -> vector<256x128xf32>
      %convert_element_type3A_1014 = arith.truncf %dot_general3A_1013 : vector<256x128xf32> to vector<256x128xbf16>
      %mul3A_1015 = arith.constant 256 : i32
      %mul3A_1016 = arith.muli %scan3A_1001, %mul3A_1015 : i32
      %get3A_1017 = arith.index_cast %mul3A_1016 : i32 to index
      %get3A_1018 = arith.constant 0 : index
      %get3A_1019 = vector.load %arg24[%get3A_1017, %get3A_1018] : memref<32000x128xbf16, #tpu.memory_space<vmem>>, vector<256x128xbf16>
      %mul3A_1020 = arith.mulf %convert_element_type3A_1014, %get3A_1019 : vector<256x128xbf16>
      %mul3A_1021 = arith.constant 128 : i32
      %mul3A_1022 = arith.muli %scan3A_1001, %mul3A_1021 : i32
      %get3A_1023 = arith.index_cast %mul3A_1022 : i32 to index
      %get3A_1024 = arith.constant 0 : index
      %get3A_1025 = vector.load %arg28[%get3A_1023, %get3A_1024] : memref<16000x256xbf16, #tpu.memory_space<vmem>>, vector<128x256xbf16>
      %dot_general3A_1026 = arith.constant dense<0.000000e+00> : vector<128x128xf32>
      %dot_general3A_1027 = tpu.matmul %get3A_1025, %mul3A_1020, %dot_general3A_1026 {dimension_numbers = #tpu.dot_dimension_numbers<[1], [0], [0], [1], [0, 0, 1, 1], [], []>, transpose_lhs_hint = false} : vector<128x256xbf16>, vector<256x128xbf16>, vector<128x128xf32> -> vector<128x128xf32>
      %convert_element_type3A_1028 = arith.truncf %dot_general3A_1027 : vector<128x128xf32> to vector<128x128xbf16>
      %mul3A_1029 = arith.constant 128 : i32
      %mul3A_1030 = arith.muli %scan3A_1001, %mul3A_1029 : i32
      %swap3A_1031 = arith.index_cast %mul3A_1030 : i32 to index
      %swap3A_1032 = arith.constant 0 : index
      %swap3A_1033 = vector.load %arg25[%swap3A_1031, %swap3A_1032] : memref<16000x128xbf16, #tpu.memory_space<vmem>>, vector<128x128xbf16>
      tpu.vector_store %arg25[%swap3A_1031, %swap3A_1032], %convert_element_type3A_1028 {strides = array<i32>} : memref<16000x128xbf16, #tpu.memory_space<vmem>>, vector<128x128xbf16>,
      %scan3A_1034 = arith.constant 21 : i32
      %scan3A_1035 = arith.addi %scan3A_321, %scan3A_1034 : i32
      %mul3A_1036 = arith.constant 128 : i32
      %mul3A_1037 = arith.muli %scan3A_1035, %mul3A_1036 : i32
      %get3A_1038 = arith.index_cast %mul3A_1037 : i32 to index
      %get3A_1039 = arith.constant 0 : index
      %get3A_1040 = vector.load %arg23[%get3A_1038, %get3A_1039] : memref<16000x128xbf16, #tpu.memory_space<vmem>>, vector<128x128xbf16>
      %mul3A_1041 = arith.constant 256 : i32
      %mul3A_1042 = arith.muli %scan3A_1035, %mul3A_1041 : i32
      %get3A_1043 = arith.index_cast %mul3A_1042 : i32 to index
      %get3A_1044 = arith.constant 0 : index
      %get3A_1045 = vector.load %arg27[%get3A_1043, %get3A_1044] : memref<32000x128xbf16, #tpu.memory_space<vmem>>, vector<256x128xbf16>
      %dot_general3A_1046 = arith.constant dense<0.000000e+00> : vector<256x128xf32>
      %dot_general3A_1047 = tpu.matmul %get3A_1045, %get3A_1040, %dot_general3A_1046 {dimension_numbers = #tpu.dot_dimension_numbers<[1], [0], [0], [1], [0, 0, 1, 1], [], []>, transpose_lhs_hint = false} : vector<256x128xbf16>, vector<128x128xbf16>, vector<256x128xf32> -> vector<256x128xf32>
      %convert_element_type3A_1048 = arith.truncf %dot_general3A_1047 : vector<256x128xf32> to vector<256x128xbf16>
      %mul3A_1049 = arith.constant 256 : i32
      %mul3A_1050 = arith.muli %scan3A_1035, %mul3A_1049 : i32
      %get3A_1051 = arith.index_cast %mul3A_1050 : i32 to index
      %get3A_1052 = arith.constant 0 : index
      %get3A_1053 = vector.load %arg24[%get3A_1051, %get3A_1052] : memref<32000x128xbf16, #tpu.memory_space<vmem>>, vector<256x128xbf16>
      %mul3A_1054 = arith.mulf %convert_element_type3A_1048, %get3A_1053 : vector<256x128xbf16>
      %mul3A_1055 = arith.constant 128 : i32
      %mul3A_1056 = arith.muli %scan3A_1035, %mul3A_1055 : i32
      %get3A_1057 = arith.index_cast %mul3A_1056 : i32 to index
      %get3A_1058 = arith.constant 0 : index
      %get3A_1059 = vector.load %arg28[%get3A_1057, %get3A_1058] : memref<16000x256xbf16, #tpu.memory_space<vmem>>, vector<128x256xbf16>
      %dot_general3A_1060 = arith.constant dense<0.000000e+00> : vector<128x128xf32>
      %dot_general3A_1061 = tpu.matmul %get3A_1059, %mul3A_1054, %dot_general3A_1060 {dimension_numbers = #tpu.dot_dimension_numbers<[1], [0], [0], [1], [0, 0, 1, 1], [], []>, transpose_lhs_hint = false} : vector<128x256xbf16>, vector<256x128xbf16>, vector<128x128xf32> -> vector<128x128xf32>
      %convert_element_type3A_1062 = arith.truncf %dot_general3A_1061 : vector<128x128xf32> to vector<128x128xbf16>
      %mul3A_1063 = arith.constant 128 : i32
      %mul3A_1064 = arith.muli %scan3A_1035, %mul3A_1063 : i32
      %swap3A_1065 = arith.index_cast %mul3A_1064 : i32 to index
      %swap3A_1066 = arith.constant 0 : index
      %swap3A_1067 = vector.load %arg25[%swap3A_1065, %swap3A_1066] : memref<16000x128xbf16, #tpu.memory_space<vmem>>, vector<128x128xbf16>
      tpu.vector_store %arg25[%swap3A_1065, %swap3A_1066], %convert_element_type3A_1062 {strides = array<i32>} : memref<16000x128xbf16, #tpu.memory_space<vmem>>, vector<128x128xbf16>,
      %scan3A_1068 = arith.constant 22 : i32
      %scan3A_1069 = arith.addi %scan3A_321, %scan3A_1068 : i32
      %mul3A_1070 = arith.constant 128 : i32
      %mul3A_1071 = arith.muli %scan3A_1069, %mul3A_1070 : i32
      %get3A_1072 = arith.index_cast %mul3A_1071 : i32 to index
      %get3A_1073 = arith.constant 0 : index
      %get3A_1074 = vector.load %arg23[%get3A_1072, %get3A_1073] : memref<16000x128xbf16, #tpu.memory_space<vmem>>, vector<128x128xbf16>
      %mul3A_1075 = arith.constant 256 : i32
      %mul3A_1076 = arith.muli %scan3A_1069, %mul3A_1075 : i32
      %get3A_1077 = arith.index_cast %mul3A_1076 : i32 to index
      %get3A_1078 = arith.constant 0 : index
      %get3A_1079 = vector.load %arg27[%get3A_1077, %get3A_1078] : memref<32000x128xbf16, #tpu.memory_space<vmem>>, vector<256x128xbf16>
      %dot_general3A_1080 = arith.constant dense<0.000000e+00> : vector<256x128xf32>
      %dot_general3A_1081 = tpu.matmul %get3A_1079, %get3A_1074, %dot_general3A_1080 {dimension_numbers = #tpu.dot_dimension_numbers<[1], [0], [0], [1], [0, 0, 1, 1], [], []>, transpose_lhs_hint = false} : vector<256x128xbf16>, vector<128x128xbf16>, vector<256x128xf32> -> vector<256x128xf32>
      %convert_element_type3A_1082 = arith.truncf %dot_general3A_1081 : vector<256x128xf32> to vector<256x128xbf16>
      %mul3A_1083 = arith.constant 256 : i32
      %mul3A_1084 = arith.muli %scan3A_1069, %mul3A_1083 : i32
      %get3A_1085 = arith.index_cast %mul3A_1084 : i32 to index
      %get3A_1086 = arith.constant 0 : index
      %get3A_1087 = vector.load %arg24[%get3A_1085, %get3A_1086] : memref<32000x128xbf16, #tpu.memory_space<vmem>>, vector<256x128xbf16>
      %mul3A_1088 = arith.mulf %convert_element_type3A_1082, %get3A_1087 : vector<256x128xbf16>
      %mul3A_1089 = arith.constant 128 : i32
      %mul3A_1090 = arith.muli %scan3A_1069, %mul3A_1089 : i32
      %get3A_1091 = arith.index_cast %mul3A_1090 : i32 to index
      %get3A_1092 = arith.constant 0 : index
      %get3A_1093 = vector.load %arg28[%get3A_1091, %get3A_1092] : memref<16000x256xbf16, #tpu.memory_space<vmem>>, vector<128x256xbf16>
      %dot_general3A_1094 = arith.constant dense<0.000000e+00> : vector<128x128xf32>
      %dot_general3A_1095 = tpu.matmul %get3A_1093, %mul3A_1088, %dot_general3A_1094 {dimension_numbers = #tpu.dot_dimension_numbers<[1], [0], [0], [1], [0, 0, 1, 1], [], []>, transpose_lhs_hint = false} : vector<128x256xbf16>, vector<256x128xbf16>, vector<128x128xf32> -> vector<128x128xf32>
      %convert_element_type3A_1096 = arith.truncf %dot_general3A_1095 : vector<128x128xf32> to vector<128x128xbf16>
      %mul3A_1097 = arith.constant 128 : i32
      %mul3A_1098 = arith.muli %scan3A_1069, %mul3A_1097 : i32
      %swap3A_1099 = arith.index_cast %mul3A_1098 : i32 to index
      %swap3A_1100 = arith.constant 0 : index
      %swap3A_1101 = vector.load %arg25[%swap3A_1099, %swap3A_1100] : memref<16000x128xbf16, #tpu.memory_space<vmem>>, vector<128x128xbf16>
      tpu.vector_store %arg25[%swap3A_1099, %swap3A_1100], %convert_element_type3A_1096 {strides = array<i32>} : memref<16000x128xbf16, #tpu.memory_space<vmem>>, vector<128x128xbf16>,
      %scan3A_1102 = arith.constant 23 : i32
      %scan3A_1103 = arith.addi %scan3A_321, %scan3A_1102 : i32
      %mul3A_1104 = arith.constant 128 : i32
      %mul3A_1105 = arith.muli %scan3A_1103, %mul3A_1104 : i32
      %get3A_1106 = arith.index_cast %mul3A_1105 : i32 to index
      %get3A_1107 = arith.constant 0 : index
      %get3A_1108 = vector.load %arg23[%get3A_1106, %get3A_1107] : memref<16000x128xbf16, #tpu.memory_space<vmem>>, vector<128x128xbf16>
      %mul3A_1109 = arith.constant 256 : i32
      %mul3A_1110 = arith.muli %scan3A_1103, %mul3A_1109 : i32
      %get3A_1111 = arith.index_cast %mul3A_1110 : i32 to index
      %get3A_1112 = arith.constant 0 : index
      %get3A_1113 = vector.load %arg27[%get3A_1111, %get3A_1112] : memref<32000x128xbf16, #tpu.memory_space<vmem>>, vector<256x128xbf16>
      %dot_general3A_1114 = arith.constant dense<0.000000e+00> : vector<256x128xf32>
      %dot_general3A_1115 = tpu.matmul %get3A_1113, %get3A_1108, %dot_general3A_1114 {dimension_numbers = #tpu.dot_dimension_numbers<[1], [0], [0], [1], [0, 0, 1, 1], [], []>, transpose_lhs_hint = false} : vector<256x128xbf16>, vector<128x128xbf16>, vector<256x128xf32> -> vector<256x128xf32>
      %convert_element_type3A_1116 = arith.truncf %dot_general3A_1115 : vector<256x128xf32> to vector<256x128xbf16>
      %mul3A_1117 = arith.constant 256 : i32
      %mul3A_1118 = arith.muli %scan3A_1103, %mul3A_1117 : i32
      %get3A_1119 = arith.index_cast %mul3A_1118 : i32 to index
      %get3A_1120 = arith.constant 0 : index
      %get3A_1121 = vector.load %arg24[%get3A_1119, %get3A_1120] : memref<32000x128xbf16, #tpu.memory_space<vmem>>, vector<256x128xbf16>
      %mul3A_1122 = arith.mulf %convert_element_type3A_1116, %get3A_1121 : vector<256x128xbf16>
      %mul3A_1123 = arith.constant 128 : i32
      %mul3A_1124 = arith.muli %scan3A_1103, %mul3A_1123 : i32
      %get3A_1125 = arith.index_cast %mul3A_1124 : i32 to index
      %get3A_1126 = arith.constant 0 : index
      %get3A_1127 = vector.load %arg28[%get3A_1125, %get3A_1126] : memref<16000x256xbf16, #tpu.memory_space<vmem>>, vector<128x256xbf16>
      %dot_general3A_1128 = arith.constant dense<0.000000e+00> : vector<128x128xf32>
      %dot_general3A_1129 = tpu.matmul %get3A_1127, %mul3A_1122, %dot_general3A_1128 {dimension_numbers = #tpu.dot_dimension_numbers<[1], [0], [0], [1], [0, 0, 1, 1], [], []>, transpose_lhs_hint = false} : vector<128x256xbf16>, vector<256x128xbf16>, vector<128x128xf32> -> vector<128x128xf32>
      %convert_element_type3A_1130 = arith.truncf %dot_general3A_1129 : vector<128x128xf32> to vector<128x128xbf16>
      %mul3A_1131 = arith.constant 128 : i32
      %mul3A_1132 = arith.muli %scan3A_1103, %mul3A_1131 : i32
      %swap3A_1133 = arith.index_cast %mul3A_1132 : i32 to index
      %swap3A_1134 = arith.constant 0 : index
      %swap3A_1135 = vector.load %arg25[%swap3A_1133, %swap3A_1134] : memref<16000x128xbf16, #tpu.memory_space<vmem>>, vector<128x128xbf16>
      tpu.vector_store %arg25[%swap3A_1133, %swap3A_1134], %convert_element_type3A_1130 {strides = array<i32>} : memref<16000x128xbf16, #tpu.memory_space<vmem>>, vector<128x128xbf16>,
      %scan3A_1136 = arith.constant 24 : i32
      %scan3A_1137 = arith.addi %scan3A_321, %scan3A_1136 : i32
      %mul3A_1138 = arith.constant 128 : i32
      %mul3A_1139 = arith.muli %scan3A_1137, %mul3A_1138 : i32
      %get3A_1140 = arith.index_cast %mul3A_1139 : i32 to index
      %get3A_1141 = arith.constant 0 : index
      %get3A_1142 = vector.load %arg23[%get3A_1140, %get3A_1141] : memref<16000x128xbf16, #tpu.memory_space<vmem>>, vector<128x128xbf16>
      %mul3A_1143 = arith.constant 256 : i32
      %mul3A_1144 = arith.muli %scan3A_1137, %mul3A_1143 : i32
      %get3A_1145 = arith.index_cast %mul3A_1144 : i32 to index
      %get3A_1146 = arith.constant 0 : index
      %get3A_1147 = vector.load %arg27[%get3A_1145, %get3A_1146] : memref<32000x128xbf16, #tpu.memory_space<vmem>>, vector<256x128xbf16>
      %dot_general3A_1148 = arith.constant dense<0.000000e+00> : vector<256x128xf32>
      %dot_general3A_1149 = tpu.matmul %get3A_1147, %get3A_1142, %dot_general3A_1148 {dimension_numbers = #tpu.dot_dimension_numbers<[1], [0], [0], [1], [0, 0, 1, 1], [], []>, transpose_lhs_hint = false} : vector<256x128xbf16>, vector<128x128xbf16>, vector<256x128xf32> -> vector<256x128xf32>
      %convert_element_type3A_1150 = arith.truncf %dot_general3A_1149 : vector<256x128xf32> to vector<256x128xbf16>
      %mul3A_1151 = arith.constant 256 : i32
      %mul3A_1152 = arith.muli %scan3A_1137, %mul3A_1151 : i32
      %get3A_1153 = arith.index_cast %mul3A_1152 : i32 to index
      %get3A_1154 = arith.constant 0 : index
      %get3A_1155 = vector.load %arg24[%get3A_1153, %get3A_1154] : memref<32000x128xbf16, #tpu.memory_space<vmem>>, vector<256x128xbf16>
      %mul3A_1156 = arith.mulf %convert_element_type3A_1150, %get3A_1155 : vector<256x128xbf16>
      %mul3A_1157 = arith.constant 128 : i32
      %mul3A_1158 = arith.muli %scan3A_1137, %mul3A_1157 : i32
      %get3A_1159 = arith.index_cast %mul3A_1158 : i32 to index
      %get3A_1160 = arith.constant 0 : index
      %get3A_1161 = vector.load %arg28[%get3A_1159, %get3A_1160] : memref<16000x256xbf16, #tpu.memory_space<vmem>>, vector<128x256xbf16>
      %dot_general3A_1162 = arith.constant dense<0.000000e+00> : vector<128x128xf32>
      %dot_general3A_1163 = tpu.matmul %get3A_1161, %mul3A_1156, %dot_general3A_1162 {dimension_numbers = #tpu.dot_dimension_numbers<[1], [0], [0], [1], [0, 0, 1, 1], [], []>, transpose_lhs_hint = false} : vector<128x256xbf16>, vector<256x128xbf16>, vector<128x128xf32> -> vector<128x128xf32>
      %convert_element_type3A_1164 = arith.truncf %dot_general3A_1163 : vector<128x128xf32> to vector<128x128xbf16>
      %mul3A_1165 = arith.constant 128 : i32
      %mul3A_1166 = arith.muli %scan3A_1137, %mul3A_1165 : i32
      %swap3A_1167 = arith.index_cast %mul3A_1166 : i32 to index
      %swap3A_1168 = arith.constant 0 : index
      %swap3A_1169 = vector.load %arg25[%swap3A_1167, %swap3A_1168] : memref<16000x128xbf16, #tpu.memory_space<vmem>>, vector<128x128xbf16>
      tpu.vector_store %arg25[%swap3A_1167, %swap3A_1168], %convert_element_type3A_1164 {strides = array<i32>} : memref<16000x128xbf16, #tpu.memory_space<vmem>>, vector<128x128xbf16>,
    }
    %scan3A_206 = arith.constant 125 : i32
    %get3A_207 = arith.constant 0 : index
    %get3A_208 = arith.constant 0 : index
    %get3A_209 = vector.load %arg25[%get3A_207, %get3A_208] : memref<16000x128xbf16, #tpu.memory_space<vmem>>, vector<16000x128xbf16>
    %get3A_210 = arith.constant 2 : index
    %get3A_211 = arith.constant 0 : index
    %get3A_212 = arith.constant 0 : index
    %get3A_213 = vector.load %arg15[%get3A_210, %get3A_211, %get3A_212] : memref<3x128x128xf32, #tpu.memory_space<vmem>>, vector<1x128x128xf32>
    %get3A_214 = vector.shape_cast %get3A_213 : vector<1x128x128xf32> to vector<128x128xf32>
    %convert_element_type3A_215 = arith.truncf %get3A_214 : vector<128x128xf32> to vector<128x128xbf16>
    %dot_general3A_216 = arith.constant dense<0.000000e+00> : vector<16000x128xf32>
    %dot_general3A_217 = tpu.matmul %get3A_209, %convert_element_type3A_215, %dot_general3A_216 {dimension_numbers = #tpu.dot_dimension_numbers<[1], [0], [0], [1], [0, 0, 1, 1], [], []>, transpose_lhs_hint = false} : vector<16000x128xbf16>, vector<128x128xbf16>, vector<16000x128xf32> -> vector<16000x128xf32>
    %get3A_218 = arith.constant 2 : index
    %get3A_219 = arith.constant 0 : index
    %get3A_220 = vector.load %arg16[%get3A_218, %get3A_219] : memref<3x128xf32, #tpu.memory_space<vmem>>, vector<1x128xf32>
    %add3A_221 = vector.broadcast %get3A_220 : vector<1x128xf32> to vector<16000x128xf32>
    %add3A_222 = arith.addf %dot_general3A_217, %add3A_221 : vector<16000x128xf32>
    %max3A_223 = arith.constant 0.000000e+00 : f32
    %max3A_224 = vector.broadcast %max3A_223 : f32 to vector<16000x128xf32>
    %max3A_225 = arith.maximumf %add3A_222, %max3A_224 : vector<16000x128xf32>
    %get3A_226 = arith.constant 0 : index
    %get3A_227 = arith.constant 0 : index
    %get3A_228 = vector.load %arg22[%get3A_226, %get3A_227] : memref<16000x128xf32, #tpu.memory_space<vmem>>, vector<16000x128xf32>
    %convert_element_type3A_229 = arith.truncf %max3A_225 : vector<16000x128xf32> to vector<16000x128xbf16>
    %get3A_230 = arith.constant 2 : index
    %get3A_231 = arith.constant 0 : index
    %get3A_232 = arith.constant 0 : index
    %get3A_233 = vector.load %arg17[%get3A_230, %get3A_231, %get3A_232] : memref<3x128x128xf32, #tpu.memory_space<vmem>>, vector<1x128x128xf32>
    %get3A_234 = vector.shape_cast %get3A_233 : vector<1x128x128xf32> to vector<128x128xf32>
    %convert_element_type3A_235 = arith.truncf %get3A_234 : vector<128x128xf32> to vector<128x128xbf16>
    %dot_general3A_236 = arith.constant dense<0.000000e+00> : vector<16000x128xf32>
    %dot_general3A_237 = tpu.matmul %convert_element_type3A_229, %convert_element_type3A_235, %dot_general3A_236 {dimension_numbers = #tpu.dot_dimension_numbers<[1], [0], [0], [1], [0, 0, 1, 1], [], []>, transpose_lhs_hint = false} : vector<16000x128xbf16>, vector<128x128xbf16>, vector<16000x128xf32> -> vector<16000x128xf32>
    %add3A_238 = arith.addf %get3A_228, %dot_general3A_237 : vector<16000x128xf32>
    %get3A_239 = arith.constant 2 : index
    %get3A_240 = arith.constant 0 : index
    %get3A_241 = vector.load %arg18[%get3A_239, %get3A_240] : memref<3x128xf32, #tpu.memory_space<vmem>>, vector<1x128xf32>
    %add3A_242 = vector.broadcast %get3A_241 : vector<1x128xf32> to vector<16000x128xf32>
    %add3A_243 = arith.addf %add3A_238, %add3A_242 : vector<16000x128xf32>
    %swap3A_244 = arith.constant 0 : index
    %swap3A_245 = arith.constant 0 : index
    %swap3A_246 = vector.load %arg22[%swap3A_244, %swap3A_245] : memref<16000x128xf32, #tpu.memory_space<vmem>>, vector<16000x128xf32>
    tpu.vector_store %arg22[%swap3A_244, %swap3A_245], %add3A_243 {strides = array<i32>} : memref<16000x128xf32, #tpu.memory_space<vmem>>, vector<16000x128xf32>,
    %get3A_247 = arith.constant 0 : index
    %get3A_248 = arith.constant 0 : index
    %get3A_249 = vector.load %arg22[%get3A_247, %get3A_248] : memref<16000x128xf32, #tpu.memory_space<vmem>>, vector<16000x128xf32>
    %reshape3A_250 = vector.shape_cast %get3A_249 : vector<16000x128xf32> to vector<1000x16x128xf32>
    %slice3A = vector.extract_strided_slice %reshape3A_250 {offsets = [0, 0, 0], sizes = [1000, 1, 128], strides = [1, 1, 1]} : vector<1000x16x128xf32> to vector<1000x1x128xf32>
    %squeeze3A = vector.shape_cast %slice3A : vector<1000x1x128xf32> to vector<1000x128xf32>
    %slice3A_251 = vector.extract_strided_slice %reshape3A_250 {offsets = [0, 1, 0], sizes = [1000, 1, 128], strides = [1, 1, 1]} : vector<1000x16x128xf32> to vector<1000x1x128xf32>
    %squeeze3A_252 = vector.shape_cast %slice3A_251 : vector<1000x1x128xf32> to vector<1000x128xf32>
    %max3A_253 = arith.maximumf %squeeze3A, %squeeze3A_252 : vector<1000x128xf32>
    %slice3A_254 = vector.extract_strided_slice %reshape3A_250 {offsets = [0, 2, 0], sizes = [1000, 1, 128], strides = [1, 1, 1]} : vector<1000x16x128xf32> to vector<1000x1x128xf32>
    %squeeze3A_255 = vector.shape_cast %slice3A_254 : vector<1000x1x128xf32> to vector<1000x128xf32>
    %max3A_256 = arith.maximumf %max3A_253, %squeeze3A_255 : vector<1000x128xf32>
    %slice3A_257 = vector.extract_strided_slice %reshape3A_250 {offsets = [0, 3, 0], sizes = [1000, 1, 128], strides = [1, 1, 1]} : vector<1000x16x128xf32> to vector<1000x1x128xf32>
    %squeeze3A_258 = vector.shape_cast %slice3A_257 : vector<1000x1x128xf32> to vector<1000x128xf32>
    %max3A_259 = arith.maximumf %max3A_256, %squeeze3A_258 : vector<1000x128xf32>
    %slice3A_260 = vector.extract_strided_slice %reshape3A_250 {offsets = [0, 4, 0], sizes = [1000, 1, 128], strides = [1, 1, 1]} : vector<1000x16x128xf32> to vector<1000x1x128xf32>
    %squeeze3A_261 = vector.shape_cast %slice3A_260 : vector<1000x1x128xf32> to vector<1000x128xf32>
    %max3A_262 = arith.maximumf %max3A_259, %squeeze3A_261 : vector<1000x128xf32>
    %slice3A_263 = vector.extract_strided_slice %reshape3A_250 {offsets = [0, 5, 0], sizes = [1000, 1, 128], strides = [1, 1, 1]} : vector<1000x16x128xf32> to vector<1000x1x128xf32>
    %squeeze3A_264 = vector.shape_cast %slice3A_263 : vector<1000x1x128xf32> to vector<1000x128xf32>
    %max3A_265 = arith.maximumf %max3A_262, %squeeze3A_264 : vector<1000x128xf32>
    %slice3A_266 = vector.extract_strided_slice %reshape3A_250 {offsets = [0, 6, 0], sizes = [1000, 1, 128], strides = [1, 1, 1]} : vector<1000x16x128xf32> to vector<1000x1x128xf32>
    %squeeze3A_267 = vector.shape_cast %slice3A_266 : vector<1000x1x128xf32> to vector<1000x128xf32>
    %max3A_268 = arith.maximumf %max3A_265, %squeeze3A_267 : vector<1000x128xf32>
    %slice3A_269 = vector.extract_strided_slice %reshape3A_250 {offsets = [0, 7, 0], sizes = [1000, 1, 128], strides = [1, 1, 1]} : vector<1000x16x128xf32> to vector<1000x1x128xf32>
    %squeeze3A_270 = vector.shape_cast %slice3A_269 : vector<1000x1x128xf32> to vector<1000x128xf32>
    %max3A_271 = arith.maximumf %max3A_268, %squeeze3A_270 : vector<1000x128xf32>
    %slice3A_272 = vector.extract_strided_slice %reshape3A_250 {offsets = [0, 8, 0], sizes = [1000, 1, 128], strides = [1, 1, 1]} : vector<1000x16x128xf32> to vector<1000x1x128xf32>
    %squeeze3A_273 = vector.shape_cast %slice3A_272 : vector<1000x1x128xf32> to vector<1000x128xf32>
    %max3A_274 = arith.maximumf %max3A_271, %squeeze3A_273 : vector<1000x128xf32>
    %slice3A_275 = vector.extract_strided_slice %reshape3A_250 {offsets = [0, 9, 0], sizes = [1000, 1, 128], strides = [1, 1, 1]} : vector<1000x16x128xf32> to vector<1000x1x128xf32>
    %squeeze3A_276 = vector.shape_cast %slice3A_275 : vector<1000x1x128xf32> to vector<1000x128xf32>
    %max3A_277 = arith.maximumf %max3A_274, %squeeze3A_276 : vector<1000x128xf32>
    %slice3A_278 = vector.extract_strided_slice %reshape3A_250 {offsets = [0, 10, 0], sizes = [1000, 1, 128], strides = [1, 1, 1]} : vector<1000x16x128xf32> to vector<1000x1x128xf32>
    %squeeze3A_279 = vector.shape_cast %slice3A_278 : vector<1000x1x128xf32> to vector<1000x128xf32>
    %max3A_280 = arith.maximumf %max3A_277, %squeeze3A_279 : vector<1000x128xf32>
    %slice3A_281 = vector.extract_strided_slice %reshape3A_250 {offsets = [0, 11, 0], sizes = [1000, 1, 128], strides = [1, 1, 1]} : vector<1000x16x128xf32> to vector<1000x1x128xf32>
    %squeeze3A_282 = vector.shape_cast %slice3A_281 : vector<1000x1x128xf32> to vector<1000x128xf32>
    %max3A_283 = arith.maximumf %max3A_280, %squeeze3A_282 : vector<1000x128xf32>
    %slice3A_284 = vector.extract_strided_slice %reshape3A_250 {offsets = [0, 12, 0], sizes = [1000, 1, 128], strides = [1, 1, 1]} : vector<1000x16x128xf32> to vector<1000x1x128xf32>
    %squeeze3A_285 = vector.shape_cast %slice3A_284 : vector<1000x1x128xf32> to vector<1000x128xf32>
    %max3A_286 = arith.maximumf %max3A_283, %squeeze3A_285 : vector<1000x128xf32>
    %slice3A_287 = vector.extract_strided_slice %reshape3A_250 {offsets = [0, 13, 0], sizes = [1000, 1, 128], strides = [1, 1, 1]} : vector<1000x16x128xf32> to vector<1000x1x128xf32>
    %squeeze3A_288 = vector.shape_cast %slice3A_287 : vector<1000x1x128xf32> to vector<1000x128xf32>
    %max3A_289 = arith.maximumf %max3A_286, %squeeze3A_288 : vector<1000x128xf32>
    %slice3A_290 = vector.extract_strided_slice %reshape3A_250 {offsets = [0, 14, 0], sizes = [1000, 1, 128], strides = [1, 1, 1]} : vector<1000x16x128xf32> to vector<1000x1x128xf32>
    %squeeze3A_291 = vector.shape_cast %slice3A_290 : vector<1000x1x128xf32> to vector<1000x128xf32>
    %max3A_292 = arith.maximumf %max3A_289, %squeeze3A_291 : vector<1000x128xf32>
    %slice3A_293 = vector.extract_strided_slice %reshape3A_250 {offsets = [0, 15, 0], sizes = [1000, 1, 128], strides = [1, 1, 1]} : vector<1000x16x128xf32> to vector<1000x1x128xf32>
    %squeeze3A_294 = vector.shape_cast %slice3A_293 : vector<1000x1x128xf32> to vector<1000x128xf32>
    %max3A_295 = arith.maximumf %max3A_292, %squeeze3A_294 : vector<1000x128xf32>
    %get3A_296 = arith.constant 0 : index
    %get3A_297 = arith.constant 0 : index
    %get3A_298 = arith.constant 0 : index
    %get3A_299 = vector.load %arg7[%get3A_296, %get3A_297, %get3A_298] : memref<1x1x1000xi32, #tpu.memory_space<vmem>>, vector<1x1x1000xi32>
    %reshape3A_300 = vector.shape_cast %get3A_299 : vector<1x1x1000xi32> to vector<1x1000xi32>
    %iota3A_301 = tpu.iota {dimensions = array<i32: 0>} : vector<64x1000xi32>
    %eq3A_302 = vector.broadcast %reshape3A_300 : vector<1x1000xi32> to vector<64x1000xi32>
    %eq3A_303 = arith.cmpi eq, %iota3A_301, %eq3A_302 : vector<64x1000xi32>
    %convert_element_type3A_304 = arith.extui %eq3A_303 : vector<64x1000xi1> to vector<64x1000xi32>
    %convert_element_type3A_305 = arith.sitofp %convert_element_type3A_304 : vector<64x1000xi32> to vector<64x1000xf32>
    %dot_general3A_306 = arith.constant dense<0.000000e+00> : vector<64x128xf32>
    %dot_general3A_307 = tpu.matmul %convert_element_type3A_305, %max3A_295, %dot_general3A_306 {dimension_numbers = #tpu.dot_dimension_numbers<[1], [0], [0], [1], [0, 0, 1, 1], [], []>, transpose_lhs_hint = false} : vector<64x1000xf32>, vector<1000x128xf32>, vector<64x128xf32> -> vector<64x128xf32>
    %eq3A_308 = arith.constant 0 : i32
    %eq3A_309 = arith.cmpi eq, %arg0, %eq3A_308 : i32
    %convert_element_type3A_310 = arith.extui %eq3A_309 : i1 to i32
    %cond3A = arith.constant 0 : i32
    %cond3A_311 = arith.cmpi ne, %convert_element_type3A_310, %cond3A : i32
    scf.if %cond3A_311 {
      %swap3A_321 = arith.constant 0 : index
      %swap3A_322 = arith.constant 0 : index
      %swap3A_323 = vector.load %arg26[%swap3A_321, %swap3A_322] : memref<64x128xf32, #tpu.memory_space<vmem>>, vector<64x128xf32>
      tpu.vector_store %arg26[%swap3A_321, %swap3A_322], %dot_general3A_307 {strides = array<i32>} : memref<64x128xf32, #tpu.memory_space<vmem>>, vector<64x128xf32>,
    } else {
    }
    %gt3A = arith.constant 0 : i32
    %gt3A_312 = arith.cmpi sgt, %arg0, %gt3A : i32
    %convert_element_type3A_313 = arith.extui %gt3A_312 : i1 to i32
    %cond3A_314 = arith.constant 0 : i32
    %cond3A_315 = arith.cmpi ne, %convert_element_type3A_313, %cond3A_314 : i32
    scf.if %cond3A_315 {
      %get3A_321 = arith.constant 0 : index
      %get3A_322 = arith.constant 0 : index
      %get3A_323 = vector.load %arg26[%get3A_321, %get3A_322] : memref<64x128xf32, #tpu.memory_space<vmem>>, vector<64x128xf32>
      %add3A_324 = arith.addf %get3A_323, %dot_general3A_307 : vector<64x128xf32>
      %swap3A_325 = arith.constant 0 : index
      %swap3A_326 = arith.constant 0 : index
      %swap3A_327 = vector.load %arg26[%swap3A_325, %swap3A_326] : memref<64x128xf32, #tpu.memory_space<vmem>>, vector<64x128xf32>
      tpu.vector_store %arg26[%swap3A_325, %swap3A_326], %add3A_324 {strides = array<i32>} : memref<64x128xf32, #tpu.memory_space<vmem>>, vector<64x128xf32>,
    } else {
    }
    %eq3A_316 = arith.constant 9 : i32
    %eq3A_317 = arith.cmpi eq, %arg0, %eq3A_316 : i32
    %convert_element_type3A_318 = arith.extui %eq3A_317 : i1 to i32
    %cond3A_319 = arith.constant 0 : i32
    %cond3A_320 = arith.cmpi ne, %convert_element_type3A_318, %cond3A_319 : i32
    scf.if %cond3A_320 {
      %get3A_321 = arith.constant 0 : index
      %get3A_322 = arith.constant 0 : index
      %get3A_323 = vector.load %arg26[%get3A_321, %get3A_322] : memref<64x128xf32, #tpu.memory_space<vmem>>, vector<64x128xf32>
      %get3A_324 = arith.constant 0 : index
      %get3A_325 = arith.constant 0 : index
      %get3A_326 = vector.load %arg19[%get3A_324, %get3A_325] : memref<128x1xf32, #tpu.memory_space<vmem>>, vector<128x1xf32>
      %dot_general3A_327 = arith.constant dense<0.000000e+00> : vector<64x1xf32>
      %dot_general3A_328 = tpu.matmul %get3A_323, %get3A_326, %dot_general3A_327 {dimension_numbers = #tpu.dot_dimension_numbers<[1], [0], [0], [1], [0, 0, 1, 1], [], []>, transpose_lhs_hint = false} : vector<64x128xf32>, vector<128x1xf32>, vector<64x1xf32> -> vector<64x1xf32>
      %get3A_329 = arith.constant 0 : index
      %get3A_330 = arith.constant 0 : index
      %get3A_331 = vector.load %arg20[%get3A_329, %get3A_330] : memref<1x1xf32, #tpu.memory_space<vmem>>, vector<1x1xf32>
      %add3A_332 = vector.broadcast %get3A_331 : vector<1x1xf32> to vector<64x1xf32>
      %add3A_333 = arith.addf %dot_general3A_328, %add3A_332 : vector<64x1xf32>
      %swap3A_334 = arith.constant 0 : index
      %swap3A_335 = arith.constant 0 : index
      %swap3A_336 = vector.load %arg21[%swap3A_334, %swap3A_335] : memref<64x1xf32, #tpu.memory_space<vmem>>, vector<64x1xf32>
      tpu.vector_store %arg21[%swap3A_334, %swap3A_335], %add3A_333 {strides = array<i32>} : memref<64x1xf32, #tpu.memory_space<vmem>>, vector<64x1xf32>,
    } else {
    }
    return
  }
  func.func @transform_0(%arg0: i32) -> (i32, i32, i32) {
    %c0_i32 = arith.constant 0 : i32
    %c0_i32_0 = arith.constant 0 : i32
    %c0_i32_1 = arith.constant 0 : i32
    return %arg0, %c0_i32, %c0_i32_0 : i32, i32, i32
  }
  func.func @transform_1(%arg0: i32) -> (i32, i32, i32) {
    %c0_i32 = arith.constant 0 : i32
    %c0_i32_0 = arith.constant 0 : i32
    %c0_i32_1 = arith.constant 0 : i32
    return %arg0, %c0_i32, %c0_i32_0 : i32, i32, i32
  }
  func.func @transform_2(%arg0: i32) -> (i32, i32, i32) {
    %c0_i32 = arith.constant 0 : i32
    %c0_i32_0 = arith.constant 0 : i32
    %c0_i32_1 = arith.constant 0 : i32
    return %arg0, %c0_i32, %c0_i32_0 : i32, i32, i32
  }
  func.func @transform_3(%arg0: i32) -> (i32, i32, i32) {
    %c0_i32 = arith.constant 0 : i32
    %c0_i32_0 = arith.constant 0 : i32
    %c0_i32_1 = arith.constant 0 : i32
    return %arg0, %c0_i32, %c0_i32_0 : i32, i32, i32
  }
  func.func @transform_4(%arg0: i32) -> (i32, i32, i32) {
    %c0_i32 = arith.constant 0 : i32
    %c0_i32_0 = arith.constant 0 : i32
    %c0_i32_1 = arith.constant 0 : i32
    return %arg0, %c0_i32, %c0_i32_0 : i32, i32, i32
  }
  func.func @transform_5(%arg0: i32) -> (i32, i32, i32) {
    %c0_i32 = arith.constant 0 : i32
    %c0_i32_0 = arith.constant 0 : i32
    %c0_i32_1 = arith.constant 0 : i32
    return %arg0, %c0_i32, %c0_i32_0 : i32, i32, i32
  }
  func.func @transform_6(%arg0: i32) -> (i32, i32, i32) {
    %c0_i32 = arith.constant 0 : i32
    %c0_i32_0 = arith.constant 0 : i32
    %c0_i32_1 = arith.constant 0 : i32
    return %arg0, %c0_i32, %c0_i32_0 : i32, i32, i32
  }
  func.func @transform_7(%arg0: i32) -> (i32, i32) {
    %c0_i32 = arith.constant 0 : i32
    %c0_i32_0 = arith.constant 0 : i32
    %c0_i32_1 = arith.constant 0 : i32
    return %c0_i32, %c0_i32_0 : i32, i32
  }
  func.func @transform_8(%arg0: i32) -> (i32, i32) {
    %c0_i32 = arith.constant 0 : i32
    %c0_i32_0 = arith.constant 0 : i32
    %c0_i32_1 = arith.constant 0 : i32
    return %c0_i32, %c0_i32_0 : i32, i32
  }
  func.func @transform_9(%arg0: i32) -> (i32, i32) {
    %c0_i32 = arith.constant 0 : i32
    %c0_i32_0 = arith.constant 0 : i32
    %c0_i32_1 = arith.constant 0 : i32
    return %c0_i32, %c0_i32_0 : i32, i32
  }
  func.func @transform_10(%arg0: i32) -> (i32, i32) {
    %c0_i32 = arith.constant 0 : i32
    %c0_i32_0 = arith.constant 0 : i32
    %c0_i32_1 = arith.constant 0 : i32
    return %c0_i32, %c0_i32_0 : i32, i32
  }
  func.func @transform_11(%arg0: i32) -> (i32, i32) {
    %c0_i32 = arith.constant 0 : i32
    %c0_i32_0 = arith.constant 0 : i32
    %c0_i32_1 = arith.constant 0 : i32
    return %c0_i32, %c0_i32_0 : i32, i32
  }
  func.func @transform_12(%arg0: i32) -> (i32, i32) {
    %c0_i32 = arith.constant 0 : i32
    %c0_i32_0 = arith.constant 0 : i32
    %c0_i32_1 = arith.constant 0 : i32
    return %c0_i32, %c0_i32_0 : i32, i32
  }
  func.func @transform_13(%arg0: i32) -> (i32, i32) {
    %c0_i32 = arith.constant 0 : i32
    %c0_i32_0 = arith.constant 0 : i32
    %c0_i32_1 = arith.constant 0 : i32
    return %c0_i32, %c0_i32_0 : i32, i32
  }
  func.func @transform_14(%arg0: i32) -> (i32, i32, i32) {
    %c0_i32 = arith.constant 0 : i32
    %c0_i32_0 = arith.constant 0 : i32
    %c0_i32_1 = arith.constant 0 : i32
    %c0_i32_2 = arith.constant 0 : i32
    return %c0_i32, %c0_i32_0, %c0_i32_1 : i32, i32, i32
  }
  func.func @transform_15(%arg0: i32) -> (i32, i32) {
    %c0_i32 = arith.constant 0 : i32
    %c0_i32_0 = arith.constant 0 : i32
    %c0_i32_1 = arith.constant 0 : i32
    return %c0_i32, %c0_i32_0 : i32, i32
  }
  func.func @transform_16(%arg0: i32) -> (i32, i32, i32) {
    %c0_i32 = arith.constant 0 : i32
    %c0_i32_0 = arith.constant 0 : i32
    %c0_i32_1 = arith.constant 0 : i32
    %c0_i32_2 = arith.constant 0 : i32
    return %c0_i32, %c0_i32_0, %c0_i32_1 : i32, i32, i32
  }
  func.func @transform_17(%arg0: i32) -> (i32, i32) {
    %c0_i32 = arith.constant 0 : i32
    %c0_i32_0 = arith.constant 0 : i32
    %c0_i32_1 = arith.constant 0 : i32
    return %c0_i32, %c0_i32_0 : i32, i32
  }
  func.func @transform_18(%arg0: i32) -> (i32, i32) {
    %c0_i32 = arith.constant 0 : i32
    %c0_i32_0 = arith.constant 0 : i32
    %c0_i32_1 = arith.constant 0 : i32
    return %c0_i32, %c0_i32_0 : i32, i32
  }
  func.func @transform_19(%arg0: i32) -> (i32, i32) {
    %c0_i32 = arith.constant 0 : i32
    %c0_i32_0 = arith.constant 0 : i32
    %c0_i32_1 = arith.constant 0 : i32
    return %c0_i32, %c0_i32_0 : i32, i32
  }
  func.func @transform_20(%arg0: i32) -> (i32, i32) {
    %c0_i32 = arith.constant 0 : i32
    %c0_i32_0 = arith.constant 0 : i32
    %c0_i32_1 = arith.constant 0 : i32
    return %c0_i32, %c0_i32_0 : i32, i32
  }
}

</mosaic_0001>

<sc_bundles>
// kernel: kernel.4.cloned.1.call-start
scs
__scs_entry_jumppad:
0x0: {  	(pc) =	sbr.rel $0x88, $3  }
0x1: {  	(tag) =	ssettag $0x0;
	lr =	simm.s32 $0x1  }
0x2: {  	[smem:$0x3F8D] =	sst lr;
	_ =	strace $0xD0000000  }
0x3: {  	_ = 	snop  }
0x4: {  	_ = 	snop  }
0x5: {  	_ = 	snop  }
0x6: {  	_ = 	snop  }
0x7: {  	_ = 	snop  }
__scs_overlays_trampoline_lowered:
0x8: {  	[smem:$0x3F9C] =	sst s0  }
0x9: {  	[smem:$0x3F9D] =	sst s1  }
0xa: {  	[smem:$0x3F9E] =	sst s2  }
0xb: {  	[smem:$0x3F9F] =	sst s3  }
0xc: {  	[smem:$0x3FA0] =	sst s4  }
0xd: {  	[smem:$0x3FA1] =	sst s5  }
0xe: {  	[smem:$0x3FA2] =	sst s6  }
0xf: {  	[smem:$0x3FA3] =	sst s7  }
0x10: {  	[smem:$0x3FA4] =	sst s8  }
0x11: {  	[smem:$0x3FA5] =	sst s9;
	s0 =	simm.s32 @!p0 $0x0  }
0x12: {  	s1 =	sld [smem:$0x3F8B];
	s0 =	simm.s32 @p0 $0x1  }
0x13: {  	[smem:$0x3FA6] =	sst s0;
	s0 =	simm.s32 @!p1 $0x0  }
0x14: {  	s2 =	sld [smem:$0x3F8A];
	s0 =	simm.s32 @p1 $0x1  }
0x15: {  	[smem:$0x3FA7] =	sst s0;
	s0 =	simm.s32 @!p2 $0x0  }
0x16: {  	s3 =	sld [smem:$0x3FDB];
	s0 =	simm.s32 @p2 $0x1  }
0x17: {  	s4 =	simm.s32 $0x1BF5;
	[smem:$0x3FA9] =	sst s0  }
0x18: {  	s0 =	sld [smem:$0x3F8C];
	_ =	swait.ge [sflag:s4], $0x0  }
0x19: {  	s7 =	sld [smem:$0x3F8D]  }
0x1a: {  	s8 =	sadd.s32 $0xFFFFE003, lr  }
0x1b: {  	s9 =	sadd.s32 $0xFFFFFEF7, lr;
	s5 =	simm.s32 $0xFFFFFFFF;
	p2 =	slt.u32 s8, $0xFFFFF086  }
0x1c: {  	p1 =	slt.u32 s9, $0xF7A;
	s5 =	simm.s32 @!p2 $0x0  }
0x1d: {  	s5 =	simm.s32 @p1 $0x1;
	p0 =	seq.s32 s7, s2  }
0x1e: {  	s7 =	smul.u32 @!p0 $0xF7A, s2;
	p2 =	seq.s32 @!p0 s5, $0x0  }
0x1f: {  	s9 =	smul.u32 $0xF7A, s1;
	s8 =	simm.s32 @!p0 $0x1BF5;
	p2 =	por !p2, p0  }
0x20: {  	[sflag:s8] =	ssyncset.s32 @!p0 $0xFFFFF086;
	s6 =	sadd.s32 @!p0 s3, s7;
	s7 =	simm.s32 @!p0 $0x108  }
0x21: {  	s3 =	sadd.s32 s3, s9;
	s6 =	sadd.s32 @!p0 $0x88, s6;
	s7 =	simm.s32 @p2 $0x1082  }
0x22: {  	[simem:s7], [sflag:s8] =	dma.local @!p0 [hbm:s6], $0xF7A  }
0x23: {  	s9 =	sor.u32 $0xD0000000, s2;
	s6 =	simm.s32 $0x108;
	_ =	swait.ge @!p0 [sflag:s8], $0x0  }
0x24: {  	s3 =	sadd.s32 $0x88, s3;
	s6 =	simm.s32 @!p1 $0x1082;
	[sflag:s4] =	ssyncset.s32 $0xFFFFF086  }
0x25: {  	[simem:s6], [sflag:s4] =	dma.local [hbm:s3], $0xF7A  }
0x26: {  	[smem:$0x3F8D] =	sst s1;
	(tag) =	ssettag s2;
	_ =	strace s9  }
0x27: {  	s1 =	sld [smem:$0x3F9D]  }
0x28: {  	s2 =	sld [smem:$0x3F9E]  }
0x29: {  	s4 =	sld [smem:$0x3FA0]  }
0x2a: {  	p0 =	seq.s32 s5, $0x0;
	s5 =	sld [smem:$0x3FA1]  }
0x2b: {  	s6 =	sld [smem:$0x3FA2]  }
0x2c: {  	s7 =	sld [smem:$0x3FA3]  }
0x2d: {  	s3 =	simm.s32 $0x108;
	s8 =	sld [smem:$0x3FA4]  }
0x2e: {  	s3 =	simm.s32 @!p0 $0x1082;
	s9 =	sld [smem:$0x3FA5]  }
0x2f: {  	lr =	sadd.s32 s0, s3;
	s0 =	sld [smem:$0x3F9C]  }
0x30: {  	s3 =	sld [smem:$0x3F9F]  }
0x31: {  	[smem:$0x3FA8] =	sst s10  }
0x32: {  	s10 =	sld [smem:$0x3FA6];
	_ =	sdelay $0x3  }
0x33: {  	p0 =	seq.s32 s10, $0x1;
	s10 =	sld [smem:$0x3FA8];
	_ =	sdelay $0x3  }
0x34: {  	[smem:$0x3FA8] =	sst s10  }
0x35: {  	s10 =	sld [smem:$0x3FA7];
	_ =	sdelay $0x3  }
0x36: {  	p1 =	seq.s32 s10, $0x1;
	s10 =	sld [smem:$0x3FA8];
	_ =	sdelay $0x3  }
0x37: {  	[smem:$0x3FA8] =	sst s10  }
0x38: {  	s10 =	sld [smem:$0x3FA9]  }
0x39: {  	_ = 	snop;
	(pc) =	sbr.ind lr, $3  }
0x3a: {  	_ = 	snop  }
0x3b: {  	_ = 	snop  }
0x3c: {  	p2 =	seq.s32 s10, $0x1;
	s10 =	sld [smem:$0x3FA8]  }
0x3d: {  	_ =	shalt  }
0x3e: {  	_ =	shalt  }
0x3f: {  	_ =	shalt  }
0x40: {  	_ =	shalt  }
0x41: {  	_ =	shalt  }
0x42: {  	_ =	shalt  }
0x43: {  	_ =	shalt  }
0x44: {  	_ =	shalt  }
0x45: {  	_ =	shalt  }
0x46: {  	_ =	shalt  }
0x47: {  	_ =	shalt  }
0x48: {  	_ =	shalt  }
0x49: {  	_ =	shalt  }
0x4a: {  	_ =	shalt  }
0x4b: {  	_ =	shalt  }
0x4c: {  	_ =	shalt  }
0x4d: {  	_ =	shalt  }
0x4e: {  	_ =	shalt  }
0x4f: {  	_ =	shalt  }
0x50: {  	_ =	shalt  }
0x51: {  	_ =	shalt  }
0x52: {  	_ =	shalt  }
0x53: {  	_ =	shalt  }
0x54: {  	_ =	shalt  }
0x55: {  	_ =	shalt  }
0x56: {  	_ =	shalt  }
0x57: {  	_ =	shalt  }
0x58: {  	_ =	shalt  }
0x59: {  	_ =	shalt  }
0x5a: {  	_ =	shalt  }
0x5b: {  	_ =	shalt  }
0x5c: {  	_ =	shalt  }
0x5d: {  	_ =	shalt  }
0x5e: {  	_ =	shalt  }
0x5f: {  	_ =	shalt  }
0x60: {  	_ =	shalt  }
0x61: {  	_ =	shalt  }
0x62: {  	_ =	shalt  }
0x63: {  	_ =	shalt  }
0x64: {  	_ =	shalt  }
0x65: {  	_ =	shalt  }
0x66: {  	_ =	shalt  }
0x67: {  	_ =	shalt  }
0x68: {  	_ =	shalt  }
0x69: {  	_ =	shalt  }
0x6a: {  	_ =	shalt  }
0x6b: {  	_ =	shalt  }
0x6c: {  	_ =	shalt  }
0x6d: {  	_ =	shalt  }
0x6e: {  	_ =	shalt  }
0x6f: {  	_ =	shalt  }
0x70: {  	_ =	shalt  }
0x71: {  	_ =	shalt  }
0x72: {  	_ =	shalt  }
0x73: {  	_ =	shalt  }
0x74: {  	_ =	shalt  }
0x75: {  	_ =	shalt  }
0x76: {  	_ =	shalt  }
0x77: {  	_ =	shalt  }
0x78: {  	_ =	shalt  }
0x79: {  	_ =	shalt  }
0x7a: {  	_ =	shalt  }
0x7b: {  	_ =	shalt  }
0x7c: {  	_ =	shalt  }
0x7d: {  	_ =	shalt  }
0x7e: {  	_ =	shalt  }
0x7f: {  	_ =	shalt  }
0x80: {  	_ =	shalt  }
0x81: {  	_ =	shalt  }
0x82: {  	_ =	shalt  }
0x83: {  	_ =	shalt  }
0x84: {  	_ =	shalt  }
0x85: {  	_ =	shalt  }
0x86: {  	_ =	shalt  }
0x87: {  	_ =	shalt  }
.Lfunc_end0:
.L_simem_size_0:
called_computation_lowered:
.L_overlay_start_0:
0x88: {  	s2 =	sld [smem:$0x3FD9]  }
0x89: {  	s3 =	sld [smem:$0x3FFE];
	_ =	sdelay $0x1  }
0x8a: {  	s1 =	srdreg.scid  }
0x8b: {  	s0 =	sand.u32 $0x1, s1  }
0x8c: {  	s16 =	sshll.u32 s0, $0xA;
	s2 =	sadd.s32 s3, s2  }
0x8d: {  	s2 =	sadd.s32 s2, s16  }
0x8e: {  	[smem:$0x3FB4] =	sst s2  }
0x8f: {  	_ = 	snop  }
0x90: {  	(tm) =	ssettm $0x1  }
0x91: {  	s17 =	sld [smem:$0x3FFB];
	_ =	sdelay $0x3  }
0x92: {  	_ =	strace s17  }
0x93: {  	s2 =	sld [smem:$0x3FFC];
	_ =	sdelay $0x3  }
0x94: {  	_ =	strace s2  }
0x95: {  	s2 =	sld [smem:$0x3FFD];
	_ =	sdelay $0x3  }
0x96: {  	_ =	strace s2  }
0x97: {  	_ =	strace $0x8FFFFFFF  }
0x98: {  	s18 =	sld [smem:$0x3FDB];
	_ =	sdelay $0x1  }
0x99: {  	s19 =	simm.s32 $_scs_section_size  }
0x9a: {  	s4 =	simm.s32 $_size__tile_overlayer_lowered;
	s5 =	simm.s32 $_tile_overlayer_lowered  }
0x9b: {  	s22 =	simm.s32 $0x1BFF;
	s21 =	sshll.u32 s5, $0x1;
	s2 =	sadd.s32 s19, s18  }
0x9c: {  	s6 =	simm.s32 $0x0;
	s20 =	sshll.u32 s4, $0x1;
	s4 =	sadd.s32 s21, s2  }
0x9d: {  	[timem:s6], [sflag:s22] =	dma.local [hbm:s4], s20  }
0x9e: {  	_ =	swait.ge [sflag:s22], s20  }
0x9f: {  	s3 =	ssub.s32 $0x0, s20;
	[sflag:s22] =	ssyncset.done $0x0  }
0xa0: {  	[sflag:s22] =	ssyncadd.s32 s3;
	_ =	sdelay $0x1  }
0xa1: {  	s23 =	simm.s32 $0x1B8B  }
0xa2: {  	_ =	swait.ge [sflag:s23], $0x1  }
0xa3: {  	[sflag:s23] =	ssyncset.done $0x0  }
0xa4: {  	s25 =	simm.s32 $0x1B8E;
	s24 =	sld [smem:$0x3FFE];
	[sflag:s23] =	ssyncadd.s32 $0xFFFFFFFF  }
0xa5: {  	s26 =	simm.s32 $execute0_lowered;
	[smem:$0x3FD2] =	sst s25  }
0xa6: {  	s4 =	sshll.u32 s26, $0x1;
	_ =	strace $0x80000046;
	[dreg:$0x1] =	wrdreg $0xFFFFFFFF  }
0xa7: {  	s28 =	simm.s32 $_size_execute0_lowered;
	s2 =	sadd.s32 s2, s4;
	[dreg:$0x0] =	wrdreg $0x0  }
0xa8: {  	s4 =	sshll.u32 s28, $0x1;
	[dreg:$0x2] =	wrdreg s2  }
0xa9: {  	[dreg:$0x3] =	wrdreg s4  }
0xaa: {  	[dreg:$0x4] =	wrdreg $0xC0  }
0xab: {  	_ =	task [dreg:s6], $0x5FFFF  }
0xac: {  	[dreg:$0x1] =	wrdreg $0xFFFFFFFF  }
0xad: {  	[dreg:$0x0] =	wrdreg $0x60  }
0xae: {  	[dreg:$0x2] =	wrdreg s24  }
0xaf: {  	[dreg:$0x3] =	wrdreg $0x9  }
0xb0: {  	_ =	task.clear_ibuf [dreg:s6], $0x4FFFF;
	_ =	strace $0x90000046  }
0xb1: {  	s29 =	simm.s32 $0x9;
	_ =	strace $0x80000048  }
0xb2: {  	_ =	swait.ge [sflag:s29], $0x1  }
0xb3: {  	[sflag:s29] =	ssyncadd.s32 $0xFFFFFFFF  }
0xb4: {  	_ =	strace $0x90000048  }
0xb5: {  	_ =	sfence  }
0xb6: {  	s30 =	sld [smem:$0x0];
	_ =	sdelay $0x2  }
0xb7: {  	s31 =	sshll.u32 s1, $0xD;
	s1 =	sshrl.u32 s1, $0x2  }
0xb8: {  	s3 =	sand.u32 $0x4000, s31;
	s1 =	sadd.s32 s1, s30  }
0xb9: {  	s0 =	sor.u32 s3, s0;
	s1 =	sshll.u32 s1, $0x11  }
0xba: {  	s0 =	sor.u32 s1, s0  }
0xbb: {  	s0 =	sadd.s32 $0x8F2B, s0  }
0xbc: {  	[sflag:s0] =	ssyncadd.remote.s32 $0x1  }
0xbd: {  	_ =	sfence.sel $0xFFFF  }
0xbe: {  	[dreg:$0x0] =	wrdreg $0xFFFFFFFF;
	(pc) =	sbr.abs _section_cstart, $3  }
0xbf: {  	[dreg:$0x1] =	wrdreg $0xFFFFFFFF  }
0xc0: {  	_ =	task.clear_ibuf [dreg:s6], $0x2FFFF;
	_ =	strace $0x9FFFFFFF  }
0xc1: {  	(tm) =	ssettm $0x7FFFFFFF  }
tec
execute0_lowered:
.L_overlay_start_1:
0x0: {  	(tag) =	ssettag $0x1  }
0x1: {  	s1 =	srdreg.scid;
	s0 =	stileid.u32  }
0x2: {  	s4 =	rddreg [dreg:$0x0];
	s2 =	simm.s32 $0x0;
	s8 =	simm.s32 $0x2800  }
0x3: {  	s9 =	simm.s32 $0x3C00;
	s3 =	sand.u32 $0x1, s1;
	s31 =	sshll.u32 s0, $0x1  }
0x4: {  	s10 =	simm.s32 $0x0;
	s1 =	rddreg [dreg:$0x1];
	s5 =	sor.u32 s3, s31  }
0x5: {  	[smem:$0x7FF] =	sst s2;
	s6 =	ssub.s32 $0x2, s3;
	s5 =	smul.u32 $0x280, s5  }
0x6: {  	_ =	strace $0x80000047;
	s3 =	sadd.s32 $0x1800, s4;
	s7 =	sshrl.u32 s6, $0x1  }
0x7: {  	s6 =	ssub.s32 s6, s7;
	s7 =	simm.s32 $0x1;
	s5 =	sadd.s32 s5, s4  }
0x8: {  	s6 =	smax.u32 s6, $0x1;
	s4 =	sadd.s32 $0x1E00, s5;
	s5 =	sadd.s32 $0x6E00, s5  }
.LBB2_1:
0x9: {  	[tilespmem:s2], [sflag:$0x1] =	stream.linear.gather [hbm4b:s3+s2], $0x2800, $0x38;
	[tilespmem:$0x5000] =	vst v63  }
0xa: {  	_ =	swait.ge [sflag:s7], $0x2800  }
0xb: {  	[sflag:s7] =	ssyncset.done $0x0  }
0xc: {  	[sflag:s7] =	ssyncadd.s32 $0xFFFFD800  }
0xd: {  	[tilespmem:s8], [sflag:$0x1] =	stream.linear.gather [hbm4b:s4+s2], $0x1400, $0x38;
	[tilespmem:$0x5000] =	vst v63  }
0xe: {  	_ =	swait.ge [sflag:s7], $0x1400  }
0xf: {  	s11 =	simm.s32 $0xFFFFFFF8;
	[sflag:s7] =	ssyncset.done $0x0  }
0x10: {  	s12 =	simm.s32 $0x2840;
	s13 =	simm.s32 $0x3C40;
	[sflag:s7] =	ssyncadd.s32 $0xFFFFEC00  }
.LBB2_2:
0x11: {  	v0 =	vld [tilespmem:s12+$0xFFFFFFC0];
	_ =	sdelay $0x7  }
0x12: {  	v0 =	vld.idx.msk [tilespmem:v0+s2+$0x0], $0xffff;
	_ =	sdelay $0x4  }
0x13: {  	[tilespmem:s13+$0xFFFFFFC0] =	vst v0  }
0x14: {  	v0 =	vld [tilespmem:s12+$0xFFFFFFD0];
	_ =	sdelay $0x7  }
0x15: {  	v0 =	vld.idx.msk [tilespmem:v0+s2+$0x0], $0xffff;
	_ =	sdelay $0x4  }
0x16: {  	[tilespmem:s13+$0xFFFFFFD0] =	vst v0  }
0x17: {  	v0 =	vld [tilespmem:s12+$0xFFFFFFE0];
	_ =	sdelay $0x7  }
0x18: {  	v0 =	vld.idx.msk [tilespmem:v0+s2+$0x0], $0xffff;
	_ =	sdelay $0x4  }
0x19: {  	[tilespmem:s13+$0xFFFFFFE0] =	vst v0  }
0x1a: {  	v0 =	vld [tilespmem:s12+$0xFFFFFFF0];
	_ =	sdelay $0x7  }
0x1b: {  	v0 =	vld.idx.msk [tilespmem:v0+s2+$0x0], $0xffff;
	_ =	sdelay $0x4  }
0x1c: {  	[tilespmem:s13+$0xFFFFFFF0] =	vst v0  }
0x1d: {  	v0 =	vld [tilespmem:s12+$0x0];
	_ =	sdelay $0x7  }
0x1e: {  	v0 =	vld.idx.msk [tilespmem:v0+s2+$0x0], $0xffff;
	_ =	sdelay $0x4  }
0x1f: {  	[tilespmem:s13+$0x0] =	vst v0  }
0x20: {  	v0 =	vld [tilespmem:s12+$0x10];
	_ =	sdelay $0x7  }
0x21: {  	v0 =	vld.idx.msk [tilespmem:v0+s2+$0x0], $0xffff;
	_ =	sdelay $0x4  }
0x22: {  	[tilespmem:s13+$0x10] =	vst v0  }
0x23: {  	v0 =	vld [tilespmem:s12+$0x20];
	_ =	sdelay $0x7  }
0x24: {  	v0 =	vld.idx.msk [tilespmem:v0+s2+$0x0], $0xffff;
	_ =	sdelay $0x4  }
0x25: {  	[tilespmem:s13+$0x20] =	vst v0  }
0x26: {  	v0 =	vld [tilespmem:s12+$0x30];
	_ =	sdelay $0x6  }
0x27: {  	s11 =	sadd.s32 $0x8, s11  }
0x28: {  	p0 =	slt.u32 s11, $0x138;
	v0 =	vld.idx.msk [tilespmem:v0+s2+$0x0], $0xffff  }
.Ltmp0:
0x29: {  	_ = 	snop;
	(pc) =	sbr.rel @p0 .LBB2_2-.Ltmp0, $2  }
0x2a: {  	_ =	sdelay $0x2  }
0x2b: {  	s12 =	sadd.s32 $0x80, s12;
	[tilespmem:s13+$0x30] =	vst v0;
	s13 =	sadd.s32 $0x80, s13  }
0x2c: {  	s10 =	sadd.s32 $0x1, s10  }
0x2d: {  	p0 =	sne.s32 s10, s6  }
.Ltmp1:
0x2e: {  	_ = 	snop;
	(pc) =	sbr.rel @p0 .LBB2_1-.Ltmp1, $4  }
0x2f: {  	[hbm4b:s5+s2] =	stream.linear.scatter [tilespmem:s9], [sflag:$0x1], $0x1400, $0x38;
	[tilespmem:$0x5000] =	vst v63  }
0x30: {  	_ =	swait.ge [sflag:s7], $0x1400  }
0x31: {  	[sflag:s7] =	ssyncset.done $0x0  }
0x32: {  	[sflag:s7] =	ssyncadd.s32 $0xFFFFEC00  }
0x33: {  	_ =	sfence.sel $0x180000  }
0x34: {  	[bflag:$0x0] =	sbarrier.arrive $0xFFFF  }
0x35: {  	p0 =	sne.s32 s0, $0x0;
	_ =	strace $0x90000047  }
0x36: {  	s0 =	sadd.s32 @!p0 $0x100000, s1;
	[bflag:$0x2] =	sbarrier.arrive $0xFFFF  }
0x37: {  	[sflag:s0] =	ssyncadd.tile.s32 @!p0 $0x1;
	_ =	shalt  }
.Lfunc_end2:
_tile_overlayer_lowered:
.L_overlay_start_2:
0x38: {  	(tag) =	ssettag $0x2  }
0x39: {  	s0 =	rddreg [dreg:$0x0];
	s2 =	stileid.u32  }
0x3a: {  	s1 =	rddreg [dreg:$0x1];
	p0 =	sne.s32 s2, $0x0  }
0x3b: {  	s3 =	rddreg [dreg:$0x2];
	[bflag:$0x3] =	sbarrier.arrive $0xFFFF;
	s2 =	simm.s32 @!p0 $0x1C01  }
0x3c: {  	[timem:s3], [sflag:s2] =	dma.local @!p0 [hbm:s0], s1  }
0x3d: {  	s0 =	simm.s32 @!p0 $0x1  }
0x3e: {  	_ =	swait.ge @!p0 [sflag:s0], s1  }
0x3f: {  	s1 =	ssub.s32 @!p0 $0x0, s1;
	[sflag:s0] =	ssyncset.done @!p0 $0x0  }
0x40: {  	[sflag:s0] =	ssyncadd.s32 @!p0 s1  }
0x41: {  	[bflag:$0x3] =	sbarrier.arrive $0xFFFF  }
0x42: {  	_ =	shalt  }

</sc_bundles>
